<compile_context>
chip_gen: v7x
topology: tpu7x:2x2x1
jax: 0.10.2.dev20260603
libtpu: 0.0.44.dev20260713+nightly
codegen_flags: <defaults>
</compile_context>

<pallas_src>
import functools

import jax
import jax.numpy as jnp
from jax import lax
from jax.experimental import pallas as pl
from jax.experimental.pallas import tpu as pltpu
from jax.experimental.pallas import tpu_sc as plsc

B, L, H, A, E = 4, 8192, 768, 64, 8
NUM_T_BUCKETS, NUM_TOKEN_TYPES = 8, 4

N_TOK = B * L
N_SC = 2048
N_TC = N_TOK - N_SC
TL = 2048

NW = 32
PER_TEC = N_SC // NW
GROUP = 16
T_SUB = 2
N_GROUPS = PER_TEC // GROUP
CHUNKS = H // 16



def _tc_router_block(h_ref, tb_ref, ty_ref, tw_ref, tyw_ref, rw_ref, rb_ref,
                     out_ref):
    logits = jax.lax.dot_general(
        h_ref[...], rw_ref[:, :H], (((1,), (1,)), ((), ())),
        preferred_element_type=jnp.float32)

    lut_t = jax.lax.dot_general(
        tw_ref[...], rw_ref[:, H:H + A], (((1,), (1,)), ((), ())),
        preferred_element_type=jnp.float32)
    lut_ty = jax.lax.dot_general(
        tyw_ref[...], rw_ref[:, H + A:], (((1,), (1,)), ((), ())),
        preferred_element_type=jnp.float32)

    tb = tb_ref[0, 0, :]
    ty = ty_ref[0, 0, :]
    oh_t = (tb[:, None] == jax.lax.broadcasted_iota(
        jnp.int32, (TL, NUM_T_BUCKETS), 1)).astype(jnp.float32)
    oh_ty = (ty[:, None] == jax.lax.broadcasted_iota(
        jnp.int32, (TL, NUM_TOKEN_TYPES), 1)).astype(jnp.float32)
    logits = logits + jax.lax.dot_general(
        oh_t, lut_t, (((1,), (0,)), ((), ())),
        preferred_element_type=jnp.float32)
    logits = logits + jax.lax.dot_general(
        oh_ty, lut_ty, (((1,), (0,)), ((), ())),
        preferred_element_type=jnp.float32)
    logits = logits + rb_ref[0, :][None, :]

    m = jnp.max(logits, axis=1, keepdims=True)
    e = jnp.exp(logits - m)
    out_ref[...] = e / jnp.sum(e, axis=1, keepdims=True)


def _tc_router(h2, tb3, ty3, tw, tyw, rw, rb2):
    n_blk = N_TC // TL
    return pl.pallas_call(
        _tc_router_block,
        grid=(n_blk,),
        in_specs=[
            pl.BlockSpec((TL, H), lambda i: (i, 0)),
            pl.BlockSpec((1, 1, TL), lambda i: (i, 0, 0)),
            pl.BlockSpec((1, 1, TL), lambda i: (i, 0, 0)),
            pl.BlockSpec((NUM_T_BUCKETS, A), lambda i: (0, 0)),
            pl.BlockSpec((NUM_TOKEN_TYPES, A), lambda i: (0, 0)),
            pl.BlockSpec((E, H + 2 * A), lambda i: (0, 0)),
            pl.BlockSpec((1, E), lambda i: (0, 0)),
        ],
        out_specs=pl.BlockSpec((TL, E), lambda i: (i, 0)),
        out_shape=jax.ShapeDtypeStruct((N_TC, E), jnp.float32),
    )(h2, tb3, ty3, tw, tyw, rw, rb2)


def _lut_kernel(tw_ref, tyw_ref, rw_ref, rb_ref, lt_ref, lty_ref):
    lt = jax.lax.dot_general(
        tw_ref[...], rw_ref[:, H:H + A], (((1,), (1,)), ((), ())),
        preferred_element_type=jnp.float32)
    lt_ref[...] = lt + rb_ref[0, :][None, :]
    lty_ref[...] = jax.lax.dot_general(
        tyw_ref[...], rw_ref[:, H + A:], (((1,), (1,)), ((), ())),
        preferred_element_type=jnp.float32)


def _make_luts(tw, tyw, rw, rb2):
    return pl.pallas_call(
        _lut_kernel,
        out_shape=(jax.ShapeDtypeStruct((NUM_T_BUCKETS, E), jnp.float32),
                   jax.ShapeDtypeStruct((NUM_TOKEN_TYPES, E), jnp.float32)),
    )(tw, tyw, rw, rb2)



def _sc_router(h_hbm, tb_hbm, ty_hbm, wh_hbm, lutt_hbm, lutty_hbm, out_hbm,
               hbuf, wbuf, ltbuf, ltybuf, tbuf, tybuf, accbuf, obuf, sem):
    wid = lax.axis_index("c") * 16 + lax.axis_index("s")
    tok0 = N_TC + wid * PER_TEC

    cp = pltpu.make_async_copy(h_hbm.at[pl.ds(tok0, PER_TEC), :], hbuf, sem)
    cp.start()
    pltpu.sync_copy(wh_hbm, wbuf)
    pltpu.sync_copy(lutt_hbm, ltbuf)
    pltpu.sync_copy(lutty_hbm, ltybuf)
    pltpu.sync_copy(tb_hbm.at[pl.ds(tok0, PER_TEC)], tbuf)
    pltpu.sync_copy(ty_hbm.at[pl.ds(tok0, PER_TEC)], tybuf)
    cp.wait()

    iv = lax.iota(jnp.int32, 16)
    iv16 = iv * 16
    iv8 = iv * 8

    def group_body(g, carry):
        def sub_body(sb, carry2):
            tok = g * GROUP + sb * T_SUB
            acc = [jnp.zeros((16,), jnp.float32) for _ in range(E * T_SUB)]
            for c in range(CHUNKS):
                base = c * 16
                hv = [hbuf[tok + t, base:base + 16] for t in range(T_SUB)]
                for e in range(E):
                    wv = wbuf[e, base:base + 16]
                    for t in range(T_SUB):
                        i = e * T_SUB + t
                        acc[i] = acc[i] + hv[t] * wv
            for e in range(E):
                for t in range(T_SUB):
                    off = e * (GROUP * 16) + sb * (T_SUB * 16) + t * 16
                    accbuf[pl.ds(off, 16)] = acc[e * T_SUB + t]
            return carry2

        lax.fori_loop(0, GROUP // T_SUB, sub_body, 0)

        tbv = tbuf[pl.ds(g * GROUP, 16)]
        tyv = tybuf[pl.ds(g * GROUP, 16)]
        logits = []
        for e in range(E):
            le = plsc.load_gather(accbuf, [iv16 + e * (GROUP * 16)])
            for p in range(1, 16):
                le = le + plsc.load_gather(
                    accbuf, [iv16 + (e * (GROUP * 16) + p)])
            le = le + plsc.load_gather(ltbuf, [tbv * E + e])
            le = le + plsc.load_gather(ltybuf, [tyv * E + e])
            logits.append(le)

        m = logits[0]
        for e in range(1, E):
            m = jnp.maximum(m, logits[e])
        es = [jnp.exp(le - m) for le in logits]
        s = es[0]
        for e in range(1, E):
            s = s + es[e]
        r = 1.0 / s
        obase = g * (GROUP * E)
        for e in range(E):
            plsc.store_scatter(obuf, [iv8 + (obase + e)], es[e] * r)
        return carry

    lax.fori_loop(0, N_GROUPS, group_body, 0)
    pltpu.sync_copy(obuf, out_hbm.at[pl.ds(wid * PER_TEC * E, PER_TEC * E)])


def _sc_router_call(h2, tbf, tyf, wh, lutt_f, lutty_f):
    mesh = plsc.VectorSubcoreMesh(core_axis_name="c", subcore_axis_name="s",
                                  num_cores=2, num_subcores=16)
    fn = pl.kernel(
        _sc_router,
        out_type=jax.ShapeDtypeStruct((N_SC * E,), jnp.float32),
        mesh=mesh,
        compiler_params=pltpu.CompilerParams(needs_layout_passes=False),
        cost_estimate=pl.CostEstimate(
            flops=2 * N_SC * H * E, bytes_accessed=N_SC * H * 4,
            transcendentals=N_SC * E),
        scratch_types=[
            pltpu.VMEM((PER_TEC, H), jnp.float32),
            pltpu.VMEM((E, H), jnp.float32),
            pltpu.VMEM((NUM_T_BUCKETS * E,), jnp.float32),
            pltpu.VMEM((NUM_TOKEN_TYPES * E,), jnp.float32),
            pltpu.VMEM((PER_TEC,), jnp.int32),
            pltpu.VMEM((PER_TEC,), jnp.int32),
            pltpu.VMEM((E * GROUP * 16,), jnp.float32),
            pltpu.VMEM((PER_TEC * E,), jnp.float32),
            pltpu.SemaphoreType.DMA,
        ],
    )
    return fn(h2, tbf, tyf, wh, lutt_f, lutty_f)



@functools.partial(jax.jit, static_argnames=())
def kernel(hidden_states, t_bucket, token_type, t_embed_weight,
           type_embed_weight, router_w, router_b):
    h2 = hidden_states.reshape(N_TOK, H)
    tbf = t_bucket.reshape(N_TOK).astype(jnp.int32)
    tyf = token_type.reshape(N_TOK).astype(jnp.int32)
    n_blk = N_TC // TL
    tb3 = tbf[:N_TC].reshape(n_blk, 1, TL)
    ty3 = tyf[:N_TC].reshape(n_blk, 1, TL)
    rb2 = router_b.reshape(1, E)

    lut_tb, lut_ty = _make_luts(t_embed_weight, type_embed_weight,
                                router_w, rb2)
    wh = router_w[:, :H]

    sc_out = _sc_router_call(h2, tbf, tyf, wh,
                             lut_tb.reshape(NUM_T_BUCKETS * E),
                             lut_ty.reshape(NUM_TOKEN_TYPES * E))
    tc_out = _tc_router(h2, tb3, ty3, t_embed_weight, type_embed_weight,
                        router_w, rb2)
    out = jnp.concatenate([tc_out, sc_out.reshape(N_SC, E)], axis=0)
    return out.reshape(B, L, E)

# --- scband reference (transcript-rebuilt; emitter-appended) ---
"""Pipeline reference for scband-dmarrouter-29094108463127 (READ-ONLY COPY).

The authoritative reference and input builder live on the scoring server;
editing this copy changes nothing except your own understanding.
"""

import jax, jax.numpy as jnp
import numpy as np

B, L, H, A, E = 4, 8192, 768, 64, 8
NUM_T_BUCKETS, NUM_TOKEN_TYPES = 8, 4

def setup_inputs(seed: int = 0) -> dict:
    key = jax.random.key(seed)
    ks = jax.random.split(key, 7)
    hidden_states = jax.random.normal(ks[0], (B, L, H), dtype=jnp.float32)
    t_bucket = jax.random.randint(ks[1], (B, L), 0, NUM_T_BUCKETS)
    token_type = jax.random.randint(ks[2], (B, L), 0, NUM_TOKEN_TYPES)
    t_embed_weight = jax.random.normal(ks[3], (NUM_T_BUCKETS, A), dtype=jnp.float32) * 0.02
    type_embed_weight = jax.random.normal(ks[4], (NUM_TOKEN_TYPES, A), dtype=jnp.float32) * 0.02
    router_w = jax.random.normal(ks[5], (E, H + 2 * A), dtype=jnp.float32) * 0.02
    router_b = jnp.zeros((E,), dtype=jnp.float32)
    return {
        "hidden_states": hidden_states,
        "t_bucket": t_bucket,
        "token_type": token_type,
        "t_embed_weight": t_embed_weight,
        "type_embed_weight": type_embed_weight,
        "router_w": router_w,
        "router_b": router_b,
    }

def reference(hidden_states, t_bucket, token_type, t_embed_weight, type_embed_weight, router_w, router_b):
    # embedding lookups (gather)
    t_emb = jnp.take(t_embed_weight, t_bucket, axis=0)        # [B, L, A]
    ty_emb = jnp.take(type_embed_weight, token_type, axis=0)  # [B, L, A]
    x = jnp.concatenate([hidden_states, t_emb, ty_emb], axis=-1)  # [B, L, H+2A]
    logits = jnp.einsum('bli,ei->ble', x, router_w) + router_b    # [B, L, E]
    gate_probs = jax.nn.softmax(logits, axis=-1)
    return gate_probs

if __name__ == "__main__":
    import jax
    _d = setup_inputs()
    print(jax.jit(kernel)(*tuple(_d.values())))

</pallas_src>

<mosaic_0001>
#map = affine_map<(d0, d1) -> (0, 0)>
#map1 = affine_map<(d0, d1) -> (0)>
module attributes {stable_mosaic.version = 14 : i64} {
  func.func @_sc_router(%arg0: i32, %arg1: i32, %arg2: memref<32768x768xf32, #tpu.memory_space<hbm>>, %arg3: memref<32768xi32, #tpu.memory_space<hbm>>, %arg4: memref<32768xi32, #tpu.memory_space<hbm>>, %arg5: memref<8x768xf32, #tpu.memory_space<hbm>>, %arg6: memref<64xf32, #tpu.memory_space<hbm>>, %arg7: memref<32xf32, #tpu.memory_space<hbm>>, %arg8: memref<16384xf32, #tpu.memory_space<hbm>>, %arg9: memref<64x768xf32, #tpu.memory_space<vmem>>, %arg10: memref<8x768xf32, #tpu.memory_space<vmem>>, %arg11: memref<64xf32, #tpu.memory_space<vmem>>, %arg12: memref<32xf32, #tpu.memory_space<vmem>>, %arg13: memref<64xi32, #tpu.memory_space<vmem>>, %arg14: memref<64xi32, #tpu.memory_space<vmem>>, %arg15: memref<2048xf32, #tpu.memory_space<vmem>>, %arg16: memref<512xf32, #tpu.memory_space<vmem>>, %arg17: memref<!tpu.dma_semaphore, #tpu.memory_space<semaphore_mem>>) attributes {dimension_semantics = [#tpu.dimension_semantics<core_parallel>, #tpu.dimension_semantics<subcore_parallel>], iteration_bounds = array<i64: 2, 16>, scalar_prefetch = 0 : i64, scratch_operands = 9 : i64, tpu.core_type = #tpu.core_type<sc_vector_subcore>, window_params = [{transform_indices = #map}, {transform_indices = #map1}, {transform_indices = #map1}, {transform_indices = #map}, {transform_indices = #map1}, {transform_indices = #map1}, {transform_indices = #map1}]} {
    %mul3A = arith.constant 16 : i32
    %mul3A_0 = arith.muli %arg0, %mul3A : i32
    %add3A = arith.addi %mul3A_0, %arg1 : i32
    %mul3A_1 = arith.constant 64 : i32
    %mul3A_2 = arith.muli %add3A, %mul3A_1 : i32
    %add3A_3 = arith.constant 30720 : i32
    %add3A_4 = arith.addi %add3A_3, %mul3A_2 : i32
    %dma_start3A = arith.constant 0 : i32
    %dma_start3A_5 = tpu.memref_slice %arg2[%add3A_4, %dma_start3A] : memref<32768x768xf32, #tpu.memory_space<hbm>> -> memref<64x768xf32, #tpu.memory_space<hbm>>
    %dma_start3A_6 = arith.constant 0 : i32
    %dma_start3A_7 = tpu.memref_slice %arg2[%add3A_4, %dma_start3A_6] : memref<32768x768xf32, #tpu.memory_space<hbm>> -> memref<64x768xf32, #tpu.memory_space<hbm>>
    tpu.enqueue_dma source(%dma_start3A_7 : memref<64x768xf32, #tpu.memory_space<hbm>>) target(%arg9 : memref<64x768xf32, #tpu.memory_space<vmem>>) target_semaphore(%arg17 : memref<!tpu.dma_semaphore, #tpu.memory_space<semaphore_mem>>)
    "tpu.region"() ({
      %run_scoped3A = tpu.sem_alloc : memref<!tpu.dma_semaphore, #tpu.memory_space<semaphore_mem>>
      tpu.enqueue_dma source(%arg5 : memref<8x768xf32, #tpu.memory_space<hbm>>) target(%arg10 : memref<8x768xf32, #tpu.memory_space<vmem>>) target_semaphore(%run_scoped3A : memref<!tpu.dma_semaphore, #tpu.memory_space<semaphore_mem>>)
      tpu.wait_dma2 semaphore(%run_scoped3A : memref<!tpu.dma_semaphore, #tpu.memory_space<semaphore_mem>>) src(%arg5 : memref<8x768xf32, #tpu.memory_space<hbm>>) dst(%arg10 : memref<8x768xf32, #tpu.memory_space<vmem>>)
      tpu.yield
    }) : () -> ()
    "tpu.region"() ({
      %run_scoped3A = tpu.sem_alloc : memref<!tpu.dma_semaphore, #tpu.memory_space<semaphore_mem>>
      tpu.enqueue_dma source(%arg6 : memref<64xf32, #tpu.memory_space<hbm>>) target(%arg11 : memref<64xf32, #tpu.memory_space<vmem>>) target_semaphore(%run_scoped3A : memref<!tpu.dma_semaphore, #tpu.memory_space<semaphore_mem>>)
      tpu.wait_dma2 semaphore(%run_scoped3A : memref<!tpu.dma_semaphore, #tpu.memory_space<semaphore_mem>>) src(%arg6 : memref<64xf32, #tpu.memory_space<hbm>>) dst(%arg11 : memref<64xf32, #tpu.memory_space<vmem>>)
      tpu.yield
    }) : () -> ()
    "tpu.region"() ({
      %run_scoped3A = tpu.sem_alloc : memref<!tpu.dma_semaphore, #tpu.memory_space<semaphore_mem>>
      tpu.enqueue_dma source(%arg7 : memref<32xf32, #tpu.memory_space<hbm>>) target(%arg12 : memref<32xf32, #tpu.memory_space<vmem>>) target_semaphore(%run_scoped3A : memref<!tpu.dma_semaphore, #tpu.memory_space<semaphore_mem>>)
      tpu.wait_dma2 semaphore(%run_scoped3A : memref<!tpu.dma_semaphore, #tpu.memory_space<semaphore_mem>>) src(%arg7 : memref<32xf32, #tpu.memory_space<hbm>>) dst(%arg12 : memref<32xf32, #tpu.memory_space<vmem>>)
      tpu.yield
    }) : () -> ()
    "tpu.region"() ({
      %run_scoped3A = tpu.sem_alloc : memref<!tpu.dma_semaphore, #tpu.memory_space<semaphore_mem>>
      %dma_start3A_26 = tpu.memref_slice %arg3[%add3A_4] : memref<32768xi32, #tpu.memory_space<hbm>> -> memref<64xi32, #tpu.memory_space<hbm>>
      %dma_start3A_27 = tpu.memref_slice %arg3[%add3A_4] : memref<32768xi32, #tpu.memory_space<hbm>> -> memref<64xi32, #tpu.memory_space<hbm>>
      tpu.enqueue_dma source(%dma_start3A_27 : memref<64xi32, #tpu.memory_space<hbm>>) target(%arg13 : memref<64xi32, #tpu.memory_space<vmem>>) target_semaphore(%run_scoped3A : memref<!tpu.dma_semaphore, #tpu.memory_space<semaphore_mem>>)
      %dma_wait3A_28 = tpu.memref_slice %arg3[%add3A_4] : memref<32768xi32, #tpu.memory_space<hbm>> -> memref<64xi32, #tpu.memory_space<hbm>>
      %dma_wait3A_29 = tpu.memref_slice %arg3[%add3A_4] : memref<32768xi32, #tpu.memory_space<hbm>> -> memref<64xi32, #tpu.memory_space<hbm>>
      tpu.wait_dma2 semaphore(%run_scoped3A : memref<!tpu.dma_semaphore, #tpu.memory_space<semaphore_mem>>) src(%dma_wait3A_29 : memref<64xi32, #tpu.memory_space<hbm>>) dst(%arg13 : memref<64xi32, #tpu.memory_space<vmem>>)
      tpu.yield
    }) : () -> ()
    "tpu.region"() ({
      %run_scoped3A = tpu.sem_alloc : memref<!tpu.dma_semaphore, #tpu.memory_space<semaphore_mem>>
      %dma_start3A_26 = tpu.memref_slice %arg4[%add3A_4] : memref<32768xi32, #tpu.memory_space<hbm>> -> memref<64xi32, #tpu.memory_space<hbm>>
      %dma_start3A_27 = tpu.memref_slice %arg4[%add3A_4] : memref<32768xi32, #tpu.memory_space<hbm>> -> memref<64xi32, #tpu.memory_space<hbm>>
      tpu.enqueue_dma source(%dma_start3A_27 : memref<64xi32, #tpu.memory_space<hbm>>) target(%arg14 : memref<64xi32, #tpu.memory_space<vmem>>) target_semaphore(%run_scoped3A : memref<!tpu.dma_semaphore, #tpu.memory_space<semaphore_mem>>)
      %dma_wait3A_28 = tpu.memref_slice %arg4[%add3A_4] : memref<32768xi32, #tpu.memory_space<hbm>> -> memref<64xi32, #tpu.memory_space<hbm>>
      %dma_wait3A_29 = tpu.memref_slice %arg4[%add3A_4] : memref<32768xi32, #tpu.memory_space<hbm>> -> memref<64xi32, #tpu.memory_space<hbm>>
      tpu.wait_dma2 semaphore(%run_scoped3A : memref<!tpu.dma_semaphore, #tpu.memory_space<semaphore_mem>>) src(%dma_wait3A_29 : memref<64xi32, #tpu.memory_space<hbm>>) dst(%arg14 : memref<64xi32, #tpu.memory_space<vmem>>)
      tpu.yield
    }) : () -> ()
    %dma_wait3A = arith.constant 0 : i32
    %dma_wait3A_8 = tpu.memref_slice %arg2[%add3A_4, %dma_wait3A] : memref<32768x768xf32, #tpu.memory_space<hbm>> -> memref<64x768xf32, #tpu.memory_space<hbm>>
    %dma_wait3A_9 = arith.constant 0 : i32
    %dma_wait3A_10 = tpu.memref_slice %arg2[%add3A_4, %dma_wait3A_9] : memref<32768x768xf32, #tpu.memory_space<hbm>> -> memref<64x768xf32, #tpu.memory_space<hbm>>
    tpu.wait_dma2 semaphore(%arg17 : memref<!tpu.dma_semaphore, #tpu.memory_space<semaphore_mem>>) src(%dma_wait3A_10 : memref<64x768xf32, #tpu.memory_space<hbm>>) dst(%arg9 : memref<64x768xf32, #tpu.memory_space<vmem>>)
    %iota3A = tpu.iota {dimensions = array<i32: 0>} : vector<16xi32>
    %mul3A_11 = arith.constant 16 : i32
    %mul3A_12 = vector.broadcast %mul3A_11 : i32 to vector<16xi32>
    %mul3A_13 = arith.muli %iota3A, %mul3A_12 : vector<16xi32>
    %mul3A_14 = arith.constant 8 : i32
    %mul3A_15 = vector.broadcast %mul3A_14 : i32 to vector<16xi32>
    %mul3A_16 = arith.muli %iota3A, %mul3A_15 : vector<16xi32>
    %scan3A = arith.constant 0 : i32
    %scan3A_17 = arith.constant 0 : i32
    %scan3A_18 = arith.constant 4 : i32
    %scan3A_19 = arith.addi %scan3A_17, %scan3A_18 : i32
    %scan3A_20 = arith.constant 1 : i32
    scf.for %scan3A_26 = %scan3A_17 to %scan3A_19 step %scan3A_20  : i32 {
      %scan3A_27 = arith.constant 0 : i32
      %scan3A_28 = arith.constant 0 : i32
      %scan3A_29 = arith.constant 8 : i32
      %scan3A_30 = arith.addi %scan3A_28, %scan3A_29 : i32
      %scan3A_31 = arith.constant 1 : i32
      scf.for %scan3A_870 = %scan3A_28 to %scan3A_30 step %scan3A_31  : i32 {
        %mul3A_871 = arith.constant 16 : i32
        %mul3A_872 = arith.muli %scan3A_26, %mul3A_871 : i32
        %mul3A_873 = arith.constant 2 : i32
        %mul3A_874 = arith.muli %scan3A_870, %mul3A_873 : i32
        %add3A_875 = arith.addi %mul3A_872, %mul3A_874 : i32
        %broadcast_in_dim3A = arith.constant 0.000000e+00 : f32
        %broadcast_in_dim3A_876 = vector.broadcast %broadcast_in_dim3A : f32 to vector<16xf32>
        %broadcast_in_dim3A_877 = arith.constant 0.000000e+00 : f32
        %broadcast_in_dim3A_878 = vector.broadcast %broadcast_in_dim3A_877 : f32 to vector<16xf32>
        %broadcast_in_dim3A_879 = arith.constant 0.000000e+00 : f32
        %broadcast_in_dim3A_880 = vector.broadcast %broadcast_in_dim3A_879 : f32 to vector<16xf32>
        %broadcast_in_dim3A_881 = arith.constant 0.000000e+00 : f32
        %broadcast_in_dim3A_882 = vector.broadcast %broadcast_in_dim3A_881 : f32 to vector<16xf32>
        %broadcast_in_dim3A_883 = arith.constant 0.000000e+00 : f32
        %broadcast_in_dim3A_884 = vector.broadcast %broadcast_in_dim3A_883 : f32 to vector<16xf32>
        %broadcast_in_dim3A_885 = arith.constant 0.000000e+00 : f32
        %broadcast_in_dim3A_886 = vector.broadcast %broadcast_in_dim3A_885 : f32 to vector<16xf32>
        %broadcast_in_dim3A_887 = arith.constant 0.000000e+00 : f32
        %broadcast_in_dim3A_888 = vector.broadcast %broadcast_in_dim3A_887 : f32 to vector<16xf32>
        %broadcast_in_dim3A_889 = arith.constant 0.000000e+00 : f32
        %broadcast_in_dim3A_890 = vector.broadcast %broadcast_in_dim3A_889 : f32 to vector<16xf32>
        %broadcast_in_dim3A_891 = arith.constant 0.000000e+00 : f32
        %broadcast_in_dim3A_892 = vector.broadcast %broadcast_in_dim3A_891 : f32 to vector<16xf32>
        %broadcast_in_dim3A_893 = arith.constant 0.000000e+00 : f32
        %broadcast_in_dim3A_894 = vector.broadcast %broadcast_in_dim3A_893 : f32 to vector<16xf32>
        %broadcast_in_dim3A_895 = arith.constant 0.000000e+00 : f32
        %broadcast_in_dim3A_896 = vector.broadcast %broadcast_in_dim3A_895 : f32 to vector<16xf32>
        %broadcast_in_dim3A_897 = arith.constant 0.000000e+00 : f32
        %broadcast_in_dim3A_898 = vector.broadcast %broadcast_in_dim3A_897 : f32 to vector<16xf32>
        %broadcast_in_dim3A_899 = arith.constant 0.000000e+00 : f32
        %broadcast_in_dim3A_900 = vector.broadcast %broadcast_in_dim3A_899 : f32 to vector<16xf32>
        %broadcast_in_dim3A_901 = arith.constant 0.000000e+00 : f32
        %broadcast_in_dim3A_902 = vector.broadcast %broadcast_in_dim3A_901 : f32 to vector<16xf32>
        %broadcast_in_dim3A_903 = arith.constant 0.000000e+00 : f32
        %broadcast_in_dim3A_904 = vector.broadcast %broadcast_in_dim3A_903 : f32 to vector<16xf32>
        %broadcast_in_dim3A_905 = arith.constant 0.000000e+00 : f32
        %broadcast_in_dim3A_906 = vector.broadcast %broadcast_in_dim3A_905 : f32 to vector<16xf32>
        %add3A_907 = arith.constant 0 : i32
        %add3A_908 = arith.addi %add3A_875, %add3A_907 : i32
        %get3A_909 = arith.index_cast %add3A_908 : i32 to index
        %get3A_910 = arith.constant 0 : index
        %get3A_911 = tpu.vector_load %arg9[%get3A_909, %get3A_910] {strides = array<i32>} : memref<64x768xf32, #tpu.memory_space<vmem>>, vector<16xf32>,
        %add3A_912 = arith.constant 1 : i32
        %add3A_913 = arith.addi %add3A_875, %add3A_912 : i32
        %get3A_914 = arith.index_cast %add3A_913 : i32 to index
        %get3A_915 = arith.constant 0 : index
        %get3A_916 = tpu.vector_load %arg9[%get3A_914, %get3A_915] {strides = array<i32>} : memref<64x768xf32, #tpu.memory_space<vmem>>, vector<16xf32>,
        %get3A_917 = arith.constant 0 : i32
        %get3A_918 = arith.index_cast %get3A_917 : i32 to index
        %get3A_919 = arith.constant 0 : index
        %get3A_920 = tpu.vector_load %arg10[%get3A_918, %get3A_919] {strides = array<i32>} : memref<8x768xf32, #tpu.memory_space<vmem>>, vector<16xf32>,
        %mul3A_921 = arith.mulf %get3A_911, %get3A_920 : vector<16xf32>
        %add3A_922 = arith.addf %broadcast_in_dim3A_876, %mul3A_921 : vector<16xf32>
        %mul3A_923 = arith.mulf %get3A_916, %get3A_920 : vector<16xf32>
        %add3A_924 = arith.addf %broadcast_in_dim3A_878, %mul3A_923 : vector<16xf32>
        %get3A_925 = arith.constant 1 : i32
        %get3A_926 = arith.index_cast %get3A_925 : i32 to index
        %get3A_927 = arith.constant 0 : index
        %get3A_928 = tpu.vector_load %arg10[%get3A_926, %get3A_927] {strides = array<i32>} : memref<8x768xf32, #tpu.memory_space<vmem>>, vector<16xf32>,
        %mul3A_929 = arith.mulf %get3A_911, %get3A_928 : vector<16xf32>
        %add3A_930 = arith.addf %broadcast_in_dim3A_880, %mul3A_929 : vector<16xf32>
        %mul3A_931 = arith.mulf %get3A_916, %get3A_928 : vector<16xf32>
        %add3A_932 = arith.addf %broadcast_in_dim3A_882, %mul3A_931 : vector<16xf32>
        %get3A_933 = arith.constant 2 : i32
        %get3A_934 = arith.index_cast %get3A_933 : i32 to index
        %get3A_935 = arith.constant 0 : index
        %get3A_936 = tpu.vector_load %arg10[%get3A_934, %get3A_935] {strides = array<i32>} : memref<8x768xf32, #tpu.memory_space<vmem>>, vector<16xf32>,
        %mul3A_937 = arith.mulf %get3A_911, %get3A_936 : vector<16xf32>
        %add3A_938 = arith.addf %broadcast_in_dim3A_884, %mul3A_937 : vector<16xf32>
        %mul3A_939 = arith.mulf %get3A_916, %get3A_936 : vector<16xf32>
        %add3A_940 = arith.addf %broadcast_in_dim3A_886, %mul3A_939 : vector<16xf32>
        %get3A_941 = arith.constant 3 : i32
        %get3A_942 = arith.index_cast %get3A_941 : i32 to index
        %get3A_943 = arith.constant 0 : index
        %get3A_944 = tpu.vector_load %arg10[%get3A_942, %get3A_943] {strides = array<i32>} : memref<8x768xf32, #tpu.memory_space<vmem>>, vector<16xf32>,
        %mul3A_945 = arith.mulf %get3A_911, %get3A_944 : vector<16xf32>
        %add3A_946 = arith.addf %broadcast_in_dim3A_888, %mul3A_945 : vector<16xf32>
        %mul3A_947 = arith.mulf %get3A_916, %get3A_944 : vector<16xf32>
        %add3A_948 = arith.addf %broadcast_in_dim3A_890, %mul3A_947 : vector<16xf32>
        %get3A_949 = arith.constant 4 : i32
        %get3A_950 = arith.index_cast %get3A_949 : i32 to index
        %get3A_951 = arith.constant 0 : index
        %get3A_952 = tpu.vector_load %arg10[%get3A_950, %get3A_951] {strides = array<i32>} : memref<8x768xf32, #tpu.memory_space<vmem>>, vector<16xf32>,
        %mul3A_953 = arith.mulf %get3A_911, %get3A_952 : vector<16xf32>
        %add3A_954 = arith.addf %broadcast_in_dim3A_892, %mul3A_953 : vector<16xf32>
        %mul3A_955 = arith.mulf %get3A_916, %get3A_952 : vector<16xf32>
        %add3A_956 = arith.addf %broadcast_in_dim3A_894, %mul3A_955 : vector<16xf32>
        %get3A_957 = arith.constant 5 : i32
        %get3A_958 = arith.index_cast %get3A_957 : i32 to index
        %get3A_959 = arith.constant 0 : index
        %get3A_960 = tpu.vector_load %arg10[%get3A_958, %get3A_959] {strides = array<i32>} : memref<8x768xf32, #tpu.memory_space<vmem>>, vector<16xf32>,
        %mul3A_961 = arith.mulf %get3A_911, %get3A_960 : vector<16xf32>
        %add3A_962 = arith.addf %broadcast_in_dim3A_896, %mul3A_961 : vector<16xf32>
        %mul3A_963 = arith.mulf %get3A_916, %get3A_960 : vector<16xf32>
        %add3A_964 = arith.addf %broadcast_in_dim3A_898, %mul3A_963 : vector<16xf32>
        %get3A_965 = arith.constant 6 : i32
        %get3A_966 = arith.index_cast %get3A_965 : i32 to index
        %get3A_967 = arith.constant 0 : index
        %get3A_968 = tpu.vector_load %arg10[%get3A_966, %get3A_967] {strides = array<i32>} : memref<8x768xf32, #tpu.memory_space<vmem>>, vector<16xf32>,
        %mul3A_969 = arith.mulf %get3A_911, %get3A_968 : vector<16xf32>
        %add3A_970 = arith.addf %broadcast_in_dim3A_900, %mul3A_969 : vector<16xf32>
        %mul3A_971 = arith.mulf %get3A_916, %get3A_968 : vector<16xf32>
        %add3A_972 = arith.addf %broadcast_in_dim3A_902, %mul3A_971 : vector<16xf32>
        %get3A_973 = arith.constant 7 : i32
        %get3A_974 = arith.index_cast %get3A_973 : i32 to index
        %get3A_975 = arith.constant 0 : index
        %get3A_976 = tpu.vector_load %arg10[%get3A_974, %get3A_975] {strides = array<i32>} : memref<8x768xf32, #tpu.memory_space<vmem>>, vector<16xf32>,
        %mul3A_977 = arith.mulf %get3A_911, %get3A_976 : vector<16xf32>
        %add3A_978 = arith.addf %broadcast_in_dim3A_904, %mul3A_977 : vector<16xf32>
        %mul3A_979 = arith.mulf %get3A_916, %get3A_976 : vector<16xf32>
        %add3A_980 = arith.addf %broadcast_in_dim3A_906, %mul3A_979 : vector<16xf32>
        %add3A_981 = arith.constant 0 : i32
        %add3A_982 = arith.addi %add3A_875, %add3A_981 : i32
        %get3A_983 = arith.index_cast %add3A_982 : i32 to index
        %get3A_984 = arith.constant 16 : index
        %get3A_985 = tpu.vector_load %arg9[%get3A_983, %get3A_984] {strides = array<i32>} : memref<64x768xf32, #tpu.memory_space<vmem>>, vector<16xf32>,
        %add3A_986 = arith.constant 1 : i32
        %add3A_987 = arith.addi %add3A_875, %add3A_986 : i32
        %get3A_988 = arith.index_cast %add3A_987 : i32 to index
        %get3A_989 = arith.constant 16 : index
        %get3A_990 = tpu.vector_load %arg9[%get3A_988, %get3A_989] {strides = array<i32>} : memref<64x768xf32, #tpu.memory_space<vmem>>, vector<16xf32>,
        %get3A_991 = arith.constant 0 : i32
        %get3A_992 = arith.index_cast %get3A_991 : i32 to index
        %get3A_993 = arith.constant 16 : index
        %get3A_994 = tpu.vector_load %arg10[%get3A_992, %get3A_993] {strides = array<i32>} : memref<8x768xf32, #tpu.memory_space<vmem>>, vector<16xf32>,
        %mul3A_995 = arith.mulf %get3A_985, %get3A_994 : vector<16xf32>
        %add3A_996 = arith.addf %add3A_922, %mul3A_995 : vector<16xf32>
        %mul3A_997 = arith.mulf %get3A_990, %get3A_994 : vector<16xf32>
        %add3A_998 = arith.addf %add3A_924, %mul3A_997 : vector<16xf32>
        %get3A_999 = arith.constant 1 : i32
        %get3A_1000 = arith.index_cast %get3A_999 : i32 to index
        %get3A_1001 = arith.constant 16 : index
        %get3A_1002 = tpu.vector_load %arg10[%get3A_1000, %get3A_1001] {strides = array<i32>} : memref<8x768xf32, #tpu.memory_space<vmem>>, vector<16xf32>,
        %mul3A_1003 = arith.mulf %get3A_985, %get3A_1002 : vector<16xf32>
        %add3A_1004 = arith.addf %add3A_930, %mul3A_1003 : vector<16xf32>
        %mul3A_1005 = arith.mulf %get3A_990, %get3A_1002 : vector<16xf32>
        %add3A_1006 = arith.addf %add3A_932, %mul3A_1005 : vector<16xf32>
        %get3A_1007 = arith.constant 2 : i32
        %get3A_1008 = arith.index_cast %get3A_1007 : i32 to index
        %get3A_1009 = arith.constant 16 : index
        %get3A_1010 = tpu.vector_load %arg10[%get3A_1008, %get3A_1009] {strides = array<i32>} : memref<8x768xf32, #tpu.memory_space<vmem>>, vector<16xf32>,
        %mul3A_1011 = arith.mulf %get3A_985, %get3A_1010 : vector<16xf32>
        %add3A_1012 = arith.addf %add3A_938, %mul3A_1011 : vector<16xf32>
        %mul3A_1013 = arith.mulf %get3A_990, %get3A_1010 : vector<16xf32>
        %add3A_1014 = arith.addf %add3A_940, %mul3A_1013 : vector<16xf32>
        %get3A_1015 = arith.constant 3 : i32
        %get3A_1016 = arith.index_cast %get3A_1015 : i32 to index
        %get3A_1017 = arith.constant 16 : index
        %get3A_1018 = tpu.vector_load %arg10[%get3A_1016, %get3A_1017] {strides = array<i32>} : memref<8x768xf32, #tpu.memory_space<vmem>>, vector<16xf32>,
        %mul3A_1019 = arith.mulf %get3A_985, %get3A_1018 : vector<16xf32>
        %add3A_1020 = arith.addf %add3A_946, %mul3A_1019 : vector<16xf32>
        %mul3A_1021 = arith.mulf %get3A_990, %get3A_1018 : vector<16xf32>
        %add3A_1022 = arith.addf %add3A_948, %mul3A_1021 : vector<16xf32>
        %get3A_1023 = arith.constant 4 : i32
        %get3A_1024 = arith.index_cast %get3A_1023 : i32 to index
        %get3A_1025 = arith.constant 16 : index
        %get3A_1026 = tpu.vector_load %arg10[%get3A_1024, %get3A_1025] {strides = array<i32>} : memref<8x768xf32, #tpu.memory_space<vmem>>, vector<16xf32>,
        %mul3A_1027 = arith.mulf %get3A_985, %get3A_1026 : vector<16xf32>
        %add3A_1028 = arith.addf %add3A_954, %mul3A_1027 : vector<16xf32>
        %mul3A_1029 = arith.mulf %get3A_990, %get3A_1026 : vector<16xf32>
        %add3A_1030 = arith.addf %add3A_956, %mul3A_1029 : vector<16xf32>
        %get3A_1031 = arith.constant 5 : i32
        %get3A_1032 = arith.index_cast %get3A_1031 : i32 to index
        %get3A_1033 = arith.constant 16 : index
        %get3A_1034 = tpu.vector_load %arg10[%get3A_1032, %get3A_1033] {strides = array<i32>} : memref<8x768xf32, #tpu.memory_space<vmem>>, vector<16xf32>,
        %mul3A_1035 = arith.mulf %get3A_985, %get3A_1034 : vector<16xf32>
        %add3A_1036 = arith.addf %add3A_962, %mul3A_1035 : vector<16xf32>
        %mul3A_1037 = arith.mulf %get3A_990, %get3A_1034 : vector<16xf32>
        %add3A_1038 = arith.addf %add3A_964, %mul3A_1037 : vector<16xf32>
        %get3A_1039 = arith.constant 6 : i32
        %get3A_1040 = arith.index_cast %get3A_1039 : i32 to index
        %get3A_1041 = arith.constant 16 : index
        %get3A_1042 = tpu.vector_load %arg10[%get3A_1040, %get3A_1041] {strides = array<i32>} : memref<8x768xf32, #tpu.memory_space<vmem>>, vector<16xf32>,
        %mul3A_1043 = arith.mulf %get3A_985, %get3A_1042 : vector<16xf32>
        %add3A_1044 = arith.addf %add3A_970, %mul3A_1043 : vector<16xf32>
        %mul3A_1045 = arith.mulf %get3A_990, %get3A_1042 : vector<16xf32>
        %add3A_1046 = arith.addf %add3A_972, %mul3A_1045 : vector<16xf32>
        %get3A_1047 = arith.constant 7 : i32
        %get3A_1048 = arith.index_cast %get3A_1047 : i32 to index
        %get3A_1049 = arith.constant 16 : index
        %get3A_1050 = tpu.vector_load %arg10[%get3A_1048, %get3A_1049] {strides = array<i32>} : memref<8x768xf32, #tpu.memory_space<vmem>>, vector<16xf32>,
        %mul3A_1051 = arith.mulf %get3A_985, %get3A_1050 : vector<16xf32>
        %add3A_1052 = arith.addf %add3A_978, %mul3A_1051 : vector<16xf32>
        %mul3A_1053 = arith.mulf %get3A_990, %get3A_1050 : vector<16xf32>
        %add3A_1054 = arith.addf %add3A_980, %mul3A_1053 : vector<16xf32>
        %add3A_1055 = arith.constant 0 : i32
        %add3A_1056 = arith.addi %add3A_875, %add3A_1055 : i32
        %get3A_1057 = arith.index_cast %add3A_1056 : i32 to index
        %get3A_1058 = arith.constant 32 : index
        %get3A_1059 = tpu.vector_load %arg9[%get3A_1057, %get3A_1058] {strides = array<i32>} : memref<64x768xf32, #tpu.memory_space<vmem>>, vector<16xf32>,
        %add3A_1060 = arith.constant 1 : i32
        %add3A_1061 = arith.addi %add3A_875, %add3A_1060 : i32
        %get3A_1062 = arith.index_cast %add3A_1061 : i32 to index
        %get3A_1063 = arith.constant 32 : index
        %get3A_1064 = tpu.vector_load %arg9[%get3A_1062, %get3A_1063] {strides = array<i32>} : memref<64x768xf32, #tpu.memory_space<vmem>>, vector<16xf32>,
        %get3A_1065 = arith.constant 0 : i32
        %get3A_1066 = arith.index_cast %get3A_1065 : i32 to index
        %get3A_1067 = arith.constant 32 : index
        %get3A_1068 = tpu.vector_load %arg10[%get3A_1066, %get3A_1067] {strides = array<i32>} : memref<8x768xf32, #tpu.memory_space<vmem>>, vector<16xf32>,
        %mul3A_1069 = arith.mulf %get3A_1059, %get3A_1068 : vector<16xf32>
        %add3A_1070 = arith.addf %add3A_996, %mul3A_1069 : vector<16xf32>
        %mul3A_1071 = arith.mulf %get3A_1064, %get3A_1068 : vector<16xf32>
        %add3A_1072 = arith.addf %add3A_998, %mul3A_1071 : vector<16xf32>
        %get3A_1073 = arith.constant 1 : i32
        %get3A_1074 = arith.index_cast %get3A_1073 : i32 to index
        %get3A_1075 = arith.constant 32 : index
        %get3A_1076 = tpu.vector_load %arg10[%get3A_1074, %get3A_1075] {strides = array<i32>} : memref<8x768xf32, #tpu.memory_space<vmem>>, vector<16xf32>,
        %mul3A_1077 = arith.mulf %get3A_1059, %get3A_1076 : vector<16xf32>
        %add3A_1078 = arith.addf %add3A_1004, %mul3A_1077 : vector<16xf32>
        %mul3A_1079 = arith.mulf %get3A_1064, %get3A_1076 : vector<16xf32>
        %add3A_1080 = arith.addf %add3A_1006, %mul3A_1079 : vector<16xf32>
        %get3A_1081 = arith.constant 2 : i32
        %get3A_1082 = arith.index_cast %get3A_1081 : i32 to index
        %get3A_1083 = arith.constant 32 : index
        %get3A_1084 = tpu.vector_load %arg10[%get3A_1082, %get3A_1083] {strides = array<i32>} : memref<8x768xf32, #tpu.memory_space<vmem>>, vector<16xf32>,
        %mul3A_1085 = arith.mulf %get3A_1059, %get3A_1084 : vector<16xf32>
        %add3A_1086 = arith.addf %add3A_1012, %mul3A_1085 : vector<16xf32>
        %mul3A_1087 = arith.mulf %get3A_1064, %get3A_1084 : vector<16xf32>
        %add3A_1088 = arith.addf %add3A_1014, %mul3A_1087 : vector<16xf32>
        %get3A_1089 = arith.constant 3 : i32
        %get3A_1090 = arith.index_cast %get3A_1089 : i32 to index
        %get3A_1091 = arith.constant 32 : index
        %get3A_1092 = tpu.vector_load %arg10[%get3A_1090, %get3A_1091] {strides = array<i32>} : memref<8x768xf32, #tpu.memory_space<vmem>>, vector<16xf32>,
        %mul3A_1093 = arith.mulf %get3A_1059, %get3A_1092 : vector<16xf32>
        %add3A_1094 = arith.addf %add3A_1020, %mul3A_1093 : vector<16xf32>
        %mul3A_1095 = arith.mulf %get3A_1064, %get3A_1092 : vector<16xf32>
        %add3A_1096 = arith.addf %add3A_1022, %mul3A_1095 : vector<16xf32>
        %get3A_1097 = arith.constant 4 : i32
        %get3A_1098 = arith.index_cast %get3A_1097 : i32 to index
        %get3A_1099 = arith.constant 32 : index
        %get3A_1100 = tpu.vector_load %arg10[%get3A_1098, %get3A_1099] {strides = array<i32>} : memref<8x768xf32, #tpu.memory_space<vmem>>, vector<16xf32>,
        %mul3A_1101 = arith.mulf %get3A_1059, %get3A_1100 : vector<16xf32>
        %add3A_1102 = arith.addf %add3A_1028, %mul3A_1101 : vector<16xf32>
        %mul3A_1103 = arith.mulf %get3A_1064, %get3A_1100 : vector<16xf32>
        %add3A_1104 = arith.addf %add3A_1030, %mul3A_1103 : vector<16xf32>
        %get3A_1105 = arith.constant 5 : i32
        %get3A_1106 = arith.index_cast %get3A_1105 : i32 to index
        %get3A_1107 = arith.constant 32 : index
        %get3A_1108 = tpu.vector_load %arg10[%get3A_1106, %get3A_1107] {strides = array<i32>} : memref<8x768xf32, #tpu.memory_space<vmem>>, vector<16xf32>,
        %mul3A_1109 = arith.mulf %get3A_1059, %get3A_1108 : vector<16xf32>
        %add3A_1110 = arith.addf %add3A_1036, %mul3A_1109 : vector<16xf32>
        %mul3A_1111 = arith.mulf %get3A_1064, %get3A_1108 : vector<16xf32>
        %add3A_1112 = arith.addf %add3A_1038, %mul3A_1111 : vector<16xf32>
        %get3A_1113 = arith.constant 6 : i32
        %get3A_1114 = arith.index_cast %get3A_1113 : i32 to index
        %get3A_1115 = arith.constant 32 : index
        %get3A_1116 = tpu.vector_load %arg10[%get3A_1114, %get3A_1115] {strides = array<i32>} : memref<8x768xf32, #tpu.memory_space<vmem>>, vector<16xf32>,
        %mul3A_1117 = arith.mulf %get3A_1059, %get3A_1116 : vector<16xf32>
        %add3A_1118 = arith.addf %add3A_1044, %mul3A_1117 : vector<16xf32>
        %mul3A_1119 = arith.mulf %get3A_1064, %get3A_1116 : vector<16xf32>
        %add3A_1120 = arith.addf %add3A_1046, %mul3A_1119 : vector<16xf32>
        %get3A_1121 = arith.constant 7 : i32
        %get3A_1122 = arith.index_cast %get3A_1121 : i32 to index
        %get3A_1123 = arith.constant 32 : index
        %get3A_1124 = tpu.vector_load %arg10[%get3A_1122, %get3A_1123] {strides = array<i32>} : memref<8x768xf32, #tpu.memory_space<vmem>>, vector<16xf32>,
        %mul3A_1125 = arith.mulf %get3A_1059, %get3A_1124 : vector<16xf32>
        %add3A_1126 = arith.addf %add3A_1052, %mul3A_1125 : vector<16xf32>
        %mul3A_1127 = arith.mulf %get3A_1064, %get3A_1124 : vector<16xf32>
        %add3A_1128 = arith.addf %add3A_1054, %mul3A_1127 : vector<16xf32>
        %add3A_1129 = arith.constant 0 : i32
        %add3A_1130 = arith.addi %add3A_875, %add3A_1129 : i32
        %get3A_1131 = arith.index_cast %add3A_1130 : i32 to index
        %get3A_1132 = arith.constant 48 : index
        %get3A_1133 = tpu.vector_load %arg9[%get3A_1131, %get3A_1132] {strides = array<i32>} : memref<64x768xf32, #tpu.memory_space<vmem>>, vector<16xf32>,
        %add3A_1134 = arith.constant 1 : i32
        %add3A_1135 = arith.addi %add3A_875, %add3A_1134 : i32
        %get3A_1136 = arith.index_cast %add3A_1135 : i32 to index
        %get3A_1137 = arith.constant 48 : index
        %get3A_1138 = tpu.vector_load %arg9[%get3A_1136, %get3A_1137] {strides = array<i32>} : memref<64x768xf32, #tpu.memory_space<vmem>>, vector<16xf32>,
        %get3A_1139 = arith.constant 0 : i32
        %get3A_1140 = arith.index_cast %get3A_1139 : i32 to index
        %get3A_1141 = arith.constant 48 : index
        %get3A_1142 = tpu.vector_load %arg10[%get3A_1140, %get3A_1141] {strides = array<i32>} : memref<8x768xf32, #tpu.memory_space<vmem>>, vector<16xf32>,
        %mul3A_1143 = arith.mulf %get3A_1133, %get3A_1142 : vector<16xf32>
        %add3A_1144 = arith.addf %add3A_1070, %mul3A_1143 : vector<16xf32>
        %mul3A_1145 = arith.mulf %get3A_1138, %get3A_1142 : vector<16xf32>
        %add3A_1146 = arith.addf %add3A_1072, %mul3A_1145 : vector<16xf32>
        %get3A_1147 = arith.constant 1 : i32
        %get3A_1148 = arith.index_cast %get3A_1147 : i32 to index
        %get3A_1149 = arith.constant 48 : index
        %get3A_1150 = tpu.vector_load %arg10[%get3A_1148, %get3A_1149] {strides = array<i32>} : memref<8x768xf32, #tpu.memory_space<vmem>>, vector<16xf32>,
        %mul3A_1151 = arith.mulf %get3A_1133, %get3A_1150 : vector<16xf32>
        %add3A_1152 = arith.addf %add3A_1078, %mul3A_1151 : vector<16xf32>
        %mul3A_1153 = arith.mulf %get3A_1138, %get3A_1150 : vector<16xf32>
        %add3A_1154 = arith.addf %add3A_1080, %mul3A_1153 : vector<16xf32>
        %get3A_1155 = arith.constant 2 : i32
        %get3A_1156 = arith.index_cast %get3A_1155 : i32 to index
        %get3A_1157 = arith.constant 48 : index
        %get3A_1158 = tpu.vector_load %arg10[%get3A_1156, %get3A_1157] {strides = array<i32>} : memref<8x768xf32, #tpu.memory_space<vmem>>, vector<16xf32>,
        %mul3A_1159 = arith.mulf %get3A_1133, %get3A_1158 : vector<16xf32>
        %add3A_1160 = arith.addf %add3A_1086, %mul3A_1159 : vector<16xf32>
        %mul3A_1161 = arith.mulf %get3A_1138, %get3A_1158 : vector<16xf32>
        %add3A_1162 = arith.addf %add3A_1088, %mul3A_1161 : vector<16xf32>
        %get3A_1163 = arith.constant 3 : i32
        %get3A_1164 = arith.index_cast %get3A_1163 : i32 to index
        %get3A_1165 = arith.constant 48 : index
        %get3A_1166 = tpu.vector_load %arg10[%get3A_1164, %get3A_1165] {strides = array<i32>} : memref<8x768xf32, #tpu.memory_space<vmem>>, vector<16xf32>,
        %mul3A_1167 = arith.mulf %get3A_1133, %get3A_1166 : vector<16xf32>
        %add3A_1168 = arith.addf %add3A_1094, %mul3A_1167 : vector<16xf32>
        %mul3A_1169 = arith.mulf %get3A_1138, %get3A_1166 : vector<16xf32>
        %add3A_1170 = arith.addf %add3A_1096, %mul3A_1169 : vector<16xf32>
        %get3A_1171 = arith.constant 4 : i32
        %get3A_1172 = arith.index_cast %get3A_1171 : i32 to index
        %get3A_1173 = arith.constant 48 : index
        %get3A_1174 = tpu.vector_load %arg10[%get3A_1172, %get3A_1173] {strides = array<i32>} : memref<8x768xf32, #tpu.memory_space<vmem>>, vector<16xf32>,
        %mul3A_1175 = arith.mulf %get3A_1133, %get3A_1174 : vector<16xf32>
        %add3A_1176 = arith.addf %add3A_1102, %mul3A_1175 : vector<16xf32>
        %mul3A_1177 = arith.mulf %get3A_1138, %get3A_1174 : vector<16xf32>
        %add3A_1178 = arith.addf %add3A_1104, %mul3A_1177 : vector<16xf32>
        %get3A_1179 = arith.constant 5 : i32
        %get3A_1180 = arith.index_cast %get3A_1179 : i32 to index
        %get3A_1181 = arith.constant 48 : index
        %get3A_1182 = tpu.vector_load %arg10[%get3A_1180, %get3A_1181] {strides = array<i32>} : memref<8x768xf32, #tpu.memory_space<vmem>>, vector<16xf32>,
        %mul3A_1183 = arith.mulf %get3A_1133, %get3A_1182 : vector<16xf32>
        %add3A_1184 = arith.addf %add3A_1110, %mul3A_1183 : vector<16xf32>
        %mul3A_1185 = arith.mulf %get3A_1138, %get3A_1182 : vector<16xf32>
        %add3A_1186 = arith.addf %add3A_1112, %mul3A_1185 : vector<16xf32>
        %get3A_1187 = arith.constant 6 : i32
        %get3A_1188 = arith.index_cast %get3A_1187 : i32 to index
        %get3A_1189 = arith.constant 48 : index
        %get3A_1190 = tpu.vector_load %arg10[%get3A_1188, %get3A_1189] {strides = array<i32>} : memref<8x768xf32, #tpu.memory_space<vmem>>, vector<16xf32>,
        %mul3A_1191 = arith.mulf %get3A_1133, %get3A_1190 : vector<16xf32>
        %add3A_1192 = arith.addf %add3A_1118, %mul3A_1191 : vector<16xf32>
        %mul3A_1193 = arith.mulf %get3A_1138, %get3A_1190 : vector<16xf32>
        %add3A_1194 = arith.addf %add3A_1120, %mul3A_1193 : vector<16xf32>
        %get3A_1195 = arith.constant 7 : i32
        %get3A_1196 = arith.index_cast %get3A_1195 : i32 to index
        %get3A_1197 = arith.constant 48 : index
        %get3A_1198 = tpu.vector_load %arg10[%get3A_1196, %get3A_1197] {strides = array<i32>} : memref<8x768xf32, #tpu.memory_space<vmem>>, vector<16xf32>,
        %mul3A_1199 = arith.mulf %get3A_1133, %get3A_1198 : vector<16xf32>
        %add3A_1200 = arith.addf %add3A_1126, %mul3A_1199 : vector<16xf32>
        %mul3A_1201 = arith.mulf %get3A_1138, %get3A_1198 : vector<16xf32>
        %add3A_1202 = arith.addf %add3A_1128, %mul3A_1201 : vector<16xf32>
        %add3A_1203 = arith.constant 0 : i32
        %add3A_1204 = arith.addi %add3A_875, %add3A_1203 : i32
        %get3A_1205 = arith.index_cast %add3A_1204 : i32 to index
        %get3A_1206 = arith.constant 64 : index
        %get3A_1207 = tpu.vector_load %arg9[%get3A_1205, %get3A_1206] {strides = array<i32>} : memref<64x768xf32, #tpu.memory_space<vmem>>, vector<16xf32>,
        %add3A_1208 = arith.constant 1 : i32
        %add3A_1209 = arith.addi %add3A_875, %add3A_1208 : i32
        %get3A_1210 = arith.index_cast %add3A_1209 : i32 to index
        %get3A_1211 = arith.constant 64 : index
        %get3A_1212 = tpu.vector_load %arg9[%get3A_1210, %get3A_1211] {strides = array<i32>} : memref<64x768xf32, #tpu.memory_space<vmem>>, vector<16xf32>,
        %get3A_1213 = arith.constant 0 : i32
        %get3A_1214 = arith.index_cast %get3A_1213 : i32 to index
        %get3A_1215 = arith.constant 64 : index
        %get3A_1216 = tpu.vector_load %arg10[%get3A_1214, %get3A_1215] {strides = array<i32>} : memref<8x768xf32, #tpu.memory_space<vmem>>, vector<16xf32>,
        %mul3A_1217 = arith.mulf %get3A_1207, %get3A_1216 : vector<16xf32>
        %add3A_1218 = arith.addf %add3A_1144, %mul3A_1217 : vector<16xf32>
        %mul3A_1219 = arith.mulf %get3A_1212, %get3A_1216 : vector<16xf32>
        %add3A_1220 = arith.addf %add3A_1146, %mul3A_1219 : vector<16xf32>
        %get3A_1221 = arith.constant 1 : i32
        %get3A_1222 = arith.index_cast %get3A_1221 : i32 to index
        %get3A_1223 = arith.constant 64 : index
        %get3A_1224 = tpu.vector_load %arg10[%get3A_1222, %get3A_1223] {strides = array<i32>} : memref<8x768xf32, #tpu.memory_space<vmem>>, vector<16xf32>,
        %mul3A_1225 = arith.mulf %get3A_1207, %get3A_1224 : vector<16xf32>
        %add3A_1226 = arith.addf %add3A_1152, %mul3A_1225 : vector<16xf32>
        %mul3A_1227 = arith.mulf %get3A_1212, %get3A_1224 : vector<16xf32>
        %add3A_1228 = arith.addf %add3A_1154, %mul3A_1227 : vector<16xf32>
        %get3A_1229 = arith.constant 2 : i32
        %get3A_1230 = arith.index_cast %get3A_1229 : i32 to index
        %get3A_1231 = arith.constant 64 : index
        %get3A_1232 = tpu.vector_load %arg10[%get3A_1230, %get3A_1231] {strides = array<i32>} : memref<8x768xf32, #tpu.memory_space<vmem>>, vector<16xf32>,
        %mul3A_1233 = arith.mulf %get3A_1207, %get3A_1232 : vector<16xf32>
        %add3A_1234 = arith.addf %add3A_1160, %mul3A_1233 : vector<16xf32>
        %mul3A_1235 = arith.mulf %get3A_1212, %get3A_1232 : vector<16xf32>
        %add3A_1236 = arith.addf %add3A_1162, %mul3A_1235 : vector<16xf32>
        %get3A_1237 = arith.constant 3 : i32
        %get3A_1238 = arith.index_cast %get3A_1237 : i32 to index
        %get3A_1239 = arith.constant 64 : index
        %get3A_1240 = tpu.vector_load %arg10[%get3A_1238, %get3A_1239] {strides = array<i32>} : memref<8x768xf32, #tpu.memory_space<vmem>>, vector<16xf32>,
        %mul3A_1241 = arith.mulf %get3A_1207, %get3A_1240 : vector<16xf32>
        %add3A_1242 = arith.addf %add3A_1168, %mul3A_1241 : vector<16xf32>
        %mul3A_1243 = arith.mulf %get3A_1212, %get3A_1240 : vector<16xf32>
        %add3A_1244 = arith.addf %add3A_1170, %mul3A_1243 : vector<16xf32>
        %get3A_1245 = arith.constant 4 : i32
        %get3A_1246 = arith.index_cast %get3A_1245 : i32 to index
        %get3A_1247 = arith.constant 64 : index
        %get3A_1248 = tpu.vector_load %arg10[%get3A_1246, %get3A_1247] {strides = array<i32>} : memref<8x768xf32, #tpu.memory_space<vmem>>, vector<16xf32>,
        %mul3A_1249 = arith.mulf %get3A_1207, %get3A_1248 : vector<16xf32>
        %add3A_1250 = arith.addf %add3A_1176, %mul3A_1249 : vector<16xf32>
        %mul3A_1251 = arith.mulf %get3A_1212, %get3A_1248 : vector<16xf32>
        %add3A_1252 = arith.addf %add3A_1178, %mul3A_1251 : vector<16xf32>
        %get3A_1253 = arith.constant 5 : i32
        %get3A_1254 = arith.index_cast %get3A_1253 : i32 to index
        %get3A_1255 = arith.constant 64 : index
        %get3A_1256 = tpu.vector_load %arg10[%get3A_1254, %get3A_1255] {strides = array<i32>} : memref<8x768xf32, #tpu.memory_space<vmem>>, vector<16xf32>,
        %mul3A_1257 = arith.mulf %get3A_1207, %get3A_1256 : vector<16xf32>
        %add3A_1258 = arith.addf %add3A_1184, %mul3A_1257 : vector<16xf32>
        %mul3A_1259 = arith.mulf %get3A_1212, %get3A_1256 : vector<16xf32>
        %add3A_1260 = arith.addf %add3A_1186, %mul3A_1259 : vector<16xf32>
        %get3A_1261 = arith.constant 6 : i32
        %get3A_1262 = arith.index_cast %get3A_1261 : i32 to index
        %get3A_1263 = arith.constant 64 : index
        %get3A_1264 = tpu.vector_load %arg10[%get3A_1262, %get3A_1263] {strides = array<i32>} : memref<8x768xf32, #tpu.memory_space<vmem>>, vector<16xf32>,
        %mul3A_1265 = arith.mulf %get3A_1207, %get3A_1264 : vector<16xf32>
        %add3A_1266 = arith.addf %add3A_1192, %mul3A_1265 : vector<16xf32>
        %mul3A_1267 = arith.mulf %get3A_1212, %get3A_1264 : vector<16xf32>
        %add3A_1268 = arith.addf %add3A_1194, %mul3A_1267 : vector<16xf32>
        %get3A_1269 = arith.constant 7 : i32
        %get3A_1270 = arith.index_cast %get3A_1269 : i32 to index
        %get3A_1271 = arith.constant 64 : index
        %get3A_1272 = tpu.vector_load %arg10[%get3A_1270, %get3A_1271] {strides = array<i32>} : memref<8x768xf32, #tpu.memory_space<vmem>>, vector<16xf32>,
        %mul3A_1273 = arith.mulf %get3A_1207, %get3A_1272 : vector<16xf32>
        %add3A_1274 = arith.addf %add3A_1200, %mul3A_1273 : vector<16xf32>
        %mul3A_1275 = arith.mulf %get3A_1212, %get3A_1272 : vector<16xf32>
        %add3A_1276 = arith.addf %add3A_1202, %mul3A_1275 : vector<16xf32>
        %add3A_1277 = arith.constant 0 : i32
        %add3A_1278 = arith.addi %add3A_875, %add3A_1277 : i32
        %get3A_1279 = arith.index_cast %add3A_1278 : i32 to index
        %get3A_1280 = arith.constant 80 : index
        %get3A_1281 = tpu.vector_load %arg9[%get3A_1279, %get3A_1280] {strides = array<i32>} : memref<64x768xf32, #tpu.memory_space<vmem>>, vector<16xf32>,
        %add3A_1282 = arith.constant 1 : i32
        %add3A_1283 = arith.addi %add3A_875, %add3A_1282 : i32
        %get3A_1284 = arith.index_cast %add3A_1283 : i32 to index
        %get3A_1285 = arith.constant 80 : index
        %get3A_1286 = tpu.vector_load %arg9[%get3A_1284, %get3A_1285] {strides = array<i32>} : memref<64x768xf32, #tpu.memory_space<vmem>>, vector<16xf32>,
        %get3A_1287 = arith.constant 0 : i32
        %get3A_1288 = arith.index_cast %get3A_1287 : i32 to index
        %get3A_1289 = arith.constant 80 : index
        %get3A_1290 = tpu.vector_load %arg10[%get3A_1288, %get3A_1289] {strides = array<i32>} : memref<8x768xf32, #tpu.memory_space<vmem>>, vector<16xf32>,
        %mul3A_1291 = arith.mulf %get3A_1281, %get3A_1290 : vector<16xf32>
        %add3A_1292 = arith.addf %add3A_1218, %mul3A_1291 : vector<16xf32>
        %mul3A_1293 = arith.mulf %get3A_1286, %get3A_1290 : vector<16xf32>
        %add3A_1294 = arith.addf %add3A_1220, %mul3A_1293 : vector<16xf32>
        %get3A_1295 = arith.constant 1 : i32
        %get3A_1296 = arith.index_cast %get3A_1295 : i32 to index
        %get3A_1297 = arith.constant 80 : index
        %get3A_1298 = tpu.vector_load %arg10[%get3A_1296, %get3A_1297] {strides = array<i32>} : memref<8x768xf32, #tpu.memory_space<vmem>>, vector<16xf32>,
        %mul3A_1299 = arith.mulf %get3A_1281, %get3A_1298 : vector<16xf32>
        %add3A_1300 = arith.addf %add3A_1226, %mul3A_1299 : vector<16xf32>
        %mul3A_1301 = arith.mulf %get3A_1286, %get3A_1298 : vector<16xf32>
        %add3A_1302 = arith.addf %add3A_1228, %mul3A_1301 : vector<16xf32>
        %get3A_1303 = arith.constant 2 : i32
        %get3A_1304 = arith.index_cast %get3A_1303 : i32 to index
        %get3A_1305 = arith.constant 80 : index
        %get3A_1306 = tpu.vector_load %arg10[%get3A_1304, %get3A_1305] {strides = array<i32>} : memref<8x768xf32, #tpu.memory_space<vmem>>, vector<16xf32>,
        %mul3A_1307 = arith.mulf %get3A_1281, %get3A_1306 : vector<16xf32>
        %add3A_1308 = arith.addf %add3A_1234, %mul3A_1307 : vector<16xf32>
        %mul3A_1309 = arith.mulf %get3A_1286, %get3A_1306 : vector<16xf32>
        %add3A_1310 = arith.addf %add3A_1236, %mul3A_1309 : vector<16xf32>
        %get3A_1311 = arith.constant 3 : i32
        %get3A_1312 = arith.index_cast %get3A_1311 : i32 to index
        %get3A_1313 = arith.constant 80 : index
        %get3A_1314 = tpu.vector_load %arg10[%get3A_1312, %get3A_1313] {strides = array<i32>} : memref<8x768xf32, #tpu.memory_space<vmem>>, vector<16xf32>,
        %mul3A_1315 = arith.mulf %get3A_1281, %get3A_1314 : vector<16xf32>
        %add3A_1316 = arith.addf %add3A_1242, %mul3A_1315 : vector<16xf32>
        %mul3A_1317 = arith.mulf %get3A_1286, %get3A_1314 : vector<16xf32>
        %add3A_1318 = arith.addf %add3A_1244, %mul3A_1317 : vector<16xf32>
        %get3A_1319 = arith.constant 4 : i32
        %get3A_1320 = arith.index_cast %get3A_1319 : i32 to index
        %get3A_1321 = arith.constant 80 : index
        %get3A_1322 = tpu.vector_load %arg10[%get3A_1320, %get3A_1321] {strides = array<i32>} : memref<8x768xf32, #tpu.memory_space<vmem>>, vector<16xf32>,
        %mul3A_1323 = arith.mulf %get3A_1281, %get3A_1322 : vector<16xf32>
        %add3A_1324 = arith.addf %add3A_1250, %mul3A_1323 : vector<16xf32>
        %mul3A_1325 = arith.mulf %get3A_1286, %get3A_1322 : vector<16xf32>
        %add3A_1326 = arith.addf %add3A_1252, %mul3A_1325 : vector<16xf32>
        %get3A_1327 = arith.constant 5 : i32
        %get3A_1328 = arith.index_cast %get3A_1327 : i32 to index
        %get3A_1329 = arith.constant 80 : index
        %get3A_1330 = tpu.vector_load %arg10[%get3A_1328, %get3A_1329] {strides = array<i32>} : memref<8x768xf32, #tpu.memory_space<vmem>>, vector<16xf32>,
        %mul3A_1331 = arith.mulf %get3A_1281, %get3A_1330 : vector<16xf32>
        %add3A_1332 = arith.addf %add3A_1258, %mul3A_1331 : vector<16xf32>
        %mul3A_1333 = arith.mulf %get3A_1286, %get3A_1330 : vector<16xf32>
        %add3A_1334 = arith.addf %add3A_1260, %mul3A_1333 : vector<16xf32>
        %get3A_1335 = arith.constant 6 : i32
        %get3A_1336 = arith.index_cast %get3A_1335 : i32 to index
        %get3A_1337 = arith.constant 80 : index
        %get3A_1338 = tpu.vector_load %arg10[%get3A_1336, %get3A_1337] {strides = array<i32>} : memref<8x768xf32, #tpu.memory_space<vmem>>, vector<16xf32>,
        %mul3A_1339 = arith.mulf %get3A_1281, %get3A_1338 : vector<16xf32>
        %add3A_1340 = arith.addf %add3A_1266, %mul3A_1339 : vector<16xf32>
        %mul3A_1341 = arith.mulf %get3A_1286, %get3A_1338 : vector<16xf32>
        %add3A_1342 = arith.addf %add3A_1268, %mul3A_1341 : vector<16xf32>
        %get3A_1343 = arith.constant 7 : i32
        %get3A_1344 = arith.index_cast %get3A_1343 : i32 to index
        %get3A_1345 = arith.constant 80 : index
        %get3A_1346 = tpu.vector_load %arg10[%get3A_1344, %get3A_1345] {strides = array<i32>} : memref<8x768xf32, #tpu.memory_space<vmem>>, vector<16xf32>,
        %mul3A_1347 = arith.mulf %get3A_1281, %get3A_1346 : vector<16xf32>
        %add3A_1348 = arith.addf %add3A_1274, %mul3A_1347 : vector<16xf32>
        %mul3A_1349 = arith.mulf %get3A_1286, %get3A_1346 : vector<16xf32>
        %add3A_1350 = arith.addf %add3A_1276, %mul3A_1349 : vector<16xf32>
        %add3A_1351 = arith.constant 0 : i32
        %add3A_1352 = arith.addi %add3A_875, %add3A_1351 : i32
        %get3A_1353 = arith.index_cast %add3A_1352 : i32 to index
        %get3A_1354 = arith.constant 96 : index
        %get3A_1355 = tpu.vector_load %arg9[%get3A_1353, %get3A_1354] {strides = array<i32>} : memref<64x768xf32, #tpu.memory_space<vmem>>, vector<16xf32>,
        %add3A_1356 = arith.constant 1 : i32
        %add3A_1357 = arith.addi %add3A_875, %add3A_1356 : i32
        %get3A_1358 = arith.index_cast %add3A_1357 : i32 to index
        %get3A_1359 = arith.constant 96 : index
        %get3A_1360 = tpu.vector_load %arg9[%get3A_1358, %get3A_1359] {strides = array<i32>} : memref<64x768xf32, #tpu.memory_space<vmem>>, vector<16xf32>,
        %get3A_1361 = arith.constant 0 : i32
        %get3A_1362 = arith.index_cast %get3A_1361 : i32 to index
        %get3A_1363 = arith.constant 96 : index
        %get3A_1364 = tpu.vector_load %arg10[%get3A_1362, %get3A_1363] {strides = array<i32>} : memref<8x768xf32, #tpu.memory_space<vmem>>, vector<16xf32>,
        %mul3A_1365 = arith.mulf %get3A_1355, %get3A_1364 : vector<16xf32>
        %add3A_1366 = arith.addf %add3A_1292, %mul3A_1365 : vector<16xf32>
        %mul3A_1367 = arith.mulf %get3A_1360, %get3A_1364 : vector<16xf32>
        %add3A_1368 = arith.addf %add3A_1294, %mul3A_1367 : vector<16xf32>
        %get3A_1369 = arith.constant 1 : i32
        %get3A_1370 = arith.index_cast %get3A_1369 : i32 to index
        %get3A_1371 = arith.constant 96 : index
        %get3A_1372 = tpu.vector_load %arg10[%get3A_1370, %get3A_1371] {strides = array<i32>} : memref<8x768xf32, #tpu.memory_space<vmem>>, vector<16xf32>,
        %mul3A_1373 = arith.mulf %get3A_1355, %get3A_1372 : vector<16xf32>
        %add3A_1374 = arith.addf %add3A_1300, %mul3A_1373 : vector<16xf32>
        %mul3A_1375 = arith.mulf %get3A_1360, %get3A_1372 : vector<16xf32>
        %add3A_1376 = arith.addf %add3A_1302, %mul3A_1375 : vector<16xf32>
        %get3A_1377 = arith.constant 2 : i32
        %get3A_1378 = arith.index_cast %get3A_1377 : i32 to index
        %get3A_1379 = arith.constant 96 : index
        %get3A_1380 = tpu.vector_load %arg10[%get3A_1378, %get3A_1379] {strides = array<i32>} : memref<8x768xf32, #tpu.memory_space<vmem>>, vector<16xf32>,
        %mul3A_1381 = arith.mulf %get3A_1355, %get3A_1380 : vector<16xf32>
        %add3A_1382 = arith.addf %add3A_1308, %mul3A_1381 : vector<16xf32>
        %mul3A_1383 = arith.mulf %get3A_1360, %get3A_1380 : vector<16xf32>
        %add3A_1384 = arith.addf %add3A_1310, %mul3A_1383 : vector<16xf32>
        %get3A_1385 = arith.constant 3 : i32
        %get3A_1386 = arith.index_cast %get3A_1385 : i32 to index
        %get3A_1387 = arith.constant 96 : index
        %get3A_1388 = tpu.vector_load %arg10[%get3A_1386, %get3A_1387] {strides = array<i32>} : memref<8x768xf32, #tpu.memory_space<vmem>>, vector<16xf32>,
        %mul3A_1389 = arith.mulf %get3A_1355, %get3A_1388 : vector<16xf32>
        %add3A_1390 = arith.addf %add3A_1316, %mul3A_1389 : vector<16xf32>
        %mul3A_1391 = arith.mulf %get3A_1360, %get3A_1388 : vector<16xf32>
        %add3A_1392 = arith.addf %add3A_1318, %mul3A_1391 : vector<16xf32>
        %get3A_1393 = arith.constant 4 : i32
        %get3A_1394 = arith.index_cast %get3A_1393 : i32 to index
        %get3A_1395 = arith.constant 96 : index
        %get3A_1396 = tpu.vector_load %arg10[%get3A_1394, %get3A_1395] {strides = array<i32>} : memref<8x768xf32, #tpu.memory_space<vmem>>, vector<16xf32>,
        %mul3A_1397 = arith.mulf %get3A_1355, %get3A_1396 : vector<16xf32>
        %add3A_1398 = arith.addf %add3A_1324, %mul3A_1397 : vector<16xf32>
        %mul3A_1399 = arith.mulf %get3A_1360, %get3A_1396 : vector<16xf32>
        %add3A_1400 = arith.addf %add3A_1326, %mul3A_1399 : vector<16xf32>
        %get3A_1401 = arith.constant 5 : i32
        %get3A_1402 = arith.index_cast %get3A_1401 : i32 to index
        %get3A_1403 = arith.constant 96 : index
        %get3A_1404 = tpu.vector_load %arg10[%get3A_1402, %get3A_1403] {strides = array<i32>} : memref<8x768xf32, #tpu.memory_space<vmem>>, vector<16xf32>,
        %mul3A_1405 = arith.mulf %get3A_1355, %get3A_1404 : vector<16xf32>
        %add3A_1406 = arith.addf %add3A_1332, %mul3A_1405 : vector<16xf32>
        %mul3A_1407 = arith.mulf %get3A_1360, %get3A_1404 : vector<16xf32>
        %add3A_1408 = arith.addf %add3A_1334, %mul3A_1407 : vector<16xf32>
        %get3A_1409 = arith.constant 6 : i32
        %get3A_1410 = arith.index_cast %get3A_1409 : i32 to index
        %get3A_1411 = arith.constant 96 : index
        %get3A_1412 = tpu.vector_load %arg10[%get3A_1410, %get3A_1411] {strides = array<i32>} : memref<8x768xf32, #tpu.memory_space<vmem>>, vector<16xf32>,
        %mul3A_1413 = arith.mulf %get3A_1355, %get3A_1412 : vector<16xf32>
        %add3A_1414 = arith.addf %add3A_1340, %mul3A_1413 : vector<16xf32>
        %mul3A_1415 = arith.mulf %get3A_1360, %get3A_1412 : vector<16xf32>
        %add3A_1416 = arith.addf %add3A_1342, %mul3A_1415 : vector<16xf32>
        %get3A_1417 = arith.constant 7 : i32
        %get3A_1418 = arith.index_cast %get3A_1417 : i32 to index
        %get3A_1419 = arith.constant 96 : index
        %get3A_1420 = tpu.vector_load %arg10[%get3A_1418, %get3A_1419] {strides = array<i32>} : memref<8x768xf32, #tpu.memory_space<vmem>>, vector<16xf32>,
        %mul3A_1421 = arith.mulf %get3A_1355, %get3A_1420 : vector<16xf32>
        %add3A_1422 = arith.addf %add3A_1348, %mul3A_1421 : vector<16xf32>
        %mul3A_1423 = arith.mulf %get3A_1360, %get3A_1420 : vector<16xf32>
        %add3A_1424 = arith.addf %add3A_1350, %mul3A_1423 : vector<16xf32>
        %add3A_1425 = arith.constant 0 : i32
        %add3A_1426 = arith.addi %add3A_875, %add3A_1425 : i32
        %get3A_1427 = arith.index_cast %add3A_1426 : i32 to index
        %get3A_1428 = arith.constant 112 : index
        %get3A_1429 = tpu.vector_load %arg9[%get3A_1427, %get3A_1428] {strides = array<i32>} : memref<64x768xf32, #tpu.memory_space<vmem>>, vector<16xf32>,
        %add3A_1430 = arith.constant 1 : i32
        %add3A_1431 = arith.addi %add3A_875, %add3A_1430 : i32
        %get3A_1432 = arith.index_cast %add3A_1431 : i32 to index
        %get3A_1433 = arith.constant 112 : index
        %get3A_1434 = tpu.vector_load %arg9[%get3A_1432, %get3A_1433] {strides = array<i32>} : memref<64x768xf32, #tpu.memory_space<vmem>>, vector<16xf32>,
        %get3A_1435 = arith.constant 0 : i32
        %get3A_1436 = arith.index_cast %get3A_1435 : i32 to index
        %get3A_1437 = arith.constant 112 : index
        %get3A_1438 = tpu.vector_load %arg10[%get3A_1436, %get3A_1437] {strides = array<i32>} : memref<8x768xf32, #tpu.memory_space<vmem>>, vector<16xf32>,
        %mul3A_1439 = arith.mulf %get3A_1429, %get3A_1438 : vector<16xf32>
        %add3A_1440 = arith.addf %add3A_1366, %mul3A_1439 : vector<16xf32>
        %mul3A_1441 = arith.mulf %get3A_1434, %get3A_1438 : vector<16xf32>
        %add3A_1442 = arith.addf %add3A_1368, %mul3A_1441 : vector<16xf32>
        %get3A_1443 = arith.constant 1 : i32
        %get3A_1444 = arith.index_cast %get3A_1443 : i32 to index
        %get3A_1445 = arith.constant 112 : index
        %get3A_1446 = tpu.vector_load %arg10[%get3A_1444, %get3A_1445] {strides = array<i32>} : memref<8x768xf32, #tpu.memory_space<vmem>>, vector<16xf32>,
        %mul3A_1447 = arith.mulf %get3A_1429, %get3A_1446 : vector<16xf32>
        %add3A_1448 = arith.addf %add3A_1374, %mul3A_1447 : vector<16xf32>
        %mul3A_1449 = arith.mulf %get3A_1434, %get3A_1446 : vector<16xf32>
        %add3A_1450 = arith.addf %add3A_1376, %mul3A_1449 : vector<16xf32>
        %get3A_1451 = arith.constant 2 : i32
        %get3A_1452 = arith.index_cast %get3A_1451 : i32 to index
        %get3A_1453 = arith.constant 112 : index
        %get3A_1454 = tpu.vector_load %arg10[%get3A_1452, %get3A_1453] {strides = array<i32>} : memref<8x768xf32, #tpu.memory_space<vmem>>, vector<16xf32>,
        %mul3A_1455 = arith.mulf %get3A_1429, %get3A_1454 : vector<16xf32>
        %add3A_1456 = arith.addf %add3A_1382, %mul3A_1455 : vector<16xf32>
        %mul3A_1457 = arith.mulf %get3A_1434, %get3A_1454 : vector<16xf32>
        %add3A_1458 = arith.addf %add3A_1384, %mul3A_1457 : vector<16xf32>
        %get3A_1459 = arith.constant 3 : i32
        %get3A_1460 = arith.index_cast %get3A_1459 : i32 to index
        %get3A_1461 = arith.constant 112 : index
        %get3A_1462 = tpu.vector_load %arg10[%get3A_1460, %get3A_1461] {strides = array<i32>} : memref<8x768xf32, #tpu.memory_space<vmem>>, vector<16xf32>,
        %mul3A_1463 = arith.mulf %get3A_1429, %get3A_1462 : vector<16xf32>
        %add3A_1464 = arith.addf %add3A_1390, %mul3A_1463 : vector<16xf32>
        %mul3A_1465 = arith.mulf %get3A_1434, %get3A_1462 : vector<16xf32>
        %add3A_1466 = arith.addf %add3A_1392, %mul3A_1465 : vector<16xf32>
        %get3A_1467 = arith.constant 4 : i32
        %get3A_1468 = arith.index_cast %get3A_1467 : i32 to index
        %get3A_1469 = arith.constant 112 : index
        %get3A_1470 = tpu.vector_load %arg10[%get3A_1468, %get3A_1469] {strides = array<i32>} : memref<8x768xf32, #tpu.memory_space<vmem>>, vector<16xf32>,
        %mul3A_1471 = arith.mulf %get3A_1429, %get3A_1470 : vector<16xf32>
        %add3A_1472 = arith.addf %add3A_1398, %mul3A_1471 : vector<16xf32>
        %mul3A_1473 = arith.mulf %get3A_1434, %get3A_1470 : vector<16xf32>
        %add3A_1474 = arith.addf %add3A_1400, %mul3A_1473 : vector<16xf32>
        %get3A_1475 = arith.constant 5 : i32
        %get3A_1476 = arith.index_cast %get3A_1475 : i32 to index
        %get3A_1477 = arith.constant 112 : index
        %get3A_1478 = tpu.vector_load %arg10[%get3A_1476, %get3A_1477] {strides = array<i32>} : memref<8x768xf32, #tpu.memory_space<vmem>>, vector<16xf32>,
        %mul3A_1479 = arith.mulf %get3A_1429, %get3A_1478 : vector<16xf32>
        %add3A_1480 = arith.addf %add3A_1406, %mul3A_1479 : vector<16xf32>
        %mul3A_1481 = arith.mulf %get3A_1434, %get3A_1478 : vector<16xf32>
        %add3A_1482 = arith.addf %add3A_1408, %mul3A_1481 : vector<16xf32>
        %get3A_1483 = arith.constant 6 : i32
        %get3A_1484 = arith.index_cast %get3A_1483 : i32 to index
        %get3A_1485 = arith.constant 112 : index
        %get3A_1486 = tpu.vector_load %arg10[%get3A_1484, %get3A_1485] {strides = array<i32>} : memref<8x768xf32, #tpu.memory_space<vmem>>, vector<16xf32>,
        %mul3A_1487 = arith.mulf %get3A_1429, %get3A_1486 : vector<16xf32>
        %add3A_1488 = arith.addf %add3A_1414, %mul3A_1487 : vector<16xf32>
        %mul3A_1489 = arith.mulf %get3A_1434, %get3A_1486 : vector<16xf32>
        %add3A_1490 = arith.addf %add3A_1416, %mul3A_1489 : vector<16xf32>
        %get3A_1491 = arith.constant 7 : i32
        %get3A_1492 = arith.index_cast %get3A_1491 : i32 to index
        %get3A_1493 = arith.constant 112 : index
        %get3A_1494 = tpu.vector_load %arg10[%get3A_1492, %get3A_1493] {strides = array<i32>} : memref<8x768xf32, #tpu.memory_space<vmem>>, vector<16xf32>,
        %mul3A_1495 = arith.mulf %get3A_1429, %get3A_1494 : vector<16xf32>
        %add3A_1496 = arith.addf %add3A_1422, %mul3A_1495 : vector<16xf32>
        %mul3A_1497 = arith.mulf %get3A_1434, %get3A_1494 : vector<16xf32>
        %add3A_1498 = arith.addf %add3A_1424, %mul3A_1497 : vector<16xf32>
        %add3A_1499 = arith.constant 0 : i32
        %add3A_1500 = arith.addi %add3A_875, %add3A_1499 : i32
        %get3A_1501 = arith.index_cast %add3A_1500 : i32 to index
        %get3A_1502 = arith.constant 128 : index
        %get3A_1503 = tpu.vector_load %arg9[%get3A_1501, %get3A_1502] {strides = array<i32>} : memref<64x768xf32, #tpu.memory_space<vmem>>, vector<16xf32>,
        %add3A_1504 = arith.constant 1 : i32
        %add3A_1505 = arith.addi %add3A_875, %add3A_1504 : i32
        %get3A_1506 = arith.index_cast %add3A_1505 : i32 to index
        %get3A_1507 = arith.constant 128 : index
        %get3A_1508 = tpu.vector_load %arg9[%get3A_1506, %get3A_1507] {strides = array<i32>} : memref<64x768xf32, #tpu.memory_space<vmem>>, vector<16xf32>,
        %get3A_1509 = arith.constant 0 : i32
        %get3A_1510 = arith.index_cast %get3A_1509 : i32 to index
        %get3A_1511 = arith.constant 128 : index
        %get3A_1512 = tpu.vector_load %arg10[%get3A_1510, %get3A_1511] {strides = array<i32>} : memref<8x768xf32, #tpu.memory_space<vmem>>, vector<16xf32>,
        %mul3A_1513 = arith.mulf %get3A_1503, %get3A_1512 : vector<16xf32>
        %add3A_1514 = arith.addf %add3A_1440, %mul3A_1513 : vector<16xf32>
        %mul3A_1515 = arith.mulf %get3A_1508, %get3A_1512 : vector<16xf32>
        %add3A_1516 = arith.addf %add3A_1442, %mul3A_1515 : vector<16xf32>
        %get3A_1517 = arith.constant 1 : i32
        %get3A_1518 = arith.index_cast %get3A_1517 : i32 to index
        %get3A_1519 = arith.constant 128 : index
        %get3A_1520 = tpu.vector_load %arg10[%get3A_1518, %get3A_1519] {strides = array<i32>} : memref<8x768xf32, #tpu.memory_space<vmem>>, vector<16xf32>,
        %mul3A_1521 = arith.mulf %get3A_1503, %get3A_1520 : vector<16xf32>
        %add3A_1522 = arith.addf %add3A_1448, %mul3A_1521 : vector<16xf32>
        %mul3A_1523 = arith.mulf %get3A_1508, %get3A_1520 : vector<16xf32>
        %add3A_1524 = arith.addf %add3A_1450, %mul3A_1523 : vector<16xf32>
        %get3A_1525 = arith.constant 2 : i32
        %get3A_1526 = arith.index_cast %get3A_1525 : i32 to index
        %get3A_1527 = arith.constant 128 : index
        %get3A_1528 = tpu.vector_load %arg10[%get3A_1526, %get3A_1527] {strides = array<i32>} : memref<8x768xf32, #tpu.memory_space<vmem>>, vector<16xf32>,
        %mul3A_1529 = arith.mulf %get3A_1503, %get3A_1528 : vector<16xf32>
        %add3A_1530 = arith.addf %add3A_1456, %mul3A_1529 : vector<16xf32>
        %mul3A_1531 = arith.mulf %get3A_1508, %get3A_1528 : vector<16xf32>
        %add3A_1532 = arith.addf %add3A_1458, %mul3A_1531 : vector<16xf32>
        %get3A_1533 = arith.constant 3 : i32
        %get3A_1534 = arith.index_cast %get3A_1533 : i32 to index
        %get3A_1535 = arith.constant 128 : index
        %get3A_1536 = tpu.vector_load %arg10[%get3A_1534, %get3A_1535] {strides = array<i32>} : memref<8x768xf32, #tpu.memory_space<vmem>>, vector<16xf32>,
        %mul3A_1537 = arith.mulf %get3A_1503, %get3A_1536 : vector<16xf32>
        %add3A_1538 = arith.addf %add3A_1464, %mul3A_1537 : vector<16xf32>
        %mul3A_1539 = arith.mulf %get3A_1508, %get3A_1536 : vector<16xf32>
        %add3A_1540 = arith.addf %add3A_1466, %mul3A_1539 : vector<16xf32>
        %get3A_1541 = arith.constant 4 : i32
        %get3A_1542 = arith.index_cast %get3A_1541 : i32 to index
        %get3A_1543 = arith.constant 128 : index
        %get3A_1544 = tpu.vector_load %arg10[%get3A_1542, %get3A_1543] {strides = array<i32>} : memref<8x768xf32, #tpu.memory_space<vmem>>, vector<16xf32>,
        %mul3A_1545 = arith.mulf %get3A_1503, %get3A_1544 : vector<16xf32>
        %add3A_1546 = arith.addf %add3A_1472, %mul3A_1545 : vector<16xf32>
        %mul3A_1547 = arith.mulf %get3A_1508, %get3A_1544 : vector<16xf32>
        %add3A_1548 = arith.addf %add3A_1474, %mul3A_1547 : vector<16xf32>
        %get3A_1549 = arith.constant 5 : i32
        %get3A_1550 = arith.index_cast %get3A_1549 : i32 to index
        %get3A_1551 = arith.constant 128 : index
        %get3A_1552 = tpu.vector_load %arg10[%get3A_1550, %get3A_1551] {strides = array<i32>} : memref<8x768xf32, #tpu.memory_space<vmem>>, vector<16xf32>,
        %mul3A_1553 = arith.mulf %get3A_1503, %get3A_1552 : vector<16xf32>
        %add3A_1554 = arith.addf %add3A_1480, %mul3A_1553 : vector<16xf32>
        %mul3A_1555 = arith.mulf %get3A_1508, %get3A_1552 : vector<16xf32>
        %add3A_1556 = arith.addf %add3A_1482, %mul3A_1555 : vector<16xf32>
        %get3A_1557 = arith.constant 6 : i32
        %get3A_1558 = arith.index_cast %get3A_1557 : i32 to index
        %get3A_1559 = arith.constant 128 : index
        %get3A_1560 = tpu.vector_load %arg10[%get3A_1558, %get3A_1559] {strides = array<i32>} : memref<8x768xf32, #tpu.memory_space<vmem>>, vector<16xf32>,
        %mul3A_1561 = arith.mulf %get3A_1503, %get3A_1560 : vector<16xf32>
        %add3A_1562 = arith.addf %add3A_1488, %mul3A_1561 : vector<16xf32>
        %mul3A_1563 = arith.mulf %get3A_1508, %get3A_1560 : vector<16xf32>
        %add3A_1564 = arith.addf %add3A_1490, %mul3A_1563 : vector<16xf32>
        %get3A_1565 = arith.constant 7 : i32
        %get3A_1566 = arith.index_cast %get3A_1565 : i32 to index
        %get3A_1567 = arith.constant 128 : index
        %get3A_1568 = tpu.vector_load %arg10[%get3A_1566, %get3A_1567] {strides = array<i32>} : memref<8x768xf32, #tpu.memory_space<vmem>>, vector<16xf32>,
        %mul3A_1569 = arith.mulf %get3A_1503, %get3A_1568 : vector<16xf32>
        %add3A_1570 = arith.addf %add3A_1496, %mul3A_1569 : vector<16xf32>
        %mul3A_1571 = arith.mulf %get3A_1508, %get3A_1568 : vector<16xf32>
        %add3A_1572 = arith.addf %add3A_1498, %mul3A_1571 : vector<16xf32>
        %add3A_1573 = arith.constant 0 : i32
        %add3A_1574 = arith.addi %add3A_875, %add3A_1573 : i32
        %get3A_1575 = arith.index_cast %add3A_1574 : i32 to index
        %get3A_1576 = arith.constant 144 : index
        %get3A_1577 = tpu.vector_load %arg9[%get3A_1575, %get3A_1576] {strides = array<i32>} : memref<64x768xf32, #tpu.memory_space<vmem>>, vector<16xf32>,
        %add3A_1578 = arith.constant 1 : i32
        %add3A_1579 = arith.addi %add3A_875, %add3A_1578 : i32
        %get3A_1580 = arith.index_cast %add3A_1579 : i32 to index
        %get3A_1581 = arith.constant 144 : index
        %get3A_1582 = tpu.vector_load %arg9[%get3A_1580, %get3A_1581] {strides = array<i32>} : memref<64x768xf32, #tpu.memory_space<vmem>>, vector<16xf32>,
        %get3A_1583 = arith.constant 0 : i32
        %get3A_1584 = arith.index_cast %get3A_1583 : i32 to index
        %get3A_1585 = arith.constant 144 : index
        %get3A_1586 = tpu.vector_load %arg10[%get3A_1584, %get3A_1585] {strides = array<i32>} : memref<8x768xf32, #tpu.memory_space<vmem>>, vector<16xf32>,
        %mul3A_1587 = arith.mulf %get3A_1577, %get3A_1586 : vector<16xf32>
        %add3A_1588 = arith.addf %add3A_1514, %mul3A_1587 : vector<16xf32>
        %mul3A_1589 = arith.mulf %get3A_1582, %get3A_1586 : vector<16xf32>
        %add3A_1590 = arith.addf %add3A_1516, %mul3A_1589 : vector<16xf32>
        %get3A_1591 = arith.constant 1 : i32
        %get3A_1592 = arith.index_cast %get3A_1591 : i32 to index
        %get3A_1593 = arith.constant 144 : index
        %get3A_1594 = tpu.vector_load %arg10[%get3A_1592, %get3A_1593] {strides = array<i32>} : memref<8x768xf32, #tpu.memory_space<vmem>>, vector<16xf32>,
        %mul3A_1595 = arith.mulf %get3A_1577, %get3A_1594 : vector<16xf32>
        %add3A_1596 = arith.addf %add3A_1522, %mul3A_1595 : vector<16xf32>
        %mul3A_1597 = arith.mulf %get3A_1582, %get3A_1594 : vector<16xf32>
        %add3A_1598 = arith.addf %add3A_1524, %mul3A_1597 : vector<16xf32>
        %get3A_1599 = arith.constant 2 : i32
        %get3A_1600 = arith.index_cast %get3A_1599 : i32 to index
        %get3A_1601 = arith.constant 144 : index
        %get3A_1602 = tpu.vector_load %arg10[%get3A_1600, %get3A_1601] {strides = array<i32>} : memref<8x768xf32, #tpu.memory_space<vmem>>, vector<16xf32>,
        %mul3A_1603 = arith.mulf %get3A_1577, %get3A_1602 : vector<16xf32>
        %add3A_1604 = arith.addf %add3A_1530, %mul3A_1603 : vector<16xf32>
        %mul3A_1605 = arith.mulf %get3A_1582, %get3A_1602 : vector<16xf32>
        %add3A_1606 = arith.addf %add3A_1532, %mul3A_1605 : vector<16xf32>
        %get3A_1607 = arith.constant 3 : i32
        %get3A_1608 = arith.index_cast %get3A_1607 : i32 to index
        %get3A_1609 = arith.constant 144 : index
        %get3A_1610 = tpu.vector_load %arg10[%get3A_1608, %get3A_1609] {strides = array<i32>} : memref<8x768xf32, #tpu.memory_space<vmem>>, vector<16xf32>,
        %mul3A_1611 = arith.mulf %get3A_1577, %get3A_1610 : vector<16xf32>
        %add3A_1612 = arith.addf %add3A_1538, %mul3A_1611 : vector<16xf32>
        %mul3A_1613 = arith.mulf %get3A_1582, %get3A_1610 : vector<16xf32>
        %add3A_1614 = arith.addf %add3A_1540, %mul3A_1613 : vector<16xf32>
        %get3A_1615 = arith.constant 4 : i32
        %get3A_1616 = arith.index_cast %get3A_1615 : i32 to index
        %get3A_1617 = arith.constant 144 : index
        %get3A_1618 = tpu.vector_load %arg10[%get3A_1616, %get3A_1617] {strides = array<i32>} : memref<8x768xf32, #tpu.memory_space<vmem>>, vector<16xf32>,
        %mul3A_1619 = arith.mulf %get3A_1577, %get3A_1618 : vector<16xf32>
        %add3A_1620 = arith.addf %add3A_1546, %mul3A_1619 : vector<16xf32>
        %mul3A_1621 = arith.mulf %get3A_1582, %get3A_1618 : vector<16xf32>
        %add3A_1622 = arith.addf %add3A_1548, %mul3A_1621 : vector<16xf32>
        %get3A_1623 = arith.constant 5 : i32
        %get3A_1624 = arith.index_cast %get3A_1623 : i32 to index
        %get3A_1625 = arith.constant 144 : index
        %get3A_1626 = tpu.vector_load %arg10[%get3A_1624, %get3A_1625] {strides = array<i32>} : memref<8x768xf32, #tpu.memory_space<vmem>>, vector<16xf32>,
        %mul3A_1627 = arith.mulf %get3A_1577, %get3A_1626 : vector<16xf32>
        %add3A_1628 = arith.addf %add3A_1554, %mul3A_1627 : vector<16xf32>
        %mul3A_1629 = arith.mulf %get3A_1582, %get3A_1626 : vector<16xf32>
        %add3A_1630 = arith.addf %add3A_1556, %mul3A_1629 : vector<16xf32>
        %get3A_1631 = arith.constant 6 : i32
        %get3A_1632 = arith.index_cast %get3A_1631 : i32 to index
        %get3A_1633 = arith.constant 144 : index
        %get3A_1634 = tpu.vector_load %arg10[%get3A_1632, %get3A_1633] {strides = array<i32>} : memref<8x768xf32, #tpu.memory_space<vmem>>, vector<16xf32>,
        %mul3A_1635 = arith.mulf %get3A_1577, %get3A_1634 : vector<16xf32>
        %add3A_1636 = arith.addf %add3A_1562, %mul3A_1635 : vector<16xf32>
        %mul3A_1637 = arith.mulf %get3A_1582, %get3A_1634 : vector<16xf32>
        %add3A_1638 = arith.addf %add3A_1564, %mul3A_1637 : vector<16xf32>
        %get3A_1639 = arith.constant 7 : i32
        %get3A_1640 = arith.index_cast %get3A_1639 : i32 to index
        %get3A_1641 = arith.constant 144 : index
        %get3A_1642 = tpu.vector_load %arg10[%get3A_1640, %get3A_1641] {strides = array<i32>} : memref<8x768xf32, #tpu.memory_space<vmem>>, vector<16xf32>,
        %mul3A_1643 = arith.mulf %get3A_1577, %get3A_1642 : vector<16xf32>
        %add3A_1644 = arith.addf %add3A_1570, %mul3A_1643 : vector<16xf32>
        %mul3A_1645 = arith.mulf %get3A_1582, %get3A_1642 : vector<16xf32>
        %add3A_1646 = arith.addf %add3A_1572, %mul3A_1645 : vector<16xf32>
        %add3A_1647 = arith.constant 0 : i32
        %add3A_1648 = arith.addi %add3A_875, %add3A_1647 : i32
        %get3A_1649 = arith.index_cast %add3A_1648 : i32 to index
        %get3A_1650 = arith.constant 160 : index
        %get3A_1651 = tpu.vector_load %arg9[%get3A_1649, %get3A_1650] {strides = array<i32>} : memref<64x768xf32, #tpu.memory_space<vmem>>, vector<16xf32>,
        %add3A_1652 = arith.constant 1 : i32
        %add3A_1653 = arith.addi %add3A_875, %add3A_1652 : i32
        %get3A_1654 = arith.index_cast %add3A_1653 : i32 to index
        %get3A_1655 = arith.constant 160 : index
        %get3A_1656 = tpu.vector_load %arg9[%get3A_1654, %get3A_1655] {strides = array<i32>} : memref<64x768xf32, #tpu.memory_space<vmem>>, vector<16xf32>,
        %get3A_1657 = arith.constant 0 : i32
        %get3A_1658 = arith.index_cast %get3A_1657 : i32 to index
        %get3A_1659 = arith.constant 160 : index
        %get3A_1660 = tpu.vector_load %arg10[%get3A_1658, %get3A_1659] {strides = array<i32>} : memref<8x768xf32, #tpu.memory_space<vmem>>, vector<16xf32>,
        %mul3A_1661 = arith.mulf %get3A_1651, %get3A_1660 : vector<16xf32>
        %add3A_1662 = arith.addf %add3A_1588, %mul3A_1661 : vector<16xf32>
        %mul3A_1663 = arith.mulf %get3A_1656, %get3A_1660 : vector<16xf32>
        %add3A_1664 = arith.addf %add3A_1590, %mul3A_1663 : vector<16xf32>
        %get3A_1665 = arith.constant 1 : i32
        %get3A_1666 = arith.index_cast %get3A_1665 : i32 to index
        %get3A_1667 = arith.constant 160 : index
        %get3A_1668 = tpu.vector_load %arg10[%get3A_1666, %get3A_1667] {strides = array<i32>} : memref<8x768xf32, #tpu.memory_space<vmem>>, vector<16xf32>,
        %mul3A_1669 = arith.mulf %get3A_1651, %get3A_1668 : vector<16xf32>
        %add3A_1670 = arith.addf %add3A_1596, %mul3A_1669 : vector<16xf32>
        %mul3A_1671 = arith.mulf %get3A_1656, %get3A_1668 : vector<16xf32>
        %add3A_1672 = arith.addf %add3A_1598, %mul3A_1671 : vector<16xf32>
        %get3A_1673 = arith.constant 2 : i32
        %get3A_1674 = arith.index_cast %get3A_1673 : i32 to index
        %get3A_1675 = arith.constant 160 : index
        %get3A_1676 = tpu.vector_load %arg10[%get3A_1674, %get3A_1675] {strides = array<i32>} : memref<8x768xf32, #tpu.memory_space<vmem>>, vector<16xf32>,
        %mul3A_1677 = arith.mulf %get3A_1651, %get3A_1676 : vector<16xf32>
        %add3A_1678 = arith.addf %add3A_1604, %mul3A_1677 : vector<16xf32>
        %mul3A_1679 = arith.mulf %get3A_1656, %get3A_1676 : vector<16xf32>
        %add3A_1680 = arith.addf %add3A_1606, %mul3A_1679 : vector<16xf32>
        %get3A_1681 = arith.constant 3 : i32
        %get3A_1682 = arith.index_cast %get3A_1681 : i32 to index
        %get3A_1683 = arith.constant 160 : index
        %get3A_1684 = tpu.vector_load %arg10[%get3A_1682, %get3A_1683] {strides = array<i32>} : memref<8x768xf32, #tpu.memory_space<vmem>>, vector<16xf32>,
        %mul3A_1685 = arith.mulf %get3A_1651, %get3A_1684 : vector<16xf32>
        %add3A_1686 = arith.addf %add3A_1612, %mul3A_1685 : vector<16xf32>
        %mul3A_1687 = arith.mulf %get3A_1656, %get3A_1684 : vector<16xf32>
        %add3A_1688 = arith.addf %add3A_1614, %mul3A_1687 : vector<16xf32>
        %get3A_1689 = arith.constant 4 : i32
        %get3A_1690 = arith.index_cast %get3A_1689 : i32 to index
        %get3A_1691 = arith.constant 160 : index
        %get3A_1692 = tpu.vector_load %arg10[%get3A_1690, %get3A_1691] {strides = array<i32>} : memref<8x768xf32, #tpu.memory_space<vmem>>, vector<16xf32>,
        %mul3A_1693 = arith.mulf %get3A_1651, %get3A_1692 : vector<16xf32>
        %add3A_1694 = arith.addf %add3A_1620, %mul3A_1693 : vector<16xf32>
        %mul3A_1695 = arith.mulf %get3A_1656, %get3A_1692 : vector<16xf32>
        %add3A_1696 = arith.addf %add3A_1622, %mul3A_1695 : vector<16xf32>
        %get3A_1697 = arith.constant 5 : i32
        %get3A_1698 = arith.index_cast %get3A_1697 : i32 to index
        %get3A_1699 = arith.constant 160 : index
        %get3A_1700 = tpu.vector_load %arg10[%get3A_1698, %get3A_1699] {strides = array<i32>} : memref<8x768xf32, #tpu.memory_space<vmem>>, vector<16xf32>,
        %mul3A_1701 = arith.mulf %get3A_1651, %get3A_1700 : vector<16xf32>
        %add3A_1702 = arith.addf %add3A_1628, %mul3A_1701 : vector<16xf32>
        %mul3A_1703 = arith.mulf %get3A_1656, %get3A_1700 : vector<16xf32>
        %add3A_1704 = arith.addf %add3A_1630, %mul3A_1703 : vector<16xf32>
        %get3A_1705 = arith.constant 6 : i32
        %get3A_1706 = arith.index_cast %get3A_1705 : i32 to index
        %get3A_1707 = arith.constant 160 : index
        %get3A_1708 = tpu.vector_load %arg10[%get3A_1706, %get3A_1707] {strides = array<i32>} : memref<8x768xf32, #tpu.memory_space<vmem>>, vector<16xf32>,
        %mul3A_1709 = arith.mulf %get3A_1651, %get3A_1708 : vector<16xf32>
        %add3A_1710 = arith.addf %add3A_1636, %mul3A_1709 : vector<16xf32>
        %mul3A_1711 = arith.mulf %get3A_1656, %get3A_1708 : vector<16xf32>
        %add3A_1712 = arith.addf %add3A_1638, %mul3A_1711 : vector<16xf32>
        %get3A_1713 = arith.constant 7 : i32
        %get3A_1714 = arith.index_cast %get3A_1713 : i32 to index
        %get3A_1715 = arith.constant 160 : index
        %get3A_1716 = tpu.vector_load %arg10[%get3A_1714, %get3A_1715] {strides = array<i32>} : memref<8x768xf32, #tpu.memory_space<vmem>>, vector<16xf32>,
        %mul3A_1717 = arith.mulf %get3A_1651, %get3A_1716 : vector<16xf32>
        %add3A_1718 = arith.addf %add3A_1644, %mul3A_1717 : vector<16xf32>
        %mul3A_1719 = arith.mulf %get3A_1656, %get3A_1716 : vector<16xf32>
        %add3A_1720 = arith.addf %add3A_1646, %mul3A_1719 : vector<16xf32>
        %add3A_1721 = arith.constant 0 : i32
        %add3A_1722 = arith.addi %add3A_875, %add3A_1721 : i32
        %get3A_1723 = arith.index_cast %add3A_1722 : i32 to index
        %get3A_1724 = arith.constant 176 : index
        %get3A_1725 = tpu.vector_load %arg9[%get3A_1723, %get3A_1724] {strides = array<i32>} : memref<64x768xf32, #tpu.memory_space<vmem>>, vector<16xf32>,
        %add3A_1726 = arith.constant 1 : i32
        %add3A_1727 = arith.addi %add3A_875, %add3A_1726 : i32
        %get3A_1728 = arith.index_cast %add3A_1727 : i32 to index
        %get3A_1729 = arith.constant 176 : index
        %get3A_1730 = tpu.vector_load %arg9[%get3A_1728, %get3A_1729] {strides = array<i32>} : memref<64x768xf32, #tpu.memory_space<vmem>>, vector<16xf32>,
        %get3A_1731 = arith.constant 0 : i32
        %get3A_1732 = arith.index_cast %get3A_1731 : i32 to index
        %get3A_1733 = arith.constant 176 : index
        %get3A_1734 = tpu.vector_load %arg10[%get3A_1732, %get3A_1733] {strides = array<i32>} : memref<8x768xf32, #tpu.memory_space<vmem>>, vector<16xf32>,
        %mul3A_1735 = arith.mulf %get3A_1725, %get3A_1734 : vector<16xf32>
        %add3A_1736 = arith.addf %add3A_1662, %mul3A_1735 : vector<16xf32>
        %mul3A_1737 = arith.mulf %get3A_1730, %get3A_1734 : vector<16xf32>
        %add3A_1738 = arith.addf %add3A_1664, %mul3A_1737 : vector<16xf32>
        %get3A_1739 = arith.constant 1 : i32
        %get3A_1740 = arith.index_cast %get3A_1739 : i32 to index
        %get3A_1741 = arith.constant 176 : index
        %get3A_1742 = tpu.vector_load %arg10[%get3A_1740, %get3A_1741] {strides = array<i32>} : memref<8x768xf32, #tpu.memory_space<vmem>>, vector<16xf32>,
        %mul3A_1743 = arith.mulf %get3A_1725, %get3A_1742 : vector<16xf32>
        %add3A_1744 = arith.addf %add3A_1670, %mul3A_1743 : vector<16xf32>
        %mul3A_1745 = arith.mulf %get3A_1730, %get3A_1742 : vector<16xf32>
        %add3A_1746 = arith.addf %add3A_1672, %mul3A_1745 : vector<16xf32>
        %get3A_1747 = arith.constant 2 : i32
        %get3A_1748 = arith.index_cast %get3A_1747 : i32 to index
        %get3A_1749 = arith.constant 176 : index
        %get3A_1750 = tpu.vector_load %arg10[%get3A_1748, %get3A_1749] {strides = array<i32>} : memref<8x768xf32, #tpu.memory_space<vmem>>, vector<16xf32>,
        %mul3A_1751 = arith.mulf %get3A_1725, %get3A_1750 : vector<16xf32>
        %add3A_1752 = arith.addf %add3A_1678, %mul3A_1751 : vector<16xf32>
        %mul3A_1753 = arith.mulf %get3A_1730, %get3A_1750 : vector<16xf32>
        %add3A_1754 = arith.addf %add3A_1680, %mul3A_1753 : vector<16xf32>
        %get3A_1755 = arith.constant 3 : i32
        %get3A_1756 = arith.index_cast %get3A_1755 : i32 to index
        %get3A_1757 = arith.constant 176 : index
        %get3A_1758 = tpu.vector_load %arg10[%get3A_1756, %get3A_1757] {strides = array<i32>} : memref<8x768xf32, #tpu.memory_space<vmem>>, vector<16xf32>,
        %mul3A_1759 = arith.mulf %get3A_1725, %get3A_1758 : vector<16xf32>
        %add3A_1760 = arith.addf %add3A_1686, %mul3A_1759 : vector<16xf32>
        %mul3A_1761 = arith.mulf %get3A_1730, %get3A_1758 : vector<16xf32>
        %add3A_1762 = arith.addf %add3A_1688, %mul3A_1761 : vector<16xf32>
        %get3A_1763 = arith.constant 4 : i32
        %get3A_1764 = arith.index_cast %get3A_1763 : i32 to index
        %get3A_1765 = arith.constant 176 : index
        %get3A_1766 = tpu.vector_load %arg10[%get3A_1764, %get3A_1765] {strides = array<i32>} : memref<8x768xf32, #tpu.memory_space<vmem>>, vector<16xf32>,
        %mul3A_1767 = arith.mulf %get3A_1725, %get3A_1766 : vector<16xf32>
        %add3A_1768 = arith.addf %add3A_1694, %mul3A_1767 : vector<16xf32>
        %mul3A_1769 = arith.mulf %get3A_1730, %get3A_1766 : vector<16xf32>
        %add3A_1770 = arith.addf %add3A_1696, %mul3A_1769 : vector<16xf32>
        %get3A_1771 = arith.constant 5 : i32
        %get3A_1772 = arith.index_cast %get3A_1771 : i32 to index
        %get3A_1773 = arith.constant 176 : index
        %get3A_1774 = tpu.vector_load %arg10[%get3A_1772, %get3A_1773] {strides = array<i32>} : memref<8x768xf32, #tpu.memory_space<vmem>>, vector<16xf32>,
        %mul3A_1775 = arith.mulf %get3A_1725, %get3A_1774 : vector<16xf32>
        %add3A_1776 = arith.addf %add3A_1702, %mul3A_1775 : vector<16xf32>
        %mul3A_1777 = arith.mulf %get3A_1730, %get3A_1774 : vector<16xf32>
        %add3A_1778 = arith.addf %add3A_1704, %mul3A_1777 : vector<16xf32>
        %get3A_1779 = arith.constant 6 : i32
        %get3A_1780 = arith.index_cast %get3A_1779 : i32 to index
        %get3A_1781 = arith.constant 176 : index
        %get3A_1782 = tpu.vector_load %arg10[%get3A_1780, %get3A_1781] {strides = array<i32>} : memref<8x768xf32, #tpu.memory_space<vmem>>, vector<16xf32>,
        %mul3A_1783 = arith.mulf %get3A_1725, %get3A_1782 : vector<16xf32>
        %add3A_1784 = arith.addf %add3A_1710, %mul3A_1783 : vector<16xf32>
        %mul3A_1785 = arith.mulf %get3A_1730, %get3A_1782 : vector<16xf32>
        %add3A_1786 = arith.addf %add3A_1712, %mul3A_1785 : vector<16xf32>
        %get3A_1787 = arith.constant 7 : i32
        %get3A_1788 = arith.index_cast %get3A_1787 : i32 to index
        %get3A_1789 = arith.constant 176 : index
        %get3A_1790 = tpu.vector_load %arg10[%get3A_1788, %get3A_1789] {strides = array<i32>} : memref<8x768xf32, #tpu.memory_space<vmem>>, vector<16xf32>,
        %mul3A_1791 = arith.mulf %get3A_1725, %get3A_1790 : vector<16xf32>
        %add3A_1792 = arith.addf %add3A_1718, %mul3A_1791 : vector<16xf32>
        %mul3A_1793 = arith.mulf %get3A_1730, %get3A_1790 : vector<16xf32>
        %add3A_1794 = arith.addf %add3A_1720, %mul3A_1793 : vector<16xf32>
        %add3A_1795 = arith.constant 0 : i32
        %add3A_1796 = arith.addi %add3A_875, %add3A_1795 : i32
        %get3A_1797 = arith.index_cast %add3A_1796 : i32 to index
        %get3A_1798 = arith.constant 192 : index
        %get3A_1799 = tpu.vector_load %arg9[%get3A_1797, %get3A_1798] {strides = array<i32>} : memref<64x768xf32, #tpu.memory_space<vmem>>, vector<16xf32>,
        %add3A_1800 = arith.constant 1 : i32
        %add3A_1801 = arith.addi %add3A_875, %add3A_1800 : i32
        %get3A_1802 = arith.index_cast %add3A_1801 : i32 to index
        %get3A_1803 = arith.constant 192 : index
        %get3A_1804 = tpu.vector_load %arg9[%get3A_1802, %get3A_1803] {strides = array<i32>} : memref<64x768xf32, #tpu.memory_space<vmem>>, vector<16xf32>,
        %get3A_1805 = arith.constant 0 : i32
        %get3A_1806 = arith.index_cast %get3A_1805 : i32 to index
        %get3A_1807 = arith.constant 192 : index
        %get3A_1808 = tpu.vector_load %arg10[%get3A_1806, %get3A_1807] {strides = array<i32>} : memref<8x768xf32, #tpu.memory_space<vmem>>, vector<16xf32>,
        %mul3A_1809 = arith.mulf %get3A_1799, %get3A_1808 : vector<16xf32>
        %add3A_1810 = arith.addf %add3A_1736, %mul3A_1809 : vector<16xf32>
        %mul3A_1811 = arith.mulf %get3A_1804, %get3A_1808 : vector<16xf32>
        %add3A_1812 = arith.addf %add3A_1738, %mul3A_1811 : vector<16xf32>
        %get3A_1813 = arith.constant 1 : i32
        %get3A_1814 = arith.index_cast %get3A_1813 : i32 to index
        %get3A_1815 = arith.constant 192 : index
        %get3A_1816 = tpu.vector_load %arg10[%get3A_1814, %get3A_1815] {strides = array<i32>} : memref<8x768xf32, #tpu.memory_space<vmem>>, vector<16xf32>,
        %mul3A_1817 = arith.mulf %get3A_1799, %get3A_1816 : vector<16xf32>
        %add3A_1818 = arith.addf %add3A_1744, %mul3A_1817 : vector<16xf32>
        %mul3A_1819 = arith.mulf %get3A_1804, %get3A_1816 : vector<16xf32>
        %add3A_1820 = arith.addf %add3A_1746, %mul3A_1819 : vector<16xf32>
        %get3A_1821 = arith.constant 2 : i32
        %get3A_1822 = arith.index_cast %get3A_1821 : i32 to index
        %get3A_1823 = arith.constant 192 : index
        %get3A_1824 = tpu.vector_load %arg10[%get3A_1822, %get3A_1823] {strides = array<i32>} : memref<8x768xf32, #tpu.memory_space<vmem>>, vector<16xf32>,
        %mul3A_1825 = arith.mulf %get3A_1799, %get3A_1824 : vector<16xf32>
        %add3A_1826 = arith.addf %add3A_1752, %mul3A_1825 : vector<16xf32>
        %mul3A_1827 = arith.mulf %get3A_1804, %get3A_1824 : vector<16xf32>
        %add3A_1828 = arith.addf %add3A_1754, %mul3A_1827 : vector<16xf32>
        %get3A_1829 = arith.constant 3 : i32
        %get3A_1830 = arith.index_cast %get3A_1829 : i32 to index
        %get3A_1831 = arith.constant 192 : index
        %get3A_1832 = tpu.vector_load %arg10[%get3A_1830, %get3A_1831] {strides = array<i32>} : memref<8x768xf32, #tpu.memory_space<vmem>>, vector<16xf32>,
        %mul3A_1833 = arith.mulf %get3A_1799, %get3A_1832 : vector<16xf32>
        %add3A_1834 = arith.addf %add3A_1760, %mul3A_1833 : vector<16xf32>
        %mul3A_1835 = arith.mulf %get3A_1804, %get3A_1832 : vector<16xf32>
        %add3A_1836 = arith.addf %add3A_1762, %mul3A_1835 : vector<16xf32>
        %get3A_1837 = arith.constant 4 : i32
        %get3A_1838 = arith.index_cast %get3A_1837 : i32 to index
        %get3A_1839 = arith.constant 192 : index
        %get3A_1840 = tpu.vector_load %arg10[%get3A_1838, %get3A_1839] {strides = array<i32>} : memref<8x768xf32, #tpu.memory_space<vmem>>, vector<16xf32>,
        %mul3A_1841 = arith.mulf %get3A_1799, %get3A_1840 : vector<16xf32>
        %add3A_1842 = arith.addf %add3A_1768, %mul3A_1841 : vector<16xf32>
        %mul3A_1843 = arith.mulf %get3A_1804, %get3A_1840 : vector<16xf32>
        %add3A_1844 = arith.addf %add3A_1770, %mul3A_1843 : vector<16xf32>
        %get3A_1845 = arith.constant 5 : i32
        %get3A_1846 = arith.index_cast %get3A_1845 : i32 to index
        %get3A_1847 = arith.constant 192 : index
        %get3A_1848 = tpu.vector_load %arg10[%get3A_1846, %get3A_1847] {strides = array<i32>} : memref<8x768xf32, #tpu.memory_space<vmem>>, vector<16xf32>,
        %mul3A_1849 = arith.mulf %get3A_1799, %get3A_1848 : vector<16xf32>
        %add3A_1850 = arith.addf %add3A_1776, %mul3A_1849 : vector<16xf32>
        %mul3A_1851 = arith.mulf %get3A_1804, %get3A_1848 : vector<16xf32>
        %add3A_1852 = arith.addf %add3A_1778, %mul3A_1851 : vector<16xf32>
        %get3A_1853 = arith.constant 6 : i32
        %get3A_1854 = arith.index_cast %get3A_1853 : i32 to index
        %get3A_1855 = arith.constant 192 : index
        %get3A_1856 = tpu.vector_load %arg10[%get3A_1854, %get3A_1855] {strides = array<i32>} : memref<8x768xf32, #tpu.memory_space<vmem>>, vector<16xf32>,
        %mul3A_1857 = arith.mulf %get3A_1799, %get3A_1856 : vector<16xf32>
        %add3A_1858 = arith.addf %add3A_1784, %mul3A_1857 : vector<16xf32>
        %mul3A_1859 = arith.mulf %get3A_1804, %get3A_1856 : vector<16xf32>
        %add3A_1860 = arith.addf %add3A_1786, %mul3A_1859 : vector<16xf32>
        %get3A_1861 = arith.constant 7 : i32
        %get3A_1862 = arith.index_cast %get3A_1861 : i32 to index
        %get3A_1863 = arith.constant 192 : index
        %get3A_1864 = tpu.vector_load %arg10[%get3A_1862, %get3A_1863] {strides = array<i32>} : memref<8x768xf32, #tpu.memory_space<vmem>>, vector<16xf32>,
        %mul3A_1865 = arith.mulf %get3A_1799, %get3A_1864 : vector<16xf32>
        %add3A_1866 = arith.addf %add3A_1792, %mul3A_1865 : vector<16xf32>
        %mul3A_1867 = arith.mulf %get3A_1804, %get3A_1864 : vector<16xf32>
        %add3A_1868 = arith.addf %add3A_1794, %mul3A_1867 : vector<16xf32>
        %add3A_1869 = arith.constant 0 : i32
        %add3A_1870 = arith.addi %add3A_875, %add3A_1869 : i32
        %get3A_1871 = arith.index_cast %add3A_1870 : i32 to index
        %get3A_1872 = arith.constant 208 : index
        %get3A_1873 = tpu.vector_load %arg9[%get3A_1871, %get3A_1872] {strides = array<i32>} : memref<64x768xf32, #tpu.memory_space<vmem>>, vector<16xf32>,
        %add3A_1874 = arith.constant 1 : i32
        %add3A_1875 = arith.addi %add3A_875, %add3A_1874 : i32
        %get3A_1876 = arith.index_cast %add3A_1875 : i32 to index
        %get3A_1877 = arith.constant 208 : index
        %get3A_1878 = tpu.vector_load %arg9[%get3A_1876, %get3A_1877] {strides = array<i32>} : memref<64x768xf32, #tpu.memory_space<vmem>>, vector<16xf32>,
        %get3A_1879 = arith.constant 0 : i32
        %get3A_1880 = arith.index_cast %get3A_1879 : i32 to index
        %get3A_1881 = arith.constant 208 : index
        %get3A_1882 = tpu.vector_load %arg10[%get3A_1880, %get3A_1881] {strides = array<i32>} : memref<8x768xf32, #tpu.memory_space<vmem>>, vector<16xf32>,
        %mul3A_1883 = arith.mulf %get3A_1873, %get3A_1882 : vector<16xf32>
        %add3A_1884 = arith.addf %add3A_1810, %mul3A_1883 : vector<16xf32>
        %mul3A_1885 = arith.mulf %get3A_1878, %get3A_1882 : vector<16xf32>
        %add3A_1886 = arith.addf %add3A_1812, %mul3A_1885 : vector<16xf32>
        %get3A_1887 = arith.constant 1 : i32
        %get3A_1888 = arith.index_cast %get3A_1887 : i32 to index
        %get3A_1889 = arith.constant 208 : index
        %get3A_1890 = tpu.vector_load %arg10[%get3A_1888, %get3A_1889] {strides = array<i32>} : memref<8x768xf32, #tpu.memory_space<vmem>>, vector<16xf32>,
        %mul3A_1891 = arith.mulf %get3A_1873, %get3A_1890 : vector<16xf32>
        %add3A_1892 = arith.addf %add3A_1818, %mul3A_1891 : vector<16xf32>
        %mul3A_1893 = arith.mulf %get3A_1878, %get3A_1890 : vector<16xf32>
        %add3A_1894 = arith.addf %add3A_1820, %mul3A_1893 : vector<16xf32>
        %get3A_1895 = arith.constant 2 : i32
        %get3A_1896 = arith.index_cast %get3A_1895 : i32 to index
        %get3A_1897 = arith.constant 208 : index
        %get3A_1898 = tpu.vector_load %arg10[%get3A_1896, %get3A_1897] {strides = array<i32>} : memref<8x768xf32, #tpu.memory_space<vmem>>, vector<16xf32>,
        %mul3A_1899 = arith.mulf %get3A_1873, %get3A_1898 : vector<16xf32>
        %add3A_1900 = arith.addf %add3A_1826, %mul3A_1899 : vector<16xf32>
        %mul3A_1901 = arith.mulf %get3A_1878, %get3A_1898 : vector<16xf32>
        %add3A_1902 = arith.addf %add3A_1828, %mul3A_1901 : vector<16xf32>
        %get3A_1903 = arith.constant 3 : i32
        %get3A_1904 = arith.index_cast %get3A_1903 : i32 to index
        %get3A_1905 = arith.constant 208 : index
        %get3A_1906 = tpu.vector_load %arg10[%get3A_1904, %get3A_1905] {strides = array<i32>} : memref<8x768xf32, #tpu.memory_space<vmem>>, vector<16xf32>,
        %mul3A_1907 = arith.mulf %get3A_1873, %get3A_1906 : vector<16xf32>
        %add3A_1908 = arith.addf %add3A_1834, %mul3A_1907 : vector<16xf32>
        %mul3A_1909 = arith.mulf %get3A_1878, %get3A_1906 : vector<16xf32>
        %add3A_1910 = arith.addf %add3A_1836, %mul3A_1909 : vector<16xf32>
        %get3A_1911 = arith.constant 4 : i32
        %get3A_1912 = arith.index_cast %get3A_1911 : i32 to index
        %get3A_1913 = arith.constant 208 : index
        %get3A_1914 = tpu.vector_load %arg10[%get3A_1912, %get3A_1913] {strides = array<i32>} : memref<8x768xf32, #tpu.memory_space<vmem>>, vector<16xf32>,
        %mul3A_1915 = arith.mulf %get3A_1873, %get3A_1914 : vector<16xf32>
        %add3A_1916 = arith.addf %add3A_1842, %mul3A_1915 : vector<16xf32>
        %mul3A_1917 = arith.mulf %get3A_1878, %get3A_1914 : vector<16xf32>
        %add3A_1918 = arith.addf %add3A_1844, %mul3A_1917 : vector<16xf32>
        %get3A_1919 = arith.constant 5 : i32
        %get3A_1920 = arith.index_cast %get3A_1919 : i32 to index
        %get3A_1921 = arith.constant 208 : index
        %get3A_1922 = tpu.vector_load %arg10[%get3A_1920, %get3A_1921] {strides = array<i32>} : memref<8x768xf32, #tpu.memory_space<vmem>>, vector<16xf32>,
        %mul3A_1923 = arith.mulf %get3A_1873, %get3A_1922 : vector<16xf32>
        %add3A_1924 = arith.addf %add3A_1850, %mul3A_1923 : vector<16xf32>
        %mul3A_1925 = arith.mulf %get3A_1878, %get3A_1922 : vector<16xf32>
        %add3A_1926 = arith.addf %add3A_1852, %mul3A_1925 : vector<16xf32>
        %get3A_1927 = arith.constant 6 : i32
        %get3A_1928 = arith.index_cast %get3A_1927 : i32 to index
        %get3A_1929 = arith.constant 208 : index
        %get3A_1930 = tpu.vector_load %arg10[%get3A_1928, %get3A_1929] {strides = array<i32>} : memref<8x768xf32, #tpu.memory_space<vmem>>, vector<16xf32>,
        %mul3A_1931 = arith.mulf %get3A_1873, %get3A_1930 : vector<16xf32>
        %add3A_1932 = arith.addf %add3A_1858, %mul3A_1931 : vector<16xf32>
        %mul3A_1933 = arith.mulf %get3A_1878, %get3A_1930 : vector<16xf32>
        %add3A_1934 = arith.addf %add3A_1860, %mul3A_1933 : vector<16xf32>
        %get3A_1935 = arith.constant 7 : i32
        %get3A_1936 = arith.index_cast %get3A_1935 : i32 to index
        %get3A_1937 = arith.constant 208 : index
        %get3A_1938 = tpu.vector_load %arg10[%get3A_1936, %get3A_1937] {strides = array<i32>} : memref<8x768xf32, #tpu.memory_space<vmem>>, vector<16xf32>,
        %mul3A_1939 = arith.mulf %get3A_1873, %get3A_1938 : vector<16xf32>
        %add3A_1940 = arith.addf %add3A_1866, %mul3A_1939 : vector<16xf32>
        %mul3A_1941 = arith.mulf %get3A_1878, %get3A_1938 : vector<16xf32>
        %add3A_1942 = arith.addf %add3A_1868, %mul3A_1941 : vector<16xf32>
        %add3A_1943 = arith.constant 0 : i32
        %add3A_1944 = arith.addi %add3A_875, %add3A_1943 : i32
        %get3A_1945 = arith.index_cast %add3A_1944 : i32 to index
        %get3A_1946 = arith.constant 224 : index
        %get3A_1947 = tpu.vector_load %arg9[%get3A_1945, %get3A_1946] {strides = array<i32>} : memref<64x768xf32, #tpu.memory_space<vmem>>, vector<16xf32>,
        %add3A_1948 = arith.constant 1 : i32
        %add3A_1949 = arith.addi %add3A_875, %add3A_1948 : i32
        %get3A_1950 = arith.index_cast %add3A_1949 : i32 to index
        %get3A_1951 = arith.constant 224 : index
        %get3A_1952 = tpu.vector_load %arg9[%get3A_1950, %get3A_1951] {strides = array<i32>} : memref<64x768xf32, #tpu.memory_space<vmem>>, vector<16xf32>,
        %get3A_1953 = arith.constant 0 : i32
        %get3A_1954 = arith.index_cast %get3A_1953 : i32 to index
        %get3A_1955 = arith.constant 224 : index
        %get3A_1956 = tpu.vector_load %arg10[%get3A_1954, %get3A_1955] {strides = array<i32>} : memref<8x768xf32, #tpu.memory_space<vmem>>, vector<16xf32>,
        %mul3A_1957 = arith.mulf %get3A_1947, %get3A_1956 : vector<16xf32>
        %add3A_1958 = arith.addf %add3A_1884, %mul3A_1957 : vector<16xf32>
        %mul3A_1959 = arith.mulf %get3A_1952, %get3A_1956 : vector<16xf32>
        %add3A_1960 = arith.addf %add3A_1886, %mul3A_1959 : vector<16xf32>
        %get3A_1961 = arith.constant 1 : i32
        %get3A_1962 = arith.index_cast %get3A_1961 : i32 to index
        %get3A_1963 = arith.constant 224 : index
        %get3A_1964 = tpu.vector_load %arg10[%get3A_1962, %get3A_1963] {strides = array<i32>} : memref<8x768xf32, #tpu.memory_space<vmem>>, vector<16xf32>,
        %mul3A_1965 = arith.mulf %get3A_1947, %get3A_1964 : vector<16xf32>
        %add3A_1966 = arith.addf %add3A_1892, %mul3A_1965 : vector<16xf32>
        %mul3A_1967 = arith.mulf %get3A_1952, %get3A_1964 : vector<16xf32>
        %add3A_1968 = arith.addf %add3A_1894, %mul3A_1967 : vector<16xf32>
        %get3A_1969 = arith.constant 2 : i32
        %get3A_1970 = arith.index_cast %get3A_1969 : i32 to index
        %get3A_1971 = arith.constant 224 : index
        %get3A_1972 = tpu.vector_load %arg10[%get3A_1970, %get3A_1971] {strides = array<i32>} : memref<8x768xf32, #tpu.memory_space<vmem>>, vector<16xf32>,
        %mul3A_1973 = arith.mulf %get3A_1947, %get3A_1972 : vector<16xf32>
        %add3A_1974 = arith.addf %add3A_1900, %mul3A_1973 : vector<16xf32>
        %mul3A_1975 = arith.mulf %get3A_1952, %get3A_1972 : vector<16xf32>
        %add3A_1976 = arith.addf %add3A_1902, %mul3A_1975 : vector<16xf32>
        %get3A_1977 = arith.constant 3 : i32
        %get3A_1978 = arith.index_cast %get3A_1977 : i32 to index
        %get3A_1979 = arith.constant 224 : index
        %get3A_1980 = tpu.vector_load %arg10[%get3A_1978, %get3A_1979] {strides = array<i32>} : memref<8x768xf32, #tpu.memory_space<vmem>>, vector<16xf32>,
        %mul3A_1981 = arith.mulf %get3A_1947, %get3A_1980 : vector<16xf32>
        %add3A_1982 = arith.addf %add3A_1908, %mul3A_1981 : vector<16xf32>
        %mul3A_1983 = arith.mulf %get3A_1952, %get3A_1980 : vector<16xf32>
        %add3A_1984 = arith.addf %add3A_1910, %mul3A_1983 : vector<16xf32>
        %get3A_1985 = arith.constant 4 : i32
        %get3A_1986 = arith.index_cast %get3A_1985 : i32 to index
        %get3A_1987 = arith.constant 224 : index
        %get3A_1988 = tpu.vector_load %arg10[%get3A_1986, %get3A_1987] {strides = array<i32>} : memref<8x768xf32, #tpu.memory_space<vmem>>, vector<16xf32>,
        %mul3A_1989 = arith.mulf %get3A_1947, %get3A_1988 : vector<16xf32>
        %add3A_1990 = arith.addf %add3A_1916, %mul3A_1989 : vector<16xf32>
        %mul3A_1991 = arith.mulf %get3A_1952, %get3A_1988 : vector<16xf32>
        %add3A_1992 = arith.addf %add3A_1918, %mul3A_1991 : vector<16xf32>
        %get3A_1993 = arith.constant 5 : i32
        %get3A_1994 = arith.index_cast %get3A_1993 : i32 to index
        %get3A_1995 = arith.constant 224 : index
        %get3A_1996 = tpu.vector_load %arg10[%get3A_1994, %get3A_1995] {strides = array<i32>} : memref<8x768xf32, #tpu.memory_space<vmem>>, vector<16xf32>,
        %mul3A_1997 = arith.mulf %get3A_1947, %get3A_1996 : vector<16xf32>
        %add3A_1998 = arith.addf %add3A_1924, %mul3A_1997 : vector<16xf32>
        %mul3A_1999 = arith.mulf %get3A_1952, %get3A_1996 : vector<16xf32>
        %add3A_2000 = arith.addf %add3A_1926, %mul3A_1999 : vector<16xf32>
        %get3A_2001 = arith.constant 6 : i32
        %get3A_2002 = arith.index_cast %get3A_2001 : i32 to index
        %get3A_2003 = arith.constant 224 : index
        %get3A_2004 = tpu.vector_load %arg10[%get3A_2002, %get3A_2003] {strides = array<i32>} : memref<8x768xf32, #tpu.memory_space<vmem>>, vector<16xf32>,
        %mul3A_2005 = arith.mulf %get3A_1947, %get3A_2004 : vector<16xf32>
        %add3A_2006 = arith.addf %add3A_1932, %mul3A_2005 : vector<16xf32>
        %mul3A_2007 = arith.mulf %get3A_1952, %get3A_2004 : vector<16xf32>
        %add3A_2008 = arith.addf %add3A_1934, %mul3A_2007 : vector<16xf32>
        %get3A_2009 = arith.constant 7 : i32
        %get3A_2010 = arith.index_cast %get3A_2009 : i32 to index
        %get3A_2011 = arith.constant 224 : index
        %get3A_2012 = tpu.vector_load %arg10[%get3A_2010, %get3A_2011] {strides = array<i32>} : memref<8x768xf32, #tpu.memory_space<vmem>>, vector<16xf32>,
        %mul3A_2013 = arith.mulf %get3A_1947, %get3A_2012 : vector<16xf32>
        %add3A_2014 = arith.addf %add3A_1940, %mul3A_2013 : vector<16xf32>
        %mul3A_2015 = arith.mulf %get3A_1952, %get3A_2012 : vector<16xf32>
        %add3A_2016 = arith.addf %add3A_1942, %mul3A_2015 : vector<16xf32>
        %add3A_2017 = arith.constant 0 : i32
        %add3A_2018 = arith.addi %add3A_875, %add3A_2017 : i32
        %get3A_2019 = arith.index_cast %add3A_2018 : i32 to index
        %get3A_2020 = arith.constant 240 : index
        %get3A_2021 = tpu.vector_load %arg9[%get3A_2019, %get3A_2020] {strides = array<i32>} : memref<64x768xf32, #tpu.memory_space<vmem>>, vector<16xf32>,
        %add3A_2022 = arith.constant 1 : i32
        %add3A_2023 = arith.addi %add3A_875, %add3A_2022 : i32
        %get3A_2024 = arith.index_cast %add3A_2023 : i32 to index
        %get3A_2025 = arith.constant 240 : index
        %get3A_2026 = tpu.vector_load %arg9[%get3A_2024, %get3A_2025] {strides = array<i32>} : memref<64x768xf32, #tpu.memory_space<vmem>>, vector<16xf32>,
        %get3A_2027 = arith.constant 0 : i32
        %get3A_2028 = arith.index_cast %get3A_2027 : i32 to index
        %get3A_2029 = arith.constant 240 : index
        %get3A_2030 = tpu.vector_load %arg10[%get3A_2028, %get3A_2029] {strides = array<i32>} : memref<8x768xf32, #tpu.memory_space<vmem>>, vector<16xf32>,
        %mul3A_2031 = arith.mulf %get3A_2021, %get3A_2030 : vector<16xf32>
        %add3A_2032 = arith.addf %add3A_1958, %mul3A_2031 : vector<16xf32>
        %mul3A_2033 = arith.mulf %get3A_2026, %get3A_2030 : vector<16xf32>
        %add3A_2034 = arith.addf %add3A_1960, %mul3A_2033 : vector<16xf32>
        %get3A_2035 = arith.constant 1 : i32
        %get3A_2036 = arith.index_cast %get3A_2035 : i32 to index
        %get3A_2037 = arith.constant 240 : index
        %get3A_2038 = tpu.vector_load %arg10[%get3A_2036, %get3A_2037] {strides = array<i32>} : memref<8x768xf32, #tpu.memory_space<vmem>>, vector<16xf32>,
        %mul3A_2039 = arith.mulf %get3A_2021, %get3A_2038 : vector<16xf32>
        %add3A_2040 = arith.addf %add3A_1966, %mul3A_2039 : vector<16xf32>
        %mul3A_2041 = arith.mulf %get3A_2026, %get3A_2038 : vector<16xf32>
        %add3A_2042 = arith.addf %add3A_1968, %mul3A_2041 : vector<16xf32>
        %get3A_2043 = arith.constant 2 : i32
        %get3A_2044 = arith.index_cast %get3A_2043 : i32 to index
        %get3A_2045 = arith.constant 240 : index
        %get3A_2046 = tpu.vector_load %arg10[%get3A_2044, %get3A_2045] {strides = array<i32>} : memref<8x768xf32, #tpu.memory_space<vmem>>, vector<16xf32>,
        %mul3A_2047 = arith.mulf %get3A_2021, %get3A_2046 : vector<16xf32>
        %add3A_2048 = arith.addf %add3A_1974, %mul3A_2047 : vector<16xf32>
        %mul3A_2049 = arith.mulf %get3A_2026, %get3A_2046 : vector<16xf32>
        %add3A_2050 = arith.addf %add3A_1976, %mul3A_2049 : vector<16xf32>
        %get3A_2051 = arith.constant 3 : i32
        %get3A_2052 = arith.index_cast %get3A_2051 : i32 to index
        %get3A_2053 = arith.constant 240 : index
        %get3A_2054 = tpu.vector_load %arg10[%get3A_2052, %get3A_2053] {strides = array<i32>} : memref<8x768xf32, #tpu.memory_space<vmem>>, vector<16xf32>,
        %mul3A_2055 = arith.mulf %get3A_2021, %get3A_2054 : vector<16xf32>
        %add3A_2056 = arith.addf %add3A_1982, %mul3A_2055 : vector<16xf32>
        %mul3A_2057 = arith.mulf %get3A_2026, %get3A_2054 : vector<16xf32>
        %add3A_2058 = arith.addf %add3A_1984, %mul3A_2057 : vector<16xf32>
        %get3A_2059 = arith.constant 4 : i32
        %get3A_2060 = arith.index_cast %get3A_2059 : i32 to index
        %get3A_2061 = arith.constant 240 : index
        %get3A_2062 = tpu.vector_load %arg10[%get3A_2060, %get3A_2061] {strides = array<i32>} : memref<8x768xf32, #tpu.memory_space<vmem>>, vector<16xf32>,
        %mul3A_2063 = arith.mulf %get3A_2021, %get3A_2062 : vector<16xf32>
        %add3A_2064 = arith.addf %add3A_1990, %mul3A_2063 : vector<16xf32>
        %mul3A_2065 = arith.mulf %get3A_2026, %get3A_2062 : vector<16xf32>
        %add3A_2066 = arith.addf %add3A_1992, %mul3A_2065 : vector<16xf32>
        %get3A_2067 = arith.constant 5 : i32
        %get3A_2068 = arith.index_cast %get3A_2067 : i32 to index
        %get3A_2069 = arith.constant 240 : index
        %get3A_2070 = tpu.vector_load %arg10[%get3A_2068, %get3A_2069] {strides = array<i32>} : memref<8x768xf32, #tpu.memory_space<vmem>>, vector<16xf32>,
        %mul3A_2071 = arith.mulf %get3A_2021, %get3A_2070 : vector<16xf32>
        %add3A_2072 = arith.addf %add3A_1998, %mul3A_2071 : vector<16xf32>
        %mul3A_2073 = arith.mulf %get3A_2026, %get3A_2070 : vector<16xf32>
        %add3A_2074 = arith.addf %add3A_2000, %mul3A_2073 : vector<16xf32>
        %get3A_2075 = arith.constant 6 : i32
        %get3A_2076 = arith.index_cast %get3A_2075 : i32 to index
        %get3A_2077 = arith.constant 240 : index
        %get3A_2078 = tpu.vector_load %arg10[%get3A_2076, %get3A_2077] {strides = array<i32>} : memref<8x768xf32, #tpu.memory_space<vmem>>, vector<16xf32>,
        %mul3A_2079 = arith.mulf %get3A_2021, %get3A_2078 : vector<16xf32>
        %add3A_2080 = arith.addf %add3A_2006, %mul3A_2079 : vector<16xf32>
        %mul3A_2081 = arith.mulf %get3A_2026, %get3A_2078 : vector<16xf32>
        %add3A_2082 = arith.addf %add3A_2008, %mul3A_2081 : vector<16xf32>
        %get3A_2083 = arith.constant 7 : i32
        %get3A_2084 = arith.index_cast %get3A_2083 : i32 to index
        %get3A_2085 = arith.constant 240 : index
        %get3A_2086 = tpu.vector_load %arg10[%get3A_2084, %get3A_2085] {strides = array<i32>} : memref<8x768xf32, #tpu.memory_space<vmem>>, vector<16xf32>,
        %mul3A_2087 = arith.mulf %get3A_2021, %get3A_2086 : vector<16xf32>
        %add3A_2088 = arith.addf %add3A_2014, %mul3A_2087 : vector<16xf32>
        %mul3A_2089 = arith.mulf %get3A_2026, %get3A_2086 : vector<16xf32>
        %add3A_2090 = arith.addf %add3A_2016, %mul3A_2089 : vector<16xf32>
        %add3A_2091 = arith.constant 0 : i32
        %add3A_2092 = arith.addi %add3A_875, %add3A_2091 : i32
        %get3A_2093 = arith.index_cast %add3A_2092 : i32 to index
        %get3A_2094 = arith.constant 256 : index
        %get3A_2095 = tpu.vector_load %arg9[%get3A_2093, %get3A_2094] {strides = array<i32>} : memref<64x768xf32, #tpu.memory_space<vmem>>, vector<16xf32>,
        %add3A_2096 = arith.constant 1 : i32
        %add3A_2097 = arith.addi %add3A_875, %add3A_2096 : i32
        %get3A_2098 = arith.index_cast %add3A_2097 : i32 to index
        %get3A_2099 = arith.constant 256 : index
        %get3A_2100 = tpu.vector_load %arg9[%get3A_2098, %get3A_2099] {strides = array<i32>} : memref<64x768xf32, #tpu.memory_space<vmem>>, vector<16xf32>,
        %get3A_2101 = arith.constant 0 : i32
        %get3A_2102 = arith.index_cast %get3A_2101 : i32 to index
        %get3A_2103 = arith.constant 256 : index
        %get3A_2104 = tpu.vector_load %arg10[%get3A_2102, %get3A_2103] {strides = array<i32>} : memref<8x768xf32, #tpu.memory_space<vmem>>, vector<16xf32>,
        %mul3A_2105 = arith.mulf %get3A_2095, %get3A_2104 : vector<16xf32>
        %add3A_2106 = arith.addf %add3A_2032, %mul3A_2105 : vector<16xf32>
        %mul3A_2107 = arith.mulf %get3A_2100, %get3A_2104 : vector<16xf32>
        %add3A_2108 = arith.addf %add3A_2034, %mul3A_2107 : vector<16xf32>
        %get3A_2109 = arith.constant 1 : i32
        %get3A_2110 = arith.index_cast %get3A_2109 : i32 to index
        %get3A_2111 = arith.constant 256 : index
        %get3A_2112 = tpu.vector_load %arg10[%get3A_2110, %get3A_2111] {strides = array<i32>} : memref<8x768xf32, #tpu.memory_space<vmem>>, vector<16xf32>,
        %mul3A_2113 = arith.mulf %get3A_2095, %get3A_2112 : vector<16xf32>
        %add3A_2114 = arith.addf %add3A_2040, %mul3A_2113 : vector<16xf32>
        %mul3A_2115 = arith.mulf %get3A_2100, %get3A_2112 : vector<16xf32>
        %add3A_2116 = arith.addf %add3A_2042, %mul3A_2115 : vector<16xf32>
        %get3A_2117 = arith.constant 2 : i32
        %get3A_2118 = arith.index_cast %get3A_2117 : i32 to index
        %get3A_2119 = arith.constant 256 : index
        %get3A_2120 = tpu.vector_load %arg10[%get3A_2118, %get3A_2119] {strides = array<i32>} : memref<8x768xf32, #tpu.memory_space<vmem>>, vector<16xf32>,
        %mul3A_2121 = arith.mulf %get3A_2095, %get3A_2120 : vector<16xf32>
        %add3A_2122 = arith.addf %add3A_2048, %mul3A_2121 : vector<16xf32>
        %mul3A_2123 = arith.mulf %get3A_2100, %get3A_2120 : vector<16xf32>
        %add3A_2124 = arith.addf %add3A_2050, %mul3A_2123 : vector<16xf32>
        %get3A_2125 = arith.constant 3 : i32
        %get3A_2126 = arith.index_cast %get3A_2125 : i32 to index
        %get3A_2127 = arith.constant 256 : index
        %get3A_2128 = tpu.vector_load %arg10[%get3A_2126, %get3A_2127] {strides = array<i32>} : memref<8x768xf32, #tpu.memory_space<vmem>>, vector<16xf32>,
        %mul3A_2129 = arith.mulf %get3A_2095, %get3A_2128 : vector<16xf32>
        %add3A_2130 = arith.addf %add3A_2056, %mul3A_2129 : vector<16xf32>
        %mul3A_2131 = arith.mulf %get3A_2100, %get3A_2128 : vector<16xf32>
        %add3A_2132 = arith.addf %add3A_2058, %mul3A_2131 : vector<16xf32>
        %get3A_2133 = arith.constant 4 : i32
        %get3A_2134 = arith.index_cast %get3A_2133 : i32 to index
        %get3A_2135 = arith.constant 256 : index
        %get3A_2136 = tpu.vector_load %arg10[%get3A_2134, %get3A_2135] {strides = array<i32>} : memref<8x768xf32, #tpu.memory_space<vmem>>, vector<16xf32>,
        %mul3A_2137 = arith.mulf %get3A_2095, %get3A_2136 : vector<16xf32>
        %add3A_2138 = arith.addf %add3A_2064, %mul3A_2137 : vector<16xf32>
        %mul3A_2139 = arith.mulf %get3A_2100, %get3A_2136 : vector<16xf32>
        %add3A_2140 = arith.addf %add3A_2066, %mul3A_2139 : vector<16xf32>
        %get3A_2141 = arith.constant 5 : i32
        %get3A_2142 = arith.index_cast %get3A_2141 : i32 to index
        %get3A_2143 = arith.constant 256 : index
        %get3A_2144 = tpu.vector_load %arg10[%get3A_2142, %get3A_2143] {strides = array<i32>} : memref<8x768xf32, #tpu.memory_space<vmem>>, vector<16xf32>,
        %mul3A_2145 = arith.mulf %get3A_2095, %get3A_2144 : vector<16xf32>
        %add3A_2146 = arith.addf %add3A_2072, %mul3A_2145 : vector<16xf32>
        %mul3A_2147 = arith.mulf %get3A_2100, %get3A_2144 : vector<16xf32>
        %add3A_2148 = arith.addf %add3A_2074, %mul3A_2147 : vector<16xf32>
        %get3A_2149 = arith.constant 6 : i32
        %get3A_2150 = arith.index_cast %get3A_2149 : i32 to index
        %get3A_2151 = arith.constant 256 : index
        %get3A_2152 = tpu.vector_load %arg10[%get3A_2150, %get3A_2151] {strides = array<i32>} : memref<8x768xf32, #tpu.memory_space<vmem>>, vector<16xf32>,
        %mul3A_2153 = arith.mulf %get3A_2095, %get3A_2152 : vector<16xf32>
        %add3A_2154 = arith.addf %add3A_2080, %mul3A_2153 : vector<16xf32>
        %mul3A_2155 = arith.mulf %get3A_2100, %get3A_2152 : vector<16xf32>
        %add3A_2156 = arith.addf %add3A_2082, %mul3A_2155 : vector<16xf32>
        %get3A_2157 = arith.constant 7 : i32
        %get3A_2158 = arith.index_cast %get3A_2157 : i32 to index
        %get3A_2159 = arith.constant 256 : index
        %get3A_2160 = tpu.vector_load %arg10[%get3A_2158, %get3A_2159] {strides = array<i32>} : memref<8x768xf32, #tpu.memory_space<vmem>>, vector<16xf32>,
        %mul3A_2161 = arith.mulf %get3A_2095, %get3A_2160 : vector<16xf32>
        %add3A_2162 = arith.addf %add3A_2088, %mul3A_2161 : vector<16xf32>
        %mul3A_2163 = arith.mulf %get3A_2100, %get3A_2160 : vector<16xf32>
        %add3A_2164 = arith.addf %add3A_2090, %mul3A_2163 : vector<16xf32>
        %add3A_2165 = arith.constant 0 : i32
        %add3A_2166 = arith.addi %add3A_875, %add3A_2165 : i32
        %get3A_2167 = arith.index_cast %add3A_2166 : i32 to index
        %get3A_2168 = arith.constant 272 : index
        %get3A_2169 = tpu.vector_load %arg9[%get3A_2167, %get3A_2168] {strides = array<i32>} : memref<64x768xf32, #tpu.memory_space<vmem>>, vector<16xf32>,
        %add3A_2170 = arith.constant 1 : i32
        %add3A_2171 = arith.addi %add3A_875, %add3A_2170 : i32
        %get3A_2172 = arith.index_cast %add3A_2171 : i32 to index
        %get3A_2173 = arith.constant 272 : index
        %get3A_2174 = tpu.vector_load %arg9[%get3A_2172, %get3A_2173] {strides = array<i32>} : memref<64x768xf32, #tpu.memory_space<vmem>>, vector<16xf32>,
        %get3A_2175 = arith.constant 0 : i32
        %get3A_2176 = arith.index_cast %get3A_2175 : i32 to index
        %get3A_2177 = arith.constant 272 : index
        %get3A_2178 = tpu.vector_load %arg10[%get3A_2176, %get3A_2177] {strides = array<i32>} : memref<8x768xf32, #tpu.memory_space<vmem>>, vector<16xf32>,
        %mul3A_2179 = arith.mulf %get3A_2169, %get3A_2178 : vector<16xf32>
        %add3A_2180 = arith.addf %add3A_2106, %mul3A_2179 : vector<16xf32>
        %mul3A_2181 = arith.mulf %get3A_2174, %get3A_2178 : vector<16xf32>
        %add3A_2182 = arith.addf %add3A_2108, %mul3A_2181 : vector<16xf32>
        %get3A_2183 = arith.constant 1 : i32
        %get3A_2184 = arith.index_cast %get3A_2183 : i32 to index
        %get3A_2185 = arith.constant 272 : index
        %get3A_2186 = tpu.vector_load %arg10[%get3A_2184, %get3A_2185] {strides = array<i32>} : memref<8x768xf32, #tpu.memory_space<vmem>>, vector<16xf32>,
        %mul3A_2187 = arith.mulf %get3A_2169, %get3A_2186 : vector<16xf32>
        %add3A_2188 = arith.addf %add3A_2114, %mul3A_2187 : vector<16xf32>
        %mul3A_2189 = arith.mulf %get3A_2174, %get3A_2186 : vector<16xf32>
        %add3A_2190 = arith.addf %add3A_2116, %mul3A_2189 : vector<16xf32>
        %get3A_2191 = arith.constant 2 : i32
        %get3A_2192 = arith.index_cast %get3A_2191 : i32 to index
        %get3A_2193 = arith.constant 272 : index
        %get3A_2194 = tpu.vector_load %arg10[%get3A_2192, %get3A_2193] {strides = array<i32>} : memref<8x768xf32, #tpu.memory_space<vmem>>, vector<16xf32>,
        %mul3A_2195 = arith.mulf %get3A_2169, %get3A_2194 : vector<16xf32>
        %add3A_2196 = arith.addf %add3A_2122, %mul3A_2195 : vector<16xf32>
        %mul3A_2197 = arith.mulf %get3A_2174, %get3A_2194 : vector<16xf32>
        %add3A_2198 = arith.addf %add3A_2124, %mul3A_2197 : vector<16xf32>
        %get3A_2199 = arith.constant 3 : i32
        %get3A_2200 = arith.index_cast %get3A_2199 : i32 to index
        %get3A_2201 = arith.constant 272 : index
        %get3A_2202 = tpu.vector_load %arg10[%get3A_2200, %get3A_2201] {strides = array<i32>} : memref<8x768xf32, #tpu.memory_space<vmem>>, vector<16xf32>,
        %mul3A_2203 = arith.mulf %get3A_2169, %get3A_2202 : vector<16xf32>
        %add3A_2204 = arith.addf %add3A_2130, %mul3A_2203 : vector<16xf32>
        %mul3A_2205 = arith.mulf %get3A_2174, %get3A_2202 : vector<16xf32>
        %add3A_2206 = arith.addf %add3A_2132, %mul3A_2205 : vector<16xf32>
        %get3A_2207 = arith.constant 4 : i32
        %get3A_2208 = arith.index_cast %get3A_2207 : i32 to index
        %get3A_2209 = arith.constant 272 : index
        %get3A_2210 = tpu.vector_load %arg10[%get3A_2208, %get3A_2209] {strides = array<i32>} : memref<8x768xf32, #tpu.memory_space<vmem>>, vector<16xf32>,
        %mul3A_2211 = arith.mulf %get3A_2169, %get3A_2210 : vector<16xf32>
        %add3A_2212 = arith.addf %add3A_2138, %mul3A_2211 : vector<16xf32>
        %mul3A_2213 = arith.mulf %get3A_2174, %get3A_2210 : vector<16xf32>
        %add3A_2214 = arith.addf %add3A_2140, %mul3A_2213 : vector<16xf32>
        %get3A_2215 = arith.constant 5 : i32
        %get3A_2216 = arith.index_cast %get3A_2215 : i32 to index
        %get3A_2217 = arith.constant 272 : index
        %get3A_2218 = tpu.vector_load %arg10[%get3A_2216, %get3A_2217] {strides = array<i32>} : memref<8x768xf32, #tpu.memory_space<vmem>>, vector<16xf32>,
        %mul3A_2219 = arith.mulf %get3A_2169, %get3A_2218 : vector<16xf32>
        %add3A_2220 = arith.addf %add3A_2146, %mul3A_2219 : vector<16xf32>
        %mul3A_2221 = arith.mulf %get3A_2174, %get3A_2218 : vector<16xf32>
        %add3A_2222 = arith.addf %add3A_2148, %mul3A_2221 : vector<16xf32>
        %get3A_2223 = arith.constant 6 : i32
        %get3A_2224 = arith.index_cast %get3A_2223 : i32 to index
        %get3A_2225 = arith.constant 272 : index
        %get3A_2226 = tpu.vector_load %arg10[%get3A_2224, %get3A_2225] {strides = array<i32>} : memref<8x768xf32, #tpu.memory_space<vmem>>, vector<16xf32>,
        %mul3A_2227 = arith.mulf %get3A_2169, %get3A_2226 : vector<16xf32>
        %add3A_2228 = arith.addf %add3A_2154, %mul3A_2227 : vector<16xf32>
        %mul3A_2229 = arith.mulf %get3A_2174, %get3A_2226 : vector<16xf32>
        %add3A_2230 = arith.addf %add3A_2156, %mul3A_2229 : vector<16xf32>
        %get3A_2231 = arith.constant 7 : i32
        %get3A_2232 = arith.index_cast %get3A_2231 : i32 to index
        %get3A_2233 = arith.constant 272 : index
        %get3A_2234 = tpu.vector_load %arg10[%get3A_2232, %get3A_2233] {strides = array<i32>} : memref<8x768xf32, #tpu.memory_space<vmem>>, vector<16xf32>,
        %mul3A_2235 = arith.mulf %get3A_2169, %get3A_2234 : vector<16xf32>
        %add3A_2236 = arith.addf %add3A_2162, %mul3A_2235 : vector<16xf32>
        %mul3A_2237 = arith.mulf %get3A_2174, %get3A_2234 : vector<16xf32>
        %add3A_2238 = arith.addf %add3A_2164, %mul3A_2237 : vector<16xf32>
        %add3A_2239 = arith.constant 0 : i32
        %add3A_2240 = arith.addi %add3A_875, %add3A_2239 : i32
        %get3A_2241 = arith.index_cast %add3A_2240 : i32 to index
        %get3A_2242 = arith.constant 288 : index
        %get3A_2243 = tpu.vector_load %arg9[%get3A_2241, %get3A_2242] {strides = array<i32>} : memref<64x768xf32, #tpu.memory_space<vmem>>, vector<16xf32>,
        %add3A_2244 = arith.constant 1 : i32
        %add3A_2245 = arith.addi %add3A_875, %add3A_2244 : i32
        %get3A_2246 = arith.index_cast %add3A_2245 : i32 to index
        %get3A_2247 = arith.constant 288 : index
        %get3A_2248 = tpu.vector_load %arg9[%get3A_2246, %get3A_2247] {strides = array<i32>} : memref<64x768xf32, #tpu.memory_space<vmem>>, vector<16xf32>,
        %get3A_2249 = arith.constant 0 : i32
        %get3A_2250 = arith.index_cast %get3A_2249 : i32 to index
        %get3A_2251 = arith.constant 288 : index
        %get3A_2252 = tpu.vector_load %arg10[%get3A_2250, %get3A_2251] {strides = array<i32>} : memref<8x768xf32, #tpu.memory_space<vmem>>, vector<16xf32>,
        %mul3A_2253 = arith.mulf %get3A_2243, %get3A_2252 : vector<16xf32>
        %add3A_2254 = arith.addf %add3A_2180, %mul3A_2253 : vector<16xf32>
        %mul3A_2255 = arith.mulf %get3A_2248, %get3A_2252 : vector<16xf32>
        %add3A_2256 = arith.addf %add3A_2182, %mul3A_2255 : vector<16xf32>
        %get3A_2257 = arith.constant 1 : i32
        %get3A_2258 = arith.index_cast %get3A_2257 : i32 to index
        %get3A_2259 = arith.constant 288 : index
        %get3A_2260 = tpu.vector_load %arg10[%get3A_2258, %get3A_2259] {strides = array<i32>} : memref<8x768xf32, #tpu.memory_space<vmem>>, vector<16xf32>,
        %mul3A_2261 = arith.mulf %get3A_2243, %get3A_2260 : vector<16xf32>
        %add3A_2262 = arith.addf %add3A_2188, %mul3A_2261 : vector<16xf32>
        %mul3A_2263 = arith.mulf %get3A_2248, %get3A_2260 : vector<16xf32>
        %add3A_2264 = arith.addf %add3A_2190, %mul3A_2263 : vector<16xf32>
        %get3A_2265 = arith.constant 2 : i32
        %get3A_2266 = arith.index_cast %get3A_2265 : i32 to index
        %get3A_2267 = arith.constant 288 : index
        %get3A_2268 = tpu.vector_load %arg10[%get3A_2266, %get3A_2267] {strides = array<i32>} : memref<8x768xf32, #tpu.memory_space<vmem>>, vector<16xf32>,
        %mul3A_2269 = arith.mulf %get3A_2243, %get3A_2268 : vector<16xf32>
        %add3A_2270 = arith.addf %add3A_2196, %mul3A_2269 : vector<16xf32>
        %mul3A_2271 = arith.mulf %get3A_2248, %get3A_2268 : vector<16xf32>
        %add3A_2272 = arith.addf %add3A_2198, %mul3A_2271 : vector<16xf32>
        %get3A_2273 = arith.constant 3 : i32
        %get3A_2274 = arith.index_cast %get3A_2273 : i32 to index
        %get3A_2275 = arith.constant 288 : index
        %get3A_2276 = tpu.vector_load %arg10[%get3A_2274, %get3A_2275] {strides = array<i32>} : memref<8x768xf32, #tpu.memory_space<vmem>>, vector<16xf32>,
        %mul3A_2277 = arith.mulf %get3A_2243, %get3A_2276 : vector<16xf32>
        %add3A_2278 = arith.addf %add3A_2204, %mul3A_2277 : vector<16xf32>
        %mul3A_2279 = arith.mulf %get3A_2248, %get3A_2276 : vector<16xf32>
        %add3A_2280 = arith.addf %add3A_2206, %mul3A_2279 : vector<16xf32>
        %get3A_2281 = arith.constant 4 : i32
        %get3A_2282 = arith.index_cast %get3A_2281 : i32 to index
        %get3A_2283 = arith.constant 288 : index
        %get3A_2284 = tpu.vector_load %arg10[%get3A_2282, %get3A_2283] {strides = array<i32>} : memref<8x768xf32, #tpu.memory_space<vmem>>, vector<16xf32>,
        %mul3A_2285 = arith.mulf %get3A_2243, %get3A_2284 : vector<16xf32>
        %add3A_2286 = arith.addf %add3A_2212, %mul3A_2285 : vector<16xf32>
        %mul3A_2287 = arith.mulf %get3A_2248, %get3A_2284 : vector<16xf32>
        %add3A_2288 = arith.addf %add3A_2214, %mul3A_2287 : vector<16xf32>
        %get3A_2289 = arith.constant 5 : i32
        %get3A_2290 = arith.index_cast %get3A_2289 : i32 to index
        %get3A_2291 = arith.constant 288 : index
        %get3A_2292 = tpu.vector_load %arg10[%get3A_2290, %get3A_2291] {strides = array<i32>} : memref<8x768xf32, #tpu.memory_space<vmem>>, vector<16xf32>,
        %mul3A_2293 = arith.mulf %get3A_2243, %get3A_2292 : vector<16xf32>
        %add3A_2294 = arith.addf %add3A_2220, %mul3A_2293 : vector<16xf32>
        %mul3A_2295 = arith.mulf %get3A_2248, %get3A_2292 : vector<16xf32>
        %add3A_2296 = arith.addf %add3A_2222, %mul3A_2295 : vector<16xf32>
        %get3A_2297 = arith.constant 6 : i32
        %get3A_2298 = arith.index_cast %get3A_2297 : i32 to index
        %get3A_2299 = arith.constant 288 : index
        %get3A_2300 = tpu.vector_load %arg10[%get3A_2298, %get3A_2299] {strides = array<i32>} : memref<8x768xf32, #tpu.memory_space<vmem>>, vector<16xf32>,
        %mul3A_2301 = arith.mulf %get3A_2243, %get3A_2300 : vector<16xf32>
        %add3A_2302 = arith.addf %add3A_2228, %mul3A_2301 : vector<16xf32>
        %mul3A_2303 = arith.mulf %get3A_2248, %get3A_2300 : vector<16xf32>
        %add3A_2304 = arith.addf %add3A_2230, %mul3A_2303 : vector<16xf32>
        %get3A_2305 = arith.constant 7 : i32
        %get3A_2306 = arith.index_cast %get3A_2305 : i32 to index
        %get3A_2307 = arith.constant 288 : index
        %get3A_2308 = tpu.vector_load %arg10[%get3A_2306, %get3A_2307] {strides = array<i32>} : memref<8x768xf32, #tpu.memory_space<vmem>>, vector<16xf32>,
        %mul3A_2309 = arith.mulf %get3A_2243, %get3A_2308 : vector<16xf32>
        %add3A_2310 = arith.addf %add3A_2236, %mul3A_2309 : vector<16xf32>
        %mul3A_2311 = arith.mulf %get3A_2248, %get3A_2308 : vector<16xf32>
        %add3A_2312 = arith.addf %add3A_2238, %mul3A_2311 : vector<16xf32>
        %add3A_2313 = arith.constant 0 : i32
        %add3A_2314 = arith.addi %add3A_875, %add3A_2313 : i32
        %get3A_2315 = arith.index_cast %add3A_2314 : i32 to index
        %get3A_2316 = arith.constant 304 : index
        %get3A_2317 = tpu.vector_load %arg9[%get3A_2315, %get3A_2316] {strides = array<i32>} : memref<64x768xf32, #tpu.memory_space<vmem>>, vector<16xf32>,
        %add3A_2318 = arith.constant 1 : i32
        %add3A_2319 = arith.addi %add3A_875, %add3A_2318 : i32
        %get3A_2320 = arith.index_cast %add3A_2319 : i32 to index
        %get3A_2321 = arith.constant 304 : index
        %get3A_2322 = tpu.vector_load %arg9[%get3A_2320, %get3A_2321] {strides = array<i32>} : memref<64x768xf32, #tpu.memory_space<vmem>>, vector<16xf32>,
        %get3A_2323 = arith.constant 0 : i32
        %get3A_2324 = arith.index_cast %get3A_2323 : i32 to index
        %get3A_2325 = arith.constant 304 : index
        %get3A_2326 = tpu.vector_load %arg10[%get3A_2324, %get3A_2325] {strides = array<i32>} : memref<8x768xf32, #tpu.memory_space<vmem>>, vector<16xf32>,
        %mul3A_2327 = arith.mulf %get3A_2317, %get3A_2326 : vector<16xf32>
        %add3A_2328 = arith.addf %add3A_2254, %mul3A_2327 : vector<16xf32>
        %mul3A_2329 = arith.mulf %get3A_2322, %get3A_2326 : vector<16xf32>
        %add3A_2330 = arith.addf %add3A_2256, %mul3A_2329 : vector<16xf32>
        %get3A_2331 = arith.constant 1 : i32
        %get3A_2332 = arith.index_cast %get3A_2331 : i32 to index
        %get3A_2333 = arith.constant 304 : index
        %get3A_2334 = tpu.vector_load %arg10[%get3A_2332, %get3A_2333] {strides = array<i32>} : memref<8x768xf32, #tpu.memory_space<vmem>>, vector<16xf32>,
        %mul3A_2335 = arith.mulf %get3A_2317, %get3A_2334 : vector<16xf32>
        %add3A_2336 = arith.addf %add3A_2262, %mul3A_2335 : vector<16xf32>
        %mul3A_2337 = arith.mulf %get3A_2322, %get3A_2334 : vector<16xf32>
        %add3A_2338 = arith.addf %add3A_2264, %mul3A_2337 : vector<16xf32>
        %get3A_2339 = arith.constant 2 : i32
        %get3A_2340 = arith.index_cast %get3A_2339 : i32 to index
        %get3A_2341 = arith.constant 304 : index
        %get3A_2342 = tpu.vector_load %arg10[%get3A_2340, %get3A_2341] {strides = array<i32>} : memref<8x768xf32, #tpu.memory_space<vmem>>, vector<16xf32>,
        %mul3A_2343 = arith.mulf %get3A_2317, %get3A_2342 : vector<16xf32>
        %add3A_2344 = arith.addf %add3A_2270, %mul3A_2343 : vector<16xf32>
        %mul3A_2345 = arith.mulf %get3A_2322, %get3A_2342 : vector<16xf32>
        %add3A_2346 = arith.addf %add3A_2272, %mul3A_2345 : vector<16xf32>
        %get3A_2347 = arith.constant 3 : i32
        %get3A_2348 = arith.index_cast %get3A_2347 : i32 to index
        %get3A_2349 = arith.constant 304 : index
        %get3A_2350 = tpu.vector_load %arg10[%get3A_2348, %get3A_2349] {strides = array<i32>} : memref<8x768xf32, #tpu.memory_space<vmem>>, vector<16xf32>,
        %mul3A_2351 = arith.mulf %get3A_2317, %get3A_2350 : vector<16xf32>
        %add3A_2352 = arith.addf %add3A_2278, %mul3A_2351 : vector<16xf32>
        %mul3A_2353 = arith.mulf %get3A_2322, %get3A_2350 : vector<16xf32>
        %add3A_2354 = arith.addf %add3A_2280, %mul3A_2353 : vector<16xf32>
        %get3A_2355 = arith.constant 4 : i32
        %get3A_2356 = arith.index_cast %get3A_2355 : i32 to index
        %get3A_2357 = arith.constant 304 : index
        %get3A_2358 = tpu.vector_load %arg10[%get3A_2356, %get3A_2357] {strides = array<i32>} : memref<8x768xf32, #tpu.memory_space<vmem>>, vector<16xf32>,
        %mul3A_2359 = arith.mulf %get3A_2317, %get3A_2358 : vector<16xf32>
        %add3A_2360 = arith.addf %add3A_2286, %mul3A_2359 : vector<16xf32>
        %mul3A_2361 = arith.mulf %get3A_2322, %get3A_2358 : vector<16xf32>
        %add3A_2362 = arith.addf %add3A_2288, %mul3A_2361 : vector<16xf32>
        %get3A_2363 = arith.constant 5 : i32
        %get3A_2364 = arith.index_cast %get3A_2363 : i32 to index
        %get3A_2365 = arith.constant 304 : index
        %get3A_2366 = tpu.vector_load %arg10[%get3A_2364, %get3A_2365] {strides = array<i32>} : memref<8x768xf32, #tpu.memory_space<vmem>>, vector<16xf32>,
        %mul3A_2367 = arith.mulf %get3A_2317, %get3A_2366 : vector<16xf32>
        %add3A_2368 = arith.addf %add3A_2294, %mul3A_2367 : vector<16xf32>
        %mul3A_2369 = arith.mulf %get3A_2322, %get3A_2366 : vector<16xf32>
        %add3A_2370 = arith.addf %add3A_2296, %mul3A_2369 : vector<16xf32>
        %get3A_2371 = arith.constant 6 : i32
        %get3A_2372 = arith.index_cast %get3A_2371 : i32 to index
        %get3A_2373 = arith.constant 304 : index
        %get3A_2374 = tpu.vector_load %arg10[%get3A_2372, %get3A_2373] {strides = array<i32>} : memref<8x768xf32, #tpu.memory_space<vmem>>, vector<16xf32>,
        %mul3A_2375 = arith.mulf %get3A_2317, %get3A_2374 : vector<16xf32>
        %add3A_2376 = arith.addf %add3A_2302, %mul3A_2375 : vector<16xf32>
        %mul3A_2377 = arith.mulf %get3A_2322, %get3A_2374 : vector<16xf32>
        %add3A_2378 = arith.addf %add3A_2304, %mul3A_2377 : vector<16xf32>
        %get3A_2379 = arith.constant 7 : i32
        %get3A_2380 = arith.index_cast %get3A_2379 : i32 to index
        %get3A_2381 = arith.constant 304 : index
        %get3A_2382 = tpu.vector_load %arg10[%get3A_2380, %get3A_2381] {strides = array<i32>} : memref<8x768xf32, #tpu.memory_space<vmem>>, vector<16xf32>,
        %mul3A_2383 = arith.mulf %get3A_2317, %get3A_2382 : vector<16xf32>
        %add3A_2384 = arith.addf %add3A_2310, %mul3A_2383 : vector<16xf32>
        %mul3A_2385 = arith.mulf %get3A_2322, %get3A_2382 : vector<16xf32>
        %add3A_2386 = arith.addf %add3A_2312, %mul3A_2385 : vector<16xf32>
        %add3A_2387 = arith.constant 0 : i32
        %add3A_2388 = arith.addi %add3A_875, %add3A_2387 : i32
        %get3A_2389 = arith.index_cast %add3A_2388 : i32 to index
        %get3A_2390 = arith.constant 320 : index
        %get3A_2391 = tpu.vector_load %arg9[%get3A_2389, %get3A_2390] {strides = array<i32>} : memref<64x768xf32, #tpu.memory_space<vmem>>, vector<16xf32>,
        %add3A_2392 = arith.constant 1 : i32
        %add3A_2393 = arith.addi %add3A_875, %add3A_2392 : i32
        %get3A_2394 = arith.index_cast %add3A_2393 : i32 to index
        %get3A_2395 = arith.constant 320 : index
        %get3A_2396 = tpu.vector_load %arg9[%get3A_2394, %get3A_2395] {strides = array<i32>} : memref<64x768xf32, #tpu.memory_space<vmem>>, vector<16xf32>,
        %get3A_2397 = arith.constant 0 : i32
        %get3A_2398 = arith.index_cast %get3A_2397 : i32 to index
        %get3A_2399 = arith.constant 320 : index
        %get3A_2400 = tpu.vector_load %arg10[%get3A_2398, %get3A_2399] {strides = array<i32>} : memref<8x768xf32, #tpu.memory_space<vmem>>, vector<16xf32>,
        %mul3A_2401 = arith.mulf %get3A_2391, %get3A_2400 : vector<16xf32>
        %add3A_2402 = arith.addf %add3A_2328, %mul3A_2401 : vector<16xf32>
        %mul3A_2403 = arith.mulf %get3A_2396, %get3A_2400 : vector<16xf32>
        %add3A_2404 = arith.addf %add3A_2330, %mul3A_2403 : vector<16xf32>
        %get3A_2405 = arith.constant 1 : i32
        %get3A_2406 = arith.index_cast %get3A_2405 : i32 to index
        %get3A_2407 = arith.constant 320 : index
        %get3A_2408 = tpu.vector_load %arg10[%get3A_2406, %get3A_2407] {strides = array<i32>} : memref<8x768xf32, #tpu.memory_space<vmem>>, vector<16xf32>,
        %mul3A_2409 = arith.mulf %get3A_2391, %get3A_2408 : vector<16xf32>
        %add3A_2410 = arith.addf %add3A_2336, %mul3A_2409 : vector<16xf32>
        %mul3A_2411 = arith.mulf %get3A_2396, %get3A_2408 : vector<16xf32>
        %add3A_2412 = arith.addf %add3A_2338, %mul3A_2411 : vector<16xf32>
        %get3A_2413 = arith.constant 2 : i32
        %get3A_2414 = arith.index_cast %get3A_2413 : i32 to index
        %get3A_2415 = arith.constant 320 : index
        %get3A_2416 = tpu.vector_load %arg10[%get3A_2414, %get3A_2415] {strides = array<i32>} : memref<8x768xf32, #tpu.memory_space<vmem>>, vector<16xf32>,
        %mul3A_2417 = arith.mulf %get3A_2391, %get3A_2416 : vector<16xf32>
        %add3A_2418 = arith.addf %add3A_2344, %mul3A_2417 : vector<16xf32>
        %mul3A_2419 = arith.mulf %get3A_2396, %get3A_2416 : vector<16xf32>
        %add3A_2420 = arith.addf %add3A_2346, %mul3A_2419 : vector<16xf32>
        %get3A_2421 = arith.constant 3 : i32
        %get3A_2422 = arith.index_cast %get3A_2421 : i32 to index
        %get3A_2423 = arith.constant 320 : index
        %get3A_2424 = tpu.vector_load %arg10[%get3A_2422, %get3A_2423] {strides = array<i32>} : memref<8x768xf32, #tpu.memory_space<vmem>>, vector<16xf32>,
        %mul3A_2425 = arith.mulf %get3A_2391, %get3A_2424 : vector<16xf32>
        %add3A_2426 = arith.addf %add3A_2352, %mul3A_2425 : vector<16xf32>
        %mul3A_2427 = arith.mulf %get3A_2396, %get3A_2424 : vector<16xf32>
        %add3A_2428 = arith.addf %add3A_2354, %mul3A_2427 : vector<16xf32>
        %get3A_2429 = arith.constant 4 : i32
        %get3A_2430 = arith.index_cast %get3A_2429 : i32 to index
        %get3A_2431 = arith.constant 320 : index
        %get3A_2432 = tpu.vector_load %arg10[%get3A_2430, %get3A_2431] {strides = array<i32>} : memref<8x768xf32, #tpu.memory_space<vmem>>, vector<16xf32>,
        %mul3A_2433 = arith.mulf %get3A_2391, %get3A_2432 : vector<16xf32>
        %add3A_2434 = arith.addf %add3A_2360, %mul3A_2433 : vector<16xf32>
        %mul3A_2435 = arith.mulf %get3A_2396, %get3A_2432 : vector<16xf32>
        %add3A_2436 = arith.addf %add3A_2362, %mul3A_2435 : vector<16xf32>
        %get3A_2437 = arith.constant 5 : i32
        %get3A_2438 = arith.index_cast %get3A_2437 : i32 to index
        %get3A_2439 = arith.constant 320 : index
        %get3A_2440 = tpu.vector_load %arg10[%get3A_2438, %get3A_2439] {strides = array<i32>} : memref<8x768xf32, #tpu.memory_space<vmem>>, vector<16xf32>,
        %mul3A_2441 = arith.mulf %get3A_2391, %get3A_2440 : vector<16xf32>
        %add3A_2442 = arith.addf %add3A_2368, %mul3A_2441 : vector<16xf32>
        %mul3A_2443 = arith.mulf %get3A_2396, %get3A_2440 : vector<16xf32>
        %add3A_2444 = arith.addf %add3A_2370, %mul3A_2443 : vector<16xf32>
        %get3A_2445 = arith.constant 6 : i32
        %get3A_2446 = arith.index_cast %get3A_2445 : i32 to index
        %get3A_2447 = arith.constant 320 : index
        %get3A_2448 = tpu.vector_load %arg10[%get3A_2446, %get3A_2447] {strides = array<i32>} : memref<8x768xf32, #tpu.memory_space<vmem>>, vector<16xf32>,
        %mul3A_2449 = arith.mulf %get3A_2391, %get3A_2448 : vector<16xf32>
        %add3A_2450 = arith.addf %add3A_2376, %mul3A_2449 : vector<16xf32>
        %mul3A_2451 = arith.mulf %get3A_2396, %get3A_2448 : vector<16xf32>
        %add3A_2452 = arith.addf %add3A_2378, %mul3A_2451 : vector<16xf32>
        %get3A_2453 = arith.constant 7 : i32
        %get3A_2454 = arith.index_cast %get3A_2453 : i32 to index
        %get3A_2455 = arith.constant 320 : index
        %get3A_2456 = tpu.vector_load %arg10[%get3A_2454, %get3A_2455] {strides = array<i32>} : memref<8x768xf32, #tpu.memory_space<vmem>>, vector<16xf32>,
        %mul3A_2457 = arith.mulf %get3A_2391, %get3A_2456 : vector<16xf32>
        %add3A_2458 = arith.addf %add3A_2384, %mul3A_2457 : vector<16xf32>
        %mul3A_2459 = arith.mulf %get3A_2396, %get3A_2456 : vector<16xf32>
        %add3A_2460 = arith.addf %add3A_2386, %mul3A_2459 : vector<16xf32>
        %add3A_2461 = arith.constant 0 : i32
        %add3A_2462 = arith.addi %add3A_875, %add3A_2461 : i32
        %get3A_2463 = arith.index_cast %add3A_2462 : i32 to index
        %get3A_2464 = arith.constant 336 : index
        %get3A_2465 = tpu.vector_load %arg9[%get3A_2463, %get3A_2464] {strides = array<i32>} : memref<64x768xf32, #tpu.memory_space<vmem>>, vector<16xf32>,
        %add3A_2466 = arith.constant 1 : i32
        %add3A_2467 = arith.addi %add3A_875, %add3A_2466 : i32
        %get3A_2468 = arith.index_cast %add3A_2467 : i32 to index
        %get3A_2469 = arith.constant 336 : index
        %get3A_2470 = tpu.vector_load %arg9[%get3A_2468, %get3A_2469] {strides = array<i32>} : memref<64x768xf32, #tpu.memory_space<vmem>>, vector<16xf32>,
        %get3A_2471 = arith.constant 0 : i32
        %get3A_2472 = arith.index_cast %get3A_2471 : i32 to index
        %get3A_2473 = arith.constant 336 : index
        %get3A_2474 = tpu.vector_load %arg10[%get3A_2472, %get3A_2473] {strides = array<i32>} : memref<8x768xf32, #tpu.memory_space<vmem>>, vector<16xf32>,
        %mul3A_2475 = arith.mulf %get3A_2465, %get3A_2474 : vector<16xf32>
        %add3A_2476 = arith.addf %add3A_2402, %mul3A_2475 : vector<16xf32>
        %mul3A_2477 = arith.mulf %get3A_2470, %get3A_2474 : vector<16xf32>
        %add3A_2478 = arith.addf %add3A_2404, %mul3A_2477 : vector<16xf32>
        %get3A_2479 = arith.constant 1 : i32
        %get3A_2480 = arith.index_cast %get3A_2479 : i32 to index
        %get3A_2481 = arith.constant 336 : index
        %get3A_2482 = tpu.vector_load %arg10[%get3A_2480, %get3A_2481] {strides = array<i32>} : memref<8x768xf32, #tpu.memory_space<vmem>>, vector<16xf32>,
        %mul3A_2483 = arith.mulf %get3A_2465, %get3A_2482 : vector<16xf32>
        %add3A_2484 = arith.addf %add3A_2410, %mul3A_2483 : vector<16xf32>
        %mul3A_2485 = arith.mulf %get3A_2470, %get3A_2482 : vector<16xf32>
        %add3A_2486 = arith.addf %add3A_2412, %mul3A_2485 : vector<16xf32>
        %get3A_2487 = arith.constant 2 : i32
        %get3A_2488 = arith.index_cast %get3A_2487 : i32 to index
        %get3A_2489 = arith.constant 336 : index
        %get3A_2490 = tpu.vector_load %arg10[%get3A_2488, %get3A_2489] {strides = array<i32>} : memref<8x768xf32, #tpu.memory_space<vmem>>, vector<16xf32>,
        %mul3A_2491 = arith.mulf %get3A_2465, %get3A_2490 : vector<16xf32>
        %add3A_2492 = arith.addf %add3A_2418, %mul3A_2491 : vector<16xf32>
        %mul3A_2493 = arith.mulf %get3A_2470, %get3A_2490 : vector<16xf32>
        %add3A_2494 = arith.addf %add3A_2420, %mul3A_2493 : vector<16xf32>
        %get3A_2495 = arith.constant 3 : i32
        %get3A_2496 = arith.index_cast %get3A_2495 : i32 to index
        %get3A_2497 = arith.constant 336 : index
        %get3A_2498 = tpu.vector_load %arg10[%get3A_2496, %get3A_2497] {strides = array<i32>} : memref<8x768xf32, #tpu.memory_space<vmem>>, vector<16xf32>,
        %mul3A_2499 = arith.mulf %get3A_2465, %get3A_2498 : vector<16xf32>
        %add3A_2500 = arith.addf %add3A_2426, %mul3A_2499 : vector<16xf32>
        %mul3A_2501 = arith.mulf %get3A_2470, %get3A_2498 : vector<16xf32>
        %add3A_2502 = arith.addf %add3A_2428, %mul3A_2501 : vector<16xf32>
        %get3A_2503 = arith.constant 4 : i32
        %get3A_2504 = arith.index_cast %get3A_2503 : i32 to index
        %get3A_2505 = arith.constant 336 : index
        %get3A_2506 = tpu.vector_load %arg10[%get3A_2504, %get3A_2505] {strides = array<i32>} : memref<8x768xf32, #tpu.memory_space<vmem>>, vector<16xf32>,
        %mul3A_2507 = arith.mulf %get3A_2465, %get3A_2506 : vector<16xf32>
        %add3A_2508 = arith.addf %add3A_2434, %mul3A_2507 : vector<16xf32>
        %mul3A_2509 = arith.mulf %get3A_2470, %get3A_2506 : vector<16xf32>
        %add3A_2510 = arith.addf %add3A_2436, %mul3A_2509 : vector<16xf32>
        %get3A_2511 = arith.constant 5 : i32
        %get3A_2512 = arith.index_cast %get3A_2511 : i32 to index
        %get3A_2513 = arith.constant 336 : index
        %get3A_2514 = tpu.vector_load %arg10[%get3A_2512, %get3A_2513] {strides = array<i32>} : memref<8x768xf32, #tpu.memory_space<vmem>>, vector<16xf32>,
        %mul3A_2515 = arith.mulf %get3A_2465, %get3A_2514 : vector<16xf32>
        %add3A_2516 = arith.addf %add3A_2442, %mul3A_2515 : vector<16xf32>
        %mul3A_2517 = arith.mulf %get3A_2470, %get3A_2514 : vector<16xf32>
        %add3A_2518 = arith.addf %add3A_2444, %mul3A_2517 : vector<16xf32>
        %get3A_2519 = arith.constant 6 : i32
        %get3A_2520 = arith.index_cast %get3A_2519 : i32 to index
        %get3A_2521 = arith.constant 336 : index
        %get3A_2522 = tpu.vector_load %arg10[%get3A_2520, %get3A_2521] {strides = array<i32>} : memref<8x768xf32, #tpu.memory_space<vmem>>, vector<16xf32>,
        %mul3A_2523 = arith.mulf %get3A_2465, %get3A_2522 : vector<16xf32>
        %add3A_2524 = arith.addf %add3A_2450, %mul3A_2523 : vector<16xf32>
        %mul3A_2525 = arith.mulf %get3A_2470, %get3A_2522 : vector<16xf32>
        %add3A_2526 = arith.addf %add3A_2452, %mul3A_2525 : vector<16xf32>
        %get3A_2527 = arith.constant 7 : i32
        %get3A_2528 = arith.index_cast %get3A_2527 : i32 to index
        %get3A_2529 = arith.constant 336 : index
        %get3A_2530 = tpu.vector_load %arg10[%get3A_2528, %get3A_2529] {strides = array<i32>} : memref<8x768xf32, #tpu.memory_space<vmem>>, vector<16xf32>,
        %mul3A_2531 = arith.mulf %get3A_2465, %get3A_2530 : vector<16xf32>
        %add3A_2532 = arith.addf %add3A_2458, %mul3A_2531 : vector<16xf32>
        %mul3A_2533 = arith.mulf %get3A_2470, %get3A_2530 : vector<16xf32>
        %add3A_2534 = arith.addf %add3A_2460, %mul3A_2533 : vector<16xf32>
        %add3A_2535 = arith.constant 0 : i32
        %add3A_2536 = arith.addi %add3A_875, %add3A_2535 : i32
        %get3A_2537 = arith.index_cast %add3A_2536 : i32 to index
        %get3A_2538 = arith.constant 352 : index
        %get3A_2539 = tpu.vector_load %arg9[%get3A_2537, %get3A_2538] {strides = array<i32>} : memref<64x768xf32, #tpu.memory_space<vmem>>, vector<16xf32>,
        %add3A_2540 = arith.constant 1 : i32
        %add3A_2541 = arith.addi %add3A_875, %add3A_2540 : i32
        %get3A_2542 = arith.index_cast %add3A_2541 : i32 to index
        %get3A_2543 = arith.constant 352 : index
        %get3A_2544 = tpu.vector_load %arg9[%get3A_2542, %get3A_2543] {strides = array<i32>} : memref<64x768xf32, #tpu.memory_space<vmem>>, vector<16xf32>,
        %get3A_2545 = arith.constant 0 : i32
        %get3A_2546 = arith.index_cast %get3A_2545 : i32 to index
        %get3A_2547 = arith.constant 352 : index
        %get3A_2548 = tpu.vector_load %arg10[%get3A_2546, %get3A_2547] {strides = array<i32>} : memref<8x768xf32, #tpu.memory_space<vmem>>, vector<16xf32>,
        %mul3A_2549 = arith.mulf %get3A_2539, %get3A_2548 : vector<16xf32>
        %add3A_2550 = arith.addf %add3A_2476, %mul3A_2549 : vector<16xf32>
        %mul3A_2551 = arith.mulf %get3A_2544, %get3A_2548 : vector<16xf32>
        %add3A_2552 = arith.addf %add3A_2478, %mul3A_2551 : vector<16xf32>
        %get3A_2553 = arith.constant 1 : i32
        %get3A_2554 = arith.index_cast %get3A_2553 : i32 to index
        %get3A_2555 = arith.constant 352 : index
        %get3A_2556 = tpu.vector_load %arg10[%get3A_2554, %get3A_2555] {strides = array<i32>} : memref<8x768xf32, #tpu.memory_space<vmem>>, vector<16xf32>,
        %mul3A_2557 = arith.mulf %get3A_2539, %get3A_2556 : vector<16xf32>
        %add3A_2558 = arith.addf %add3A_2484, %mul3A_2557 : vector<16xf32>
        %mul3A_2559 = arith.mulf %get3A_2544, %get3A_2556 : vector<16xf32>
        %add3A_2560 = arith.addf %add3A_2486, %mul3A_2559 : vector<16xf32>
        %get3A_2561 = arith.constant 2 : i32
        %get3A_2562 = arith.index_cast %get3A_2561 : i32 to index
        %get3A_2563 = arith.constant 352 : index
        %get3A_2564 = tpu.vector_load %arg10[%get3A_2562, %get3A_2563] {strides = array<i32>} : memref<8x768xf32, #tpu.memory_space<vmem>>, vector<16xf32>,
        %mul3A_2565 = arith.mulf %get3A_2539, %get3A_2564 : vector<16xf32>
        %add3A_2566 = arith.addf %add3A_2492, %mul3A_2565 : vector<16xf32>
        %mul3A_2567 = arith.mulf %get3A_2544, %get3A_2564 : vector<16xf32>
        %add3A_2568 = arith.addf %add3A_2494, %mul3A_2567 : vector<16xf32>
        %get3A_2569 = arith.constant 3 : i32
        %get3A_2570 = arith.index_cast %get3A_2569 : i32 to index
        %get3A_2571 = arith.constant 352 : index
        %get3A_2572 = tpu.vector_load %arg10[%get3A_2570, %get3A_2571] {strides = array<i32>} : memref<8x768xf32, #tpu.memory_space<vmem>>, vector<16xf32>,
        %mul3A_2573 = arith.mulf %get3A_2539, %get3A_2572 : vector<16xf32>
        %add3A_2574 = arith.addf %add3A_2500, %mul3A_2573 : vector<16xf32>
        %mul3A_2575 = arith.mulf %get3A_2544, %get3A_2572 : vector<16xf32>
        %add3A_2576 = arith.addf %add3A_2502, %mul3A_2575 : vector<16xf32>
        %get3A_2577 = arith.constant 4 : i32
        %get3A_2578 = arith.index_cast %get3A_2577 : i32 to index
        %get3A_2579 = arith.constant 352 : index
        %get3A_2580 = tpu.vector_load %arg10[%get3A_2578, %get3A_2579] {strides = array<i32>} : memref<8x768xf32, #tpu.memory_space<vmem>>, vector<16xf32>,
        %mul3A_2581 = arith.mulf %get3A_2539, %get3A_2580 : vector<16xf32>
        %add3A_2582 = arith.addf %add3A_2508, %mul3A_2581 : vector<16xf32>
        %mul3A_2583 = arith.mulf %get3A_2544, %get3A_2580 : vector<16xf32>
        %add3A_2584 = arith.addf %add3A_2510, %mul3A_2583 : vector<16xf32>
        %get3A_2585 = arith.constant 5 : i32
        %get3A_2586 = arith.index_cast %get3A_2585 : i32 to index
        %get3A_2587 = arith.constant 352 : index
        %get3A_2588 = tpu.vector_load %arg10[%get3A_2586, %get3A_2587] {strides = array<i32>} : memref<8x768xf32, #tpu.memory_space<vmem>>, vector<16xf32>,
        %mul3A_2589 = arith.mulf %get3A_2539, %get3A_2588 : vector<16xf32>
        %add3A_2590 = arith.addf %add3A_2516, %mul3A_2589 : vector<16xf32>
        %mul3A_2591 = arith.mulf %get3A_2544, %get3A_2588 : vector<16xf32>
        %add3A_2592 = arith.addf %add3A_2518, %mul3A_2591 : vector<16xf32>
        %get3A_2593 = arith.constant 6 : i32
        %get3A_2594 = arith.index_cast %get3A_2593 : i32 to index
        %get3A_2595 = arith.constant 352 : index
        %get3A_2596 = tpu.vector_load %arg10[%get3A_2594, %get3A_2595] {strides = array<i32>} : memref<8x768xf32, #tpu.memory_space<vmem>>, vector<16xf32>,
        %mul3A_2597 = arith.mulf %get3A_2539, %get3A_2596 : vector<16xf32>
        %add3A_2598 = arith.addf %add3A_2524, %mul3A_2597 : vector<16xf32>
        %mul3A_2599 = arith.mulf %get3A_2544, %get3A_2596 : vector<16xf32>
        %add3A_2600 = arith.addf %add3A_2526, %mul3A_2599 : vector<16xf32>
        %get3A_2601 = arith.constant 7 : i32
        %get3A_2602 = arith.index_cast %get3A_2601 : i32 to index
        %get3A_2603 = arith.constant 352 : index
        %get3A_2604 = tpu.vector_load %arg10[%get3A_2602, %get3A_2603] {strides = array<i32>} : memref<8x768xf32, #tpu.memory_space<vmem>>, vector<16xf32>,
        %mul3A_2605 = arith.mulf %get3A_2539, %get3A_2604 : vector<16xf32>
        %add3A_2606 = arith.addf %add3A_2532, %mul3A_2605 : vector<16xf32>
        %mul3A_2607 = arith.mulf %get3A_2544, %get3A_2604 : vector<16xf32>
        %add3A_2608 = arith.addf %add3A_2534, %mul3A_2607 : vector<16xf32>
        %add3A_2609 = arith.constant 0 : i32
        %add3A_2610 = arith.addi %add3A_875, %add3A_2609 : i32
        %get3A_2611 = arith.index_cast %add3A_2610 : i32 to index
        %get3A_2612 = arith.constant 368 : index
        %get3A_2613 = tpu.vector_load %arg9[%get3A_2611, %get3A_2612] {strides = array<i32>} : memref<64x768xf32, #tpu.memory_space<vmem>>, vector<16xf32>,
        %add3A_2614 = arith.constant 1 : i32
        %add3A_2615 = arith.addi %add3A_875, %add3A_2614 : i32
        %get3A_2616 = arith.index_cast %add3A_2615 : i32 to index
        %get3A_2617 = arith.constant 368 : index
        %get3A_2618 = tpu.vector_load %arg9[%get3A_2616, %get3A_2617] {strides = array<i32>} : memref<64x768xf32, #tpu.memory_space<vmem>>, vector<16xf32>,
        %get3A_2619 = arith.constant 0 : i32
        %get3A_2620 = arith.index_cast %get3A_2619 : i32 to index
        %get3A_2621 = arith.constant 368 : index
        %get3A_2622 = tpu.vector_load %arg10[%get3A_2620, %get3A_2621] {strides = array<i32>} : memref<8x768xf32, #tpu.memory_space<vmem>>, vector<16xf32>,
        %mul3A_2623 = arith.mulf %get3A_2613, %get3A_2622 : vector<16xf32>
        %add3A_2624 = arith.addf %add3A_2550, %mul3A_2623 : vector<16xf32>
        %mul3A_2625 = arith.mulf %get3A_2618, %get3A_2622 : vector<16xf32>
        %add3A_2626 = arith.addf %add3A_2552, %mul3A_2625 : vector<16xf32>
        %get3A_2627 = arith.constant 1 : i32
        %get3A_2628 = arith.index_cast %get3A_2627 : i32 to index
        %get3A_2629 = arith.constant 368 : index
        %get3A_2630 = tpu.vector_load %arg10[%get3A_2628, %get3A_2629] {strides = array<i32>} : memref<8x768xf32, #tpu.memory_space<vmem>>, vector<16xf32>,
        %mul3A_2631 = arith.mulf %get3A_2613, %get3A_2630 : vector<16xf32>
        %add3A_2632 = arith.addf %add3A_2558, %mul3A_2631 : vector<16xf32>
        %mul3A_2633 = arith.mulf %get3A_2618, %get3A_2630 : vector<16xf32>
        %add3A_2634 = arith.addf %add3A_2560, %mul3A_2633 : vector<16xf32>
        %get3A_2635 = arith.constant 2 : i32
        %get3A_2636 = arith.index_cast %get3A_2635 : i32 to index
        %get3A_2637 = arith.constant 368 : index
        %get3A_2638 = tpu.vector_load %arg10[%get3A_2636, %get3A_2637] {strides = array<i32>} : memref<8x768xf32, #tpu.memory_space<vmem>>, vector<16xf32>,
        %mul3A_2639 = arith.mulf %get3A_2613, %get3A_2638 : vector<16xf32>
        %add3A_2640 = arith.addf %add3A_2566, %mul3A_2639 : vector<16xf32>
        %mul3A_2641 = arith.mulf %get3A_2618, %get3A_2638 : vector<16xf32>
        %add3A_2642 = arith.addf %add3A_2568, %mul3A_2641 : vector<16xf32>
        %get3A_2643 = arith.constant 3 : i32
        %get3A_2644 = arith.index_cast %get3A_2643 : i32 to index
        %get3A_2645 = arith.constant 368 : index
        %get3A_2646 = tpu.vector_load %arg10[%get3A_2644, %get3A_2645] {strides = array<i32>} : memref<8x768xf32, #tpu.memory_space<vmem>>, vector<16xf32>,
        %mul3A_2647 = arith.mulf %get3A_2613, %get3A_2646 : vector<16xf32>
        %add3A_2648 = arith.addf %add3A_2574, %mul3A_2647 : vector<16xf32>
        %mul3A_2649 = arith.mulf %get3A_2618, %get3A_2646 : vector<16xf32>
        %add3A_2650 = arith.addf %add3A_2576, %mul3A_2649 : vector<16xf32>
        %get3A_2651 = arith.constant 4 : i32
        %get3A_2652 = arith.index_cast %get3A_2651 : i32 to index
        %get3A_2653 = arith.constant 368 : index
        %get3A_2654 = tpu.vector_load %arg10[%get3A_2652, %get3A_2653] {strides = array<i32>} : memref<8x768xf32, #tpu.memory_space<vmem>>, vector<16xf32>,
        %mul3A_2655 = arith.mulf %get3A_2613, %get3A_2654 : vector<16xf32>
        %add3A_2656 = arith.addf %add3A_2582, %mul3A_2655 : vector<16xf32>
        %mul3A_2657 = arith.mulf %get3A_2618, %get3A_2654 : vector<16xf32>
        %add3A_2658 = arith.addf %add3A_2584, %mul3A_2657 : vector<16xf32>
        %get3A_2659 = arith.constant 5 : i32
        %get3A_2660 = arith.index_cast %get3A_2659 : i32 to index
        %get3A_2661 = arith.constant 368 : index
        %get3A_2662 = tpu.vector_load %arg10[%get3A_2660, %get3A_2661] {strides = array<i32>} : memref<8x768xf32, #tpu.memory_space<vmem>>, vector<16xf32>,
        %mul3A_2663 = arith.mulf %get3A_2613, %get3A_2662 : vector<16xf32>
        %add3A_2664 = arith.addf %add3A_2590, %mul3A_2663 : vector<16xf32>
        %mul3A_2665 = arith.mulf %get3A_2618, %get3A_2662 : vector<16xf32>
        %add3A_2666 = arith.addf %add3A_2592, %mul3A_2665 : vector<16xf32>
        %get3A_2667 = arith.constant 6 : i32
        %get3A_2668 = arith.index_cast %get3A_2667 : i32 to index
        %get3A_2669 = arith.constant 368 : index
        %get3A_2670 = tpu.vector_load %arg10[%get3A_2668, %get3A_2669] {strides = array<i32>} : memref<8x768xf32, #tpu.memory_space<vmem>>, vector<16xf32>,
        %mul3A_2671 = arith.mulf %get3A_2613, %get3A_2670 : vector<16xf32>
        %add3A_2672 = arith.addf %add3A_2598, %mul3A_2671 : vector<16xf32>
        %mul3A_2673 = arith.mulf %get3A_2618, %get3A_2670 : vector<16xf32>
        %add3A_2674 = arith.addf %add3A_2600, %mul3A_2673 : vector<16xf32>
        %get3A_2675 = arith.constant 7 : i32
        %get3A_2676 = arith.index_cast %get3A_2675 : i32 to index
        %get3A_2677 = arith.constant 368 : index
        %get3A_2678 = tpu.vector_load %arg10[%get3A_2676, %get3A_2677] {strides = array<i32>} : memref<8x768xf32, #tpu.memory_space<vmem>>, vector<16xf32>,
        %mul3A_2679 = arith.mulf %get3A_2613, %get3A_2678 : vector<16xf32>
        %add3A_2680 = arith.addf %add3A_2606, %mul3A_2679 : vector<16xf32>
        %mul3A_2681 = arith.mulf %get3A_2618, %get3A_2678 : vector<16xf32>
        %add3A_2682 = arith.addf %add3A_2608, %mul3A_2681 : vector<16xf32>
        %add3A_2683 = arith.constant 0 : i32
        %add3A_2684 = arith.addi %add3A_875, %add3A_2683 : i32
        %get3A_2685 = arith.index_cast %add3A_2684 : i32 to index
        %get3A_2686 = arith.constant 384 : index
        %get3A_2687 = tpu.vector_load %arg9[%get3A_2685, %get3A_2686] {strides = array<i32>} : memref<64x768xf32, #tpu.memory_space<vmem>>, vector<16xf32>,
        %add3A_2688 = arith.constant 1 : i32
        %add3A_2689 = arith.addi %add3A_875, %add3A_2688 : i32
        %get3A_2690 = arith.index_cast %add3A_2689 : i32 to index
        %get3A_2691 = arith.constant 384 : index
        %get3A_2692 = tpu.vector_load %arg9[%get3A_2690, %get3A_2691] {strides = array<i32>} : memref<64x768xf32, #tpu.memory_space<vmem>>, vector<16xf32>,
        %get3A_2693 = arith.constant 0 : i32
        %get3A_2694 = arith.index_cast %get3A_2693 : i32 to index
        %get3A_2695 = arith.constant 384 : index
        %get3A_2696 = tpu.vector_load %arg10[%get3A_2694, %get3A_2695] {strides = array<i32>} : memref<8x768xf32, #tpu.memory_space<vmem>>, vector<16xf32>,
        %mul3A_2697 = arith.mulf %get3A_2687, %get3A_2696 : vector<16xf32>
        %add3A_2698 = arith.addf %add3A_2624, %mul3A_2697 : vector<16xf32>
        %mul3A_2699 = arith.mulf %get3A_2692, %get3A_2696 : vector<16xf32>
        %add3A_2700 = arith.addf %add3A_2626, %mul3A_2699 : vector<16xf32>
        %get3A_2701 = arith.constant 1 : i32
        %get3A_2702 = arith.index_cast %get3A_2701 : i32 to index
        %get3A_2703 = arith.constant 384 : index
        %get3A_2704 = tpu.vector_load %arg10[%get3A_2702, %get3A_2703] {strides = array<i32>} : memref<8x768xf32, #tpu.memory_space<vmem>>, vector<16xf32>,
        %mul3A_2705 = arith.mulf %get3A_2687, %get3A_2704 : vector<16xf32>
        %add3A_2706 = arith.addf %add3A_2632, %mul3A_2705 : vector<16xf32>
        %mul3A_2707 = arith.mulf %get3A_2692, %get3A_2704 : vector<16xf32>
        %add3A_2708 = arith.addf %add3A_2634, %mul3A_2707 : vector<16xf32>
        %get3A_2709 = arith.constant 2 : i32
        %get3A_2710 = arith.index_cast %get3A_2709 : i32 to index
        %get3A_2711 = arith.constant 384 : index
        %get3A_2712 = tpu.vector_load %arg10[%get3A_2710, %get3A_2711] {strides = array<i32>} : memref<8x768xf32, #tpu.memory_space<vmem>>, vector<16xf32>,
        %mul3A_2713 = arith.mulf %get3A_2687, %get3A_2712 : vector<16xf32>
        %add3A_2714 = arith.addf %add3A_2640, %mul3A_2713 : vector<16xf32>
        %mul3A_2715 = arith.mulf %get3A_2692, %get3A_2712 : vector<16xf32>
        %add3A_2716 = arith.addf %add3A_2642, %mul3A_2715 : vector<16xf32>
        %get3A_2717 = arith.constant 3 : i32
        %get3A_2718 = arith.index_cast %get3A_2717 : i32 to index
        %get3A_2719 = arith.constant 384 : index
        %get3A_2720 = tpu.vector_load %arg10[%get3A_2718, %get3A_2719] {strides = array<i32>} : memref<8x768xf32, #tpu.memory_space<vmem>>, vector<16xf32>,
        %mul3A_2721 = arith.mulf %get3A_2687, %get3A_2720 : vector<16xf32>
        %add3A_2722 = arith.addf %add3A_2648, %mul3A_2721 : vector<16xf32>
        %mul3A_2723 = arith.mulf %get3A_2692, %get3A_2720 : vector<16xf32>
        %add3A_2724 = arith.addf %add3A_2650, %mul3A_2723 : vector<16xf32>
        %get3A_2725 = arith.constant 4 : i32
        %get3A_2726 = arith.index_cast %get3A_2725 : i32 to index
        %get3A_2727 = arith.constant 384 : index
        %get3A_2728 = tpu.vector_load %arg10[%get3A_2726, %get3A_2727] {strides = array<i32>} : memref<8x768xf32, #tpu.memory_space<vmem>>, vector<16xf32>,
        %mul3A_2729 = arith.mulf %get3A_2687, %get3A_2728 : vector<16xf32>
        %add3A_2730 = arith.addf %add3A_2656, %mul3A_2729 : vector<16xf32>
        %mul3A_2731 = arith.mulf %get3A_2692, %get3A_2728 : vector<16xf32>
        %add3A_2732 = arith.addf %add3A_2658, %mul3A_2731 : vector<16xf32>
        %get3A_2733 = arith.constant 5 : i32
        %get3A_2734 = arith.index_cast %get3A_2733 : i32 to index
        %get3A_2735 = arith.constant 384 : index
        %get3A_2736 = tpu.vector_load %arg10[%get3A_2734, %get3A_2735] {strides = array<i32>} : memref<8x768xf32, #tpu.memory_space<vmem>>, vector<16xf32>,
        %mul3A_2737 = arith.mulf %get3A_2687, %get3A_2736 : vector<16xf32>
        %add3A_2738 = arith.addf %add3A_2664, %mul3A_2737 : vector<16xf32>
        %mul3A_2739 = arith.mulf %get3A_2692, %get3A_2736 : vector<16xf32>
        %add3A_2740 = arith.addf %add3A_2666, %mul3A_2739 : vector<16xf32>
        %get3A_2741 = arith.constant 6 : i32
        %get3A_2742 = arith.index_cast %get3A_2741 : i32 to index
        %get3A_2743 = arith.constant 384 : index
        %get3A_2744 = tpu.vector_load %arg10[%get3A_2742, %get3A_2743] {strides = array<i32>} : memref<8x768xf32, #tpu.memory_space<vmem>>, vector<16xf32>,
        %mul3A_2745 = arith.mulf %get3A_2687, %get3A_2744 : vector<16xf32>
        %add3A_2746 = arith.addf %add3A_2672, %mul3A_2745 : vector<16xf32>
        %mul3A_2747 = arith.mulf %get3A_2692, %get3A_2744 : vector<16xf32>
        %add3A_2748 = arith.addf %add3A_2674, %mul3A_2747 : vector<16xf32>
        %get3A_2749 = arith.constant 7 : i32
        %get3A_2750 = arith.index_cast %get3A_2749 : i32 to index
        %get3A_2751 = arith.constant 384 : index
        %get3A_2752 = tpu.vector_load %arg10[%get3A_2750, %get3A_2751] {strides = array<i32>} : memref<8x768xf32, #tpu.memory_space<vmem>>, vector<16xf32>,
        %mul3A_2753 = arith.mulf %get3A_2687, %get3A_2752 : vector<16xf32>
        %add3A_2754 = arith.addf %add3A_2680, %mul3A_2753 : vector<16xf32>
        %mul3A_2755 = arith.mulf %get3A_2692, %get3A_2752 : vector<16xf32>
        %add3A_2756 = arith.addf %add3A_2682, %mul3A_2755 : vector<16xf32>
        %add3A_2757 = arith.constant 0 : i32
        %add3A_2758 = arith.addi %add3A_875, %add3A_2757 : i32
        %get3A_2759 = arith.index_cast %add3A_2758 : i32 to index
        %get3A_2760 = arith.constant 400 : index
        %get3A_2761 = tpu.vector_load %arg9[%get3A_2759, %get3A_2760] {strides = array<i32>} : memref<64x768xf32, #tpu.memory_space<vmem>>, vector<16xf32>,
        %add3A_2762 = arith.constant 1 : i32
        %add3A_2763 = arith.addi %add3A_875, %add3A_2762 : i32
        %get3A_2764 = arith.index_cast %add3A_2763 : i32 to index
        %get3A_2765 = arith.constant 400 : index
        %get3A_2766 = tpu.vector_load %arg9[%get3A_2764, %get3A_2765] {strides = array<i32>} : memref<64x768xf32, #tpu.memory_space<vmem>>, vector<16xf32>,
        %get3A_2767 = arith.constant 0 : i32
        %get3A_2768 = arith.index_cast %get3A_2767 : i32 to index
        %get3A_2769 = arith.constant 400 : index
        %get3A_2770 = tpu.vector_load %arg10[%get3A_2768, %get3A_2769] {strides = array<i32>} : memref<8x768xf32, #tpu.memory_space<vmem>>, vector<16xf32>,
        %mul3A_2771 = arith.mulf %get3A_2761, %get3A_2770 : vector<16xf32>
        %add3A_2772 = arith.addf %add3A_2698, %mul3A_2771 : vector<16xf32>
        %mul3A_2773 = arith.mulf %get3A_2766, %get3A_2770 : vector<16xf32>
        %add3A_2774 = arith.addf %add3A_2700, %mul3A_2773 : vector<16xf32>
        %get3A_2775 = arith.constant 1 : i32
        %get3A_2776 = arith.index_cast %get3A_2775 : i32 to index
        %get3A_2777 = arith.constant 400 : index
        %get3A_2778 = tpu.vector_load %arg10[%get3A_2776, %get3A_2777] {strides = array<i32>} : memref<8x768xf32, #tpu.memory_space<vmem>>, vector<16xf32>,
        %mul3A_2779 = arith.mulf %get3A_2761, %get3A_2778 : vector<16xf32>
        %add3A_2780 = arith.addf %add3A_2706, %mul3A_2779 : vector<16xf32>
        %mul3A_2781 = arith.mulf %get3A_2766, %get3A_2778 : vector<16xf32>
        %add3A_2782 = arith.addf %add3A_2708, %mul3A_2781 : vector<16xf32>
        %get3A_2783 = arith.constant 2 : i32
        %get3A_2784 = arith.index_cast %get3A_2783 : i32 to index
        %get3A_2785 = arith.constant 400 : index
        %get3A_2786 = tpu.vector_load %arg10[%get3A_2784, %get3A_2785] {strides = array<i32>} : memref<8x768xf32, #tpu.memory_space<vmem>>, vector<16xf32>,
        %mul3A_2787 = arith.mulf %get3A_2761, %get3A_2786 : vector<16xf32>
        %add3A_2788 = arith.addf %add3A_2714, %mul3A_2787 : vector<16xf32>
        %mul3A_2789 = arith.mulf %get3A_2766, %get3A_2786 : vector<16xf32>
        %add3A_2790 = arith.addf %add3A_2716, %mul3A_2789 : vector<16xf32>
        %get3A_2791 = arith.constant 3 : i32
        %get3A_2792 = arith.index_cast %get3A_2791 : i32 to index
        %get3A_2793 = arith.constant 400 : index
        %get3A_2794 = tpu.vector_load %arg10[%get3A_2792, %get3A_2793] {strides = array<i32>} : memref<8x768xf32, #tpu.memory_space<vmem>>, vector<16xf32>,
        %mul3A_2795 = arith.mulf %get3A_2761, %get3A_2794 : vector<16xf32>
        %add3A_2796 = arith.addf %add3A_2722, %mul3A_2795 : vector<16xf32>
        %mul3A_2797 = arith.mulf %get3A_2766, %get3A_2794 : vector<16xf32>
        %add3A_2798 = arith.addf %add3A_2724, %mul3A_2797 : vector<16xf32>
        %get3A_2799 = arith.constant 4 : i32
        %get3A_2800 = arith.index_cast %get3A_2799 : i32 to index
        %get3A_2801 = arith.constant 400 : index
        %get3A_2802 = tpu.vector_load %arg10[%get3A_2800, %get3A_2801] {strides = array<i32>} : memref<8x768xf32, #tpu.memory_space<vmem>>, vector<16xf32>,
        %mul3A_2803 = arith.mulf %get3A_2761, %get3A_2802 : vector<16xf32>
        %add3A_2804 = arith.addf %add3A_2730, %mul3A_2803 : vector<16xf32>
        %mul3A_2805 = arith.mulf %get3A_2766, %get3A_2802 : vector<16xf32>
        %add3A_2806 = arith.addf %add3A_2732, %mul3A_2805 : vector<16xf32>
        %get3A_2807 = arith.constant 5 : i32
        %get3A_2808 = arith.index_cast %get3A_2807 : i32 to index
        %get3A_2809 = arith.constant 400 : index
        %get3A_2810 = tpu.vector_load %arg10[%get3A_2808, %get3A_2809] {strides = array<i32>} : memref<8x768xf32, #tpu.memory_space<vmem>>, vector<16xf32>,
        %mul3A_2811 = arith.mulf %get3A_2761, %get3A_2810 : vector<16xf32>
        %add3A_2812 = arith.addf %add3A_2738, %mul3A_2811 : vector<16xf32>
        %mul3A_2813 = arith.mulf %get3A_2766, %get3A_2810 : vector<16xf32>
        %add3A_2814 = arith.addf %add3A_2740, %mul3A_2813 : vector<16xf32>
        %get3A_2815 = arith.constant 6 : i32
        %get3A_2816 = arith.index_cast %get3A_2815 : i32 to index
        %get3A_2817 = arith.constant 400 : index
        %get3A_2818 = tpu.vector_load %arg10[%get3A_2816, %get3A_2817] {strides = array<i32>} : memref<8x768xf32, #tpu.memory_space<vmem>>, vector<16xf32>,
        %mul3A_2819 = arith.mulf %get3A_2761, %get3A_2818 : vector<16xf32>
        %add3A_2820 = arith.addf %add3A_2746, %mul3A_2819 : vector<16xf32>
        %mul3A_2821 = arith.mulf %get3A_2766, %get3A_2818 : vector<16xf32>
        %add3A_2822 = arith.addf %add3A_2748, %mul3A_2821 : vector<16xf32>
        %get3A_2823 = arith.constant 7 : i32
        %get3A_2824 = arith.index_cast %get3A_2823 : i32 to index
        %get3A_2825 = arith.constant 400 : index
        %get3A_2826 = tpu.vector_load %arg10[%get3A_2824, %get3A_2825] {strides = array<i32>} : memref<8x768xf32, #tpu.memory_space<vmem>>, vector<16xf32>,
        %mul3A_2827 = arith.mulf %get3A_2761, %get3A_2826 : vector<16xf32>
        %add3A_2828 = arith.addf %add3A_2754, %mul3A_2827 : vector<16xf32>
        %mul3A_2829 = arith.mulf %get3A_2766, %get3A_2826 : vector<16xf32>
        %add3A_2830 = arith.addf %add3A_2756, %mul3A_2829 : vector<16xf32>
        %add3A_2831 = arith.constant 0 : i32
        %add3A_2832 = arith.addi %add3A_875, %add3A_2831 : i32
        %get3A_2833 = arith.index_cast %add3A_2832 : i32 to index
        %get3A_2834 = arith.constant 416 : index
        %get3A_2835 = tpu.vector_load %arg9[%get3A_2833, %get3A_2834] {strides = array<i32>} : memref<64x768xf32, #tpu.memory_space<vmem>>, vector<16xf32>,
        %add3A_2836 = arith.constant 1 : i32
        %add3A_2837 = arith.addi %add3A_875, %add3A_2836 : i32
        %get3A_2838 = arith.index_cast %add3A_2837 : i32 to index
        %get3A_2839 = arith.constant 416 : index
        %get3A_2840 = tpu.vector_load %arg9[%get3A_2838, %get3A_2839] {strides = array<i32>} : memref<64x768xf32, #tpu.memory_space<vmem>>, vector<16xf32>,
        %get3A_2841 = arith.constant 0 : i32
        %get3A_2842 = arith.index_cast %get3A_2841 : i32 to index
        %get3A_2843 = arith.constant 416 : index
        %get3A_2844 = tpu.vector_load %arg10[%get3A_2842, %get3A_2843] {strides = array<i32>} : memref<8x768xf32, #tpu.memory_space<vmem>>, vector<16xf32>,
        %mul3A_2845 = arith.mulf %get3A_2835, %get3A_2844 : vector<16xf32>
        %add3A_2846 = arith.addf %add3A_2772, %mul3A_2845 : vector<16xf32>
        %mul3A_2847 = arith.mulf %get3A_2840, %get3A_2844 : vector<16xf32>
        %add3A_2848 = arith.addf %add3A_2774, %mul3A_2847 : vector<16xf32>
        %get3A_2849 = arith.constant 1 : i32
        %get3A_2850 = arith.index_cast %get3A_2849 : i32 to index
        %get3A_2851 = arith.constant 416 : index
        %get3A_2852 = tpu.vector_load %arg10[%get3A_2850, %get3A_2851] {strides = array<i32>} : memref<8x768xf32, #tpu.memory_space<vmem>>, vector<16xf32>,
        %mul3A_2853 = arith.mulf %get3A_2835, %get3A_2852 : vector<16xf32>
        %add3A_2854 = arith.addf %add3A_2780, %mul3A_2853 : vector<16xf32>
        %mul3A_2855 = arith.mulf %get3A_2840, %get3A_2852 : vector<16xf32>
        %add3A_2856 = arith.addf %add3A_2782, %mul3A_2855 : vector<16xf32>
        %get3A_2857 = arith.constant 2 : i32
        %get3A_2858 = arith.index_cast %get3A_2857 : i32 to index
        %get3A_2859 = arith.constant 416 : index
        %get3A_2860 = tpu.vector_load %arg10[%get3A_2858, %get3A_2859] {strides = array<i32>} : memref<8x768xf32, #tpu.memory_space<vmem>>, vector<16xf32>,
        %mul3A_2861 = arith.mulf %get3A_2835, %get3A_2860 : vector<16xf32>
        %add3A_2862 = arith.addf %add3A_2788, %mul3A_2861 : vector<16xf32>
        %mul3A_2863 = arith.mulf %get3A_2840, %get3A_2860 : vector<16xf32>
        %add3A_2864 = arith.addf %add3A_2790, %mul3A_2863 : vector<16xf32>
        %get3A_2865 = arith.constant 3 : i32
        %get3A_2866 = arith.index_cast %get3A_2865 : i32 to index
        %get3A_2867 = arith.constant 416 : index
        %get3A_2868 = tpu.vector_load %arg10[%get3A_2866, %get3A_2867] {strides = array<i32>} : memref<8x768xf32, #tpu.memory_space<vmem>>, vector<16xf32>,
        %mul3A_2869 = arith.mulf %get3A_2835, %get3A_2868 : vector<16xf32>
        %add3A_2870 = arith.addf %add3A_2796, %mul3A_2869 : vector<16xf32>
        %mul3A_2871 = arith.mulf %get3A_2840, %get3A_2868 : vector<16xf32>
        %add3A_2872 = arith.addf %add3A_2798, %mul3A_2871 : vector<16xf32>
        %get3A_2873 = arith.constant 4 : i32
        %get3A_2874 = arith.index_cast %get3A_2873 : i32 to index
        %get3A_2875 = arith.constant 416 : index
        %get3A_2876 = tpu.vector_load %arg10[%get3A_2874, %get3A_2875] {strides = array<i32>} : memref<8x768xf32, #tpu.memory_space<vmem>>, vector<16xf32>,
        %mul3A_2877 = arith.mulf %get3A_2835, %get3A_2876 : vector<16xf32>
        %add3A_2878 = arith.addf %add3A_2804, %mul3A_2877 : vector<16xf32>
        %mul3A_2879 = arith.mulf %get3A_2840, %get3A_2876 : vector<16xf32>
        %add3A_2880 = arith.addf %add3A_2806, %mul3A_2879 : vector<16xf32>
        %get3A_2881 = arith.constant 5 : i32
        %get3A_2882 = arith.index_cast %get3A_2881 : i32 to index
        %get3A_2883 = arith.constant 416 : index
        %get3A_2884 = tpu.vector_load %arg10[%get3A_2882, %get3A_2883] {strides = array<i32>} : memref<8x768xf32, #tpu.memory_space<vmem>>, vector<16xf32>,
        %mul3A_2885 = arith.mulf %get3A_2835, %get3A_2884 : vector<16xf32>
        %add3A_2886 = arith.addf %add3A_2812, %mul3A_2885 : vector<16xf32>
        %mul3A_2887 = arith.mulf %get3A_2840, %get3A_2884 : vector<16xf32>
        %add3A_2888 = arith.addf %add3A_2814, %mul3A_2887 : vector<16xf32>
        %get3A_2889 = arith.constant 6 : i32
        %get3A_2890 = arith.index_cast %get3A_2889 : i32 to index
        %get3A_2891 = arith.constant 416 : index
        %get3A_2892 = tpu.vector_load %arg10[%get3A_2890, %get3A_2891] {strides = array<i32>} : memref<8x768xf32, #tpu.memory_space<vmem>>, vector<16xf32>,
        %mul3A_2893 = arith.mulf %get3A_2835, %get3A_2892 : vector<16xf32>
        %add3A_2894 = arith.addf %add3A_2820, %mul3A_2893 : vector<16xf32>
        %mul3A_2895 = arith.mulf %get3A_2840, %get3A_2892 : vector<16xf32>
        %add3A_2896 = arith.addf %add3A_2822, %mul3A_2895 : vector<16xf32>
        %get3A_2897 = arith.constant 7 : i32
        %get3A_2898 = arith.index_cast %get3A_2897 : i32 to index
        %get3A_2899 = arith.constant 416 : index
        %get3A_2900 = tpu.vector_load %arg10[%get3A_2898, %get3A_2899] {strides = array<i32>} : memref<8x768xf32, #tpu.memory_space<vmem>>, vector<16xf32>,
        %mul3A_2901 = arith.mulf %get3A_2835, %get3A_2900 : vector<16xf32>
        %add3A_2902 = arith.addf %add3A_2828, %mul3A_2901 : vector<16xf32>
        %mul3A_2903 = arith.mulf %get3A_2840, %get3A_2900 : vector<16xf32>
        %add3A_2904 = arith.addf %add3A_2830, %mul3A_2903 : vector<16xf32>
        %add3A_2905 = arith.constant 0 : i32
        %add3A_2906 = arith.addi %add3A_875, %add3A_2905 : i32
        %get3A_2907 = arith.index_cast %add3A_2906 : i32 to index
        %get3A_2908 = arith.constant 432 : index
        %get3A_2909 = tpu.vector_load %arg9[%get3A_2907, %get3A_2908] {strides = array<i32>} : memref<64x768xf32, #tpu.memory_space<vmem>>, vector<16xf32>,
        %add3A_2910 = arith.constant 1 : i32
        %add3A_2911 = arith.addi %add3A_875, %add3A_2910 : i32
        %get3A_2912 = arith.index_cast %add3A_2911 : i32 to index
        %get3A_2913 = arith.constant 432 : index
        %get3A_2914 = tpu.vector_load %arg9[%get3A_2912, %get3A_2913] {strides = array<i32>} : memref<64x768xf32, #tpu.memory_space<vmem>>, vector<16xf32>,
        %get3A_2915 = arith.constant 0 : i32
        %get3A_2916 = arith.index_cast %get3A_2915 : i32 to index
        %get3A_2917 = arith.constant 432 : index
        %get3A_2918 = tpu.vector_load %arg10[%get3A_2916, %get3A_2917] {strides = array<i32>} : memref<8x768xf32, #tpu.memory_space<vmem>>, vector<16xf32>,
        %mul3A_2919 = arith.mulf %get3A_2909, %get3A_2918 : vector<16xf32>
        %add3A_2920 = arith.addf %add3A_2846, %mul3A_2919 : vector<16xf32>
        %mul3A_2921 = arith.mulf %get3A_2914, %get3A_2918 : vector<16xf32>
        %add3A_2922 = arith.addf %add3A_2848, %mul3A_2921 : vector<16xf32>
        %get3A_2923 = arith.constant 1 : i32
        %get3A_2924 = arith.index_cast %get3A_2923 : i32 to index
        %get3A_2925 = arith.constant 432 : index
        %get3A_2926 = tpu.vector_load %arg10[%get3A_2924, %get3A_2925] {strides = array<i32>} : memref<8x768xf32, #tpu.memory_space<vmem>>, vector<16xf32>,
        %mul3A_2927 = arith.mulf %get3A_2909, %get3A_2926 : vector<16xf32>
        %add3A_2928 = arith.addf %add3A_2854, %mul3A_2927 : vector<16xf32>
        %mul3A_2929 = arith.mulf %get3A_2914, %get3A_2926 : vector<16xf32>
        %add3A_2930 = arith.addf %add3A_2856, %mul3A_2929 : vector<16xf32>
        %get3A_2931 = arith.constant 2 : i32
        %get3A_2932 = arith.index_cast %get3A_2931 : i32 to index
        %get3A_2933 = arith.constant 432 : index
        %get3A_2934 = tpu.vector_load %arg10[%get3A_2932, %get3A_2933] {strides = array<i32>} : memref<8x768xf32, #tpu.memory_space<vmem>>, vector<16xf32>,
        %mul3A_2935 = arith.mulf %get3A_2909, %get3A_2934 : vector<16xf32>
        %add3A_2936 = arith.addf %add3A_2862, %mul3A_2935 : vector<16xf32>
        %mul3A_2937 = arith.mulf %get3A_2914, %get3A_2934 : vector<16xf32>
        %add3A_2938 = arith.addf %add3A_2864, %mul3A_2937 : vector<16xf32>
        %get3A_2939 = arith.constant 3 : i32
        %get3A_2940 = arith.index_cast %get3A_2939 : i32 to index
        %get3A_2941 = arith.constant 432 : index
        %get3A_2942 = tpu.vector_load %arg10[%get3A_2940, %get3A_2941] {strides = array<i32>} : memref<8x768xf32, #tpu.memory_space<vmem>>, vector<16xf32>,
        %mul3A_2943 = arith.mulf %get3A_2909, %get3A_2942 : vector<16xf32>
        %add3A_2944 = arith.addf %add3A_2870, %mul3A_2943 : vector<16xf32>
        %mul3A_2945 = arith.mulf %get3A_2914, %get3A_2942 : vector<16xf32>
        %add3A_2946 = arith.addf %add3A_2872, %mul3A_2945 : vector<16xf32>
        %get3A_2947 = arith.constant 4 : i32
        %get3A_2948 = arith.index_cast %get3A_2947 : i32 to index
        %get3A_2949 = arith.constant 432 : index
        %get3A_2950 = tpu.vector_load %arg10[%get3A_2948, %get3A_2949] {strides = array<i32>} : memref<8x768xf32, #tpu.memory_space<vmem>>, vector<16xf32>,
        %mul3A_2951 = arith.mulf %get3A_2909, %get3A_2950 : vector<16xf32>
        %add3A_2952 = arith.addf %add3A_2878, %mul3A_2951 : vector<16xf32>
        %mul3A_2953 = arith.mulf %get3A_2914, %get3A_2950 : vector<16xf32>
        %add3A_2954 = arith.addf %add3A_2880, %mul3A_2953 : vector<16xf32>
        %get3A_2955 = arith.constant 5 : i32
        %get3A_2956 = arith.index_cast %get3A_2955 : i32 to index
        %get3A_2957 = arith.constant 432 : index
        %get3A_2958 = tpu.vector_load %arg10[%get3A_2956, %get3A_2957] {strides = array<i32>} : memref<8x768xf32, #tpu.memory_space<vmem>>, vector<16xf32>,
        %mul3A_2959 = arith.mulf %get3A_2909, %get3A_2958 : vector<16xf32>
        %add3A_2960 = arith.addf %add3A_2886, %mul3A_2959 : vector<16xf32>
        %mul3A_2961 = arith.mulf %get3A_2914, %get3A_2958 : vector<16xf32>
        %add3A_2962 = arith.addf %add3A_2888, %mul3A_2961 : vector<16xf32>
        %get3A_2963 = arith.constant 6 : i32
        %get3A_2964 = arith.index_cast %get3A_2963 : i32 to index
        %get3A_2965 = arith.constant 432 : index
        %get3A_2966 = tpu.vector_load %arg10[%get3A_2964, %get3A_2965] {strides = array<i32>} : memref<8x768xf32, #tpu.memory_space<vmem>>, vector<16xf32>,
        %mul3A_2967 = arith.mulf %get3A_2909, %get3A_2966 : vector<16xf32>
        %add3A_2968 = arith.addf %add3A_2894, %mul3A_2967 : vector<16xf32>
        %mul3A_2969 = arith.mulf %get3A_2914, %get3A_2966 : vector<16xf32>
        %add3A_2970 = arith.addf %add3A_2896, %mul3A_2969 : vector<16xf32>
        %get3A_2971 = arith.constant 7 : i32
        %get3A_2972 = arith.index_cast %get3A_2971 : i32 to index
        %get3A_2973 = arith.constant 432 : index
        %get3A_2974 = tpu.vector_load %arg10[%get3A_2972, %get3A_2973] {strides = array<i32>} : memref<8x768xf32, #tpu.memory_space<vmem>>, vector<16xf32>,
        %mul3A_2975 = arith.mulf %get3A_2909, %get3A_2974 : vector<16xf32>
        %add3A_2976 = arith.addf %add3A_2902, %mul3A_2975 : vector<16xf32>
        %mul3A_2977 = arith.mulf %get3A_2914, %get3A_2974 : vector<16xf32>
        %add3A_2978 = arith.addf %add3A_2904, %mul3A_2977 : vector<16xf32>
        %add3A_2979 = arith.constant 0 : i32
        %add3A_2980 = arith.addi %add3A_875, %add3A_2979 : i32
        %get3A_2981 = arith.index_cast %add3A_2980 : i32 to index
        %get3A_2982 = arith.constant 448 : index
        %get3A_2983 = tpu.vector_load %arg9[%get3A_2981, %get3A_2982] {strides = array<i32>} : memref<64x768xf32, #tpu.memory_space<vmem>>, vector<16xf32>,
        %add3A_2984 = arith.constant 1 : i32
        %add3A_2985 = arith.addi %add3A_875, %add3A_2984 : i32
        %get3A_2986 = arith.index_cast %add3A_2985 : i32 to index
        %get3A_2987 = arith.constant 448 : index
        %get3A_2988 = tpu.vector_load %arg9[%get3A_2986, %get3A_2987] {strides = array<i32>} : memref<64x768xf32, #tpu.memory_space<vmem>>, vector<16xf32>,
        %get3A_2989 = arith.constant 0 : i32
        %get3A_2990 = arith.index_cast %get3A_2989 : i32 to index
        %get3A_2991 = arith.constant 448 : index
        %get3A_2992 = tpu.vector_load %arg10[%get3A_2990, %get3A_2991] {strides = array<i32>} : memref<8x768xf32, #tpu.memory_space<vmem>>, vector<16xf32>,
        %mul3A_2993 = arith.mulf %get3A_2983, %get3A_2992 : vector<16xf32>
        %add3A_2994 = arith.addf %add3A_2920, %mul3A_2993 : vector<16xf32>
        %mul3A_2995 = arith.mulf %get3A_2988, %get3A_2992 : vector<16xf32>
        %add3A_2996 = arith.addf %add3A_2922, %mul3A_2995 : vector<16xf32>
        %get3A_2997 = arith.constant 1 : i32
        %get3A_2998 = arith.index_cast %get3A_2997 : i32 to index
        %get3A_2999 = arith.constant 448 : index
        %get3A_3000 = tpu.vector_load %arg10[%get3A_2998, %get3A_2999] {strides = array<i32>} : memref<8x768xf32, #tpu.memory_space<vmem>>, vector<16xf32>,
        %mul3A_3001 = arith.mulf %get3A_2983, %get3A_3000 : vector<16xf32>
        %add3A_3002 = arith.addf %add3A_2928, %mul3A_3001 : vector<16xf32>
        %mul3A_3003 = arith.mulf %get3A_2988, %get3A_3000 : vector<16xf32>
        %add3A_3004 = arith.addf %add3A_2930, %mul3A_3003 : vector<16xf32>
        %get3A_3005 = arith.constant 2 : i32
        %get3A_3006 = arith.index_cast %get3A_3005 : i32 to index
        %get3A_3007 = arith.constant 448 : index
        %get3A_3008 = tpu.vector_load %arg10[%get3A_3006, %get3A_3007] {strides = array<i32>} : memref<8x768xf32, #tpu.memory_space<vmem>>, vector<16xf32>,
        %mul3A_3009 = arith.mulf %get3A_2983, %get3A_3008 : vector<16xf32>
        %add3A_3010 = arith.addf %add3A_2936, %mul3A_3009 : vector<16xf32>
        %mul3A_3011 = arith.mulf %get3A_2988, %get3A_3008 : vector<16xf32>
        %add3A_3012 = arith.addf %add3A_2938, %mul3A_3011 : vector<16xf32>
        %get3A_3013 = arith.constant 3 : i32
        %get3A_3014 = arith.index_cast %get3A_3013 : i32 to index
        %get3A_3015 = arith.constant 448 : index
        %get3A_3016 = tpu.vector_load %arg10[%get3A_3014, %get3A_3015] {strides = array<i32>} : memref<8x768xf32, #tpu.memory_space<vmem>>, vector<16xf32>,
        %mul3A_3017 = arith.mulf %get3A_2983, %get3A_3016 : vector<16xf32>
        %add3A_3018 = arith.addf %add3A_2944, %mul3A_3017 : vector<16xf32>
        %mul3A_3019 = arith.mulf %get3A_2988, %get3A_3016 : vector<16xf32>
        %add3A_3020 = arith.addf %add3A_2946, %mul3A_3019 : vector<16xf32>
        %get3A_3021 = arith.constant 4 : i32
        %get3A_3022 = arith.index_cast %get3A_3021 : i32 to index
        %get3A_3023 = arith.constant 448 : index
        %get3A_3024 = tpu.vector_load %arg10[%get3A_3022, %get3A_3023] {strides = array<i32>} : memref<8x768xf32, #tpu.memory_space<vmem>>, vector<16xf32>,
        %mul3A_3025 = arith.mulf %get3A_2983, %get3A_3024 : vector<16xf32>
        %add3A_3026 = arith.addf %add3A_2952, %mul3A_3025 : vector<16xf32>
        %mul3A_3027 = arith.mulf %get3A_2988, %get3A_3024 : vector<16xf32>
        %add3A_3028 = arith.addf %add3A_2954, %mul3A_3027 : vector<16xf32>
        %get3A_3029 = arith.constant 5 : i32
        %get3A_3030 = arith.index_cast %get3A_3029 : i32 to index
        %get3A_3031 = arith.constant 448 : index
        %get3A_3032 = tpu.vector_load %arg10[%get3A_3030, %get3A_3031] {strides = array<i32>} : memref<8x768xf32, #tpu.memory_space<vmem>>, vector<16xf32>,
        %mul3A_3033 = arith.mulf %get3A_2983, %get3A_3032 : vector<16xf32>
        %add3A_3034 = arith.addf %add3A_2960, %mul3A_3033 : vector<16xf32>
        %mul3A_3035 = arith.mulf %get3A_2988, %get3A_3032 : vector<16xf32>
        %add3A_3036 = arith.addf %add3A_2962, %mul3A_3035 : vector<16xf32>
        %get3A_3037 = arith.constant 6 : i32
        %get3A_3038 = arith.index_cast %get3A_3037 : i32 to index
        %get3A_3039 = arith.constant 448 : index
        %get3A_3040 = tpu.vector_load %arg10[%get3A_3038, %get3A_3039] {strides = array<i32>} : memref<8x768xf32, #tpu.memory_space<vmem>>, vector<16xf32>,
        %mul3A_3041 = arith.mulf %get3A_2983, %get3A_3040 : vector<16xf32>
        %add3A_3042 = arith.addf %add3A_2968, %mul3A_3041 : vector<16xf32>
        %mul3A_3043 = arith.mulf %get3A_2988, %get3A_3040 : vector<16xf32>
        %add3A_3044 = arith.addf %add3A_2970, %mul3A_3043 : vector<16xf32>
        %get3A_3045 = arith.constant 7 : i32
        %get3A_3046 = arith.index_cast %get3A_3045 : i32 to index
        %get3A_3047 = arith.constant 448 : index
        %get3A_3048 = tpu.vector_load %arg10[%get3A_3046, %get3A_3047] {strides = array<i32>} : memref<8x768xf32, #tpu.memory_space<vmem>>, vector<16xf32>,
        %mul3A_3049 = arith.mulf %get3A_2983, %get3A_3048 : vector<16xf32>
        %add3A_3050 = arith.addf %add3A_2976, %mul3A_3049 : vector<16xf32>
        %mul3A_3051 = arith.mulf %get3A_2988, %get3A_3048 : vector<16xf32>
        %add3A_3052 = arith.addf %add3A_2978, %mul3A_3051 : vector<16xf32>
        %add3A_3053 = arith.constant 0 : i32
        %add3A_3054 = arith.addi %add3A_875, %add3A_3053 : i32
        %get3A_3055 = arith.index_cast %add3A_3054 : i32 to index
        %get3A_3056 = arith.constant 464 : index
        %get3A_3057 = tpu.vector_load %arg9[%get3A_3055, %get3A_3056] {strides = array<i32>} : memref<64x768xf32, #tpu.memory_space<vmem>>, vector<16xf32>,
        %add3A_3058 = arith.constant 1 : i32
        %add3A_3059 = arith.addi %add3A_875, %add3A_3058 : i32
        %get3A_3060 = arith.index_cast %add3A_3059 : i32 to index
        %get3A_3061 = arith.constant 464 : index
        %get3A_3062 = tpu.vector_load %arg9[%get3A_3060, %get3A_3061] {strides = array<i32>} : memref<64x768xf32, #tpu.memory_space<vmem>>, vector<16xf32>,
        %get3A_3063 = arith.constant 0 : i32
        %get3A_3064 = arith.index_cast %get3A_3063 : i32 to index
        %get3A_3065 = arith.constant 464 : index
        %get3A_3066 = tpu.vector_load %arg10[%get3A_3064, %get3A_3065] {strides = array<i32>} : memref<8x768xf32, #tpu.memory_space<vmem>>, vector<16xf32>,
        %mul3A_3067 = arith.mulf %get3A_3057, %get3A_3066 : vector<16xf32>
        %add3A_3068 = arith.addf %add3A_2994, %mul3A_3067 : vector<16xf32>
        %mul3A_3069 = arith.mulf %get3A_3062, %get3A_3066 : vector<16xf32>
        %add3A_3070 = arith.addf %add3A_2996, %mul3A_3069 : vector<16xf32>
        %get3A_3071 = arith.constant 1 : i32
        %get3A_3072 = arith.index_cast %get3A_3071 : i32 to index
        %get3A_3073 = arith.constant 464 : index
        %get3A_3074 = tpu.vector_load %arg10[%get3A_3072, %get3A_3073] {strides = array<i32>} : memref<8x768xf32, #tpu.memory_space<vmem>>, vector<16xf32>,
        %mul3A_3075 = arith.mulf %get3A_3057, %get3A_3074 : vector<16xf32>
        %add3A_3076 = arith.addf %add3A_3002, %mul3A_3075 : vector<16xf32>
        %mul3A_3077 = arith.mulf %get3A_3062, %get3A_3074 : vector<16xf32>
        %add3A_3078 = arith.addf %add3A_3004, %mul3A_3077 : vector<16xf32>
        %get3A_3079 = arith.constant 2 : i32
        %get3A_3080 = arith.index_cast %get3A_3079 : i32 to index
        %get3A_3081 = arith.constant 464 : index
        %get3A_3082 = tpu.vector_load %arg10[%get3A_3080, %get3A_3081] {strides = array<i32>} : memref<8x768xf32, #tpu.memory_space<vmem>>, vector<16xf32>,
        %mul3A_3083 = arith.mulf %get3A_3057, %get3A_3082 : vector<16xf32>
        %add3A_3084 = arith.addf %add3A_3010, %mul3A_3083 : vector<16xf32>
        %mul3A_3085 = arith.mulf %get3A_3062, %get3A_3082 : vector<16xf32>
        %add3A_3086 = arith.addf %add3A_3012, %mul3A_3085 : vector<16xf32>
        %get3A_3087 = arith.constant 3 : i32
        %get3A_3088 = arith.index_cast %get3A_3087 : i32 to index
        %get3A_3089 = arith.constant 464 : index
        %get3A_3090 = tpu.vector_load %arg10[%get3A_3088, %get3A_3089] {strides = array<i32>} : memref<8x768xf32, #tpu.memory_space<vmem>>, vector<16xf32>,
        %mul3A_3091 = arith.mulf %get3A_3057, %get3A_3090 : vector<16xf32>
        %add3A_3092 = arith.addf %add3A_3018, %mul3A_3091 : vector<16xf32>
        %mul3A_3093 = arith.mulf %get3A_3062, %get3A_3090 : vector<16xf32>
        %add3A_3094 = arith.addf %add3A_3020, %mul3A_3093 : vector<16xf32>
        %get3A_3095 = arith.constant 4 : i32
        %get3A_3096 = arith.index_cast %get3A_3095 : i32 to index
        %get3A_3097 = arith.constant 464 : index
        %get3A_3098 = tpu.vector_load %arg10[%get3A_3096, %get3A_3097] {strides = array<i32>} : memref<8x768xf32, #tpu.memory_space<vmem>>, vector<16xf32>,
        %mul3A_3099 = arith.mulf %get3A_3057, %get3A_3098 : vector<16xf32>
        %add3A_3100 = arith.addf %add3A_3026, %mul3A_3099 : vector<16xf32>
        %mul3A_3101 = arith.mulf %get3A_3062, %get3A_3098 : vector<16xf32>
        %add3A_3102 = arith.addf %add3A_3028, %mul3A_3101 : vector<16xf32>
        %get3A_3103 = arith.constant 5 : i32
        %get3A_3104 = arith.index_cast %get3A_3103 : i32 to index
        %get3A_3105 = arith.constant 464 : index
        %get3A_3106 = tpu.vector_load %arg10[%get3A_3104, %get3A_3105] {strides = array<i32>} : memref<8x768xf32, #tpu.memory_space<vmem>>, vector<16xf32>,
        %mul3A_3107 = arith.mulf %get3A_3057, %get3A_3106 : vector<16xf32>
        %add3A_3108 = arith.addf %add3A_3034, %mul3A_3107 : vector<16xf32>
        %mul3A_3109 = arith.mulf %get3A_3062, %get3A_3106 : vector<16xf32>
        %add3A_3110 = arith.addf %add3A_3036, %mul3A_3109 : vector<16xf32>
        %get3A_3111 = arith.constant 6 : i32
        %get3A_3112 = arith.index_cast %get3A_3111 : i32 to index
        %get3A_3113 = arith.constant 464 : index
        %get3A_3114 = tpu.vector_load %arg10[%get3A_3112, %get3A_3113] {strides = array<i32>} : memref<8x768xf32, #tpu.memory_space<vmem>>, vector<16xf32>,
        %mul3A_3115 = arith.mulf %get3A_3057, %get3A_3114 : vector<16xf32>
        %add3A_3116 = arith.addf %add3A_3042, %mul3A_3115 : vector<16xf32>
        %mul3A_3117 = arith.mulf %get3A_3062, %get3A_3114 : vector<16xf32>
        %add3A_3118 = arith.addf %add3A_3044, %mul3A_3117 : vector<16xf32>
        %get3A_3119 = arith.constant 7 : i32
        %get3A_3120 = arith.index_cast %get3A_3119 : i32 to index
        %get3A_3121 = arith.constant 464 : index
        %get3A_3122 = tpu.vector_load %arg10[%get3A_3120, %get3A_3121] {strides = array<i32>} : memref<8x768xf32, #tpu.memory_space<vmem>>, vector<16xf32>,
        %mul3A_3123 = arith.mulf %get3A_3057, %get3A_3122 : vector<16xf32>
        %add3A_3124 = arith.addf %add3A_3050, %mul3A_3123 : vector<16xf32>
        %mul3A_3125 = arith.mulf %get3A_3062, %get3A_3122 : vector<16xf32>
        %add3A_3126 = arith.addf %add3A_3052, %mul3A_3125 : vector<16xf32>
        %add3A_3127 = arith.constant 0 : i32
        %add3A_3128 = arith.addi %add3A_875, %add3A_3127 : i32
        %get3A_3129 = arith.index_cast %add3A_3128 : i32 to index
        %get3A_3130 = arith.constant 480 : index
        %get3A_3131 = tpu.vector_load %arg9[%get3A_3129, %get3A_3130] {strides = array<i32>} : memref<64x768xf32, #tpu.memory_space<vmem>>, vector<16xf32>,
        %add3A_3132 = arith.constant 1 : i32
        %add3A_3133 = arith.addi %add3A_875, %add3A_3132 : i32
        %get3A_3134 = arith.index_cast %add3A_3133 : i32 to index
        %get3A_3135 = arith.constant 480 : index
        %get3A_3136 = tpu.vector_load %arg9[%get3A_3134, %get3A_3135] {strides = array<i32>} : memref<64x768xf32, #tpu.memory_space<vmem>>, vector<16xf32>,
        %get3A_3137 = arith.constant 0 : i32
        %get3A_3138 = arith.index_cast %get3A_3137 : i32 to index
        %get3A_3139 = arith.constant 480 : index
        %get3A_3140 = tpu.vector_load %arg10[%get3A_3138, %get3A_3139] {strides = array<i32>} : memref<8x768xf32, #tpu.memory_space<vmem>>, vector<16xf32>,
        %mul3A_3141 = arith.mulf %get3A_3131, %get3A_3140 : vector<16xf32>
        %add3A_3142 = arith.addf %add3A_3068, %mul3A_3141 : vector<16xf32>
        %mul3A_3143 = arith.mulf %get3A_3136, %get3A_3140 : vector<16xf32>
        %add3A_3144 = arith.addf %add3A_3070, %mul3A_3143 : vector<16xf32>
        %get3A_3145 = arith.constant 1 : i32
        %get3A_3146 = arith.index_cast %get3A_3145 : i32 to index
        %get3A_3147 = arith.constant 480 : index
        %get3A_3148 = tpu.vector_load %arg10[%get3A_3146, %get3A_3147] {strides = array<i32>} : memref<8x768xf32, #tpu.memory_space<vmem>>, vector<16xf32>,
        %mul3A_3149 = arith.mulf %get3A_3131, %get3A_3148 : vector<16xf32>
        %add3A_3150 = arith.addf %add3A_3076, %mul3A_3149 : vector<16xf32>
        %mul3A_3151 = arith.mulf %get3A_3136, %get3A_3148 : vector<16xf32>
        %add3A_3152 = arith.addf %add3A_3078, %mul3A_3151 : vector<16xf32>
        %get3A_3153 = arith.constant 2 : i32
        %get3A_3154 = arith.index_cast %get3A_3153 : i32 to index
        %get3A_3155 = arith.constant 480 : index
        %get3A_3156 = tpu.vector_load %arg10[%get3A_3154, %get3A_3155] {strides = array<i32>} : memref<8x768xf32, #tpu.memory_space<vmem>>, vector<16xf32>,
        %mul3A_3157 = arith.mulf %get3A_3131, %get3A_3156 : vector<16xf32>
        %add3A_3158 = arith.addf %add3A_3084, %mul3A_3157 : vector<16xf32>
        %mul3A_3159 = arith.mulf %get3A_3136, %get3A_3156 : vector<16xf32>
        %add3A_3160 = arith.addf %add3A_3086, %mul3A_3159 : vector<16xf32>
        %get3A_3161 = arith.constant 3 : i32
        %get3A_3162 = arith.index_cast %get3A_3161 : i32 to index
        %get3A_3163 = arith.constant 480 : index
        %get3A_3164 = tpu.vector_load %arg10[%get3A_3162, %get3A_3163] {strides = array<i32>} : memref<8x768xf32, #tpu.memory_space<vmem>>, vector<16xf32>,
        %mul3A_3165 = arith.mulf %get3A_3131, %get3A_3164 : vector<16xf32>
        %add3A_3166 = arith.addf %add3A_3092, %mul3A_3165 : vector<16xf32>
        %mul3A_3167 = arith.mulf %get3A_3136, %get3A_3164 : vector<16xf32>
        %add3A_3168 = arith.addf %add3A_3094, %mul3A_3167 : vector<16xf32>
        %get3A_3169 = arith.constant 4 : i32
        %get3A_3170 = arith.index_cast %get3A_3169 : i32 to index
        %get3A_3171 = arith.constant 480 : index
        %get3A_3172 = tpu.vector_load %arg10[%get3A_3170, %get3A_3171] {strides = array<i32>} : memref<8x768xf32, #tpu.memory_space<vmem>>, vector<16xf32>,
        %mul3A_3173 = arith.mulf %get3A_3131, %get3A_3172 : vector<16xf32>
        %add3A_3174 = arith.addf %add3A_3100, %mul3A_3173 : vector<16xf32>
        %mul3A_3175 = arith.mulf %get3A_3136, %get3A_3172 : vector<16xf32>
        %add3A_3176 = arith.addf %add3A_3102, %mul3A_3175 : vector<16xf32>
        %get3A_3177 = arith.constant 5 : i32
        %get3A_3178 = arith.index_cast %get3A_3177 : i32 to index
        %get3A_3179 = arith.constant 480 : index
        %get3A_3180 = tpu.vector_load %arg10[%get3A_3178, %get3A_3179] {strides = array<i32>} : memref<8x768xf32, #tpu.memory_space<vmem>>, vector<16xf32>,
        %mul3A_3181 = arith.mulf %get3A_3131, %get3A_3180 : vector<16xf32>
        %add3A_3182 = arith.addf %add3A_3108, %mul3A_3181 : vector<16xf32>
        %mul3A_3183 = arith.mulf %get3A_3136, %get3A_3180 : vector<16xf32>
        %add3A_3184 = arith.addf %add3A_3110, %mul3A_3183 : vector<16xf32>
        %get3A_3185 = arith.constant 6 : i32
        %get3A_3186 = arith.index_cast %get3A_3185 : i32 to index
        %get3A_3187 = arith.constant 480 : index
        %get3A_3188 = tpu.vector_load %arg10[%get3A_3186, %get3A_3187] {strides = array<i32>} : memref<8x768xf32, #tpu.memory_space<vmem>>, vector<16xf32>,
        %mul3A_3189 = arith.mulf %get3A_3131, %get3A_3188 : vector<16xf32>
        %add3A_3190 = arith.addf %add3A_3116, %mul3A_3189 : vector<16xf32>
        %mul3A_3191 = arith.mulf %get3A_3136, %get3A_3188 : vector<16xf32>
        %add3A_3192 = arith.addf %add3A_3118, %mul3A_3191 : vector<16xf32>
        %get3A_3193 = arith.constant 7 : i32
        %get3A_3194 = arith.index_cast %get3A_3193 : i32 to index
        %get3A_3195 = arith.constant 480 : index
        %get3A_3196 = tpu.vector_load %arg10[%get3A_3194, %get3A_3195] {strides = array<i32>} : memref<8x768xf32, #tpu.memory_space<vmem>>, vector<16xf32>,
        %mul3A_3197 = arith.mulf %get3A_3131, %get3A_3196 : vector<16xf32>
        %add3A_3198 = arith.addf %add3A_3124, %mul3A_3197 : vector<16xf32>
        %mul3A_3199 = arith.mulf %get3A_3136, %get3A_3196 : vector<16xf32>
        %add3A_3200 = arith.addf %add3A_3126, %mul3A_3199 : vector<16xf32>
        %add3A_3201 = arith.constant 0 : i32
        %add3A_3202 = arith.addi %add3A_875, %add3A_3201 : i32
        %get3A_3203 = arith.index_cast %add3A_3202 : i32 to index
        %get3A_3204 = arith.constant 496 : index
        %get3A_3205 = tpu.vector_load %arg9[%get3A_3203, %get3A_3204] {strides = array<i32>} : memref<64x768xf32, #tpu.memory_space<vmem>>, vector<16xf32>,
        %add3A_3206 = arith.constant 1 : i32
        %add3A_3207 = arith.addi %add3A_875, %add3A_3206 : i32
        %get3A_3208 = arith.index_cast %add3A_3207 : i32 to index
        %get3A_3209 = arith.constant 496 : index
        %get3A_3210 = tpu.vector_load %arg9[%get3A_3208, %get3A_3209] {strides = array<i32>} : memref<64x768xf32, #tpu.memory_space<vmem>>, vector<16xf32>,
        %get3A_3211 = arith.constant 0 : i32
        %get3A_3212 = arith.index_cast %get3A_3211 : i32 to index
        %get3A_3213 = arith.constant 496 : index
        %get3A_3214 = tpu.vector_load %arg10[%get3A_3212, %get3A_3213] {strides = array<i32>} : memref<8x768xf32, #tpu.memory_space<vmem>>, vector<16xf32>,
        %mul3A_3215 = arith.mulf %get3A_3205, %get3A_3214 : vector<16xf32>
        %add3A_3216 = arith.addf %add3A_3142, %mul3A_3215 : vector<16xf32>
        %mul3A_3217 = arith.mulf %get3A_3210, %get3A_3214 : vector<16xf32>
        %add3A_3218 = arith.addf %add3A_3144, %mul3A_3217 : vector<16xf32>
        %get3A_3219 = arith.constant 1 : i32
        %get3A_3220 = arith.index_cast %get3A_3219 : i32 to index
        %get3A_3221 = arith.constant 496 : index
        %get3A_3222 = tpu.vector_load %arg10[%get3A_3220, %get3A_3221] {strides = array<i32>} : memref<8x768xf32, #tpu.memory_space<vmem>>, vector<16xf32>,
        %mul3A_3223 = arith.mulf %get3A_3205, %get3A_3222 : vector<16xf32>
        %add3A_3224 = arith.addf %add3A_3150, %mul3A_3223 : vector<16xf32>
        %mul3A_3225 = arith.mulf %get3A_3210, %get3A_3222 : vector<16xf32>
        %add3A_3226 = arith.addf %add3A_3152, %mul3A_3225 : vector<16xf32>
        %get3A_3227 = arith.constant 2 : i32
        %get3A_3228 = arith.index_cast %get3A_3227 : i32 to index
        %get3A_3229 = arith.constant 496 : index
        %get3A_3230 = tpu.vector_load %arg10[%get3A_3228, %get3A_3229] {strides = array<i32>} : memref<8x768xf32, #tpu.memory_space<vmem>>, vector<16xf32>,
        %mul3A_3231 = arith.mulf %get3A_3205, %get3A_3230 : vector<16xf32>
        %add3A_3232 = arith.addf %add3A_3158, %mul3A_3231 : vector<16xf32>
        %mul3A_3233 = arith.mulf %get3A_3210, %get3A_3230 : vector<16xf32>
        %add3A_3234 = arith.addf %add3A_3160, %mul3A_3233 : vector<16xf32>
        %get3A_3235 = arith.constant 3 : i32
        %get3A_3236 = arith.index_cast %get3A_3235 : i32 to index
        %get3A_3237 = arith.constant 496 : index
        %get3A_3238 = tpu.vector_load %arg10[%get3A_3236, %get3A_3237] {strides = array<i32>} : memref<8x768xf32, #tpu.memory_space<vmem>>, vector<16xf32>,
        %mul3A_3239 = arith.mulf %get3A_3205, %get3A_3238 : vector<16xf32>
        %add3A_3240 = arith.addf %add3A_3166, %mul3A_3239 : vector<16xf32>
        %mul3A_3241 = arith.mulf %get3A_3210, %get3A_3238 : vector<16xf32>
        %add3A_3242 = arith.addf %add3A_3168, %mul3A_3241 : vector<16xf32>
        %get3A_3243 = arith.constant 4 : i32
        %get3A_3244 = arith.index_cast %get3A_3243 : i32 to index
        %get3A_3245 = arith.constant 496 : index
        %get3A_3246 = tpu.vector_load %arg10[%get3A_3244, %get3A_3245] {strides = array<i32>} : memref<8x768xf32, #tpu.memory_space<vmem>>, vector<16xf32>,
        %mul3A_3247 = arith.mulf %get3A_3205, %get3A_3246 : vector<16xf32>
        %add3A_3248 = arith.addf %add3A_3174, %mul3A_3247 : vector<16xf32>
        %mul3A_3249 = arith.mulf %get3A_3210, %get3A_3246 : vector<16xf32>
        %add3A_3250 = arith.addf %add3A_3176, %mul3A_3249 : vector<16xf32>
        %get3A_3251 = arith.constant 5 : i32
        %get3A_3252 = arith.index_cast %get3A_3251 : i32 to index
        %get3A_3253 = arith.constant 496 : index
        %get3A_3254 = tpu.vector_load %arg10[%get3A_3252, %get3A_3253] {strides = array<i32>} : memref<8x768xf32, #tpu.memory_space<vmem>>, vector<16xf32>,
        %mul3A_3255 = arith.mulf %get3A_3205, %get3A_3254 : vector<16xf32>
        %add3A_3256 = arith.addf %add3A_3182, %mul3A_3255 : vector<16xf32>
        %mul3A_3257 = arith.mulf %get3A_3210, %get3A_3254 : vector<16xf32>
        %add3A_3258 = arith.addf %add3A_3184, %mul3A_3257 : vector<16xf32>
        %get3A_3259 = arith.constant 6 : i32
        %get3A_3260 = arith.index_cast %get3A_3259 : i32 to index
        %get3A_3261 = arith.constant 496 : index
        %get3A_3262 = tpu.vector_load %arg10[%get3A_3260, %get3A_3261] {strides = array<i32>} : memref<8x768xf32, #tpu.memory_space<vmem>>, vector<16xf32>,
        %mul3A_3263 = arith.mulf %get3A_3205, %get3A_3262 : vector<16xf32>
        %add3A_3264 = arith.addf %add3A_3190, %mul3A_3263 : vector<16xf32>
        %mul3A_3265 = arith.mulf %get3A_3210, %get3A_3262 : vector<16xf32>
        %add3A_3266 = arith.addf %add3A_3192, %mul3A_3265 : vector<16xf32>
        %get3A_3267 = arith.constant 7 : i32
        %get3A_3268 = arith.index_cast %get3A_3267 : i32 to index
        %get3A_3269 = arith.constant 496 : index
        %get3A_3270 = tpu.vector_load %arg10[%get3A_3268, %get3A_3269] {strides = array<i32>} : memref<8x768xf32, #tpu.memory_space<vmem>>, vector<16xf32>,
        %mul3A_3271 = arith.mulf %get3A_3205, %get3A_3270 : vector<16xf32>
        %add3A_3272 = arith.addf %add3A_3198, %mul3A_3271 : vector<16xf32>
        %mul3A_3273 = arith.mulf %get3A_3210, %get3A_3270 : vector<16xf32>
        %add3A_3274 = arith.addf %add3A_3200, %mul3A_3273 : vector<16xf32>
        %add3A_3275 = arith.constant 0 : i32
        %add3A_3276 = arith.addi %add3A_875, %add3A_3275 : i32
        %get3A_3277 = arith.index_cast %add3A_3276 : i32 to index
        %get3A_3278 = arith.constant 512 : index
        %get3A_3279 = tpu.vector_load %arg9[%get3A_3277, %get3A_3278] {strides = array<i32>} : memref<64x768xf32, #tpu.memory_space<vmem>>, vector<16xf32>,
        %add3A_3280 = arith.constant 1 : i32
        %add3A_3281 = arith.addi %add3A_875, %add3A_3280 : i32
        %get3A_3282 = arith.index_cast %add3A_3281 : i32 to index
        %get3A_3283 = arith.constant 512 : index
        %get3A_3284 = tpu.vector_load %arg9[%get3A_3282, %get3A_3283] {strides = array<i32>} : memref<64x768xf32, #tpu.memory_space<vmem>>, vector<16xf32>,
        %get3A_3285 = arith.constant 0 : i32
        %get3A_3286 = arith.index_cast %get3A_3285 : i32 to index
        %get3A_3287 = arith.constant 512 : index
        %get3A_3288 = tpu.vector_load %arg10[%get3A_3286, %get3A_3287] {strides = array<i32>} : memref<8x768xf32, #tpu.memory_space<vmem>>, vector<16xf32>,
        %mul3A_3289 = arith.mulf %get3A_3279, %get3A_3288 : vector<16xf32>
        %add3A_3290 = arith.addf %add3A_3216, %mul3A_3289 : vector<16xf32>
        %mul3A_3291 = arith.mulf %get3A_3284, %get3A_3288 : vector<16xf32>
        %add3A_3292 = arith.addf %add3A_3218, %mul3A_3291 : vector<16xf32>
        %get3A_3293 = arith.constant 1 : i32
        %get3A_3294 = arith.index_cast %get3A_3293 : i32 to index
        %get3A_3295 = arith.constant 512 : index
        %get3A_3296 = tpu.vector_load %arg10[%get3A_3294, %get3A_3295] {strides = array<i32>} : memref<8x768xf32, #tpu.memory_space<vmem>>, vector<16xf32>,
        %mul3A_3297 = arith.mulf %get3A_3279, %get3A_3296 : vector<16xf32>
        %add3A_3298 = arith.addf %add3A_3224, %mul3A_3297 : vector<16xf32>
        %mul3A_3299 = arith.mulf %get3A_3284, %get3A_3296 : vector<16xf32>
        %add3A_3300 = arith.addf %add3A_3226, %mul3A_3299 : vector<16xf32>
        %get3A_3301 = arith.constant 2 : i32
        %get3A_3302 = arith.index_cast %get3A_3301 : i32 to index
        %get3A_3303 = arith.constant 512 : index
        %get3A_3304 = tpu.vector_load %arg10[%get3A_3302, %get3A_3303] {strides = array<i32>} : memref<8x768xf32, #tpu.memory_space<vmem>>, vector<16xf32>,
        %mul3A_3305 = arith.mulf %get3A_3279, %get3A_3304 : vector<16xf32>
        %add3A_3306 = arith.addf %add3A_3232, %mul3A_3305 : vector<16xf32>
        %mul3A_3307 = arith.mulf %get3A_3284, %get3A_3304 : vector<16xf32>
        %add3A_3308 = arith.addf %add3A_3234, %mul3A_3307 : vector<16xf32>
        %get3A_3309 = arith.constant 3 : i32
        %get3A_3310 = arith.index_cast %get3A_3309 : i32 to index
        %get3A_3311 = arith.constant 512 : index
        %get3A_3312 = tpu.vector_load %arg10[%get3A_3310, %get3A_3311] {strides = array<i32>} : memref<8x768xf32, #tpu.memory_space<vmem>>, vector<16xf32>,
        %mul3A_3313 = arith.mulf %get3A_3279, %get3A_3312 : vector<16xf32>
        %add3A_3314 = arith.addf %add3A_3240, %mul3A_3313 : vector<16xf32>
        %mul3A_3315 = arith.mulf %get3A_3284, %get3A_3312 : vector<16xf32>
        %add3A_3316 = arith.addf %add3A_3242, %mul3A_3315 : vector<16xf32>
        %get3A_3317 = arith.constant 4 : i32
        %get3A_3318 = arith.index_cast %get3A_3317 : i32 to index
        %get3A_3319 = arith.constant 512 : index
        %get3A_3320 = tpu.vector_load %arg10[%get3A_3318, %get3A_3319] {strides = array<i32>} : memref<8x768xf32, #tpu.memory_space<vmem>>, vector<16xf32>,
        %mul3A_3321 = arith.mulf %get3A_3279, %get3A_3320 : vector<16xf32>
        %add3A_3322 = arith.addf %add3A_3248, %mul3A_3321 : vector<16xf32>
        %mul3A_3323 = arith.mulf %get3A_3284, %get3A_3320 : vector<16xf32>
        %add3A_3324 = arith.addf %add3A_3250, %mul3A_3323 : vector<16xf32>
        %get3A_3325 = arith.constant 5 : i32
        %get3A_3326 = arith.index_cast %get3A_3325 : i32 to index
        %get3A_3327 = arith.constant 512 : index
        %get3A_3328 = tpu.vector_load %arg10[%get3A_3326, %get3A_3327] {strides = array<i32>} : memref<8x768xf32, #tpu.memory_space<vmem>>, vector<16xf32>,
        %mul3A_3329 = arith.mulf %get3A_3279, %get3A_3328 : vector<16xf32>
        %add3A_3330 = arith.addf %add3A_3256, %mul3A_3329 : vector<16xf32>
        %mul3A_3331 = arith.mulf %get3A_3284, %get3A_3328 : vector<16xf32>
        %add3A_3332 = arith.addf %add3A_3258, %mul3A_3331 : vector<16xf32>
        %get3A_3333 = arith.constant 6 : i32
        %get3A_3334 = arith.index_cast %get3A_3333 : i32 to index
        %get3A_3335 = arith.constant 512 : index
        %get3A_3336 = tpu.vector_load %arg10[%get3A_3334, %get3A_3335] {strides = array<i32>} : memref<8x768xf32, #tpu.memory_space<vmem>>, vector<16xf32>,
        %mul3A_3337 = arith.mulf %get3A_3279, %get3A_3336 : vector<16xf32>
        %add3A_3338 = arith.addf %add3A_3264, %mul3A_3337 : vector<16xf32>
        %mul3A_3339 = arith.mulf %get3A_3284, %get3A_3336 : vector<16xf32>
        %add3A_3340 = arith.addf %add3A_3266, %mul3A_3339 : vector<16xf32>
        %get3A_3341 = arith.constant 7 : i32
        %get3A_3342 = arith.index_cast %get3A_3341 : i32 to index
        %get3A_3343 = arith.constant 512 : index
        %get3A_3344 = tpu.vector_load %arg10[%get3A_3342, %get3A_3343] {strides = array<i32>} : memref<8x768xf32, #tpu.memory_space<vmem>>, vector<16xf32>,
        %mul3A_3345 = arith.mulf %get3A_3279, %get3A_3344 : vector<16xf32>
        %add3A_3346 = arith.addf %add3A_3272, %mul3A_3345 : vector<16xf32>
        %mul3A_3347 = arith.mulf %get3A_3284, %get3A_3344 : vector<16xf32>
        %add3A_3348 = arith.addf %add3A_3274, %mul3A_3347 : vector<16xf32>
        %add3A_3349 = arith.constant 0 : i32
        %add3A_3350 = arith.addi %add3A_875, %add3A_3349 : i32
        %get3A_3351 = arith.index_cast %add3A_3350 : i32 to index
        %get3A_3352 = arith.constant 528 : index
        %get3A_3353 = tpu.vector_load %arg9[%get3A_3351, %get3A_3352] {strides = array<i32>} : memref<64x768xf32, #tpu.memory_space<vmem>>, vector<16xf32>,
        %add3A_3354 = arith.constant 1 : i32
        %add3A_3355 = arith.addi %add3A_875, %add3A_3354 : i32
        %get3A_3356 = arith.index_cast %add3A_3355 : i32 to index
        %get3A_3357 = arith.constant 528 : index
        %get3A_3358 = tpu.vector_load %arg9[%get3A_3356, %get3A_3357] {strides = array<i32>} : memref<64x768xf32, #tpu.memory_space<vmem>>, vector<16xf32>,
        %get3A_3359 = arith.constant 0 : i32
        %get3A_3360 = arith.index_cast %get3A_3359 : i32 to index
        %get3A_3361 = arith.constant 528 : index
        %get3A_3362 = tpu.vector_load %arg10[%get3A_3360, %get3A_3361] {strides = array<i32>} : memref<8x768xf32, #tpu.memory_space<vmem>>, vector<16xf32>,
        %mul3A_3363 = arith.mulf %get3A_3353, %get3A_3362 : vector<16xf32>
        %add3A_3364 = arith.addf %add3A_3290, %mul3A_3363 : vector<16xf32>
        %mul3A_3365 = arith.mulf %get3A_3358, %get3A_3362 : vector<16xf32>
        %add3A_3366 = arith.addf %add3A_3292, %mul3A_3365 : vector<16xf32>
        %get3A_3367 = arith.constant 1 : i32
        %get3A_3368 = arith.index_cast %get3A_3367 : i32 to index
        %get3A_3369 = arith.constant 528 : index
        %get3A_3370 = tpu.vector_load %arg10[%get3A_3368, %get3A_3369] {strides = array<i32>} : memref<8x768xf32, #tpu.memory_space<vmem>>, vector<16xf32>,
        %mul3A_3371 = arith.mulf %get3A_3353, %get3A_3370 : vector<16xf32>
        %add3A_3372 = arith.addf %add3A_3298, %mul3A_3371 : vector<16xf32>
        %mul3A_3373 = arith.mulf %get3A_3358, %get3A_3370 : vector<16xf32>
        %add3A_3374 = arith.addf %add3A_3300, %mul3A_3373 : vector<16xf32>
        %get3A_3375 = arith.constant 2 : i32
        %get3A_3376 = arith.index_cast %get3A_3375 : i32 to index
        %get3A_3377 = arith.constant 528 : index
        %get3A_3378 = tpu.vector_load %arg10[%get3A_3376, %get3A_3377] {strides = array<i32>} : memref<8x768xf32, #tpu.memory_space<vmem>>, vector<16xf32>,
        %mul3A_3379 = arith.mulf %get3A_3353, %get3A_3378 : vector<16xf32>
        %add3A_3380 = arith.addf %add3A_3306, %mul3A_3379 : vector<16xf32>
        %mul3A_3381 = arith.mulf %get3A_3358, %get3A_3378 : vector<16xf32>
        %add3A_3382 = arith.addf %add3A_3308, %mul3A_3381 : vector<16xf32>
        %get3A_3383 = arith.constant 3 : i32
        %get3A_3384 = arith.index_cast %get3A_3383 : i32 to index
        %get3A_3385 = arith.constant 528 : index
        %get3A_3386 = tpu.vector_load %arg10[%get3A_3384, %get3A_3385] {strides = array<i32>} : memref<8x768xf32, #tpu.memory_space<vmem>>, vector<16xf32>,
        %mul3A_3387 = arith.mulf %get3A_3353, %get3A_3386 : vector<16xf32>
        %add3A_3388 = arith.addf %add3A_3314, %mul3A_3387 : vector<16xf32>
        %mul3A_3389 = arith.mulf %get3A_3358, %get3A_3386 : vector<16xf32>
        %add3A_3390 = arith.addf %add3A_3316, %mul3A_3389 : vector<16xf32>
        %get3A_3391 = arith.constant 4 : i32
        %get3A_3392 = arith.index_cast %get3A_3391 : i32 to index
        %get3A_3393 = arith.constant 528 : index
        %get3A_3394 = tpu.vector_load %arg10[%get3A_3392, %get3A_3393] {strides = array<i32>} : memref<8x768xf32, #tpu.memory_space<vmem>>, vector<16xf32>,
        %mul3A_3395 = arith.mulf %get3A_3353, %get3A_3394 : vector<16xf32>
        %add3A_3396 = arith.addf %add3A_3322, %mul3A_3395 : vector<16xf32>
        %mul3A_3397 = arith.mulf %get3A_3358, %get3A_3394 : vector<16xf32>
        %add3A_3398 = arith.addf %add3A_3324, %mul3A_3397 : vector<16xf32>
        %get3A_3399 = arith.constant 5 : i32
        %get3A_3400 = arith.index_cast %get3A_3399 : i32 to index
        %get3A_3401 = arith.constant 528 : index
        %get3A_3402 = tpu.vector_load %arg10[%get3A_3400, %get3A_3401] {strides = array<i32>} : memref<8x768xf32, #tpu.memory_space<vmem>>, vector<16xf32>,
        %mul3A_3403 = arith.mulf %get3A_3353, %get3A_3402 : vector<16xf32>
        %add3A_3404 = arith.addf %add3A_3330, %mul3A_3403 : vector<16xf32>
        %mul3A_3405 = arith.mulf %get3A_3358, %get3A_3402 : vector<16xf32>
        %add3A_3406 = arith.addf %add3A_3332, %mul3A_3405 : vector<16xf32>
        %get3A_3407 = arith.constant 6 : i32
        %get3A_3408 = arith.index_cast %get3A_3407 : i32 to index
        %get3A_3409 = arith.constant 528 : index
        %get3A_3410 = tpu.vector_load %arg10[%get3A_3408, %get3A_3409] {strides = array<i32>} : memref<8x768xf32, #tpu.memory_space<vmem>>, vector<16xf32>,
        %mul3A_3411 = arith.mulf %get3A_3353, %get3A_3410 : vector<16xf32>
        %add3A_3412 = arith.addf %add3A_3338, %mul3A_3411 : vector<16xf32>
        %mul3A_3413 = arith.mulf %get3A_3358, %get3A_3410 : vector<16xf32>
        %add3A_3414 = arith.addf %add3A_3340, %mul3A_3413 : vector<16xf32>
        %get3A_3415 = arith.constant 7 : i32
        %get3A_3416 = arith.index_cast %get3A_3415 : i32 to index
        %get3A_3417 = arith.constant 528 : index
        %get3A_3418 = tpu.vector_load %arg10[%get3A_3416, %get3A_3417] {strides = array<i32>} : memref<8x768xf32, #tpu.memory_space<vmem>>, vector<16xf32>,
        %mul3A_3419 = arith.mulf %get3A_3353, %get3A_3418 : vector<16xf32>
        %add3A_3420 = arith.addf %add3A_3346, %mul3A_3419 : vector<16xf32>
        %mul3A_3421 = arith.mulf %get3A_3358, %get3A_3418 : vector<16xf32>
        %add3A_3422 = arith.addf %add3A_3348, %mul3A_3421 : vector<16xf32>
        %add3A_3423 = arith.constant 0 : i32
        %add3A_3424 = arith.addi %add3A_875, %add3A_3423 : i32
        %get3A_3425 = arith.index_cast %add3A_3424 : i32 to index
        %get3A_3426 = arith.constant 544 : index
        %get3A_3427 = tpu.vector_load %arg9[%get3A_3425, %get3A_3426] {strides = array<i32>} : memref<64x768xf32, #tpu.memory_space<vmem>>, vector<16xf32>,
        %add3A_3428 = arith.constant 1 : i32
        %add3A_3429 = arith.addi %add3A_875, %add3A_3428 : i32
        %get3A_3430 = arith.index_cast %add3A_3429 : i32 to index
        %get3A_3431 = arith.constant 544 : index
        %get3A_3432 = tpu.vector_load %arg9[%get3A_3430, %get3A_3431] {strides = array<i32>} : memref<64x768xf32, #tpu.memory_space<vmem>>, vector<16xf32>,
        %get3A_3433 = arith.constant 0 : i32
        %get3A_3434 = arith.index_cast %get3A_3433 : i32 to index
        %get3A_3435 = arith.constant 544 : index
        %get3A_3436 = tpu.vector_load %arg10[%get3A_3434, %get3A_3435] {strides = array<i32>} : memref<8x768xf32, #tpu.memory_space<vmem>>, vector<16xf32>,
        %mul3A_3437 = arith.mulf %get3A_3427, %get3A_3436 : vector<16xf32>
        %add3A_3438 = arith.addf %add3A_3364, %mul3A_3437 : vector<16xf32>
        %mul3A_3439 = arith.mulf %get3A_3432, %get3A_3436 : vector<16xf32>
        %add3A_3440 = arith.addf %add3A_3366, %mul3A_3439 : vector<16xf32>
        %get3A_3441 = arith.constant 1 : i32
        %get3A_3442 = arith.index_cast %get3A_3441 : i32 to index
        %get3A_3443 = arith.constant 544 : index
        %get3A_3444 = tpu.vector_load %arg10[%get3A_3442, %get3A_3443] {strides = array<i32>} : memref<8x768xf32, #tpu.memory_space<vmem>>, vector<16xf32>,
        %mul3A_3445 = arith.mulf %get3A_3427, %get3A_3444 : vector<16xf32>
        %add3A_3446 = arith.addf %add3A_3372, %mul3A_3445 : vector<16xf32>
        %mul3A_3447 = arith.mulf %get3A_3432, %get3A_3444 : vector<16xf32>
        %add3A_3448 = arith.addf %add3A_3374, %mul3A_3447 : vector<16xf32>
        %get3A_3449 = arith.constant 2 : i32
        %get3A_3450 = arith.index_cast %get3A_3449 : i32 to index
        %get3A_3451 = arith.constant 544 : index
        %get3A_3452 = tpu.vector_load %arg10[%get3A_3450, %get3A_3451] {strides = array<i32>} : memref<8x768xf32, #tpu.memory_space<vmem>>, vector<16xf32>,
        %mul3A_3453 = arith.mulf %get3A_3427, %get3A_3452 : vector<16xf32>
        %add3A_3454 = arith.addf %add3A_3380, %mul3A_3453 : vector<16xf32>
        %mul3A_3455 = arith.mulf %get3A_3432, %get3A_3452 : vector<16xf32>
        %add3A_3456 = arith.addf %add3A_3382, %mul3A_3455 : vector<16xf32>
        %get3A_3457 = arith.constant 3 : i32
        %get3A_3458 = arith.index_cast %get3A_3457 : i32 to index
        %get3A_3459 = arith.constant 544 : index
        %get3A_3460 = tpu.vector_load %arg10[%get3A_3458, %get3A_3459] {strides = array<i32>} : memref<8x768xf32, #tpu.memory_space<vmem>>, vector<16xf32>,
        %mul3A_3461 = arith.mulf %get3A_3427, %get3A_3460 : vector<16xf32>
        %add3A_3462 = arith.addf %add3A_3388, %mul3A_3461 : vector<16xf32>
        %mul3A_3463 = arith.mulf %get3A_3432, %get3A_3460 : vector<16xf32>
        %add3A_3464 = arith.addf %add3A_3390, %mul3A_3463 : vector<16xf32>
        %get3A_3465 = arith.constant 4 : i32
        %get3A_3466 = arith.index_cast %get3A_3465 : i32 to index
        %get3A_3467 = arith.constant 544 : index
        %get3A_3468 = tpu.vector_load %arg10[%get3A_3466, %get3A_3467] {strides = array<i32>} : memref<8x768xf32, #tpu.memory_space<vmem>>, vector<16xf32>,
        %mul3A_3469 = arith.mulf %get3A_3427, %get3A_3468 : vector<16xf32>
        %add3A_3470 = arith.addf %add3A_3396, %mul3A_3469 : vector<16xf32>
        %mul3A_3471 = arith.mulf %get3A_3432, %get3A_3468 : vector<16xf32>
        %add3A_3472 = arith.addf %add3A_3398, %mul3A_3471 : vector<16xf32>
        %get3A_3473 = arith.constant 5 : i32
        %get3A_3474 = arith.index_cast %get3A_3473 : i32 to index
        %get3A_3475 = arith.constant 544 : index
        %get3A_3476 = tpu.vector_load %arg10[%get3A_3474, %get3A_3475] {strides = array<i32>} : memref<8x768xf32, #tpu.memory_space<vmem>>, vector<16xf32>,
        %mul3A_3477 = arith.mulf %get3A_3427, %get3A_3476 : vector<16xf32>
        %add3A_3478 = arith.addf %add3A_3404, %mul3A_3477 : vector<16xf32>
        %mul3A_3479 = arith.mulf %get3A_3432, %get3A_3476 : vector<16xf32>
        %add3A_3480 = arith.addf %add3A_3406, %mul3A_3479 : vector<16xf32>
        %get3A_3481 = arith.constant 6 : i32
        %get3A_3482 = arith.index_cast %get3A_3481 : i32 to index
        %get3A_3483 = arith.constant 544 : index
        %get3A_3484 = tpu.vector_load %arg10[%get3A_3482, %get3A_3483] {strides = array<i32>} : memref<8x768xf32, #tpu.memory_space<vmem>>, vector<16xf32>,
        %mul3A_3485 = arith.mulf %get3A_3427, %get3A_3484 : vector<16xf32>
        %add3A_3486 = arith.addf %add3A_3412, %mul3A_3485 : vector<16xf32>
        %mul3A_3487 = arith.mulf %get3A_3432, %get3A_3484 : vector<16xf32>
        %add3A_3488 = arith.addf %add3A_3414, %mul3A_3487 : vector<16xf32>
        %get3A_3489 = arith.constant 7 : i32
        %get3A_3490 = arith.index_cast %get3A_3489 : i32 to index
        %get3A_3491 = arith.constant 544 : index
        %get3A_3492 = tpu.vector_load %arg10[%get3A_3490, %get3A_3491] {strides = array<i32>} : memref<8x768xf32, #tpu.memory_space<vmem>>, vector<16xf32>,
        %mul3A_3493 = arith.mulf %get3A_3427, %get3A_3492 : vector<16xf32>
        %add3A_3494 = arith.addf %add3A_3420, %mul3A_3493 : vector<16xf32>
        %mul3A_3495 = arith.mulf %get3A_3432, %get3A_3492 : vector<16xf32>
        %add3A_3496 = arith.addf %add3A_3422, %mul3A_3495 : vector<16xf32>
        %add3A_3497 = arith.constant 0 : i32
        %add3A_3498 = arith.addi %add3A_875, %add3A_3497 : i32
        %get3A_3499 = arith.index_cast %add3A_3498 : i32 to index
        %get3A_3500 = arith.constant 560 : index
        %get3A_3501 = tpu.vector_load %arg9[%get3A_3499, %get3A_3500] {strides = array<i32>} : memref<64x768xf32, #tpu.memory_space<vmem>>, vector<16xf32>,
        %add3A_3502 = arith.constant 1 : i32
        %add3A_3503 = arith.addi %add3A_875, %add3A_3502 : i32
        %get3A_3504 = arith.index_cast %add3A_3503 : i32 to index
        %get3A_3505 = arith.constant 560 : index
        %get3A_3506 = tpu.vector_load %arg9[%get3A_3504, %get3A_3505] {strides = array<i32>} : memref<64x768xf32, #tpu.memory_space<vmem>>, vector<16xf32>,
        %get3A_3507 = arith.constant 0 : i32
        %get3A_3508 = arith.index_cast %get3A_3507 : i32 to index
        %get3A_3509 = arith.constant 560 : index
        %get3A_3510 = tpu.vector_load %arg10[%get3A_3508, %get3A_3509] {strides = array<i32>} : memref<8x768xf32, #tpu.memory_space<vmem>>, vector<16xf32>,
        %mul3A_3511 = arith.mulf %get3A_3501, %get3A_3510 : vector<16xf32>
        %add3A_3512 = arith.addf %add3A_3438, %mul3A_3511 : vector<16xf32>
        %mul3A_3513 = arith.mulf %get3A_3506, %get3A_3510 : vector<16xf32>
        %add3A_3514 = arith.addf %add3A_3440, %mul3A_3513 : vector<16xf32>
        %get3A_3515 = arith.constant 1 : i32
        %get3A_3516 = arith.index_cast %get3A_3515 : i32 to index
        %get3A_3517 = arith.constant 560 : index
        %get3A_3518 = tpu.vector_load %arg10[%get3A_3516, %get3A_3517] {strides = array<i32>} : memref<8x768xf32, #tpu.memory_space<vmem>>, vector<16xf32>,
        %mul3A_3519 = arith.mulf %get3A_3501, %get3A_3518 : vector<16xf32>
        %add3A_3520 = arith.addf %add3A_3446, %mul3A_3519 : vector<16xf32>
        %mul3A_3521 = arith.mulf %get3A_3506, %get3A_3518 : vector<16xf32>
        %add3A_3522 = arith.addf %add3A_3448, %mul3A_3521 : vector<16xf32>
        %get3A_3523 = arith.constant 2 : i32
        %get3A_3524 = arith.index_cast %get3A_3523 : i32 to index
        %get3A_3525 = arith.constant 560 : index
        %get3A_3526 = tpu.vector_load %arg10[%get3A_3524, %get3A_3525] {strides = array<i32>} : memref<8x768xf32, #tpu.memory_space<vmem>>, vector<16xf32>,
        %mul3A_3527 = arith.mulf %get3A_3501, %get3A_3526 : vector<16xf32>
        %add3A_3528 = arith.addf %add3A_3454, %mul3A_3527 : vector<16xf32>
        %mul3A_3529 = arith.mulf %get3A_3506, %get3A_3526 : vector<16xf32>
        %add3A_3530 = arith.addf %add3A_3456, %mul3A_3529 : vector<16xf32>
        %get3A_3531 = arith.constant 3 : i32
        %get3A_3532 = arith.index_cast %get3A_3531 : i32 to index
        %get3A_3533 = arith.constant 560 : index
        %get3A_3534 = tpu.vector_load %arg10[%get3A_3532, %get3A_3533] {strides = array<i32>} : memref<8x768xf32, #tpu.memory_space<vmem>>, vector<16xf32>,
        %mul3A_3535 = arith.mulf %get3A_3501, %get3A_3534 : vector<16xf32>
        %add3A_3536 = arith.addf %add3A_3462, %mul3A_3535 : vector<16xf32>
        %mul3A_3537 = arith.mulf %get3A_3506, %get3A_3534 : vector<16xf32>
        %add3A_3538 = arith.addf %add3A_3464, %mul3A_3537 : vector<16xf32>
        %get3A_3539 = arith.constant 4 : i32
        %get3A_3540 = arith.index_cast %get3A_3539 : i32 to index
        %get3A_3541 = arith.constant 560 : index
        %get3A_3542 = tpu.vector_load %arg10[%get3A_3540, %get3A_3541] {strides = array<i32>} : memref<8x768xf32, #tpu.memory_space<vmem>>, vector<16xf32>,
        %mul3A_3543 = arith.mulf %get3A_3501, %get3A_3542 : vector<16xf32>
        %add3A_3544 = arith.addf %add3A_3470, %mul3A_3543 : vector<16xf32>
        %mul3A_3545 = arith.mulf %get3A_3506, %get3A_3542 : vector<16xf32>
        %add3A_3546 = arith.addf %add3A_3472, %mul3A_3545 : vector<16xf32>
        %get3A_3547 = arith.constant 5 : i32
        %get3A_3548 = arith.index_cast %get3A_3547 : i32 to index
        %get3A_3549 = arith.constant 560 : index
        %get3A_3550 = tpu.vector_load %arg10[%get3A_3548, %get3A_3549] {strides = array<i32>} : memref<8x768xf32, #tpu.memory_space<vmem>>, vector<16xf32>,
        %mul3A_3551 = arith.mulf %get3A_3501, %get3A_3550 : vector<16xf32>
        %add3A_3552 = arith.addf %add3A_3478, %mul3A_3551 : vector<16xf32>
        %mul3A_3553 = arith.mulf %get3A_3506, %get3A_3550 : vector<16xf32>
        %add3A_3554 = arith.addf %add3A_3480, %mul3A_3553 : vector<16xf32>
        %get3A_3555 = arith.constant 6 : i32
        %get3A_3556 = arith.index_cast %get3A_3555 : i32 to index
        %get3A_3557 = arith.constant 560 : index
        %get3A_3558 = tpu.vector_load %arg10[%get3A_3556, %get3A_3557] {strides = array<i32>} : memref<8x768xf32, #tpu.memory_space<vmem>>, vector<16xf32>,
        %mul3A_3559 = arith.mulf %get3A_3501, %get3A_3558 : vector<16xf32>
        %add3A_3560 = arith.addf %add3A_3486, %mul3A_3559 : vector<16xf32>
        %mul3A_3561 = arith.mulf %get3A_3506, %get3A_3558 : vector<16xf32>
        %add3A_3562 = arith.addf %add3A_3488, %mul3A_3561 : vector<16xf32>
        %get3A_3563 = arith.constant 7 : i32
        %get3A_3564 = arith.index_cast %get3A_3563 : i32 to index
        %get3A_3565 = arith.constant 560 : index
        %get3A_3566 = tpu.vector_load %arg10[%get3A_3564, %get3A_3565] {strides = array<i32>} : memref<8x768xf32, #tpu.memory_space<vmem>>, vector<16xf32>,
        %mul3A_3567 = arith.mulf %get3A_3501, %get3A_3566 : vector<16xf32>
        %add3A_3568 = arith.addf %add3A_3494, %mul3A_3567 : vector<16xf32>
        %mul3A_3569 = arith.mulf %get3A_3506, %get3A_3566 : vector<16xf32>
        %add3A_3570 = arith.addf %add3A_3496, %mul3A_3569 : vector<16xf32>
        %add3A_3571 = arith.constant 0 : i32
        %add3A_3572 = arith.addi %add3A_875, %add3A_3571 : i32
        %get3A_3573 = arith.index_cast %add3A_3572 : i32 to index
        %get3A_3574 = arith.constant 576 : index
        %get3A_3575 = tpu.vector_load %arg9[%get3A_3573, %get3A_3574] {strides = array<i32>} : memref<64x768xf32, #tpu.memory_space<vmem>>, vector<16xf32>,
        %add3A_3576 = arith.constant 1 : i32
        %add3A_3577 = arith.addi %add3A_875, %add3A_3576 : i32
        %get3A_3578 = arith.index_cast %add3A_3577 : i32 to index
        %get3A_3579 = arith.constant 576 : index
        %get3A_3580 = tpu.vector_load %arg9[%get3A_3578, %get3A_3579] {strides = array<i32>} : memref<64x768xf32, #tpu.memory_space<vmem>>, vector<16xf32>,
        %get3A_3581 = arith.constant 0 : i32
        %get3A_3582 = arith.index_cast %get3A_3581 : i32 to index
        %get3A_3583 = arith.constant 576 : index
        %get3A_3584 = tpu.vector_load %arg10[%get3A_3582, %get3A_3583] {strides = array<i32>} : memref<8x768xf32, #tpu.memory_space<vmem>>, vector<16xf32>,
        %mul3A_3585 = arith.mulf %get3A_3575, %get3A_3584 : vector<16xf32>
        %add3A_3586 = arith.addf %add3A_3512, %mul3A_3585 : vector<16xf32>
        %mul3A_3587 = arith.mulf %get3A_3580, %get3A_3584 : vector<16xf32>
        %add3A_3588 = arith.addf %add3A_3514, %mul3A_3587 : vector<16xf32>
        %get3A_3589 = arith.constant 1 : i32
        %get3A_3590 = arith.index_cast %get3A_3589 : i32 to index
        %get3A_3591 = arith.constant 576 : index
        %get3A_3592 = tpu.vector_load %arg10[%get3A_3590, %get3A_3591] {strides = array<i32>} : memref<8x768xf32, #tpu.memory_space<vmem>>, vector<16xf32>,
        %mul3A_3593 = arith.mulf %get3A_3575, %get3A_3592 : vector<16xf32>
        %add3A_3594 = arith.addf %add3A_3520, %mul3A_3593 : vector<16xf32>
        %mul3A_3595 = arith.mulf %get3A_3580, %get3A_3592 : vector<16xf32>
        %add3A_3596 = arith.addf %add3A_3522, %mul3A_3595 : vector<16xf32>
        %get3A_3597 = arith.constant 2 : i32
        %get3A_3598 = arith.index_cast %get3A_3597 : i32 to index
        %get3A_3599 = arith.constant 576 : index
        %get3A_3600 = tpu.vector_load %arg10[%get3A_3598, %get3A_3599] {strides = array<i32>} : memref<8x768xf32, #tpu.memory_space<vmem>>, vector<16xf32>,
        %mul3A_3601 = arith.mulf %get3A_3575, %get3A_3600 : vector<16xf32>
        %add3A_3602 = arith.addf %add3A_3528, %mul3A_3601 : vector<16xf32>
        %mul3A_3603 = arith.mulf %get3A_3580, %get3A_3600 : vector<16xf32>
        %add3A_3604 = arith.addf %add3A_3530, %mul3A_3603 : vector<16xf32>
        %get3A_3605 = arith.constant 3 : i32
        %get3A_3606 = arith.index_cast %get3A_3605 : i32 to index
        %get3A_3607 = arith.constant 576 : index
        %get3A_3608 = tpu.vector_load %arg10[%get3A_3606, %get3A_3607] {strides = array<i32>} : memref<8x768xf32, #tpu.memory_space<vmem>>, vector<16xf32>,
        %mul3A_3609 = arith.mulf %get3A_3575, %get3A_3608 : vector<16xf32>
        %add3A_3610 = arith.addf %add3A_3536, %mul3A_3609 : vector<16xf32>
        %mul3A_3611 = arith.mulf %get3A_3580, %get3A_3608 : vector<16xf32>
        %add3A_3612 = arith.addf %add3A_3538, %mul3A_3611 : vector<16xf32>
        %get3A_3613 = arith.constant 4 : i32
        %get3A_3614 = arith.index_cast %get3A_3613 : i32 to index
        %get3A_3615 = arith.constant 576 : index
        %get3A_3616 = tpu.vector_load %arg10[%get3A_3614, %get3A_3615] {strides = array<i32>} : memref<8x768xf32, #tpu.memory_space<vmem>>, vector<16xf32>,
        %mul3A_3617 = arith.mulf %get3A_3575, %get3A_3616 : vector<16xf32>
        %add3A_3618 = arith.addf %add3A_3544, %mul3A_3617 : vector<16xf32>
        %mul3A_3619 = arith.mulf %get3A_3580, %get3A_3616 : vector<16xf32>
        %add3A_3620 = arith.addf %add3A_3546, %mul3A_3619 : vector<16xf32>
        %get3A_3621 = arith.constant 5 : i32
        %get3A_3622 = arith.index_cast %get3A_3621 : i32 to index
        %get3A_3623 = arith.constant 576 : index
        %get3A_3624 = tpu.vector_load %arg10[%get3A_3622, %get3A_3623] {strides = array<i32>} : memref<8x768xf32, #tpu.memory_space<vmem>>, vector<16xf32>,
        %mul3A_3625 = arith.mulf %get3A_3575, %get3A_3624 : vector<16xf32>
        %add3A_3626 = arith.addf %add3A_3552, %mul3A_3625 : vector<16xf32>
        %mul3A_3627 = arith.mulf %get3A_3580, %get3A_3624 : vector<16xf32>
        %add3A_3628 = arith.addf %add3A_3554, %mul3A_3627 : vector<16xf32>
        %get3A_3629 = arith.constant 6 : i32
        %get3A_3630 = arith.index_cast %get3A_3629 : i32 to index
        %get3A_3631 = arith.constant 576 : index
        %get3A_3632 = tpu.vector_load %arg10[%get3A_3630, %get3A_3631] {strides = array<i32>} : memref<8x768xf32, #tpu.memory_space<vmem>>, vector<16xf32>,
        %mul3A_3633 = arith.mulf %get3A_3575, %get3A_3632 : vector<16xf32>
        %add3A_3634 = arith.addf %add3A_3560, %mul3A_3633 : vector<16xf32>
        %mul3A_3635 = arith.mulf %get3A_3580, %get3A_3632 : vector<16xf32>
        %add3A_3636 = arith.addf %add3A_3562, %mul3A_3635 : vector<16xf32>
        %get3A_3637 = arith.constant 7 : i32
        %get3A_3638 = arith.index_cast %get3A_3637 : i32 to index
        %get3A_3639 = arith.constant 576 : index
        %get3A_3640 = tpu.vector_load %arg10[%get3A_3638, %get3A_3639] {strides = array<i32>} : memref<8x768xf32, #tpu.memory_space<vmem>>, vector<16xf32>,
        %mul3A_3641 = arith.mulf %get3A_3575, %get3A_3640 : vector<16xf32>
        %add3A_3642 = arith.addf %add3A_3568, %mul3A_3641 : vector<16xf32>
        %mul3A_3643 = arith.mulf %get3A_3580, %get3A_3640 : vector<16xf32>
        %add3A_3644 = arith.addf %add3A_3570, %mul3A_3643 : vector<16xf32>
        %add3A_3645 = arith.constant 0 : i32
        %add3A_3646 = arith.addi %add3A_875, %add3A_3645 : i32
        %get3A_3647 = arith.index_cast %add3A_3646 : i32 to index
        %get3A_3648 = arith.constant 592 : index
        %get3A_3649 = tpu.vector_load %arg9[%get3A_3647, %get3A_3648] {strides = array<i32>} : memref<64x768xf32, #tpu.memory_space<vmem>>, vector<16xf32>,
        %add3A_3650 = arith.constant 1 : i32
        %add3A_3651 = arith.addi %add3A_875, %add3A_3650 : i32
        %get3A_3652 = arith.index_cast %add3A_3651 : i32 to index
        %get3A_3653 = arith.constant 592 : index
        %get3A_3654 = tpu.vector_load %arg9[%get3A_3652, %get3A_3653] {strides = array<i32>} : memref<64x768xf32, #tpu.memory_space<vmem>>, vector<16xf32>,
        %get3A_3655 = arith.constant 0 : i32
        %get3A_3656 = arith.index_cast %get3A_3655 : i32 to index
        %get3A_3657 = arith.constant 592 : index
        %get3A_3658 = tpu.vector_load %arg10[%get3A_3656, %get3A_3657] {strides = array<i32>} : memref<8x768xf32, #tpu.memory_space<vmem>>, vector<16xf32>,
        %mul3A_3659 = arith.mulf %get3A_3649, %get3A_3658 : vector<16xf32>
        %add3A_3660 = arith.addf %add3A_3586, %mul3A_3659 : vector<16xf32>
        %mul3A_3661 = arith.mulf %get3A_3654, %get3A_3658 : vector<16xf32>
        %add3A_3662 = arith.addf %add3A_3588, %mul3A_3661 : vector<16xf32>
        %get3A_3663 = arith.constant 1 : i32
        %get3A_3664 = arith.index_cast %get3A_3663 : i32 to index
        %get3A_3665 = arith.constant 592 : index
        %get3A_3666 = tpu.vector_load %arg10[%get3A_3664, %get3A_3665] {strides = array<i32>} : memref<8x768xf32, #tpu.memory_space<vmem>>, vector<16xf32>,
        %mul3A_3667 = arith.mulf %get3A_3649, %get3A_3666 : vector<16xf32>
        %add3A_3668 = arith.addf %add3A_3594, %mul3A_3667 : vector<16xf32>
        %mul3A_3669 = arith.mulf %get3A_3654, %get3A_3666 : vector<16xf32>
        %add3A_3670 = arith.addf %add3A_3596, %mul3A_3669 : vector<16xf32>
        %get3A_3671 = arith.constant 2 : i32
        %get3A_3672 = arith.index_cast %get3A_3671 : i32 to index
        %get3A_3673 = arith.constant 592 : index
        %get3A_3674 = tpu.vector_load %arg10[%get3A_3672, %get3A_3673] {strides = array<i32>} : memref<8x768xf32, #tpu.memory_space<vmem>>, vector<16xf32>,
        %mul3A_3675 = arith.mulf %get3A_3649, %get3A_3674 : vector<16xf32>
        %add3A_3676 = arith.addf %add3A_3602, %mul3A_3675 : vector<16xf32>
        %mul3A_3677 = arith.mulf %get3A_3654, %get3A_3674 : vector<16xf32>
        %add3A_3678 = arith.addf %add3A_3604, %mul3A_3677 : vector<16xf32>
        %get3A_3679 = arith.constant 3 : i32
        %get3A_3680 = arith.index_cast %get3A_3679 : i32 to index
        %get3A_3681 = arith.constant 592 : index
        %get3A_3682 = tpu.vector_load %arg10[%get3A_3680, %get3A_3681] {strides = array<i32>} : memref<8x768xf32, #tpu.memory_space<vmem>>, vector<16xf32>,
        %mul3A_3683 = arith.mulf %get3A_3649, %get3A_3682 : vector<16xf32>
        %add3A_3684 = arith.addf %add3A_3610, %mul3A_3683 : vector<16xf32>
        %mul3A_3685 = arith.mulf %get3A_3654, %get3A_3682 : vector<16xf32>
        %add3A_3686 = arith.addf %add3A_3612, %mul3A_3685 : vector<16xf32>
        %get3A_3687 = arith.constant 4 : i32
        %get3A_3688 = arith.index_cast %get3A_3687 : i32 to index
        %get3A_3689 = arith.constant 592 : index
        %get3A_3690 = tpu.vector_load %arg10[%get3A_3688, %get3A_3689] {strides = array<i32>} : memref<8x768xf32, #tpu.memory_space<vmem>>, vector<16xf32>,
        %mul3A_3691 = arith.mulf %get3A_3649, %get3A_3690 : vector<16xf32>
        %add3A_3692 = arith.addf %add3A_3618, %mul3A_3691 : vector<16xf32>
        %mul3A_3693 = arith.mulf %get3A_3654, %get3A_3690 : vector<16xf32>
        %add3A_3694 = arith.addf %add3A_3620, %mul3A_3693 : vector<16xf32>
        %get3A_3695 = arith.constant 5 : i32
        %get3A_3696 = arith.index_cast %get3A_3695 : i32 to index
        %get3A_3697 = arith.constant 592 : index
        %get3A_3698 = tpu.vector_load %arg10[%get3A_3696, %get3A_3697] {strides = array<i32>} : memref<8x768xf32, #tpu.memory_space<vmem>>, vector<16xf32>,
        %mul3A_3699 = arith.mulf %get3A_3649, %get3A_3698 : vector<16xf32>
        %add3A_3700 = arith.addf %add3A_3626, %mul3A_3699 : vector<16xf32>
        %mul3A_3701 = arith.mulf %get3A_3654, %get3A_3698 : vector<16xf32>
        %add3A_3702 = arith.addf %add3A_3628, %mul3A_3701 : vector<16xf32>
        %get3A_3703 = arith.constant 6 : i32
        %get3A_3704 = arith.index_cast %get3A_3703 : i32 to index
        %get3A_3705 = arith.constant 592 : index
        %get3A_3706 = tpu.vector_load %arg10[%get3A_3704, %get3A_3705] {strides = array<i32>} : memref<8x768xf32, #tpu.memory_space<vmem>>, vector<16xf32>,
        %mul3A_3707 = arith.mulf %get3A_3649, %get3A_3706 : vector<16xf32>
        %add3A_3708 = arith.addf %add3A_3634, %mul3A_3707 : vector<16xf32>
        %mul3A_3709 = arith.mulf %get3A_3654, %get3A_3706 : vector<16xf32>
        %add3A_3710 = arith.addf %add3A_3636, %mul3A_3709 : vector<16xf32>
        %get3A_3711 = arith.constant 7 : i32
        %get3A_3712 = arith.index_cast %get3A_3711 : i32 to index
        %get3A_3713 = arith.constant 592 : index
        %get3A_3714 = tpu.vector_load %arg10[%get3A_3712, %get3A_3713] {strides = array<i32>} : memref<8x768xf32, #tpu.memory_space<vmem>>, vector<16xf32>,
        %mul3A_3715 = arith.mulf %get3A_3649, %get3A_3714 : vector<16xf32>
        %add3A_3716 = arith.addf %add3A_3642, %mul3A_3715 : vector<16xf32>
        %mul3A_3717 = arith.mulf %get3A_3654, %get3A_3714 : vector<16xf32>
        %add3A_3718 = arith.addf %add3A_3644, %mul3A_3717 : vector<16xf32>
        %add3A_3719 = arith.constant 0 : i32
        %add3A_3720 = arith.addi %add3A_875, %add3A_3719 : i32
        %get3A_3721 = arith.index_cast %add3A_3720 : i32 to index
        %get3A_3722 = arith.constant 608 : index
        %get3A_3723 = tpu.vector_load %arg9[%get3A_3721, %get3A_3722] {strides = array<i32>} : memref<64x768xf32, #tpu.memory_space<vmem>>, vector<16xf32>,
        %add3A_3724 = arith.constant 1 : i32
        %add3A_3725 = arith.addi %add3A_875, %add3A_3724 : i32
        %get3A_3726 = arith.index_cast %add3A_3725 : i32 to index
        %get3A_3727 = arith.constant 608 : index
        %get3A_3728 = tpu.vector_load %arg9[%get3A_3726, %get3A_3727] {strides = array<i32>} : memref<64x768xf32, #tpu.memory_space<vmem>>, vector<16xf32>,
        %get3A_3729 = arith.constant 0 : i32
        %get3A_3730 = arith.index_cast %get3A_3729 : i32 to index
        %get3A_3731 = arith.constant 608 : index
        %get3A_3732 = tpu.vector_load %arg10[%get3A_3730, %get3A_3731] {strides = array<i32>} : memref<8x768xf32, #tpu.memory_space<vmem>>, vector<16xf32>,
        %mul3A_3733 = arith.mulf %get3A_3723, %get3A_3732 : vector<16xf32>
        %add3A_3734 = arith.addf %add3A_3660, %mul3A_3733 : vector<16xf32>
        %mul3A_3735 = arith.mulf %get3A_3728, %get3A_3732 : vector<16xf32>
        %add3A_3736 = arith.addf %add3A_3662, %mul3A_3735 : vector<16xf32>
        %get3A_3737 = arith.constant 1 : i32
        %get3A_3738 = arith.index_cast %get3A_3737 : i32 to index
        %get3A_3739 = arith.constant 608 : index
        %get3A_3740 = tpu.vector_load %arg10[%get3A_3738, %get3A_3739] {strides = array<i32>} : memref<8x768xf32, #tpu.memory_space<vmem>>, vector<16xf32>,
        %mul3A_3741 = arith.mulf %get3A_3723, %get3A_3740 : vector<16xf32>
        %add3A_3742 = arith.addf %add3A_3668, %mul3A_3741 : vector<16xf32>
        %mul3A_3743 = arith.mulf %get3A_3728, %get3A_3740 : vector<16xf32>
        %add3A_3744 = arith.addf %add3A_3670, %mul3A_3743 : vector<16xf32>
        %get3A_3745 = arith.constant 2 : i32
        %get3A_3746 = arith.index_cast %get3A_3745 : i32 to index
        %get3A_3747 = arith.constant 608 : index
        %get3A_3748 = tpu.vector_load %arg10[%get3A_3746, %get3A_3747] {strides = array<i32>} : memref<8x768xf32, #tpu.memory_space<vmem>>, vector<16xf32>,
        %mul3A_3749 = arith.mulf %get3A_3723, %get3A_3748 : vector<16xf32>
        %add3A_3750 = arith.addf %add3A_3676, %mul3A_3749 : vector<16xf32>
        %mul3A_3751 = arith.mulf %get3A_3728, %get3A_3748 : vector<16xf32>
        %add3A_3752 = arith.addf %add3A_3678, %mul3A_3751 : vector<16xf32>
        %get3A_3753 = arith.constant 3 : i32
        %get3A_3754 = arith.index_cast %get3A_3753 : i32 to index
        %get3A_3755 = arith.constant 608 : index
        %get3A_3756 = tpu.vector_load %arg10[%get3A_3754, %get3A_3755] {strides = array<i32>} : memref<8x768xf32, #tpu.memory_space<vmem>>, vector<16xf32>,
        %mul3A_3757 = arith.mulf %get3A_3723, %get3A_3756 : vector<16xf32>
        %add3A_3758 = arith.addf %add3A_3684, %mul3A_3757 : vector<16xf32>
        %mul3A_3759 = arith.mulf %get3A_3728, %get3A_3756 : vector<16xf32>
        %add3A_3760 = arith.addf %add3A_3686, %mul3A_3759 : vector<16xf32>
        %get3A_3761 = arith.constant 4 : i32
        %get3A_3762 = arith.index_cast %get3A_3761 : i32 to index
        %get3A_3763 = arith.constant 608 : index
        %get3A_3764 = tpu.vector_load %arg10[%get3A_3762, %get3A_3763] {strides = array<i32>} : memref<8x768xf32, #tpu.memory_space<vmem>>, vector<16xf32>,
        %mul3A_3765 = arith.mulf %get3A_3723, %get3A_3764 : vector<16xf32>
        %add3A_3766 = arith.addf %add3A_3692, %mul3A_3765 : vector<16xf32>
        %mul3A_3767 = arith.mulf %get3A_3728, %get3A_3764 : vector<16xf32>
        %add3A_3768 = arith.addf %add3A_3694, %mul3A_3767 : vector<16xf32>
        %get3A_3769 = arith.constant 5 : i32
        %get3A_3770 = arith.index_cast %get3A_3769 : i32 to index
        %get3A_3771 = arith.constant 608 : index
        %get3A_3772 = tpu.vector_load %arg10[%get3A_3770, %get3A_3771] {strides = array<i32>} : memref<8x768xf32, #tpu.memory_space<vmem>>, vector<16xf32>,
        %mul3A_3773 = arith.mulf %get3A_3723, %get3A_3772 : vector<16xf32>
        %add3A_3774 = arith.addf %add3A_3700, %mul3A_3773 : vector<16xf32>
        %mul3A_3775 = arith.mulf %get3A_3728, %get3A_3772 : vector<16xf32>
        %add3A_3776 = arith.addf %add3A_3702, %mul3A_3775 : vector<16xf32>
        %get3A_3777 = arith.constant 6 : i32
        %get3A_3778 = arith.index_cast %get3A_3777 : i32 to index
        %get3A_3779 = arith.constant 608 : index
        %get3A_3780 = tpu.vector_load %arg10[%get3A_3778, %get3A_3779] {strides = array<i32>} : memref<8x768xf32, #tpu.memory_space<vmem>>, vector<16xf32>,
        %mul3A_3781 = arith.mulf %get3A_3723, %get3A_3780 : vector<16xf32>
        %add3A_3782 = arith.addf %add3A_3708, %mul3A_3781 : vector<16xf32>
        %mul3A_3783 = arith.mulf %get3A_3728, %get3A_3780 : vector<16xf32>
        %add3A_3784 = arith.addf %add3A_3710, %mul3A_3783 : vector<16xf32>
        %get3A_3785 = arith.constant 7 : i32
        %get3A_3786 = arith.index_cast %get3A_3785 : i32 to index
        %get3A_3787 = arith.constant 608 : index
        %get3A_3788 = tpu.vector_load %arg10[%get3A_3786, %get3A_3787] {strides = array<i32>} : memref<8x768xf32, #tpu.memory_space<vmem>>, vector<16xf32>,
        %mul3A_3789 = arith.mulf %get3A_3723, %get3A_3788 : vector<16xf32>
        %add3A_3790 = arith.addf %add3A_3716, %mul3A_3789 : vector<16xf32>
        %mul3A_3791 = arith.mulf %get3A_3728, %get3A_3788 : vector<16xf32>
        %add3A_3792 = arith.addf %add3A_3718, %mul3A_3791 : vector<16xf32>
        %add3A_3793 = arith.constant 0 : i32
        %add3A_3794 = arith.addi %add3A_875, %add3A_3793 : i32
        %get3A_3795 = arith.index_cast %add3A_3794 : i32 to index
        %get3A_3796 = arith.constant 624 : index
        %get3A_3797 = tpu.vector_load %arg9[%get3A_3795, %get3A_3796] {strides = array<i32>} : memref<64x768xf32, #tpu.memory_space<vmem>>, vector<16xf32>,
        %add3A_3798 = arith.constant 1 : i32
        %add3A_3799 = arith.addi %add3A_875, %add3A_3798 : i32
        %get3A_3800 = arith.index_cast %add3A_3799 : i32 to index
        %get3A_3801 = arith.constant 624 : index
        %get3A_3802 = tpu.vector_load %arg9[%get3A_3800, %get3A_3801] {strides = array<i32>} : memref<64x768xf32, #tpu.memory_space<vmem>>, vector<16xf32>,
        %get3A_3803 = arith.constant 0 : i32
        %get3A_3804 = arith.index_cast %get3A_3803 : i32 to index
        %get3A_3805 = arith.constant 624 : index
        %get3A_3806 = tpu.vector_load %arg10[%get3A_3804, %get3A_3805] {strides = array<i32>} : memref<8x768xf32, #tpu.memory_space<vmem>>, vector<16xf32>,
        %mul3A_3807 = arith.mulf %get3A_3797, %get3A_3806 : vector<16xf32>
        %add3A_3808 = arith.addf %add3A_3734, %mul3A_3807 : vector<16xf32>
        %mul3A_3809 = arith.mulf %get3A_3802, %get3A_3806 : vector<16xf32>
        %add3A_3810 = arith.addf %add3A_3736, %mul3A_3809 : vector<16xf32>
        %get3A_3811 = arith.constant 1 : i32
        %get3A_3812 = arith.index_cast %get3A_3811 : i32 to index
        %get3A_3813 = arith.constant 624 : index
        %get3A_3814 = tpu.vector_load %arg10[%get3A_3812, %get3A_3813] {strides = array<i32>} : memref<8x768xf32, #tpu.memory_space<vmem>>, vector<16xf32>,
        %mul3A_3815 = arith.mulf %get3A_3797, %get3A_3814 : vector<16xf32>
        %add3A_3816 = arith.addf %add3A_3742, %mul3A_3815 : vector<16xf32>
        %mul3A_3817 = arith.mulf %get3A_3802, %get3A_3814 : vector<16xf32>
        %add3A_3818 = arith.addf %add3A_3744, %mul3A_3817 : vector<16xf32>
        %get3A_3819 = arith.constant 2 : i32
        %get3A_3820 = arith.index_cast %get3A_3819 : i32 to index
        %get3A_3821 = arith.constant 624 : index
        %get3A_3822 = tpu.vector_load %arg10[%get3A_3820, %get3A_3821] {strides = array<i32>} : memref<8x768xf32, #tpu.memory_space<vmem>>, vector<16xf32>,
        %mul3A_3823 = arith.mulf %get3A_3797, %get3A_3822 : vector<16xf32>
        %add3A_3824 = arith.addf %add3A_3750, %mul3A_3823 : vector<16xf32>
        %mul3A_3825 = arith.mulf %get3A_3802, %get3A_3822 : vector<16xf32>
        %add3A_3826 = arith.addf %add3A_3752, %mul3A_3825 : vector<16xf32>
        %get3A_3827 = arith.constant 3 : i32
        %get3A_3828 = arith.index_cast %get3A_3827 : i32 to index
        %get3A_3829 = arith.constant 624 : index
        %get3A_3830 = tpu.vector_load %arg10[%get3A_3828, %get3A_3829] {strides = array<i32>} : memref<8x768xf32, #tpu.memory_space<vmem>>, vector<16xf32>,
        %mul3A_3831 = arith.mulf %get3A_3797, %get3A_3830 : vector<16xf32>
        %add3A_3832 = arith.addf %add3A_3758, %mul3A_3831 : vector<16xf32>
        %mul3A_3833 = arith.mulf %get3A_3802, %get3A_3830 : vector<16xf32>
        %add3A_3834 = arith.addf %add3A_3760, %mul3A_3833 : vector<16xf32>
        %get3A_3835 = arith.constant 4 : i32
        %get3A_3836 = arith.index_cast %get3A_3835 : i32 to index
        %get3A_3837 = arith.constant 624 : index
        %get3A_3838 = tpu.vector_load %arg10[%get3A_3836, %get3A_3837] {strides = array<i32>} : memref<8x768xf32, #tpu.memory_space<vmem>>, vector<16xf32>,
        %mul3A_3839 = arith.mulf %get3A_3797, %get3A_3838 : vector<16xf32>
        %add3A_3840 = arith.addf %add3A_3766, %mul3A_3839 : vector<16xf32>
        %mul3A_3841 = arith.mulf %get3A_3802, %get3A_3838 : vector<16xf32>
        %add3A_3842 = arith.addf %add3A_3768, %mul3A_3841 : vector<16xf32>
        %get3A_3843 = arith.constant 5 : i32
        %get3A_3844 = arith.index_cast %get3A_3843 : i32 to index
        %get3A_3845 = arith.constant 624 : index
        %get3A_3846 = tpu.vector_load %arg10[%get3A_3844, %get3A_3845] {strides = array<i32>} : memref<8x768xf32, #tpu.memory_space<vmem>>, vector<16xf32>,
        %mul3A_3847 = arith.mulf %get3A_3797, %get3A_3846 : vector<16xf32>
        %add3A_3848 = arith.addf %add3A_3774, %mul3A_3847 : vector<16xf32>
        %mul3A_3849 = arith.mulf %get3A_3802, %get3A_3846 : vector<16xf32>
        %add3A_3850 = arith.addf %add3A_3776, %mul3A_3849 : vector<16xf32>
        %get3A_3851 = arith.constant 6 : i32
        %get3A_3852 = arith.index_cast %get3A_3851 : i32 to index
        %get3A_3853 = arith.constant 624 : index
        %get3A_3854 = tpu.vector_load %arg10[%get3A_3852, %get3A_3853] {strides = array<i32>} : memref<8x768xf32, #tpu.memory_space<vmem>>, vector<16xf32>,
        %mul3A_3855 = arith.mulf %get3A_3797, %get3A_3854 : vector<16xf32>
        %add3A_3856 = arith.addf %add3A_3782, %mul3A_3855 : vector<16xf32>
        %mul3A_3857 = arith.mulf %get3A_3802, %get3A_3854 : vector<16xf32>
        %add3A_3858 = arith.addf %add3A_3784, %mul3A_3857 : vector<16xf32>
        %get3A_3859 = arith.constant 7 : i32
        %get3A_3860 = arith.index_cast %get3A_3859 : i32 to index
        %get3A_3861 = arith.constant 624 : index
        %get3A_3862 = tpu.vector_load %arg10[%get3A_3860, %get3A_3861] {strides = array<i32>} : memref<8x768xf32, #tpu.memory_space<vmem>>, vector<16xf32>,
        %mul3A_3863 = arith.mulf %get3A_3797, %get3A_3862 : vector<16xf32>
        %add3A_3864 = arith.addf %add3A_3790, %mul3A_3863 : vector<16xf32>
        %mul3A_3865 = arith.mulf %get3A_3802, %get3A_3862 : vector<16xf32>
        %add3A_3866 = arith.addf %add3A_3792, %mul3A_3865 : vector<16xf32>
        %add3A_3867 = arith.constant 0 : i32
        %add3A_3868 = arith.addi %add3A_875, %add3A_3867 : i32
        %get3A_3869 = arith.index_cast %add3A_3868 : i32 to index
        %get3A_3870 = arith.constant 640 : index
        %get3A_3871 = tpu.vector_load %arg9[%get3A_3869, %get3A_3870] {strides = array<i32>} : memref<64x768xf32, #tpu.memory_space<vmem>>, vector<16xf32>,
        %add3A_3872 = arith.constant 1 : i32
        %add3A_3873 = arith.addi %add3A_875, %add3A_3872 : i32
        %get3A_3874 = arith.index_cast %add3A_3873 : i32 to index
        %get3A_3875 = arith.constant 640 : index
        %get3A_3876 = tpu.vector_load %arg9[%get3A_3874, %get3A_3875] {strides = array<i32>} : memref<64x768xf32, #tpu.memory_space<vmem>>, vector<16xf32>,
        %get3A_3877 = arith.constant 0 : i32
        %get3A_3878 = arith.index_cast %get3A_3877 : i32 to index
        %get3A_3879 = arith.constant 640 : index
        %get3A_3880 = tpu.vector_load %arg10[%get3A_3878, %get3A_3879] {strides = array<i32>} : memref<8x768xf32, #tpu.memory_space<vmem>>, vector<16xf32>,
        %mul3A_3881 = arith.mulf %get3A_3871, %get3A_3880 : vector<16xf32>
        %add3A_3882 = arith.addf %add3A_3808, %mul3A_3881 : vector<16xf32>
        %mul3A_3883 = arith.mulf %get3A_3876, %get3A_3880 : vector<16xf32>
        %add3A_3884 = arith.addf %add3A_3810, %mul3A_3883 : vector<16xf32>
        %get3A_3885 = arith.constant 1 : i32
        %get3A_3886 = arith.index_cast %get3A_3885 : i32 to index
        %get3A_3887 = arith.constant 640 : index
        %get3A_3888 = tpu.vector_load %arg10[%get3A_3886, %get3A_3887] {strides = array<i32>} : memref<8x768xf32, #tpu.memory_space<vmem>>, vector<16xf32>,
        %mul3A_3889 = arith.mulf %get3A_3871, %get3A_3888 : vector<16xf32>
        %add3A_3890 = arith.addf %add3A_3816, %mul3A_3889 : vector<16xf32>
        %mul3A_3891 = arith.mulf %get3A_3876, %get3A_3888 : vector<16xf32>
        %add3A_3892 = arith.addf %add3A_3818, %mul3A_3891 : vector<16xf32>
        %get3A_3893 = arith.constant 2 : i32
        %get3A_3894 = arith.index_cast %get3A_3893 : i32 to index
        %get3A_3895 = arith.constant 640 : index
        %get3A_3896 = tpu.vector_load %arg10[%get3A_3894, %get3A_3895] {strides = array<i32>} : memref<8x768xf32, #tpu.memory_space<vmem>>, vector<16xf32>,
        %mul3A_3897 = arith.mulf %get3A_3871, %get3A_3896 : vector<16xf32>
        %add3A_3898 = arith.addf %add3A_3824, %mul3A_3897 : vector<16xf32>
        %mul3A_3899 = arith.mulf %get3A_3876, %get3A_3896 : vector<16xf32>
        %add3A_3900 = arith.addf %add3A_3826, %mul3A_3899 : vector<16xf32>
        %get3A_3901 = arith.constant 3 : i32
        %get3A_3902 = arith.index_cast %get3A_3901 : i32 to index
        %get3A_3903 = arith.constant 640 : index
        %get3A_3904 = tpu.vector_load %arg10[%get3A_3902, %get3A_3903] {strides = array<i32>} : memref<8x768xf32, #tpu.memory_space<vmem>>, vector<16xf32>,
        %mul3A_3905 = arith.mulf %get3A_3871, %get3A_3904 : vector<16xf32>
        %add3A_3906 = arith.addf %add3A_3832, %mul3A_3905 : vector<16xf32>
        %mul3A_3907 = arith.mulf %get3A_3876, %get3A_3904 : vector<16xf32>
        %add3A_3908 = arith.addf %add3A_3834, %mul3A_3907 : vector<16xf32>
        %get3A_3909 = arith.constant 4 : i32
        %get3A_3910 = arith.index_cast %get3A_3909 : i32 to index
        %get3A_3911 = arith.constant 640 : index
        %get3A_3912 = tpu.vector_load %arg10[%get3A_3910, %get3A_3911] {strides = array<i32>} : memref<8x768xf32, #tpu.memory_space<vmem>>, vector<16xf32>,
        %mul3A_3913 = arith.mulf %get3A_3871, %get3A_3912 : vector<16xf32>
        %add3A_3914 = arith.addf %add3A_3840, %mul3A_3913 : vector<16xf32>
        %mul3A_3915 = arith.mulf %get3A_3876, %get3A_3912 : vector<16xf32>
        %add3A_3916 = arith.addf %add3A_3842, %mul3A_3915 : vector<16xf32>
        %get3A_3917 = arith.constant 5 : i32
        %get3A_3918 = arith.index_cast %get3A_3917 : i32 to index
        %get3A_3919 = arith.constant 640 : index
        %get3A_3920 = tpu.vector_load %arg10[%get3A_3918, %get3A_3919] {strides = array<i32>} : memref<8x768xf32, #tpu.memory_space<vmem>>, vector<16xf32>,
        %mul3A_3921 = arith.mulf %get3A_3871, %get3A_3920 : vector<16xf32>
        %add3A_3922 = arith.addf %add3A_3848, %mul3A_3921 : vector<16xf32>
        %mul3A_3923 = arith.mulf %get3A_3876, %get3A_3920 : vector<16xf32>
        %add3A_3924 = arith.addf %add3A_3850, %mul3A_3923 : vector<16xf32>
        %get3A_3925 = arith.constant 6 : i32
        %get3A_3926 = arith.index_cast %get3A_3925 : i32 to index
        %get3A_3927 = arith.constant 640 : index
        %get3A_3928 = tpu.vector_load %arg10[%get3A_3926, %get3A_3927] {strides = array<i32>} : memref<8x768xf32, #tpu.memory_space<vmem>>, vector<16xf32>,
        %mul3A_3929 = arith.mulf %get3A_3871, %get3A_3928 : vector<16xf32>
        %add3A_3930 = arith.addf %add3A_3856, %mul3A_3929 : vector<16xf32>
        %mul3A_3931 = arith.mulf %get3A_3876, %get3A_3928 : vector<16xf32>
        %add3A_3932 = arith.addf %add3A_3858, %mul3A_3931 : vector<16xf32>
        %get3A_3933 = arith.constant 7 : i32
        %get3A_3934 = arith.index_cast %get3A_3933 : i32 to index
        %get3A_3935 = arith.constant 640 : index
        %get3A_3936 = tpu.vector_load %arg10[%get3A_3934, %get3A_3935] {strides = array<i32>} : memref<8x768xf32, #tpu.memory_space<vmem>>, vector<16xf32>,
        %mul3A_3937 = arith.mulf %get3A_3871, %get3A_3936 : vector<16xf32>
        %add3A_3938 = arith.addf %add3A_3864, %mul3A_3937 : vector<16xf32>
        %mul3A_3939 = arith.mulf %get3A_3876, %get3A_3936 : vector<16xf32>
        %add3A_3940 = arith.addf %add3A_3866, %mul3A_3939 : vector<16xf32>
        %add3A_3941 = arith.constant 0 : i32
        %add3A_3942 = arith.addi %add3A_875, %add3A_3941 : i32
        %get3A_3943 = arith.index_cast %add3A_3942 : i32 to index
        %get3A_3944 = arith.constant 656 : index
        %get3A_3945 = tpu.vector_load %arg9[%get3A_3943, %get3A_3944] {strides = array<i32>} : memref<64x768xf32, #tpu.memory_space<vmem>>, vector<16xf32>,
        %add3A_3946 = arith.constant 1 : i32
        %add3A_3947 = arith.addi %add3A_875, %add3A_3946 : i32
        %get3A_3948 = arith.index_cast %add3A_3947 : i32 to index
        %get3A_3949 = arith.constant 656 : index
        %get3A_3950 = tpu.vector_load %arg9[%get3A_3948, %get3A_3949] {strides = array<i32>} : memref<64x768xf32, #tpu.memory_space<vmem>>, vector<16xf32>,
        %get3A_3951 = arith.constant 0 : i32
        %get3A_3952 = arith.index_cast %get3A_3951 : i32 to index
        %get3A_3953 = arith.constant 656 : index
        %get3A_3954 = tpu.vector_load %arg10[%get3A_3952, %get3A_3953] {strides = array<i32>} : memref<8x768xf32, #tpu.memory_space<vmem>>, vector<16xf32>,
        %mul3A_3955 = arith.mulf %get3A_3945, %get3A_3954 : vector<16xf32>
        %add3A_3956 = arith.addf %add3A_3882, %mul3A_3955 : vector<16xf32>
        %mul3A_3957 = arith.mulf %get3A_3950, %get3A_3954 : vector<16xf32>
        %add3A_3958 = arith.addf %add3A_3884, %mul3A_3957 : vector<16xf32>
        %get3A_3959 = arith.constant 1 : i32
        %get3A_3960 = arith.index_cast %get3A_3959 : i32 to index
        %get3A_3961 = arith.constant 656 : index
        %get3A_3962 = tpu.vector_load %arg10[%get3A_3960, %get3A_3961] {strides = array<i32>} : memref<8x768xf32, #tpu.memory_space<vmem>>, vector<16xf32>,
        %mul3A_3963 = arith.mulf %get3A_3945, %get3A_3962 : vector<16xf32>
        %add3A_3964 = arith.addf %add3A_3890, %mul3A_3963 : vector<16xf32>
        %mul3A_3965 = arith.mulf %get3A_3950, %get3A_3962 : vector<16xf32>
        %add3A_3966 = arith.addf %add3A_3892, %mul3A_3965 : vector<16xf32>
        %get3A_3967 = arith.constant 2 : i32
        %get3A_3968 = arith.index_cast %get3A_3967 : i32 to index
        %get3A_3969 = arith.constant 656 : index
        %get3A_3970 = tpu.vector_load %arg10[%get3A_3968, %get3A_3969] {strides = array<i32>} : memref<8x768xf32, #tpu.memory_space<vmem>>, vector<16xf32>,
        %mul3A_3971 = arith.mulf %get3A_3945, %get3A_3970 : vector<16xf32>
        %add3A_3972 = arith.addf %add3A_3898, %mul3A_3971 : vector<16xf32>
        %mul3A_3973 = arith.mulf %get3A_3950, %get3A_3970 : vector<16xf32>
        %add3A_3974 = arith.addf %add3A_3900, %mul3A_3973 : vector<16xf32>
        %get3A_3975 = arith.constant 3 : i32
        %get3A_3976 = arith.index_cast %get3A_3975 : i32 to index
        %get3A_3977 = arith.constant 656 : index
        %get3A_3978 = tpu.vector_load %arg10[%get3A_3976, %get3A_3977] {strides = array<i32>} : memref<8x768xf32, #tpu.memory_space<vmem>>, vector<16xf32>,
        %mul3A_3979 = arith.mulf %get3A_3945, %get3A_3978 : vector<16xf32>
        %add3A_3980 = arith.addf %add3A_3906, %mul3A_3979 : vector<16xf32>
        %mul3A_3981 = arith.mulf %get3A_3950, %get3A_3978 : vector<16xf32>
        %add3A_3982 = arith.addf %add3A_3908, %mul3A_3981 : vector<16xf32>
        %get3A_3983 = arith.constant 4 : i32
        %get3A_3984 = arith.index_cast %get3A_3983 : i32 to index
        %get3A_3985 = arith.constant 656 : index
        %get3A_3986 = tpu.vector_load %arg10[%get3A_3984, %get3A_3985] {strides = array<i32>} : memref<8x768xf32, #tpu.memory_space<vmem>>, vector<16xf32>,
        %mul3A_3987 = arith.mulf %get3A_3945, %get3A_3986 : vector<16xf32>
        %add3A_3988 = arith.addf %add3A_3914, %mul3A_3987 : vector<16xf32>
        %mul3A_3989 = arith.mulf %get3A_3950, %get3A_3986 : vector<16xf32>
        %add3A_3990 = arith.addf %add3A_3916, %mul3A_3989 : vector<16xf32>
        %get3A_3991 = arith.constant 5 : i32
        %get3A_3992 = arith.index_cast %get3A_3991 : i32 to index
        %get3A_3993 = arith.constant 656 : index
        %get3A_3994 = tpu.vector_load %arg10[%get3A_3992, %get3A_3993] {strides = array<i32>} : memref<8x768xf32, #tpu.memory_space<vmem>>, vector<16xf32>,
        %mul3A_3995 = arith.mulf %get3A_3945, %get3A_3994 : vector<16xf32>
        %add3A_3996 = arith.addf %add3A_3922, %mul3A_3995 : vector<16xf32>
        %mul3A_3997 = arith.mulf %get3A_3950, %get3A_3994 : vector<16xf32>
        %add3A_3998 = arith.addf %add3A_3924, %mul3A_3997 : vector<16xf32>
        %get3A_3999 = arith.constant 6 : i32
        %get3A_4000 = arith.index_cast %get3A_3999 : i32 to index
        %get3A_4001 = arith.constant 656 : index
        %get3A_4002 = tpu.vector_load %arg10[%get3A_4000, %get3A_4001] {strides = array<i32>} : memref<8x768xf32, #tpu.memory_space<vmem>>, vector<16xf32>,
        %mul3A_4003 = arith.mulf %get3A_3945, %get3A_4002 : vector<16xf32>
        %add3A_4004 = arith.addf %add3A_3930, %mul3A_4003 : vector<16xf32>
        %mul3A_4005 = arith.mulf %get3A_3950, %get3A_4002 : vector<16xf32>
        %add3A_4006 = arith.addf %add3A_3932, %mul3A_4005 : vector<16xf32>
        %get3A_4007 = arith.constant 7 : i32
        %get3A_4008 = arith.index_cast %get3A_4007 : i32 to index
        %get3A_4009 = arith.constant 656 : index
        %get3A_4010 = tpu.vector_load %arg10[%get3A_4008, %get3A_4009] {strides = array<i32>} : memref<8x768xf32, #tpu.memory_space<vmem>>, vector<16xf32>,
        %mul3A_4011 = arith.mulf %get3A_3945, %get3A_4010 : vector<16xf32>
        %add3A_4012 = arith.addf %add3A_3938, %mul3A_4011 : vector<16xf32>
        %mul3A_4013 = arith.mulf %get3A_3950, %get3A_4010 : vector<16xf32>
        %add3A_4014 = arith.addf %add3A_3940, %mul3A_4013 : vector<16xf32>
        %add3A_4015 = arith.constant 0 : i32
        %add3A_4016 = arith.addi %add3A_875, %add3A_4015 : i32
        %get3A_4017 = arith.index_cast %add3A_4016 : i32 to index
        %get3A_4018 = arith.constant 672 : index
        %get3A_4019 = tpu.vector_load %arg9[%get3A_4017, %get3A_4018] {strides = array<i32>} : memref<64x768xf32, #tpu.memory_space<vmem>>, vector<16xf32>,
        %add3A_4020 = arith.constant 1 : i32
        %add3A_4021 = arith.addi %add3A_875, %add3A_4020 : i32
        %get3A_4022 = arith.index_cast %add3A_4021 : i32 to index
        %get3A_4023 = arith.constant 672 : index
        %get3A_4024 = tpu.vector_load %arg9[%get3A_4022, %get3A_4023] {strides = array<i32>} : memref<64x768xf32, #tpu.memory_space<vmem>>, vector<16xf32>,
        %get3A_4025 = arith.constant 0 : i32
        %get3A_4026 = arith.index_cast %get3A_4025 : i32 to index
        %get3A_4027 = arith.constant 672 : index
        %get3A_4028 = tpu.vector_load %arg10[%get3A_4026, %get3A_4027] {strides = array<i32>} : memref<8x768xf32, #tpu.memory_space<vmem>>, vector<16xf32>,
        %mul3A_4029 = arith.mulf %get3A_4019, %get3A_4028 : vector<16xf32>
        %add3A_4030 = arith.addf %add3A_3956, %mul3A_4029 : vector<16xf32>
        %mul3A_4031 = arith.mulf %get3A_4024, %get3A_4028 : vector<16xf32>
        %add3A_4032 = arith.addf %add3A_3958, %mul3A_4031 : vector<16xf32>
        %get3A_4033 = arith.constant 1 : i32
        %get3A_4034 = arith.index_cast %get3A_4033 : i32 to index
        %get3A_4035 = arith.constant 672 : index
        %get3A_4036 = tpu.vector_load %arg10[%get3A_4034, %get3A_4035] {strides = array<i32>} : memref<8x768xf32, #tpu.memory_space<vmem>>, vector<16xf32>,
        %mul3A_4037 = arith.mulf %get3A_4019, %get3A_4036 : vector<16xf32>
        %add3A_4038 = arith.addf %add3A_3964, %mul3A_4037 : vector<16xf32>
        %mul3A_4039 = arith.mulf %get3A_4024, %get3A_4036 : vector<16xf32>
        %add3A_4040 = arith.addf %add3A_3966, %mul3A_4039 : vector<16xf32>
        %get3A_4041 = arith.constant 2 : i32
        %get3A_4042 = arith.index_cast %get3A_4041 : i32 to index
        %get3A_4043 = arith.constant 672 : index
        %get3A_4044 = tpu.vector_load %arg10[%get3A_4042, %get3A_4043] {strides = array<i32>} : memref<8x768xf32, #tpu.memory_space<vmem>>, vector<16xf32>,
        %mul3A_4045 = arith.mulf %get3A_4019, %get3A_4044 : vector<16xf32>
        %add3A_4046 = arith.addf %add3A_3972, %mul3A_4045 : vector<16xf32>
        %mul3A_4047 = arith.mulf %get3A_4024, %get3A_4044 : vector<16xf32>
        %add3A_4048 = arith.addf %add3A_3974, %mul3A_4047 : vector<16xf32>
        %get3A_4049 = arith.constant 3 : i32
        %get3A_4050 = arith.index_cast %get3A_4049 : i32 to index
        %get3A_4051 = arith.constant 672 : index
        %get3A_4052 = tpu.vector_load %arg10[%get3A_4050, %get3A_4051] {strides = array<i32>} : memref<8x768xf32, #tpu.memory_space<vmem>>, vector<16xf32>,
        %mul3A_4053 = arith.mulf %get3A_4019, %get3A_4052 : vector<16xf32>
        %add3A_4054 = arith.addf %add3A_3980, %mul3A_4053 : vector<16xf32>
        %mul3A_4055 = arith.mulf %get3A_4024, %get3A_4052 : vector<16xf32>
        %add3A_4056 = arith.addf %add3A_3982, %mul3A_4055 : vector<16xf32>
        %get3A_4057 = arith.constant 4 : i32
        %get3A_4058 = arith.index_cast %get3A_4057 : i32 to index
        %get3A_4059 = arith.constant 672 : index
        %get3A_4060 = tpu.vector_load %arg10[%get3A_4058, %get3A_4059] {strides = array<i32>} : memref<8x768xf32, #tpu.memory_space<vmem>>, vector<16xf32>,
        %mul3A_4061 = arith.mulf %get3A_4019, %get3A_4060 : vector<16xf32>
        %add3A_4062 = arith.addf %add3A_3988, %mul3A_4061 : vector<16xf32>
        %mul3A_4063 = arith.mulf %get3A_4024, %get3A_4060 : vector<16xf32>
        %add3A_4064 = arith.addf %add3A_3990, %mul3A_4063 : vector<16xf32>
        %get3A_4065 = arith.constant 5 : i32
        %get3A_4066 = arith.index_cast %get3A_4065 : i32 to index
        %get3A_4067 = arith.constant 672 : index
        %get3A_4068 = tpu.vector_load %arg10[%get3A_4066, %get3A_4067] {strides = array<i32>} : memref<8x768xf32, #tpu.memory_space<vmem>>, vector<16xf32>,
        %mul3A_4069 = arith.mulf %get3A_4019, %get3A_4068 : vector<16xf32>
        %add3A_4070 = arith.addf %add3A_3996, %mul3A_4069 : vector<16xf32>
        %mul3A_4071 = arith.mulf %get3A_4024, %get3A_4068 : vector<16xf32>
        %add3A_4072 = arith.addf %add3A_3998, %mul3A_4071 : vector<16xf32>
        %get3A_4073 = arith.constant 6 : i32
        %get3A_4074 = arith.index_cast %get3A_4073 : i32 to index
        %get3A_4075 = arith.constant 672 : index
        %get3A_4076 = tpu.vector_load %arg10[%get3A_4074, %get3A_4075] {strides = array<i32>} : memref<8x768xf32, #tpu.memory_space<vmem>>, vector<16xf32>,
        %mul3A_4077 = arith.mulf %get3A_4019, %get3A_4076 : vector<16xf32>
        %add3A_4078 = arith.addf %add3A_4004, %mul3A_4077 : vector<16xf32>
        %mul3A_4079 = arith.mulf %get3A_4024, %get3A_4076 : vector<16xf32>
        %add3A_4080 = arith.addf %add3A_4006, %mul3A_4079 : vector<16xf32>
        %get3A_4081 = arith.constant 7 : i32
        %get3A_4082 = arith.index_cast %get3A_4081 : i32 to index
        %get3A_4083 = arith.constant 672 : index
        %get3A_4084 = tpu.vector_load %arg10[%get3A_4082, %get3A_4083] {strides = array<i32>} : memref<8x768xf32, #tpu.memory_space<vmem>>, vector<16xf32>,
        %mul3A_4085 = arith.mulf %get3A_4019, %get3A_4084 : vector<16xf32>
        %add3A_4086 = arith.addf %add3A_4012, %mul3A_4085 : vector<16xf32>
        %mul3A_4087 = arith.mulf %get3A_4024, %get3A_4084 : vector<16xf32>
        %add3A_4088 = arith.addf %add3A_4014, %mul3A_4087 : vector<16xf32>
        %add3A_4089 = arith.constant 0 : i32
        %add3A_4090 = arith.addi %add3A_875, %add3A_4089 : i32
        %get3A_4091 = arith.index_cast %add3A_4090 : i32 to index
        %get3A_4092 = arith.constant 688 : index
        %get3A_4093 = tpu.vector_load %arg9[%get3A_4091, %get3A_4092] {strides = array<i32>} : memref<64x768xf32, #tpu.memory_space<vmem>>, vector<16xf32>,
        %add3A_4094 = arith.constant 1 : i32
        %add3A_4095 = arith.addi %add3A_875, %add3A_4094 : i32
        %get3A_4096 = arith.index_cast %add3A_4095 : i32 to index
        %get3A_4097 = arith.constant 688 : index
        %get3A_4098 = tpu.vector_load %arg9[%get3A_4096, %get3A_4097] {strides = array<i32>} : memref<64x768xf32, #tpu.memory_space<vmem>>, vector<16xf32>,
        %get3A_4099 = arith.constant 0 : i32
        %get3A_4100 = arith.index_cast %get3A_4099 : i32 to index
        %get3A_4101 = arith.constant 688 : index
        %get3A_4102 = tpu.vector_load %arg10[%get3A_4100, %get3A_4101] {strides = array<i32>} : memref<8x768xf32, #tpu.memory_space<vmem>>, vector<16xf32>,
        %mul3A_4103 = arith.mulf %get3A_4093, %get3A_4102 : vector<16xf32>
        %add3A_4104 = arith.addf %add3A_4030, %mul3A_4103 : vector<16xf32>
        %mul3A_4105 = arith.mulf %get3A_4098, %get3A_4102 : vector<16xf32>
        %add3A_4106 = arith.addf %add3A_4032, %mul3A_4105 : vector<16xf32>
        %get3A_4107 = arith.constant 1 : i32
        %get3A_4108 = arith.index_cast %get3A_4107 : i32 to index
        %get3A_4109 = arith.constant 688 : index
        %get3A_4110 = tpu.vector_load %arg10[%get3A_4108, %get3A_4109] {strides = array<i32>} : memref<8x768xf32, #tpu.memory_space<vmem>>, vector<16xf32>,
        %mul3A_4111 = arith.mulf %get3A_4093, %get3A_4110 : vector<16xf32>
        %add3A_4112 = arith.addf %add3A_4038, %mul3A_4111 : vector<16xf32>
        %mul3A_4113 = arith.mulf %get3A_4098, %get3A_4110 : vector<16xf32>
        %add3A_4114 = arith.addf %add3A_4040, %mul3A_4113 : vector<16xf32>
        %get3A_4115 = arith.constant 2 : i32
        %get3A_4116 = arith.index_cast %get3A_4115 : i32 to index
        %get3A_4117 = arith.constant 688 : index
        %get3A_4118 = tpu.vector_load %arg10[%get3A_4116, %get3A_4117] {strides = array<i32>} : memref<8x768xf32, #tpu.memory_space<vmem>>, vector<16xf32>,
        %mul3A_4119 = arith.mulf %get3A_4093, %get3A_4118 : vector<16xf32>
        %add3A_4120 = arith.addf %add3A_4046, %mul3A_4119 : vector<16xf32>
        %mul3A_4121 = arith.mulf %get3A_4098, %get3A_4118 : vector<16xf32>
        %add3A_4122 = arith.addf %add3A_4048, %mul3A_4121 : vector<16xf32>
        %get3A_4123 = arith.constant 3 : i32
        %get3A_4124 = arith.index_cast %get3A_4123 : i32 to index
        %get3A_4125 = arith.constant 688 : index
        %get3A_4126 = tpu.vector_load %arg10[%get3A_4124, %get3A_4125] {strides = array<i32>} : memref<8x768xf32, #tpu.memory_space<vmem>>, vector<16xf32>,
        %mul3A_4127 = arith.mulf %get3A_4093, %get3A_4126 : vector<16xf32>
        %add3A_4128 = arith.addf %add3A_4054, %mul3A_4127 : vector<16xf32>
        %mul3A_4129 = arith.mulf %get3A_4098, %get3A_4126 : vector<16xf32>
        %add3A_4130 = arith.addf %add3A_4056, %mul3A_4129 : vector<16xf32>
        %get3A_4131 = arith.constant 4 : i32
        %get3A_4132 = arith.index_cast %get3A_4131 : i32 to index
        %get3A_4133 = arith.constant 688 : index
        %get3A_4134 = tpu.vector_load %arg10[%get3A_4132, %get3A_4133] {strides = array<i32>} : memref<8x768xf32, #tpu.memory_space<vmem>>, vector<16xf32>,
        %mul3A_4135 = arith.mulf %get3A_4093, %get3A_4134 : vector<16xf32>
        %add3A_4136 = arith.addf %add3A_4062, %mul3A_4135 : vector<16xf32>
        %mul3A_4137 = arith.mulf %get3A_4098, %get3A_4134 : vector<16xf32>
        %add3A_4138 = arith.addf %add3A_4064, %mul3A_4137 : vector<16xf32>
        %get3A_4139 = arith.constant 5 : i32
        %get3A_4140 = arith.index_cast %get3A_4139 : i32 to index
        %get3A_4141 = arith.constant 688 : index
        %get3A_4142 = tpu.vector_load %arg10[%get3A_4140, %get3A_4141] {strides = array<i32>} : memref<8x768xf32, #tpu.memory_space<vmem>>, vector<16xf32>,
        %mul3A_4143 = arith.mulf %get3A_4093, %get3A_4142 : vector<16xf32>
        %add3A_4144 = arith.addf %add3A_4070, %mul3A_4143 : vector<16xf32>
        %mul3A_4145 = arith.mulf %get3A_4098, %get3A_4142 : vector<16xf32>
        %add3A_4146 = arith.addf %add3A_4072, %mul3A_4145 : vector<16xf32>
        %get3A_4147 = arith.constant 6 : i32
        %get3A_4148 = arith.index_cast %get3A_4147 : i32 to index
        %get3A_4149 = arith.constant 688 : index
        %get3A_4150 = tpu.vector_load %arg10[%get3A_4148, %get3A_4149] {strides = array<i32>} : memref<8x768xf32, #tpu.memory_space<vmem>>, vector<16xf32>,
        %mul3A_4151 = arith.mulf %get3A_4093, %get3A_4150 : vector<16xf32>
        %add3A_4152 = arith.addf %add3A_4078, %mul3A_4151 : vector<16xf32>
        %mul3A_4153 = arith.mulf %get3A_4098, %get3A_4150 : vector<16xf32>
        %add3A_4154 = arith.addf %add3A_4080, %mul3A_4153 : vector<16xf32>
        %get3A_4155 = arith.constant 7 : i32
        %get3A_4156 = arith.index_cast %get3A_4155 : i32 to index
        %get3A_4157 = arith.constant 688 : index
        %get3A_4158 = tpu.vector_load %arg10[%get3A_4156, %get3A_4157] {strides = array<i32>} : memref<8x768xf32, #tpu.memory_space<vmem>>, vector<16xf32>,
        %mul3A_4159 = arith.mulf %get3A_4093, %get3A_4158 : vector<16xf32>
        %add3A_4160 = arith.addf %add3A_4086, %mul3A_4159 : vector<16xf32>
        %mul3A_4161 = arith.mulf %get3A_4098, %get3A_4158 : vector<16xf32>
        %add3A_4162 = arith.addf %add3A_4088, %mul3A_4161 : vector<16xf32>
        %add3A_4163 = arith.constant 0 : i32
        %add3A_4164 = arith.addi %add3A_875, %add3A_4163 : i32
        %get3A_4165 = arith.index_cast %add3A_4164 : i32 to index
        %get3A_4166 = arith.constant 704 : index
        %get3A_4167 = tpu.vector_load %arg9[%get3A_4165, %get3A_4166] {strides = array<i32>} : memref<64x768xf32, #tpu.memory_space<vmem>>, vector<16xf32>,
        %add3A_4168 = arith.constant 1 : i32
        %add3A_4169 = arith.addi %add3A_875, %add3A_4168 : i32
        %get3A_4170 = arith.index_cast %add3A_4169 : i32 to index
        %get3A_4171 = arith.constant 704 : index
        %get3A_4172 = tpu.vector_load %arg9[%get3A_4170, %get3A_4171] {strides = array<i32>} : memref<64x768xf32, #tpu.memory_space<vmem>>, vector<16xf32>,
        %get3A_4173 = arith.constant 0 : i32
        %get3A_4174 = arith.index_cast %get3A_4173 : i32 to index
        %get3A_4175 = arith.constant 704 : index
        %get3A_4176 = tpu.vector_load %arg10[%get3A_4174, %get3A_4175] {strides = array<i32>} : memref<8x768xf32, #tpu.memory_space<vmem>>, vector<16xf32>,
        %mul3A_4177 = arith.mulf %get3A_4167, %get3A_4176 : vector<16xf32>
        %add3A_4178 = arith.addf %add3A_4104, %mul3A_4177 : vector<16xf32>
        %mul3A_4179 = arith.mulf %get3A_4172, %get3A_4176 : vector<16xf32>
        %add3A_4180 = arith.addf %add3A_4106, %mul3A_4179 : vector<16xf32>
        %get3A_4181 = arith.constant 1 : i32
        %get3A_4182 = arith.index_cast %get3A_4181 : i32 to index
        %get3A_4183 = arith.constant 704 : index
        %get3A_4184 = tpu.vector_load %arg10[%get3A_4182, %get3A_4183] {strides = array<i32>} : memref<8x768xf32, #tpu.memory_space<vmem>>, vector<16xf32>,
        %mul3A_4185 = arith.mulf %get3A_4167, %get3A_4184 : vector<16xf32>
        %add3A_4186 = arith.addf %add3A_4112, %mul3A_4185 : vector<16xf32>
        %mul3A_4187 = arith.mulf %get3A_4172, %get3A_4184 : vector<16xf32>
        %add3A_4188 = arith.addf %add3A_4114, %mul3A_4187 : vector<16xf32>
        %get3A_4189 = arith.constant 2 : i32
        %get3A_4190 = arith.index_cast %get3A_4189 : i32 to index
        %get3A_4191 = arith.constant 704 : index
        %get3A_4192 = tpu.vector_load %arg10[%get3A_4190, %get3A_4191] {strides = array<i32>} : memref<8x768xf32, #tpu.memory_space<vmem>>, vector<16xf32>,
        %mul3A_4193 = arith.mulf %get3A_4167, %get3A_4192 : vector<16xf32>
        %add3A_4194 = arith.addf %add3A_4120, %mul3A_4193 : vector<16xf32>
        %mul3A_4195 = arith.mulf %get3A_4172, %get3A_4192 : vector<16xf32>
        %add3A_4196 = arith.addf %add3A_4122, %mul3A_4195 : vector<16xf32>
        %get3A_4197 = arith.constant 3 : i32
        %get3A_4198 = arith.index_cast %get3A_4197 : i32 to index
        %get3A_4199 = arith.constant 704 : index
        %get3A_4200 = tpu.vector_load %arg10[%get3A_4198, %get3A_4199] {strides = array<i32>} : memref<8x768xf32, #tpu.memory_space<vmem>>, vector<16xf32>,
        %mul3A_4201 = arith.mulf %get3A_4167, %get3A_4200 : vector<16xf32>
        %add3A_4202 = arith.addf %add3A_4128, %mul3A_4201 : vector<16xf32>
        %mul3A_4203 = arith.mulf %get3A_4172, %get3A_4200 : vector<16xf32>
        %add3A_4204 = arith.addf %add3A_4130, %mul3A_4203 : vector<16xf32>
        %get3A_4205 = arith.constant 4 : i32
        %get3A_4206 = arith.index_cast %get3A_4205 : i32 to index
        %get3A_4207 = arith.constant 704 : index
        %get3A_4208 = tpu.vector_load %arg10[%get3A_4206, %get3A_4207] {strides = array<i32>} : memref<8x768xf32, #tpu.memory_space<vmem>>, vector<16xf32>,
        %mul3A_4209 = arith.mulf %get3A_4167, %get3A_4208 : vector<16xf32>
        %add3A_4210 = arith.addf %add3A_4136, %mul3A_4209 : vector<16xf32>
        %mul3A_4211 = arith.mulf %get3A_4172, %get3A_4208 : vector<16xf32>
        %add3A_4212 = arith.addf %add3A_4138, %mul3A_4211 : vector<16xf32>
        %get3A_4213 = arith.constant 5 : i32
        %get3A_4214 = arith.index_cast %get3A_4213 : i32 to index
        %get3A_4215 = arith.constant 704 : index
        %get3A_4216 = tpu.vector_load %arg10[%get3A_4214, %get3A_4215] {strides = array<i32>} : memref<8x768xf32, #tpu.memory_space<vmem>>, vector<16xf32>,
        %mul3A_4217 = arith.mulf %get3A_4167, %get3A_4216 : vector<16xf32>
        %add3A_4218 = arith.addf %add3A_4144, %mul3A_4217 : vector<16xf32>
        %mul3A_4219 = arith.mulf %get3A_4172, %get3A_4216 : vector<16xf32>
        %add3A_4220 = arith.addf %add3A_4146, %mul3A_4219 : vector<16xf32>
        %get3A_4221 = arith.constant 6 : i32
        %get3A_4222 = arith.index_cast %get3A_4221 : i32 to index
        %get3A_4223 = arith.constant 704 : index
        %get3A_4224 = tpu.vector_load %arg10[%get3A_4222, %get3A_4223] {strides = array<i32>} : memref<8x768xf32, #tpu.memory_space<vmem>>, vector<16xf32>,
        %mul3A_4225 = arith.mulf %get3A_4167, %get3A_4224 : vector<16xf32>
        %add3A_4226 = arith.addf %add3A_4152, %mul3A_4225 : vector<16xf32>
        %mul3A_4227 = arith.mulf %get3A_4172, %get3A_4224 : vector<16xf32>
        %add3A_4228 = arith.addf %add3A_4154, %mul3A_4227 : vector<16xf32>
        %get3A_4229 = arith.constant 7 : i32
        %get3A_4230 = arith.index_cast %get3A_4229 : i32 to index
        %get3A_4231 = arith.constant 704 : index
        %get3A_4232 = tpu.vector_load %arg10[%get3A_4230, %get3A_4231] {strides = array<i32>} : memref<8x768xf32, #tpu.memory_space<vmem>>, vector<16xf32>,
        %mul3A_4233 = arith.mulf %get3A_4167, %get3A_4232 : vector<16xf32>
        %add3A_4234 = arith.addf %add3A_4160, %mul3A_4233 : vector<16xf32>
        %mul3A_4235 = arith.mulf %get3A_4172, %get3A_4232 : vector<16xf32>
        %add3A_4236 = arith.addf %add3A_4162, %mul3A_4235 : vector<16xf32>
        %add3A_4237 = arith.constant 0 : i32
        %add3A_4238 = arith.addi %add3A_875, %add3A_4237 : i32
        %get3A_4239 = arith.index_cast %add3A_4238 : i32 to index
        %get3A_4240 = arith.constant 720 : index
        %get3A_4241 = tpu.vector_load %arg9[%get3A_4239, %get3A_4240] {strides = array<i32>} : memref<64x768xf32, #tpu.memory_space<vmem>>, vector<16xf32>,
        %add3A_4242 = arith.constant 1 : i32
        %add3A_4243 = arith.addi %add3A_875, %add3A_4242 : i32
        %get3A_4244 = arith.index_cast %add3A_4243 : i32 to index
        %get3A_4245 = arith.constant 720 : index
        %get3A_4246 = tpu.vector_load %arg9[%get3A_4244, %get3A_4245] {strides = array<i32>} : memref<64x768xf32, #tpu.memory_space<vmem>>, vector<16xf32>,
        %get3A_4247 = arith.constant 0 : i32
        %get3A_4248 = arith.index_cast %get3A_4247 : i32 to index
        %get3A_4249 = arith.constant 720 : index
        %get3A_4250 = tpu.vector_load %arg10[%get3A_4248, %get3A_4249] {strides = array<i32>} : memref<8x768xf32, #tpu.memory_space<vmem>>, vector<16xf32>,
        %mul3A_4251 = arith.mulf %get3A_4241, %get3A_4250 : vector<16xf32>
        %add3A_4252 = arith.addf %add3A_4178, %mul3A_4251 : vector<16xf32>
        %mul3A_4253 = arith.mulf %get3A_4246, %get3A_4250 : vector<16xf32>
        %add3A_4254 = arith.addf %add3A_4180, %mul3A_4253 : vector<16xf32>
        %get3A_4255 = arith.constant 1 : i32
        %get3A_4256 = arith.index_cast %get3A_4255 : i32 to index
        %get3A_4257 = arith.constant 720 : index
        %get3A_4258 = tpu.vector_load %arg10[%get3A_4256, %get3A_4257] {strides = array<i32>} : memref<8x768xf32, #tpu.memory_space<vmem>>, vector<16xf32>,
        %mul3A_4259 = arith.mulf %get3A_4241, %get3A_4258 : vector<16xf32>
        %add3A_4260 = arith.addf %add3A_4186, %mul3A_4259 : vector<16xf32>
        %mul3A_4261 = arith.mulf %get3A_4246, %get3A_4258 : vector<16xf32>
        %add3A_4262 = arith.addf %add3A_4188, %mul3A_4261 : vector<16xf32>
        %get3A_4263 = arith.constant 2 : i32
        %get3A_4264 = arith.index_cast %get3A_4263 : i32 to index
        %get3A_4265 = arith.constant 720 : index
        %get3A_4266 = tpu.vector_load %arg10[%get3A_4264, %get3A_4265] {strides = array<i32>} : memref<8x768xf32, #tpu.memory_space<vmem>>, vector<16xf32>,
        %mul3A_4267 = arith.mulf %get3A_4241, %get3A_4266 : vector<16xf32>
        %add3A_4268 = arith.addf %add3A_4194, %mul3A_4267 : vector<16xf32>
        %mul3A_4269 = arith.mulf %get3A_4246, %get3A_4266 : vector<16xf32>
        %add3A_4270 = arith.addf %add3A_4196, %mul3A_4269 : vector<16xf32>
        %get3A_4271 = arith.constant 3 : i32
        %get3A_4272 = arith.index_cast %get3A_4271 : i32 to index
        %get3A_4273 = arith.constant 720 : index
        %get3A_4274 = tpu.vector_load %arg10[%get3A_4272, %get3A_4273] {strides = array<i32>} : memref<8x768xf32, #tpu.memory_space<vmem>>, vector<16xf32>,
        %mul3A_4275 = arith.mulf %get3A_4241, %get3A_4274 : vector<16xf32>
        %add3A_4276 = arith.addf %add3A_4202, %mul3A_4275 : vector<16xf32>
        %mul3A_4277 = arith.mulf %get3A_4246, %get3A_4274 : vector<16xf32>
        %add3A_4278 = arith.addf %add3A_4204, %mul3A_4277 : vector<16xf32>
        %get3A_4279 = arith.constant 4 : i32
        %get3A_4280 = arith.index_cast %get3A_4279 : i32 to index
        %get3A_4281 = arith.constant 720 : index
        %get3A_4282 = tpu.vector_load %arg10[%get3A_4280, %get3A_4281] {strides = array<i32>} : memref<8x768xf32, #tpu.memory_space<vmem>>, vector<16xf32>,
        %mul3A_4283 = arith.mulf %get3A_4241, %get3A_4282 : vector<16xf32>
        %add3A_4284 = arith.addf %add3A_4210, %mul3A_4283 : vector<16xf32>
        %mul3A_4285 = arith.mulf %get3A_4246, %get3A_4282 : vector<16xf32>
        %add3A_4286 = arith.addf %add3A_4212, %mul3A_4285 : vector<16xf32>
        %get3A_4287 = arith.constant 5 : i32
        %get3A_4288 = arith.index_cast %get3A_4287 : i32 to index
        %get3A_4289 = arith.constant 720 : index
        %get3A_4290 = tpu.vector_load %arg10[%get3A_4288, %get3A_4289] {strides = array<i32>} : memref<8x768xf32, #tpu.memory_space<vmem>>, vector<16xf32>,
        %mul3A_4291 = arith.mulf %get3A_4241, %get3A_4290 : vector<16xf32>
        %add3A_4292 = arith.addf %add3A_4218, %mul3A_4291 : vector<16xf32>
        %mul3A_4293 = arith.mulf %get3A_4246, %get3A_4290 : vector<16xf32>
        %add3A_4294 = arith.addf %add3A_4220, %mul3A_4293 : vector<16xf32>
        %get3A_4295 = arith.constant 6 : i32
        %get3A_4296 = arith.index_cast %get3A_4295 : i32 to index
        %get3A_4297 = arith.constant 720 : index
        %get3A_4298 = tpu.vector_load %arg10[%get3A_4296, %get3A_4297] {strides = array<i32>} : memref<8x768xf32, #tpu.memory_space<vmem>>, vector<16xf32>,
        %mul3A_4299 = arith.mulf %get3A_4241, %get3A_4298 : vector<16xf32>
        %add3A_4300 = arith.addf %add3A_4226, %mul3A_4299 : vector<16xf32>
        %mul3A_4301 = arith.mulf %get3A_4246, %get3A_4298 : vector<16xf32>
        %add3A_4302 = arith.addf %add3A_4228, %mul3A_4301 : vector<16xf32>
        %get3A_4303 = arith.constant 7 : i32
        %get3A_4304 = arith.index_cast %get3A_4303 : i32 to index
        %get3A_4305 = arith.constant 720 : index
        %get3A_4306 = tpu.vector_load %arg10[%get3A_4304, %get3A_4305] {strides = array<i32>} : memref<8x768xf32, #tpu.memory_space<vmem>>, vector<16xf32>,
        %mul3A_4307 = arith.mulf %get3A_4241, %get3A_4306 : vector<16xf32>
        %add3A_4308 = arith.addf %add3A_4234, %mul3A_4307 : vector<16xf32>
        %mul3A_4309 = arith.mulf %get3A_4246, %get3A_4306 : vector<16xf32>
        %add3A_4310 = arith.addf %add3A_4236, %mul3A_4309 : vector<16xf32>
        %add3A_4311 = arith.constant 0 : i32
        %add3A_4312 = arith.addi %add3A_875, %add3A_4311 : i32
        %get3A_4313 = arith.index_cast %add3A_4312 : i32 to index
        %get3A_4314 = arith.constant 736 : index
        %get3A_4315 = tpu.vector_load %arg9[%get3A_4313, %get3A_4314] {strides = array<i32>} : memref<64x768xf32, #tpu.memory_space<vmem>>, vector<16xf32>,
        %add3A_4316 = arith.constant 1 : i32
        %add3A_4317 = arith.addi %add3A_875, %add3A_4316 : i32
        %get3A_4318 = arith.index_cast %add3A_4317 : i32 to index
        %get3A_4319 = arith.constant 736 : index
        %get3A_4320 = tpu.vector_load %arg9[%get3A_4318, %get3A_4319] {strides = array<i32>} : memref<64x768xf32, #tpu.memory_space<vmem>>, vector<16xf32>,
        %get3A_4321 = arith.constant 0 : i32
        %get3A_4322 = arith.index_cast %get3A_4321 : i32 to index
        %get3A_4323 = arith.constant 736 : index
        %get3A_4324 = tpu.vector_load %arg10[%get3A_4322, %get3A_4323] {strides = array<i32>} : memref<8x768xf32, #tpu.memory_space<vmem>>, vector<16xf32>,
        %mul3A_4325 = arith.mulf %get3A_4315, %get3A_4324 : vector<16xf32>
        %add3A_4326 = arith.addf %add3A_4252, %mul3A_4325 : vector<16xf32>
        %mul3A_4327 = arith.mulf %get3A_4320, %get3A_4324 : vector<16xf32>
        %add3A_4328 = arith.addf %add3A_4254, %mul3A_4327 : vector<16xf32>
        %get3A_4329 = arith.constant 1 : i32
        %get3A_4330 = arith.index_cast %get3A_4329 : i32 to index
        %get3A_4331 = arith.constant 736 : index
        %get3A_4332 = tpu.vector_load %arg10[%get3A_4330, %get3A_4331] {strides = array<i32>} : memref<8x768xf32, #tpu.memory_space<vmem>>, vector<16xf32>,
        %mul3A_4333 = arith.mulf %get3A_4315, %get3A_4332 : vector<16xf32>
        %add3A_4334 = arith.addf %add3A_4260, %mul3A_4333 : vector<16xf32>
        %mul3A_4335 = arith.mulf %get3A_4320, %get3A_4332 : vector<16xf32>
        %add3A_4336 = arith.addf %add3A_4262, %mul3A_4335 : vector<16xf32>
        %get3A_4337 = arith.constant 2 : i32
        %get3A_4338 = arith.index_cast %get3A_4337 : i32 to index
        %get3A_4339 = arith.constant 736 : index
        %get3A_4340 = tpu.vector_load %arg10[%get3A_4338, %get3A_4339] {strides = array<i32>} : memref<8x768xf32, #tpu.memory_space<vmem>>, vector<16xf32>,
        %mul3A_4341 = arith.mulf %get3A_4315, %get3A_4340 : vector<16xf32>
        %add3A_4342 = arith.addf %add3A_4268, %mul3A_4341 : vector<16xf32>
        %mul3A_4343 = arith.mulf %get3A_4320, %get3A_4340 : vector<16xf32>
        %add3A_4344 = arith.addf %add3A_4270, %mul3A_4343 : vector<16xf32>
        %get3A_4345 = arith.constant 3 : i32
        %get3A_4346 = arith.index_cast %get3A_4345 : i32 to index
        %get3A_4347 = arith.constant 736 : index
        %get3A_4348 = tpu.vector_load %arg10[%get3A_4346, %get3A_4347] {strides = array<i32>} : memref<8x768xf32, #tpu.memory_space<vmem>>, vector<16xf32>,
        %mul3A_4349 = arith.mulf %get3A_4315, %get3A_4348 : vector<16xf32>
        %add3A_4350 = arith.addf %add3A_4276, %mul3A_4349 : vector<16xf32>
        %mul3A_4351 = arith.mulf %get3A_4320, %get3A_4348 : vector<16xf32>
        %add3A_4352 = arith.addf %add3A_4278, %mul3A_4351 : vector<16xf32>
        %get3A_4353 = arith.constant 4 : i32
        %get3A_4354 = arith.index_cast %get3A_4353 : i32 to index
        %get3A_4355 = arith.constant 736 : index
        %get3A_4356 = tpu.vector_load %arg10[%get3A_4354, %get3A_4355] {strides = array<i32>} : memref<8x768xf32, #tpu.memory_space<vmem>>, vector<16xf32>,
        %mul3A_4357 = arith.mulf %get3A_4315, %get3A_4356 : vector<16xf32>
        %add3A_4358 = arith.addf %add3A_4284, %mul3A_4357 : vector<16xf32>
        %mul3A_4359 = arith.mulf %get3A_4320, %get3A_4356 : vector<16xf32>
        %add3A_4360 = arith.addf %add3A_4286, %mul3A_4359 : vector<16xf32>
        %get3A_4361 = arith.constant 5 : i32
        %get3A_4362 = arith.index_cast %get3A_4361 : i32 to index
        %get3A_4363 = arith.constant 736 : index
        %get3A_4364 = tpu.vector_load %arg10[%get3A_4362, %get3A_4363] {strides = array<i32>} : memref<8x768xf32, #tpu.memory_space<vmem>>, vector<16xf32>,
        %mul3A_4365 = arith.mulf %get3A_4315, %get3A_4364 : vector<16xf32>
        %add3A_4366 = arith.addf %add3A_4292, %mul3A_4365 : vector<16xf32>
        %mul3A_4367 = arith.mulf %get3A_4320, %get3A_4364 : vector<16xf32>
        %add3A_4368 = arith.addf %add3A_4294, %mul3A_4367 : vector<16xf32>
        %get3A_4369 = arith.constant 6 : i32
        %get3A_4370 = arith.index_cast %get3A_4369 : i32 to index
        %get3A_4371 = arith.constant 736 : index
        %get3A_4372 = tpu.vector_load %arg10[%get3A_4370, %get3A_4371] {strides = array<i32>} : memref<8x768xf32, #tpu.memory_space<vmem>>, vector<16xf32>,
        %mul3A_4373 = arith.mulf %get3A_4315, %get3A_4372 : vector<16xf32>
        %add3A_4374 = arith.addf %add3A_4300, %mul3A_4373 : vector<16xf32>
        %mul3A_4375 = arith.mulf %get3A_4320, %get3A_4372 : vector<16xf32>
        %add3A_4376 = arith.addf %add3A_4302, %mul3A_4375 : vector<16xf32>
        %get3A_4377 = arith.constant 7 : i32
        %get3A_4378 = arith.index_cast %get3A_4377 : i32 to index
        %get3A_4379 = arith.constant 736 : index
        %get3A_4380 = tpu.vector_load %arg10[%get3A_4378, %get3A_4379] {strides = array<i32>} : memref<8x768xf32, #tpu.memory_space<vmem>>, vector<16xf32>,
        %mul3A_4381 = arith.mulf %get3A_4315, %get3A_4380 : vector<16xf32>
        %add3A_4382 = arith.addf %add3A_4308, %mul3A_4381 : vector<16xf32>
        %mul3A_4383 = arith.mulf %get3A_4320, %get3A_4380 : vector<16xf32>
        %add3A_4384 = arith.addf %add3A_4310, %mul3A_4383 : vector<16xf32>
        %add3A_4385 = arith.constant 0 : i32
        %add3A_4386 = arith.addi %add3A_875, %add3A_4385 : i32
        %get3A_4387 = arith.index_cast %add3A_4386 : i32 to index
        %get3A_4388 = arith.constant 752 : index
        %get3A_4389 = tpu.vector_load %arg9[%get3A_4387, %get3A_4388] {strides = array<i32>} : memref<64x768xf32, #tpu.memory_space<vmem>>, vector<16xf32>,
        %add3A_4390 = arith.constant 1 : i32
        %add3A_4391 = arith.addi %add3A_875, %add3A_4390 : i32
        %get3A_4392 = arith.index_cast %add3A_4391 : i32 to index
        %get3A_4393 = arith.constant 752 : index
        %get3A_4394 = tpu.vector_load %arg9[%get3A_4392, %get3A_4393] {strides = array<i32>} : memref<64x768xf32, #tpu.memory_space<vmem>>, vector<16xf32>,
        %get3A_4395 = arith.constant 0 : i32
        %get3A_4396 = arith.index_cast %get3A_4395 : i32 to index
        %get3A_4397 = arith.constant 752 : index
        %get3A_4398 = tpu.vector_load %arg10[%get3A_4396, %get3A_4397] {strides = array<i32>} : memref<8x768xf32, #tpu.memory_space<vmem>>, vector<16xf32>,
        %mul3A_4399 = arith.mulf %get3A_4389, %get3A_4398 : vector<16xf32>
        %add3A_4400 = arith.addf %add3A_4326, %mul3A_4399 : vector<16xf32>
        %mul3A_4401 = arith.mulf %get3A_4394, %get3A_4398 : vector<16xf32>
        %add3A_4402 = arith.addf %add3A_4328, %mul3A_4401 : vector<16xf32>
        %get3A_4403 = arith.constant 1 : i32
        %get3A_4404 = arith.index_cast %get3A_4403 : i32 to index
        %get3A_4405 = arith.constant 752 : index
        %get3A_4406 = tpu.vector_load %arg10[%get3A_4404, %get3A_4405] {strides = array<i32>} : memref<8x768xf32, #tpu.memory_space<vmem>>, vector<16xf32>,
        %mul3A_4407 = arith.mulf %get3A_4389, %get3A_4406 : vector<16xf32>
        %add3A_4408 = arith.addf %add3A_4334, %mul3A_4407 : vector<16xf32>
        %mul3A_4409 = arith.mulf %get3A_4394, %get3A_4406 : vector<16xf32>
        %add3A_4410 = arith.addf %add3A_4336, %mul3A_4409 : vector<16xf32>
        %get3A_4411 = arith.constant 2 : i32
        %get3A_4412 = arith.index_cast %get3A_4411 : i32 to index
        %get3A_4413 = arith.constant 752 : index
        %get3A_4414 = tpu.vector_load %arg10[%get3A_4412, %get3A_4413] {strides = array<i32>} : memref<8x768xf32, #tpu.memory_space<vmem>>, vector<16xf32>,
        %mul3A_4415 = arith.mulf %get3A_4389, %get3A_4414 : vector<16xf32>
        %add3A_4416 = arith.addf %add3A_4342, %mul3A_4415 : vector<16xf32>
        %mul3A_4417 = arith.mulf %get3A_4394, %get3A_4414 : vector<16xf32>
        %add3A_4418 = arith.addf %add3A_4344, %mul3A_4417 : vector<16xf32>
        %get3A_4419 = arith.constant 3 : i32
        %get3A_4420 = arith.index_cast %get3A_4419 : i32 to index
        %get3A_4421 = arith.constant 752 : index
        %get3A_4422 = tpu.vector_load %arg10[%get3A_4420, %get3A_4421] {strides = array<i32>} : memref<8x768xf32, #tpu.memory_space<vmem>>, vector<16xf32>,
        %mul3A_4423 = arith.mulf %get3A_4389, %get3A_4422 : vector<16xf32>
        %add3A_4424 = arith.addf %add3A_4350, %mul3A_4423 : vector<16xf32>
        %mul3A_4425 = arith.mulf %get3A_4394, %get3A_4422 : vector<16xf32>
        %add3A_4426 = arith.addf %add3A_4352, %mul3A_4425 : vector<16xf32>
        %get3A_4427 = arith.constant 4 : i32
        %get3A_4428 = arith.index_cast %get3A_4427 : i32 to index
        %get3A_4429 = arith.constant 752 : index
        %get3A_4430 = tpu.vector_load %arg10[%get3A_4428, %get3A_4429] {strides = array<i32>} : memref<8x768xf32, #tpu.memory_space<vmem>>, vector<16xf32>,
        %mul3A_4431 = arith.mulf %get3A_4389, %get3A_4430 : vector<16xf32>
        %add3A_4432 = arith.addf %add3A_4358, %mul3A_4431 : vector<16xf32>
        %mul3A_4433 = arith.mulf %get3A_4394, %get3A_4430 : vector<16xf32>
        %add3A_4434 = arith.addf %add3A_4360, %mul3A_4433 : vector<16xf32>
        %get3A_4435 = arith.constant 5 : i32
        %get3A_4436 = arith.index_cast %get3A_4435 : i32 to index
        %get3A_4437 = arith.constant 752 : index
        %get3A_4438 = tpu.vector_load %arg10[%get3A_4436, %get3A_4437] {strides = array<i32>} : memref<8x768xf32, #tpu.memory_space<vmem>>, vector<16xf32>,
        %mul3A_4439 = arith.mulf %get3A_4389, %get3A_4438 : vector<16xf32>
        %add3A_4440 = arith.addf %add3A_4366, %mul3A_4439 : vector<16xf32>
        %mul3A_4441 = arith.mulf %get3A_4394, %get3A_4438 : vector<16xf32>
        %add3A_4442 = arith.addf %add3A_4368, %mul3A_4441 : vector<16xf32>
        %get3A_4443 = arith.constant 6 : i32
        %get3A_4444 = arith.index_cast %get3A_4443 : i32 to index
        %get3A_4445 = arith.constant 752 : index
        %get3A_4446 = tpu.vector_load %arg10[%get3A_4444, %get3A_4445] {strides = array<i32>} : memref<8x768xf32, #tpu.memory_space<vmem>>, vector<16xf32>,
        %mul3A_4447 = arith.mulf %get3A_4389, %get3A_4446 : vector<16xf32>
        %add3A_4448 = arith.addf %add3A_4374, %mul3A_4447 : vector<16xf32>
        %mul3A_4449 = arith.mulf %get3A_4394, %get3A_4446 : vector<16xf32>
        %add3A_4450 = arith.addf %add3A_4376, %mul3A_4449 : vector<16xf32>
        %get3A_4451 = arith.constant 7 : i32
        %get3A_4452 = arith.index_cast %get3A_4451 : i32 to index
        %get3A_4453 = arith.constant 752 : index
        %get3A_4454 = tpu.vector_load %arg10[%get3A_4452, %get3A_4453] {strides = array<i32>} : memref<8x768xf32, #tpu.memory_space<vmem>>, vector<16xf32>,
        %mul3A_4455 = arith.mulf %get3A_4389, %get3A_4454 : vector<16xf32>
        %add3A_4456 = arith.addf %add3A_4382, %mul3A_4455 : vector<16xf32>
        %mul3A_4457 = arith.mulf %get3A_4394, %get3A_4454 : vector<16xf32>
        %add3A_4458 = arith.addf %add3A_4384, %mul3A_4457 : vector<16xf32>
        %mul3A_4459 = arith.constant 32 : i32
        %mul3A_4460 = arith.muli %scan3A_870, %mul3A_4459 : i32
        %add3A_4461 = arith.constant 0 : i32
        %add3A_4462 = arith.addi %add3A_4461, %mul3A_4460 : i32
        %add3A_4463 = arith.constant 0 : i32
        %add3A_4464 = arith.addi %add3A_4462, %add3A_4463 : i32
        %swap3A = arith.index_cast %add3A_4464 : i32 to index
        %swap3A_4465 = tpu.vector_load %arg15[%swap3A] {strides = array<i32>} : memref<2048xf32, #tpu.memory_space<vmem>>, vector<16xf32>,
        tpu.vector_store %arg15[%swap3A], %add3A_4400 {strides = array<i32>} : memref<2048xf32, #tpu.memory_space<vmem>>, vector<16xf32>,
        %mul3A_4466 = arith.constant 32 : i32
        %mul3A_4467 = arith.muli %scan3A_870, %mul3A_4466 : i32
        %add3A_4468 = arith.constant 0 : i32
        %add3A_4469 = arith.addi %add3A_4468, %mul3A_4467 : i32
        %add3A_4470 = arith.constant 16 : i32
        %add3A_4471 = arith.addi %add3A_4469, %add3A_4470 : i32
        %swap3A_4472 = arith.index_cast %add3A_4471 : i32 to index
        %swap3A_4473 = tpu.vector_load %arg15[%swap3A_4472] {strides = array<i32>} : memref<2048xf32, #tpu.memory_space<vmem>>, vector<16xf32>,
        tpu.vector_store %arg15[%swap3A_4472], %add3A_4402 {strides = array<i32>} : memref<2048xf32, #tpu.memory_space<vmem>>, vector<16xf32>,
        %mul3A_4474 = arith.constant 32 : i32
        %mul3A_4475 = arith.muli %scan3A_870, %mul3A_4474 : i32
        %add3A_4476 = arith.constant 256 : i32
        %add3A_4477 = arith.addi %add3A_4476, %mul3A_4475 : i32
        %add3A_4478 = arith.constant 0 : i32
        %add3A_4479 = arith.addi %add3A_4477, %add3A_4478 : i32
        %swap3A_4480 = arith.index_cast %add3A_4479 : i32 to index
        %swap3A_4481 = tpu.vector_load %arg15[%swap3A_4480] {strides = array<i32>} : memref<2048xf32, #tpu.memory_space<vmem>>, vector<16xf32>,
        tpu.vector_store %arg15[%swap3A_4480], %add3A_4408 {strides = array<i32>} : memref<2048xf32, #tpu.memory_space<vmem>>, vector<16xf32>,
        %mul3A_4482 = arith.constant 32 : i32
        %mul3A_4483 = arith.muli %scan3A_870, %mul3A_4482 : i32
        %add3A_4484 = arith.constant 256 : i32
        %add3A_4485 = arith.addi %add3A_4484, %mul3A_4483 : i32
        %add3A_4486 = arith.constant 16 : i32
        %add3A_4487 = arith.addi %add3A_4485, %add3A_4486 : i32
        %swap3A_4488 = arith.index_cast %add3A_4487 : i32 to index
        %swap3A_4489 = tpu.vector_load %arg15[%swap3A_4488] {strides = array<i32>} : memref<2048xf32, #tpu.memory_space<vmem>>, vector<16xf32>,
        tpu.vector_store %arg15[%swap3A_4488], %add3A_4410 {strides = array<i32>} : memref<2048xf32, #tpu.memory_space<vmem>>, vector<16xf32>,
        %mul3A_4490 = arith.constant 32 : i32
        %mul3A_4491 = arith.muli %scan3A_870, %mul3A_4490 : i32
        %add3A_4492 = arith.constant 512 : i32
        %add3A_4493 = arith.addi %add3A_4492, %mul3A_4491 : i32
        %add3A_4494 = arith.constant 0 : i32
        %add3A_4495 = arith.addi %add3A_4493, %add3A_4494 : i32
        %swap3A_4496 = arith.index_cast %add3A_4495 : i32 to index
        %swap3A_4497 = tpu.vector_load %arg15[%swap3A_4496] {strides = array<i32>} : memref<2048xf32, #tpu.memory_space<vmem>>, vector<16xf32>,
        tpu.vector_store %arg15[%swap3A_4496], %add3A_4416 {strides = array<i32>} : memref<2048xf32, #tpu.memory_space<vmem>>, vector<16xf32>,
        %mul3A_4498 = arith.constant 32 : i32
        %mul3A_4499 = arith.muli %scan3A_870, %mul3A_4498 : i32
        %add3A_4500 = arith.constant 512 : i32
        %add3A_4501 = arith.addi %add3A_4500, %mul3A_4499 : i32
        %add3A_4502 = arith.constant 16 : i32
        %add3A_4503 = arith.addi %add3A_4501, %add3A_4502 : i32
        %swap3A_4504 = arith.index_cast %add3A_4503 : i32 to index
        %swap3A_4505 = tpu.vector_load %arg15[%swap3A_4504] {strides = array<i32>} : memref<2048xf32, #tpu.memory_space<vmem>>, vector<16xf32>,
        tpu.vector_store %arg15[%swap3A_4504], %add3A_4418 {strides = array<i32>} : memref<2048xf32, #tpu.memory_space<vmem>>, vector<16xf32>,
        %mul3A_4506 = arith.constant 32 : i32
        %mul3A_4507 = arith.muli %scan3A_870, %mul3A_4506 : i32
        %add3A_4508 = arith.constant 768 : i32
        %add3A_4509 = arith.addi %add3A_4508, %mul3A_4507 : i32
        %add3A_4510 = arith.constant 0 : i32
        %add3A_4511 = arith.addi %add3A_4509, %add3A_4510 : i32
        %swap3A_4512 = arith.index_cast %add3A_4511 : i32 to index
        %swap3A_4513 = tpu.vector_load %arg15[%swap3A_4512] {strides = array<i32>} : memref<2048xf32, #tpu.memory_space<vmem>>, vector<16xf32>,
        tpu.vector_store %arg15[%swap3A_4512], %add3A_4424 {strides = array<i32>} : memref<2048xf32, #tpu.memory_space<vmem>>, vector<16xf32>,
        %mul3A_4514 = arith.constant 32 : i32
        %mul3A_4515 = arith.muli %scan3A_870, %mul3A_4514 : i32
        %add3A_4516 = arith.constant 768 : i32
        %add3A_4517 = arith.addi %add3A_4516, %mul3A_4515 : i32
        %add3A_4518 = arith.constant 16 : i32
        %add3A_4519 = arith.addi %add3A_4517, %add3A_4518 : i32
        %swap3A_4520 = arith.index_cast %add3A_4519 : i32 to index
        %swap3A_4521 = tpu.vector_load %arg15[%swap3A_4520] {strides = array<i32>} : memref<2048xf32, #tpu.memory_space<vmem>>, vector<16xf32>,
        tpu.vector_store %arg15[%swap3A_4520], %add3A_4426 {strides = array<i32>} : memref<2048xf32, #tpu.memory_space<vmem>>, vector<16xf32>,
        %mul3A_4522 = arith.constant 32 : i32
        %mul3A_4523 = arith.muli %scan3A_870, %mul3A_4522 : i32
        %add3A_4524 = arith.constant 1024 : i32
        %add3A_4525 = arith.addi %add3A_4524, %mul3A_4523 : i32
        %add3A_4526 = arith.constant 0 : i32
        %add3A_4527 = arith.addi %add3A_4525, %add3A_4526 : i32
        %swap3A_4528 = arith.index_cast %add3A_4527 : i32 to index
        %swap3A_4529 = tpu.vector_load %arg15[%swap3A_4528] {strides = array<i32>} : memref<2048xf32, #tpu.memory_space<vmem>>, vector<16xf32>,
        tpu.vector_store %arg15[%swap3A_4528], %add3A_4432 {strides = array<i32>} : memref<2048xf32, #tpu.memory_space<vmem>>, vector<16xf32>,
        %mul3A_4530 = arith.constant 32 : i32
        %mul3A_4531 = arith.muli %scan3A_870, %mul3A_4530 : i32
        %add3A_4532 = arith.constant 1024 : i32
        %add3A_4533 = arith.addi %add3A_4532, %mul3A_4531 : i32
        %add3A_4534 = arith.constant 16 : i32
        %add3A_4535 = arith.addi %add3A_4533, %add3A_4534 : i32
        %swap3A_4536 = arith.index_cast %add3A_4535 : i32 to index
        %swap3A_4537 = tpu.vector_load %arg15[%swap3A_4536] {strides = array<i32>} : memref<2048xf32, #tpu.memory_space<vmem>>, vector<16xf32>,
        tpu.vector_store %arg15[%swap3A_4536], %add3A_4434 {strides = array<i32>} : memref<2048xf32, #tpu.memory_space<vmem>>, vector<16xf32>,
        %mul3A_4538 = arith.constant 32 : i32
        %mul3A_4539 = arith.muli %scan3A_870, %mul3A_4538 : i32
        %add3A_4540 = arith.constant 1280 : i32
        %add3A_4541 = arith.addi %add3A_4540, %mul3A_4539 : i32
        %add3A_4542 = arith.constant 0 : i32
        %add3A_4543 = arith.addi %add3A_4541, %add3A_4542 : i32
        %swap3A_4544 = arith.index_cast %add3A_4543 : i32 to index
        %swap3A_4545 = tpu.vector_load %arg15[%swap3A_4544] {strides = array<i32>} : memref<2048xf32, #tpu.memory_space<vmem>>, vector<16xf32>,
        tpu.vector_store %arg15[%swap3A_4544], %add3A_4440 {strides = array<i32>} : memref<2048xf32, #tpu.memory_space<vmem>>, vector<16xf32>,
        %mul3A_4546 = arith.constant 32 : i32
        %mul3A_4547 = arith.muli %scan3A_870, %mul3A_4546 : i32
        %add3A_4548 = arith.constant 1280 : i32
        %add3A_4549 = arith.addi %add3A_4548, %mul3A_4547 : i32
        %add3A_4550 = arith.constant 16 : i32
        %add3A_4551 = arith.addi %add3A_4549, %add3A_4550 : i32
        %swap3A_4552 = arith.index_cast %add3A_4551 : i32 to index
        %swap3A_4553 = tpu.vector_load %arg15[%swap3A_4552] {strides = array<i32>} : memref<2048xf32, #tpu.memory_space<vmem>>, vector<16xf32>,
        tpu.vector_store %arg15[%swap3A_4552], %add3A_4442 {strides = array<i32>} : memref<2048xf32, #tpu.memory_space<vmem>>, vector<16xf32>,
        %mul3A_4554 = arith.constant 32 : i32
        %mul3A_4555 = arith.muli %scan3A_870, %mul3A_4554 : i32
        %add3A_4556 = arith.constant 1536 : i32
        %add3A_4557 = arith.addi %add3A_4556, %mul3A_4555 : i32
        %add3A_4558 = arith.constant 0 : i32
        %add3A_4559 = arith.addi %add3A_4557, %add3A_4558 : i32
        %swap3A_4560 = arith.index_cast %add3A_4559 : i32 to index
        %swap3A_4561 = tpu.vector_load %arg15[%swap3A_4560] {strides = array<i32>} : memref<2048xf32, #tpu.memory_space<vmem>>, vector<16xf32>,
        tpu.vector_store %arg15[%swap3A_4560], %add3A_4448 {strides = array<i32>} : memref<2048xf32, #tpu.memory_space<vmem>>, vector<16xf32>,
        %mul3A_4562 = arith.constant 32 : i32
        %mul3A_4563 = arith.muli %scan3A_870, %mul3A_4562 : i32
        %add3A_4564 = arith.constant 1536 : i32
        %add3A_4565 = arith.addi %add3A_4564, %mul3A_4563 : i32
        %add3A_4566 = arith.constant 16 : i32
        %add3A_4567 = arith.addi %add3A_4565, %add3A_4566 : i32
        %swap3A_4568 = arith.index_cast %add3A_4567 : i32 to index
        %swap3A_4569 = tpu.vector_load %arg15[%swap3A_4568] {strides = array<i32>} : memref<2048xf32, #tpu.memory_space<vmem>>, vector<16xf32>,
        tpu.vector_store %arg15[%swap3A_4568], %add3A_4450 {strides = array<i32>} : memref<2048xf32, #tpu.memory_space<vmem>>, vector<16xf32>,
        %mul3A_4570 = arith.constant 32 : i32
        %mul3A_4571 = arith.muli %scan3A_870, %mul3A_4570 : i32
        %add3A_4572 = arith.constant 1792 : i32
        %add3A_4573 = arith.addi %add3A_4572, %mul3A_4571 : i32
        %add3A_4574 = arith.constant 0 : i32
        %add3A_4575 = arith.addi %add3A_4573, %add3A_4574 : i32
        %swap3A_4576 = arith.index_cast %add3A_4575 : i32 to index
        %swap3A_4577 = tpu.vector_load %arg15[%swap3A_4576] {strides = array<i32>} : memref<2048xf32, #tpu.memory_space<vmem>>, vector<16xf32>,
        tpu.vector_store %arg15[%swap3A_4576], %add3A_4456 {strides = array<i32>} : memref<2048xf32, #tpu.memory_space<vmem>>, vector<16xf32>,
        %mul3A_4578 = arith.constant 32 : i32
        %mul3A_4579 = arith.muli %scan3A_870, %mul3A_4578 : i32
        %add3A_4580 = arith.constant 1792 : i32
        %add3A_4581 = arith.addi %add3A_4580, %mul3A_4579 : i32
        %add3A_4582 = arith.constant 16 : i32
        %add3A_4583 = arith.addi %add3A_4581, %add3A_4582 : i32
        %swap3A_4584 = arith.index_cast %add3A_4583 : i32 to index
        %swap3A_4585 = tpu.vector_load %arg15[%swap3A_4584] {strides = array<i32>} : memref<2048xf32, #tpu.memory_space<vmem>>, vector<16xf32>,
        tpu.vector_store %arg15[%swap3A_4584], %add3A_4458 {strides = array<i32>} : memref<2048xf32, #tpu.memory_space<vmem>>, vector<16xf32>,
      }
      %scan3A_32 = arith.constant 8 : i32
      %mul3A_33 = arith.constant 16 : i32
      %mul3A_34 = arith.muli %scan3A_26, %mul3A_33 : i32
      %get3A = arith.index_cast %mul3A_34 : i32 to index
      %get3A_35 = tpu.vector_load %arg13[%get3A] {strides = array<i32>} : memref<64xi32, #tpu.memory_space<vmem>>, vector<16xi32>,
      %mul3A_36 = arith.constant 16 : i32
      %mul3A_37 = arith.muli %scan3A_26, %mul3A_36 : i32
      %get3A_38 = arith.index_cast %mul3A_37 : i32 to index
      %get3A_39 = tpu.vector_load %arg14[%get3A_38] {strides = array<i32>} : memref<64xi32, #tpu.memory_space<vmem>>, vector<16xi32>,
      %add3A_40 = arith.constant 0 : i32
      %add3A_41 = vector.broadcast %add3A_40 : i32 to vector<16xi32>
      %add3A_42 = arith.addi %mul3A_13, %add3A_41 : vector<16xi32>
      %gather3A = tpu.vector_load_idx %arg15[%add3A_42] : memref<2048xf32, #tpu.memory_space<vmem>>[vector<16xi32>], vector<16xf32>,
      %add3A_43 = arith.constant 1 : i32
      %add3A_44 = vector.broadcast %add3A_43 : i32 to vector<16xi32>
      %add3A_45 = arith.addi %mul3A_13, %add3A_44 : vector<16xi32>
      %gather3A_46 = tpu.vector_load_idx %arg15[%add3A_45] : memref<2048xf32, #tpu.memory_space<vmem>>[vector<16xi32>], vector<16xf32>,
      %add3A_47 = arith.addf %gather3A, %gather3A_46 : vector<16xf32>
      %add3A_48 = arith.constant 2 : i32
      %add3A_49 = vector.broadcast %add3A_48 : i32 to vector<16xi32>
      %add3A_50 = arith.addi %mul3A_13, %add3A_49 : vector<16xi32>
      %gather3A_51 = tpu.vector_load_idx %arg15[%add3A_50] : memref<2048xf32, #tpu.memory_space<vmem>>[vector<16xi32>], vector<16xf32>,
      %add3A_52 = arith.addf %add3A_47, %gather3A_51 : vector<16xf32>
      %add3A_53 = arith.constant 3 : i32
      %add3A_54 = vector.broadcast %add3A_53 : i32 to vector<16xi32>
      %add3A_55 = arith.addi %mul3A_13, %add3A_54 : vector<16xi32>
      %gather3A_56 = tpu.vector_load_idx %arg15[%add3A_55] : memref<2048xf32, #tpu.memory_space<vmem>>[vector<16xi32>], vector<16xf32>,
      %add3A_57 = arith.addf %add3A_52, %gather3A_56 : vector<16xf32>
      %add3A_58 = arith.constant 4 : i32
      %add3A_59 = vector.broadcast %add3A_58 : i32 to vector<16xi32>
      %add3A_60 = arith.addi %mul3A_13, %add3A_59 : vector<16xi32>
      %gather3A_61 = tpu.vector_load_idx %arg15[%add3A_60] : memref<2048xf32, #tpu.memory_space<vmem>>[vector<16xi32>], vector<16xf32>,
      %add3A_62 = arith.addf %add3A_57, %gather3A_61 : vector<16xf32>
      %add3A_63 = arith.constant 5 : i32
      %add3A_64 = vector.broadcast %add3A_63 : i32 to vector<16xi32>
      %add3A_65 = arith.addi %mul3A_13, %add3A_64 : vector<16xi32>
      %gather3A_66 = tpu.vector_load_idx %arg15[%add3A_65] : memref<2048xf32, #tpu.memory_space<vmem>>[vector<16xi32>], vector<16xf32>,
      %add3A_67 = arith.addf %add3A_62, %gather3A_66 : vector<16xf32>
      %add3A_68 = arith.constant 6 : i32
      %add3A_69 = vector.broadcast %add3A_68 : i32 to vector<16xi32>
      %add3A_70 = arith.addi %mul3A_13, %add3A_69 : vector<16xi32>
      %gather3A_71 = tpu.vector_load_idx %arg15[%add3A_70] : memref<2048xf32, #tpu.memory_space<vmem>>[vector<16xi32>], vector<16xf32>,
      %add3A_72 = arith.addf %add3A_67, %gather3A_71 : vector<16xf32>
      %add3A_73 = arith.constant 7 : i32
      %add3A_74 = vector.broadcast %add3A_73 : i32 to vector<16xi32>
      %add3A_75 = arith.addi %mul3A_13, %add3A_74 : vector<16xi32>
      %gather3A_76 = tpu.vector_load_idx %arg15[%add3A_75] : memref<2048xf32, #tpu.memory_space<vmem>>[vector<16xi32>], vector<16xf32>,
      %add3A_77 = arith.addf %add3A_72, %gather3A_76 : vector<16xf32>
      %add3A_78 = arith.constant 8 : i32
      %add3A_79 = vector.broadcast %add3A_78 : i32 to vector<16xi32>
      %add3A_80 = arith.addi %mul3A_13, %add3A_79 : vector<16xi32>
      %gather3A_81 = tpu.vector_load_idx %arg15[%add3A_80] : memref<2048xf32, #tpu.memory_space<vmem>>[vector<16xi32>], vector<16xf32>,
      %add3A_82 = arith.addf %add3A_77, %gather3A_81 : vector<16xf32>
      %add3A_83 = arith.constant 9 : i32
      %add3A_84 = vector.broadcast %add3A_83 : i32 to vector<16xi32>
      %add3A_85 = arith.addi %mul3A_13, %add3A_84 : vector<16xi32>
      %gather3A_86 = tpu.vector_load_idx %arg15[%add3A_85] : memref<2048xf32, #tpu.memory_space<vmem>>[vector<16xi32>], vector<16xf32>,
      %add3A_87 = arith.addf %add3A_82, %gather3A_86 : vector<16xf32>
      %add3A_88 = arith.constant 10 : i32
      %add3A_89 = vector.broadcast %add3A_88 : i32 to vector<16xi32>
      %add3A_90 = arith.addi %mul3A_13, %add3A_89 : vector<16xi32>
      %gather3A_91 = tpu.vector_load_idx %arg15[%add3A_90] : memref<2048xf32, #tpu.memory_space<vmem>>[vector<16xi32>], vector<16xf32>,
      %add3A_92 = arith.addf %add3A_87, %gather3A_91 : vector<16xf32>
      %add3A_93 = arith.constant 11 : i32
      %add3A_94 = vector.broadcast %add3A_93 : i32 to vector<16xi32>
      %add3A_95 = arith.addi %mul3A_13, %add3A_94 : vector<16xi32>
      %gather3A_96 = tpu.vector_load_idx %arg15[%add3A_95] : memref<2048xf32, #tpu.memory_space<vmem>>[vector<16xi32>], vector<16xf32>,
      %add3A_97 = arith.addf %add3A_92, %gather3A_96 : vector<16xf32>
      %add3A_98 = arith.constant 12 : i32
      %add3A_99 = vector.broadcast %add3A_98 : i32 to vector<16xi32>
      %add3A_100 = arith.addi %mul3A_13, %add3A_99 : vector<16xi32>
      %gather3A_101 = tpu.vector_load_idx %arg15[%add3A_100] : memref<2048xf32, #tpu.memory_space<vmem>>[vector<16xi32>], vector<16xf32>,
      %add3A_102 = arith.addf %add3A_97, %gather3A_101 : vector<16xf32>
      %add3A_103 = arith.constant 13 : i32
      %add3A_104 = vector.broadcast %add3A_103 : i32 to vector<16xi32>
      %add3A_105 = arith.addi %mul3A_13, %add3A_104 : vector<16xi32>
      %gather3A_106 = tpu.vector_load_idx %arg15[%add3A_105] : memref<2048xf32, #tpu.memory_space<vmem>>[vector<16xi32>], vector<16xf32>,
      %add3A_107 = arith.addf %add3A_102, %gather3A_106 : vector<16xf32>
      %add3A_108 = arith.constant 14 : i32
      %add3A_109 = vector.broadcast %add3A_108 : i32 to vector<16xi32>
      %add3A_110 = arith.addi %mul3A_13, %add3A_109 : vector<16xi32>
      %gather3A_111 = tpu.vector_load_idx %arg15[%add3A_110] : memref<2048xf32, #tpu.memory_space<vmem>>[vector<16xi32>], vector<16xf32>,
      %add3A_112 = arith.addf %add3A_107, %gather3A_111 : vector<16xf32>
      %add3A_113 = arith.constant 15 : i32
      %add3A_114 = vector.broadcast %add3A_113 : i32 to vector<16xi32>
      %add3A_115 = arith.addi %mul3A_13, %add3A_114 : vector<16xi32>
      %gather3A_116 = tpu.vector_load_idx %arg15[%add3A_115] : memref<2048xf32, #tpu.memory_space<vmem>>[vector<16xi32>], vector<16xf32>,
      %add3A_117 = arith.addf %add3A_112, %gather3A_116 : vector<16xf32>
      %mul3A_118 = arith.constant 8 : i32
      %mul3A_119 = vector.broadcast %mul3A_118 : i32 to vector<16xi32>
      %mul3A_120 = arith.muli %get3A_35, %mul3A_119 : vector<16xi32>
      %add3A_121 = arith.constant 0 : i32
      %add3A_122 = vector.broadcast %add3A_121 : i32 to vector<16xi32>
      %add3A_123 = arith.addi %mul3A_120, %add3A_122 : vector<16xi32>
      %gather3A_124 = tpu.vector_load_idx %arg11[%add3A_123] : memref<64xf32, #tpu.memory_space<vmem>>[vector<16xi32>], vector<16xf32>,
      %add3A_125 = arith.addf %add3A_117, %gather3A_124 : vector<16xf32>
      %mul3A_126 = arith.constant 8 : i32
      %mul3A_127 = vector.broadcast %mul3A_126 : i32 to vector<16xi32>
      %mul3A_128 = arith.muli %get3A_39, %mul3A_127 : vector<16xi32>
      %add3A_129 = arith.constant 0 : i32
      %add3A_130 = vector.broadcast %add3A_129 : i32 to vector<16xi32>
      %add3A_131 = arith.addi %mul3A_128, %add3A_130 : vector<16xi32>
      %gather3A_132 = tpu.vector_load_idx %arg12[%add3A_131] : memref<32xf32, #tpu.memory_space<vmem>>[vector<16xi32>], vector<16xf32>,
      %add3A_133 = arith.addf %add3A_125, %gather3A_132 : vector<16xf32>
      %add3A_134 = arith.constant 256 : i32
      %add3A_135 = vector.broadcast %add3A_134 : i32 to vector<16xi32>
      %add3A_136 = arith.addi %mul3A_13, %add3A_135 : vector<16xi32>
      %gather3A_137 = tpu.vector_load_idx %arg15[%add3A_136] : memref<2048xf32, #tpu.memory_space<vmem>>[vector<16xi32>], vector<16xf32>,
      %add3A_138 = arith.constant 257 : i32
      %add3A_139 = vector.broadcast %add3A_138 : i32 to vector<16xi32>
      %add3A_140 = arith.addi %mul3A_13, %add3A_139 : vector<16xi32>
      %gather3A_141 = tpu.vector_load_idx %arg15[%add3A_140] : memref<2048xf32, #tpu.memory_space<vmem>>[vector<16xi32>], vector<16xf32>,
      %add3A_142 = arith.addf %gather3A_137, %gather3A_141 : vector<16xf32>
      %add3A_143 = arith.constant 258 : i32
      %add3A_144 = vector.broadcast %add3A_143 : i32 to vector<16xi32>
      %add3A_145 = arith.addi %mul3A_13, %add3A_144 : vector<16xi32>
      %gather3A_146 = tpu.vector_load_idx %arg15[%add3A_145] : memref<2048xf32, #tpu.memory_space<vmem>>[vector<16xi32>], vector<16xf32>,
      %add3A_147 = arith.addf %add3A_142, %gather3A_146 : vector<16xf32>
      %add3A_148 = arith.constant 259 : i32
      %add3A_149 = vector.broadcast %add3A_148 : i32 to vector<16xi32>
      %add3A_150 = arith.addi %mul3A_13, %add3A_149 : vector<16xi32>
      %gather3A_151 = tpu.vector_load_idx %arg15[%add3A_150] : memref<2048xf32, #tpu.memory_space<vmem>>[vector<16xi32>], vector<16xf32>,
      %add3A_152 = arith.addf %add3A_147, %gather3A_151 : vector<16xf32>
      %add3A_153 = arith.constant 260 : i32
      %add3A_154 = vector.broadcast %add3A_153 : i32 to vector<16xi32>
      %add3A_155 = arith.addi %mul3A_13, %add3A_154 : vector<16xi32>
      %gather3A_156 = tpu.vector_load_idx %arg15[%add3A_155] : memref<2048xf32, #tpu.memory_space<vmem>>[vector<16xi32>], vector<16xf32>,
      %add3A_157 = arith.addf %add3A_152, %gather3A_156 : vector<16xf32>
      %add3A_158 = arith.constant 261 : i32
      %add3A_159 = vector.broadcast %add3A_158 : i32 to vector<16xi32>
      %add3A_160 = arith.addi %mul3A_13, %add3A_159 : vector<16xi32>
      %gather3A_161 = tpu.vector_load_idx %arg15[%add3A_160] : memref<2048xf32, #tpu.memory_space<vmem>>[vector<16xi32>], vector<16xf32>,
      %add3A_162 = arith.addf %add3A_157, %gather3A_161 : vector<16xf32>
      %add3A_163 = arith.constant 262 : i32
      %add3A_164 = vector.broadcast %add3A_163 : i32 to vector<16xi32>
      %add3A_165 = arith.addi %mul3A_13, %add3A_164 : vector<16xi32>
      %gather3A_166 = tpu.vector_load_idx %arg15[%add3A_165] : memref<2048xf32, #tpu.memory_space<vmem>>[vector<16xi32>], vector<16xf32>,
      %add3A_167 = arith.addf %add3A_162, %gather3A_166 : vector<16xf32>
      %add3A_168 = arith.constant 263 : i32
      %add3A_169 = vector.broadcast %add3A_168 : i32 to vector<16xi32>
      %add3A_170 = arith.addi %mul3A_13, %add3A_169 : vector<16xi32>
      %gather3A_171 = tpu.vector_load_idx %arg15[%add3A_170] : memref<2048xf32, #tpu.memory_space<vmem>>[vector<16xi32>], vector<16xf32>,
      %add3A_172 = arith.addf %add3A_167, %gather3A_171 : vector<16xf32>
      %add3A_173 = arith.constant 264 : i32
      %add3A_174 = vector.broadcast %add3A_173 : i32 to vector<16xi32>
      %add3A_175 = arith.addi %mul3A_13, %add3A_174 : vector<16xi32>
      %gather3A_176 = tpu.vector_load_idx %arg15[%add3A_175] : memref<2048xf32, #tpu.memory_space<vmem>>[vector<16xi32>], vector<16xf32>,
      %add3A_177 = arith.addf %add3A_172, %gather3A_176 : vector<16xf32>
      %add3A_178 = arith.constant 265 : i32
      %add3A_179 = vector.broadcast %add3A_178 : i32 to vector<16xi32>
      %add3A_180 = arith.addi %mul3A_13, %add3A_179 : vector<16xi32>
      %gather3A_181 = tpu.vector_load_idx %arg15[%add3A_180] : memref<2048xf32, #tpu.memory_space<vmem>>[vector<16xi32>], vector<16xf32>,
      %add3A_182 = arith.addf %add3A_177, %gather3A_181 : vector<16xf32>
      %add3A_183 = arith.constant 266 : i32
      %add3A_184 = vector.broadcast %add3A_183 : i32 to vector<16xi32>
      %add3A_185 = arith.addi %mul3A_13, %add3A_184 : vector<16xi32>
      %gather3A_186 = tpu.vector_load_idx %arg15[%add3A_185] : memref<2048xf32, #tpu.memory_space<vmem>>[vector<16xi32>], vector<16xf32>,
      %add3A_187 = arith.addf %add3A_182, %gather3A_186 : vector<16xf32>
      %add3A_188 = arith.constant 267 : i32
      %add3A_189 = vector.broadcast %add3A_188 : i32 to vector<16xi32>
      %add3A_190 = arith.addi %mul3A_13, %add3A_189 : vector<16xi32>
      %gather3A_191 = tpu.vector_load_idx %arg15[%add3A_190] : memref<2048xf32, #tpu.memory_space<vmem>>[vector<16xi32>], vector<16xf32>,
      %add3A_192 = arith.addf %add3A_187, %gather3A_191 : vector<16xf32>
      %add3A_193 = arith.constant 268 : i32
      %add3A_194 = vector.broadcast %add3A_193 : i32 to vector<16xi32>
      %add3A_195 = arith.addi %mul3A_13, %add3A_194 : vector<16xi32>
      %gather3A_196 = tpu.vector_load_idx %arg15[%add3A_195] : memref<2048xf32, #tpu.memory_space<vmem>>[vector<16xi32>], vector<16xf32>,
      %add3A_197 = arith.addf %add3A_192, %gather3A_196 : vector<16xf32>
      %add3A_198 = arith.constant 269 : i32
      %add3A_199 = vector.broadcast %add3A_198 : i32 to vector<16xi32>
      %add3A_200 = arith.addi %mul3A_13, %add3A_199 : vector<16xi32>
      %gather3A_201 = tpu.vector_load_idx %arg15[%add3A_200] : memref<2048xf32, #tpu.memory_space<vmem>>[vector<16xi32>], vector<16xf32>,
      %add3A_202 = arith.addf %add3A_197, %gather3A_201 : vector<16xf32>
      %add3A_203 = arith.constant 270 : i32
      %add3A_204 = vector.broadcast %add3A_203 : i32 to vector<16xi32>
      %add3A_205 = arith.addi %mul3A_13, %add3A_204 : vector<16xi32>
      %gather3A_206 = tpu.vector_load_idx %arg15[%add3A_205] : memref<2048xf32, #tpu.memory_space<vmem>>[vector<16xi32>], vector<16xf32>,
      %add3A_207 = arith.addf %add3A_202, %gather3A_206 : vector<16xf32>
      %add3A_208 = arith.constant 271 : i32
      %add3A_209 = vector.broadcast %add3A_208 : i32 to vector<16xi32>
      %add3A_210 = arith.addi %mul3A_13, %add3A_209 : vector<16xi32>
      %gather3A_211 = tpu.vector_load_idx %arg15[%add3A_210] : memref<2048xf32, #tpu.memory_space<vmem>>[vector<16xi32>], vector<16xf32>,
      %add3A_212 = arith.addf %add3A_207, %gather3A_211 : vector<16xf32>
      %mul3A_213 = arith.constant 8 : i32
      %mul3A_214 = vector.broadcast %mul3A_213 : i32 to vector<16xi32>
      %mul3A_215 = arith.muli %get3A_35, %mul3A_214 : vector<16xi32>
      %add3A_216 = arith.constant 1 : i32
      %add3A_217 = vector.broadcast %add3A_216 : i32 to vector<16xi32>
      %add3A_218 = arith.addi %mul3A_215, %add3A_217 : vector<16xi32>
      %gather3A_219 = tpu.vector_load_idx %arg11[%add3A_218] : memref<64xf32, #tpu.memory_space<vmem>>[vector<16xi32>], vector<16xf32>,
      %add3A_220 = arith.addf %add3A_212, %gather3A_219 : vector<16xf32>
      %mul3A_221 = arith.constant 8 : i32
      %mul3A_222 = vector.broadcast %mul3A_221 : i32 to vector<16xi32>
      %mul3A_223 = arith.muli %get3A_39, %mul3A_222 : vector<16xi32>
      %add3A_224 = arith.constant 1 : i32
      %add3A_225 = vector.broadcast %add3A_224 : i32 to vector<16xi32>
      %add3A_226 = arith.addi %mul3A_223, %add3A_225 : vector<16xi32>
      %gather3A_227 = tpu.vector_load_idx %arg12[%add3A_226] : memref<32xf32, #tpu.memory_space<vmem>>[vector<16xi32>], vector<16xf32>,
      %add3A_228 = arith.addf %add3A_220, %gather3A_227 : vector<16xf32>
      %add3A_229 = arith.constant 512 : i32
      %add3A_230 = vector.broadcast %add3A_229 : i32 to vector<16xi32>
      %add3A_231 = arith.addi %mul3A_13, %add3A_230 : vector<16xi32>
      %gather3A_232 = tpu.vector_load_idx %arg15[%add3A_231] : memref<2048xf32, #tpu.memory_space<vmem>>[vector<16xi32>], vector<16xf32>,
      %add3A_233 = arith.constant 513 : i32
      %add3A_234 = vector.broadcast %add3A_233 : i32 to vector<16xi32>
      %add3A_235 = arith.addi %mul3A_13, %add3A_234 : vector<16xi32>
      %gather3A_236 = tpu.vector_load_idx %arg15[%add3A_235] : memref<2048xf32, #tpu.memory_space<vmem>>[vector<16xi32>], vector<16xf32>,
      %add3A_237 = arith.addf %gather3A_232, %gather3A_236 : vector<16xf32>
      %add3A_238 = arith.constant 514 : i32
      %add3A_239 = vector.broadcast %add3A_238 : i32 to vector<16xi32>
      %add3A_240 = arith.addi %mul3A_13, %add3A_239 : vector<16xi32>
      %gather3A_241 = tpu.vector_load_idx %arg15[%add3A_240] : memref<2048xf32, #tpu.memory_space<vmem>>[vector<16xi32>], vector<16xf32>,
      %add3A_242 = arith.addf %add3A_237, %gather3A_241 : vector<16xf32>
      %add3A_243 = arith.constant 515 : i32
      %add3A_244 = vector.broadcast %add3A_243 : i32 to vector<16xi32>
      %add3A_245 = arith.addi %mul3A_13, %add3A_244 : vector<16xi32>
      %gather3A_246 = tpu.vector_load_idx %arg15[%add3A_245] : memref<2048xf32, #tpu.memory_space<vmem>>[vector<16xi32>], vector<16xf32>,
      %add3A_247 = arith.addf %add3A_242, %gather3A_246 : vector<16xf32>
      %add3A_248 = arith.constant 516 : i32
      %add3A_249 = vector.broadcast %add3A_248 : i32 to vector<16xi32>
      %add3A_250 = arith.addi %mul3A_13, %add3A_249 : vector<16xi32>
      %gather3A_251 = tpu.vector_load_idx %arg15[%add3A_250] : memref<2048xf32, #tpu.memory_space<vmem>>[vector<16xi32>], vector<16xf32>,
      %add3A_252 = arith.addf %add3A_247, %gather3A_251 : vector<16xf32>
      %add3A_253 = arith.constant 517 : i32
      %add3A_254 = vector.broadcast %add3A_253 : i32 to vector<16xi32>
      %add3A_255 = arith.addi %mul3A_13, %add3A_254 : vector<16xi32>
      %gather3A_256 = tpu.vector_load_idx %arg15[%add3A_255] : memref<2048xf32, #tpu.memory_space<vmem>>[vector<16xi32>], vector<16xf32>,
      %add3A_257 = arith.addf %add3A_252, %gather3A_256 : vector<16xf32>
      %add3A_258 = arith.constant 518 : i32
      %add3A_259 = vector.broadcast %add3A_258 : i32 to vector<16xi32>
      %add3A_260 = arith.addi %mul3A_13, %add3A_259 : vector<16xi32>
      %gather3A_261 = tpu.vector_load_idx %arg15[%add3A_260] : memref<2048xf32, #tpu.memory_space<vmem>>[vector<16xi32>], vector<16xf32>,
      %add3A_262 = arith.addf %add3A_257, %gather3A_261 : vector<16xf32>
      %add3A_263 = arith.constant 519 : i32
      %add3A_264 = vector.broadcast %add3A_263 : i32 to vector<16xi32>
      %add3A_265 = arith.addi %mul3A_13, %add3A_264 : vector<16xi32>
      %gather3A_266 = tpu.vector_load_idx %arg15[%add3A_265] : memref<2048xf32, #tpu.memory_space<vmem>>[vector<16xi32>], vector<16xf32>,
      %add3A_267 = arith.addf %add3A_262, %gather3A_266 : vector<16xf32>
      %add3A_268 = arith.constant 520 : i32
      %add3A_269 = vector.broadcast %add3A_268 : i32 to vector<16xi32>
      %add3A_270 = arith.addi %mul3A_13, %add3A_269 : vector<16xi32>
      %gather3A_271 = tpu.vector_load_idx %arg15[%add3A_270] : memref<2048xf32, #tpu.memory_space<vmem>>[vector<16xi32>], vector<16xf32>,
      %add3A_272 = arith.addf %add3A_267, %gather3A_271 : vector<16xf32>
      %add3A_273 = arith.constant 521 : i32
      %add3A_274 = vector.broadcast %add3A_273 : i32 to vector<16xi32>
      %add3A_275 = arith.addi %mul3A_13, %add3A_274 : vector<16xi32>
      %gather3A_276 = tpu.vector_load_idx %arg15[%add3A_275] : memref<2048xf32, #tpu.memory_space<vmem>>[vector<16xi32>], vector<16xf32>,
      %add3A_277 = arith.addf %add3A_272, %gather3A_276 : vector<16xf32>
      %add3A_278 = arith.constant 522 : i32
      %add3A_279 = vector.broadcast %add3A_278 : i32 to vector<16xi32>
      %add3A_280 = arith.addi %mul3A_13, %add3A_279 : vector<16xi32>
      %gather3A_281 = tpu.vector_load_idx %arg15[%add3A_280] : memref<2048xf32, #tpu.memory_space<vmem>>[vector<16xi32>], vector<16xf32>,
      %add3A_282 = arith.addf %add3A_277, %gather3A_281 : vector<16xf32>
      %add3A_283 = arith.constant 523 : i32
      %add3A_284 = vector.broadcast %add3A_283 : i32 to vector<16xi32>
      %add3A_285 = arith.addi %mul3A_13, %add3A_284 : vector<16xi32>
      %gather3A_286 = tpu.vector_load_idx %arg15[%add3A_285] : memref<2048xf32, #tpu.memory_space<vmem>>[vector<16xi32>], vector<16xf32>,
      %add3A_287 = arith.addf %add3A_282, %gather3A_286 : vector<16xf32>
      %add3A_288 = arith.constant 524 : i32
      %add3A_289 = vector.broadcast %add3A_288 : i32 to vector<16xi32>
      %add3A_290 = arith.addi %mul3A_13, %add3A_289 : vector<16xi32>
      %gather3A_291 = tpu.vector_load_idx %arg15[%add3A_290] : memref<2048xf32, #tpu.memory_space<vmem>>[vector<16xi32>], vector<16xf32>,
      %add3A_292 = arith.addf %add3A_287, %gather3A_291 : vector<16xf32>
      %add3A_293 = arith.constant 525 : i32
      %add3A_294 = vector.broadcast %add3A_293 : i32 to vector<16xi32>
      %add3A_295 = arith.addi %mul3A_13, %add3A_294 : vector<16xi32>
      %gather3A_296 = tpu.vector_load_idx %arg15[%add3A_295] : memref<2048xf32, #tpu.memory_space<vmem>>[vector<16xi32>], vector<16xf32>,
      %add3A_297 = arith.addf %add3A_292, %gather3A_296 : vector<16xf32>
      %add3A_298 = arith.constant 526 : i32
      %add3A_299 = vector.broadcast %add3A_298 : i32 to vector<16xi32>
      %add3A_300 = arith.addi %mul3A_13, %add3A_299 : vector<16xi32>
      %gather3A_301 = tpu.vector_load_idx %arg15[%add3A_300] : memref<2048xf32, #tpu.memory_space<vmem>>[vector<16xi32>], vector<16xf32>,
      %add3A_302 = arith.addf %add3A_297, %gather3A_301 : vector<16xf32>
      %add3A_303 = arith.constant 527 : i32
      %add3A_304 = vector.broadcast %add3A_303 : i32 to vector<16xi32>
      %add3A_305 = arith.addi %mul3A_13, %add3A_304 : vector<16xi32>
      %gather3A_306 = tpu.vector_load_idx %arg15[%add3A_305] : memref<2048xf32, #tpu.memory_space<vmem>>[vector<16xi32>], vector<16xf32>,
      %add3A_307 = arith.addf %add3A_302, %gather3A_306 : vector<16xf32>
      %mul3A_308 = arith.constant 8 : i32
      %mul3A_309 = vector.broadcast %mul3A_308 : i32 to vector<16xi32>
      %mul3A_310 = arith.muli %get3A_35, %mul3A_309 : vector<16xi32>
      %add3A_311 = arith.constant 2 : i32
      %add3A_312 = vector.broadcast %add3A_311 : i32 to vector<16xi32>
      %add3A_313 = arith.addi %mul3A_310, %add3A_312 : vector<16xi32>
      %gather3A_314 = tpu.vector_load_idx %arg11[%add3A_313] : memref<64xf32, #tpu.memory_space<vmem>>[vector<16xi32>], vector<16xf32>,
      %add3A_315 = arith.addf %add3A_307, %gather3A_314 : vector<16xf32>
      %mul3A_316 = arith.constant 8 : i32
      %mul3A_317 = vector.broadcast %mul3A_316 : i32 to vector<16xi32>
      %mul3A_318 = arith.muli %get3A_39, %mul3A_317 : vector<16xi32>
      %add3A_319 = arith.constant 2 : i32
      %add3A_320 = vector.broadcast %add3A_319 : i32 to vector<16xi32>
      %add3A_321 = arith.addi %mul3A_318, %add3A_320 : vector<16xi32>
      %gather3A_322 = tpu.vector_load_idx %arg12[%add3A_321] : memref<32xf32, #tpu.memory_space<vmem>>[vector<16xi32>], vector<16xf32>,
      %add3A_323 = arith.addf %add3A_315, %gather3A_322 : vector<16xf32>
      %add3A_324 = arith.constant 768 : i32
      %add3A_325 = vector.broadcast %add3A_324 : i32 to vector<16xi32>
      %add3A_326 = arith.addi %mul3A_13, %add3A_325 : vector<16xi32>
      %gather3A_327 = tpu.vector_load_idx %arg15[%add3A_326] : memref<2048xf32, #tpu.memory_space<vmem>>[vector<16xi32>], vector<16xf32>,
      %add3A_328 = arith.constant 769 : i32
      %add3A_329 = vector.broadcast %add3A_328 : i32 to vector<16xi32>
      %add3A_330 = arith.addi %mul3A_13, %add3A_329 : vector<16xi32>
      %gather3A_331 = tpu.vector_load_idx %arg15[%add3A_330] : memref<2048xf32, #tpu.memory_space<vmem>>[vector<16xi32>], vector<16xf32>,
      %add3A_332 = arith.addf %gather3A_327, %gather3A_331 : vector<16xf32>
      %add3A_333 = arith.constant 770 : i32
      %add3A_334 = vector.broadcast %add3A_333 : i32 to vector<16xi32>
      %add3A_335 = arith.addi %mul3A_13, %add3A_334 : vector<16xi32>
      %gather3A_336 = tpu.vector_load_idx %arg15[%add3A_335] : memref<2048xf32, #tpu.memory_space<vmem>>[vector<16xi32>], vector<16xf32>,
      %add3A_337 = arith.addf %add3A_332, %gather3A_336 : vector<16xf32>
      %add3A_338 = arith.constant 771 : i32
      %add3A_339 = vector.broadcast %add3A_338 : i32 to vector<16xi32>
      %add3A_340 = arith.addi %mul3A_13, %add3A_339 : vector<16xi32>
      %gather3A_341 = tpu.vector_load_idx %arg15[%add3A_340] : memref<2048xf32, #tpu.memory_space<vmem>>[vector<16xi32>], vector<16xf32>,
      %add3A_342 = arith.addf %add3A_337, %gather3A_341 : vector<16xf32>
      %add3A_343 = arith.constant 772 : i32
      %add3A_344 = vector.broadcast %add3A_343 : i32 to vector<16xi32>
      %add3A_345 = arith.addi %mul3A_13, %add3A_344 : vector<16xi32>
      %gather3A_346 = tpu.vector_load_idx %arg15[%add3A_345] : memref<2048xf32, #tpu.memory_space<vmem>>[vector<16xi32>], vector<16xf32>,
      %add3A_347 = arith.addf %add3A_342, %gather3A_346 : vector<16xf32>
      %add3A_348 = arith.constant 773 : i32
      %add3A_349 = vector.broadcast %add3A_348 : i32 to vector<16xi32>
      %add3A_350 = arith.addi %mul3A_13, %add3A_349 : vector<16xi32>
      %gather3A_351 = tpu.vector_load_idx %arg15[%add3A_350] : memref<2048xf32, #tpu.memory_space<vmem>>[vector<16xi32>], vector<16xf32>,
      %add3A_352 = arith.addf %add3A_347, %gather3A_351 : vector<16xf32>
      %add3A_353 = arith.constant 774 : i32
      %add3A_354 = vector.broadcast %add3A_353 : i32 to vector<16xi32>
      %add3A_355 = arith.addi %mul3A_13, %add3A_354 : vector<16xi32>
      %gather3A_356 = tpu.vector_load_idx %arg15[%add3A_355] : memref<2048xf32, #tpu.memory_space<vmem>>[vector<16xi32>], vector<16xf32>,
      %add3A_357 = arith.addf %add3A_352, %gather3A_356 : vector<16xf32>
      %add3A_358 = arith.constant 775 : i32
      %add3A_359 = vector.broadcast %add3A_358 : i32 to vector<16xi32>
      %add3A_360 = arith.addi %mul3A_13, %add3A_359 : vector<16xi32>
      %gather3A_361 = tpu.vector_load_idx %arg15[%add3A_360] : memref<2048xf32, #tpu.memory_space<vmem>>[vector<16xi32>], vector<16xf32>,
      %add3A_362 = arith.addf %add3A_357, %gather3A_361 : vector<16xf32>
      %add3A_363 = arith.constant 776 : i32
      %add3A_364 = vector.broadcast %add3A_363 : i32 to vector<16xi32>
      %add3A_365 = arith.addi %mul3A_13, %add3A_364 : vector<16xi32>
      %gather3A_366 = tpu.vector_load_idx %arg15[%add3A_365] : memref<2048xf32, #tpu.memory_space<vmem>>[vector<16xi32>], vector<16xf32>,
      %add3A_367 = arith.addf %add3A_362, %gather3A_366 : vector<16xf32>
      %add3A_368 = arith.constant 777 : i32
      %add3A_369 = vector.broadcast %add3A_368 : i32 to vector<16xi32>
      %add3A_370 = arith.addi %mul3A_13, %add3A_369 : vector<16xi32>
      %gather3A_371 = tpu.vector_load_idx %arg15[%add3A_370] : memref<2048xf32, #tpu.memory_space<vmem>>[vector<16xi32>], vector<16xf32>,
      %add3A_372 = arith.addf %add3A_367, %gather3A_371 : vector<16xf32>
      %add3A_373 = arith.constant 778 : i32
      %add3A_374 = vector.broadcast %add3A_373 : i32 to vector<16xi32>
      %add3A_375 = arith.addi %mul3A_13, %add3A_374 : vector<16xi32>
      %gather3A_376 = tpu.vector_load_idx %arg15[%add3A_375] : memref<2048xf32, #tpu.memory_space<vmem>>[vector<16xi32>], vector<16xf32>,
      %add3A_377 = arith.addf %add3A_372, %gather3A_376 : vector<16xf32>
      %add3A_378 = arith.constant 779 : i32
      %add3A_379 = vector.broadcast %add3A_378 : i32 to vector<16xi32>
      %add3A_380 = arith.addi %mul3A_13, %add3A_379 : vector<16xi32>
      %gather3A_381 = tpu.vector_load_idx %arg15[%add3A_380] : memref<2048xf32, #tpu.memory_space<vmem>>[vector<16xi32>], vector<16xf32>,
      %add3A_382 = arith.addf %add3A_377, %gather3A_381 : vector<16xf32>
      %add3A_383 = arith.constant 780 : i32
      %add3A_384 = vector.broadcast %add3A_383 : i32 to vector<16xi32>
      %add3A_385 = arith.addi %mul3A_13, %add3A_384 : vector<16xi32>
      %gather3A_386 = tpu.vector_load_idx %arg15[%add3A_385] : memref<2048xf32, #tpu.memory_space<vmem>>[vector<16xi32>], vector<16xf32>,
      %add3A_387 = arith.addf %add3A_382, %gather3A_386 : vector<16xf32>
      %add3A_388 = arith.constant 781 : i32
      %add3A_389 = vector.broadcast %add3A_388 : i32 to vector<16xi32>
      %add3A_390 = arith.addi %mul3A_13, %add3A_389 : vector<16xi32>
      %gather3A_391 = tpu.vector_load_idx %arg15[%add3A_390] : memref<2048xf32, #tpu.memory_space<vmem>>[vector<16xi32>], vector<16xf32>,
      %add3A_392 = arith.addf %add3A_387, %gather3A_391 : vector<16xf32>
      %add3A_393 = arith.constant 782 : i32
      %add3A_394 = vector.broadcast %add3A_393 : i32 to vector<16xi32>
      %add3A_395 = arith.addi %mul3A_13, %add3A_394 : vector<16xi32>
      %gather3A_396 = tpu.vector_load_idx %arg15[%add3A_395] : memref<2048xf32, #tpu.memory_space<vmem>>[vector<16xi32>], vector<16xf32>,
      %add3A_397 = arith.addf %add3A_392, %gather3A_396 : vector<16xf32>
      %add3A_398 = arith.constant 783 : i32
      %add3A_399 = vector.broadcast %add3A_398 : i32 to vector<16xi32>
      %add3A_400 = arith.addi %mul3A_13, %add3A_399 : vector<16xi32>
      %gather3A_401 = tpu.vector_load_idx %arg15[%add3A_400] : memref<2048xf32, #tpu.memory_space<vmem>>[vector<16xi32>], vector<16xf32>,
      %add3A_402 = arith.addf %add3A_397, %gather3A_401 : vector<16xf32>
      %mul3A_403 = arith.constant 8 : i32
      %mul3A_404 = vector.broadcast %mul3A_403 : i32 to vector<16xi32>
      %mul3A_405 = arith.muli %get3A_35, %mul3A_404 : vector<16xi32>
      %add3A_406 = arith.constant 3 : i32
      %add3A_407 = vector.broadcast %add3A_406 : i32 to vector<16xi32>
      %add3A_408 = arith.addi %mul3A_405, %add3A_407 : vector<16xi32>
      %gather3A_409 = tpu.vector_load_idx %arg11[%add3A_408] : memref<64xf32, #tpu.memory_space<vmem>>[vector<16xi32>], vector<16xf32>,
      %add3A_410 = arith.addf %add3A_402, %gather3A_409 : vector<16xf32>
      %mul3A_411 = arith.constant 8 : i32
      %mul3A_412 = vector.broadcast %mul3A_411 : i32 to vector<16xi32>
      %mul3A_413 = arith.muli %get3A_39, %mul3A_412 : vector<16xi32>
      %add3A_414 = arith.constant 3 : i32
      %add3A_415 = vector.broadcast %add3A_414 : i32 to vector<16xi32>
      %add3A_416 = arith.addi %mul3A_413, %add3A_415 : vector<16xi32>
      %gather3A_417 = tpu.vector_load_idx %arg12[%add3A_416] : memref<32xf32, #tpu.memory_space<vmem>>[vector<16xi32>], vector<16xf32>,
      %add3A_418 = arith.addf %add3A_410, %gather3A_417 : vector<16xf32>
      %add3A_419 = arith.constant 1024 : i32
      %add3A_420 = vector.broadcast %add3A_419 : i32 to vector<16xi32>
      %add3A_421 = arith.addi %mul3A_13, %add3A_420 : vector<16xi32>
      %gather3A_422 = tpu.vector_load_idx %arg15[%add3A_421] : memref<2048xf32, #tpu.memory_space<vmem>>[vector<16xi32>], vector<16xf32>,
      %add3A_423 = arith.constant 1025 : i32
      %add3A_424 = vector.broadcast %add3A_423 : i32 to vector<16xi32>
      %add3A_425 = arith.addi %mul3A_13, %add3A_424 : vector<16xi32>
      %gather3A_426 = tpu.vector_load_idx %arg15[%add3A_425] : memref<2048xf32, #tpu.memory_space<vmem>>[vector<16xi32>], vector<16xf32>,
      %add3A_427 = arith.addf %gather3A_422, %gather3A_426 : vector<16xf32>
      %add3A_428 = arith.constant 1026 : i32
      %add3A_429 = vector.broadcast %add3A_428 : i32 to vector<16xi32>
      %add3A_430 = arith.addi %mul3A_13, %add3A_429 : vector<16xi32>
      %gather3A_431 = tpu.vector_load_idx %arg15[%add3A_430] : memref<2048xf32, #tpu.memory_space<vmem>>[vector<16xi32>], vector<16xf32>,
      %add3A_432 = arith.addf %add3A_427, %gather3A_431 : vector<16xf32>
      %add3A_433 = arith.constant 1027 : i32
      %add3A_434 = vector.broadcast %add3A_433 : i32 to vector<16xi32>
      %add3A_435 = arith.addi %mul3A_13, %add3A_434 : vector<16xi32>
      %gather3A_436 = tpu.vector_load_idx %arg15[%add3A_435] : memref<2048xf32, #tpu.memory_space<vmem>>[vector<16xi32>], vector<16xf32>,
      %add3A_437 = arith.addf %add3A_432, %gather3A_436 : vector<16xf32>
      %add3A_438 = arith.constant 1028 : i32
      %add3A_439 = vector.broadcast %add3A_438 : i32 to vector<16xi32>
      %add3A_440 = arith.addi %mul3A_13, %add3A_439 : vector<16xi32>
      %gather3A_441 = tpu.vector_load_idx %arg15[%add3A_440] : memref<2048xf32, #tpu.memory_space<vmem>>[vector<16xi32>], vector<16xf32>,
      %add3A_442 = arith.addf %add3A_437, %gather3A_441 : vector<16xf32>
      %add3A_443 = arith.constant 1029 : i32
      %add3A_444 = vector.broadcast %add3A_443 : i32 to vector<16xi32>
      %add3A_445 = arith.addi %mul3A_13, %add3A_444 : vector<16xi32>
      %gather3A_446 = tpu.vector_load_idx %arg15[%add3A_445] : memref<2048xf32, #tpu.memory_space<vmem>>[vector<16xi32>], vector<16xf32>,
      %add3A_447 = arith.addf %add3A_442, %gather3A_446 : vector<16xf32>
      %add3A_448 = arith.constant 1030 : i32
      %add3A_449 = vector.broadcast %add3A_448 : i32 to vector<16xi32>
      %add3A_450 = arith.addi %mul3A_13, %add3A_449 : vector<16xi32>
      %gather3A_451 = tpu.vector_load_idx %arg15[%add3A_450] : memref<2048xf32, #tpu.memory_space<vmem>>[vector<16xi32>], vector<16xf32>,
      %add3A_452 = arith.addf %add3A_447, %gather3A_451 : vector<16xf32>
      %add3A_453 = arith.constant 1031 : i32
      %add3A_454 = vector.broadcast %add3A_453 : i32 to vector<16xi32>
      %add3A_455 = arith.addi %mul3A_13, %add3A_454 : vector<16xi32>
      %gather3A_456 = tpu.vector_load_idx %arg15[%add3A_455] : memref<2048xf32, #tpu.memory_space<vmem>>[vector<16xi32>], vector<16xf32>,
      %add3A_457 = arith.addf %add3A_452, %gather3A_456 : vector<16xf32>
      %add3A_458 = arith.constant 1032 : i32
      %add3A_459 = vector.broadcast %add3A_458 : i32 to vector<16xi32>
      %add3A_460 = arith.addi %mul3A_13, %add3A_459 : vector<16xi32>
      %gather3A_461 = tpu.vector_load_idx %arg15[%add3A_460] : memref<2048xf32, #tpu.memory_space<vmem>>[vector<16xi32>], vector<16xf32>,
      %add3A_462 = arith.addf %add3A_457, %gather3A_461 : vector<16xf32>
      %add3A_463 = arith.constant 1033 : i32
      %add3A_464 = vector.broadcast %add3A_463 : i32 to vector<16xi32>
      %add3A_465 = arith.addi %mul3A_13, %add3A_464 : vector<16xi32>
      %gather3A_466 = tpu.vector_load_idx %arg15[%add3A_465] : memref<2048xf32, #tpu.memory_space<vmem>>[vector<16xi32>], vector<16xf32>,
      %add3A_467 = arith.addf %add3A_462, %gather3A_466 : vector<16xf32>
      %add3A_468 = arith.constant 1034 : i32
      %add3A_469 = vector.broadcast %add3A_468 : i32 to vector<16xi32>
      %add3A_470 = arith.addi %mul3A_13, %add3A_469 : vector<16xi32>
      %gather3A_471 = tpu.vector_load_idx %arg15[%add3A_470] : memref<2048xf32, #tpu.memory_space<vmem>>[vector<16xi32>], vector<16xf32>,
      %add3A_472 = arith.addf %add3A_467, %gather3A_471 : vector<16xf32>
      %add3A_473 = arith.constant 1035 : i32
      %add3A_474 = vector.broadcast %add3A_473 : i32 to vector<16xi32>
      %add3A_475 = arith.addi %mul3A_13, %add3A_474 : vector<16xi32>
      %gather3A_476 = tpu.vector_load_idx %arg15[%add3A_475] : memref<2048xf32, #tpu.memory_space<vmem>>[vector<16xi32>], vector<16xf32>,
      %add3A_477 = arith.addf %add3A_472, %gather3A_476 : vector<16xf32>
      %add3A_478 = arith.constant 1036 : i32
      %add3A_479 = vector.broadcast %add3A_478 : i32 to vector<16xi32>
      %add3A_480 = arith.addi %mul3A_13, %add3A_479 : vector<16xi32>
      %gather3A_481 = tpu.vector_load_idx %arg15[%add3A_480] : memref<2048xf32, #tpu.memory_space<vmem>>[vector<16xi32>], vector<16xf32>,
      %add3A_482 = arith.addf %add3A_477, %gather3A_481 : vector<16xf32>
      %add3A_483 = arith.constant 1037 : i32
      %add3A_484 = vector.broadcast %add3A_483 : i32 to vector<16xi32>
      %add3A_485 = arith.addi %mul3A_13, %add3A_484 : vector<16xi32>
      %gather3A_486 = tpu.vector_load_idx %arg15[%add3A_485] : memref<2048xf32, #tpu.memory_space<vmem>>[vector<16xi32>], vector<16xf32>,
      %add3A_487 = arith.addf %add3A_482, %gather3A_486 : vector<16xf32>
      %add3A_488 = arith.constant 1038 : i32
      %add3A_489 = vector.broadcast %add3A_488 : i32 to vector<16xi32>
      %add3A_490 = arith.addi %mul3A_13, %add3A_489 : vector<16xi32>
      %gather3A_491 = tpu.vector_load_idx %arg15[%add3A_490] : memref<2048xf32, #tpu.memory_space<vmem>>[vector<16xi32>], vector<16xf32>,
      %add3A_492 = arith.addf %add3A_487, %gather3A_491 : vector<16xf32>
      %add3A_493 = arith.constant 1039 : i32
      %add3A_494 = vector.broadcast %add3A_493 : i32 to vector<16xi32>
      %add3A_495 = arith.addi %mul3A_13, %add3A_494 : vector<16xi32>
      %gather3A_496 = tpu.vector_load_idx %arg15[%add3A_495] : memref<2048xf32, #tpu.memory_space<vmem>>[vector<16xi32>], vector<16xf32>,
      %add3A_497 = arith.addf %add3A_492, %gather3A_496 : vector<16xf32>
      %mul3A_498 = arith.constant 8 : i32
      %mul3A_499 = vector.broadcast %mul3A_498 : i32 to vector<16xi32>
      %mul3A_500 = arith.muli %get3A_35, %mul3A_499 : vector<16xi32>
      %add3A_501 = arith.constant 4 : i32
      %add3A_502 = vector.broadcast %add3A_501 : i32 to vector<16xi32>
      %add3A_503 = arith.addi %mul3A_500, %add3A_502 : vector<16xi32>
      %gather3A_504 = tpu.vector_load_idx %arg11[%add3A_503] : memref<64xf32, #tpu.memory_space<vmem>>[vector<16xi32>], vector<16xf32>,
      %add3A_505 = arith.addf %add3A_497, %gather3A_504 : vector<16xf32>
      %mul3A_506 = arith.constant 8 : i32
      %mul3A_507 = vector.broadcast %mul3A_506 : i32 to vector<16xi32>
      %mul3A_508 = arith.muli %get3A_39, %mul3A_507 : vector<16xi32>
      %add3A_509 = arith.constant 4 : i32
      %add3A_510 = vector.broadcast %add3A_509 : i32 to vector<16xi32>
      %add3A_511 = arith.addi %mul3A_508, %add3A_510 : vector<16xi32>
      %gather3A_512 = tpu.vector_load_idx %arg12[%add3A_511] : memref<32xf32, #tpu.memory_space<vmem>>[vector<16xi32>], vector<16xf32>,
      %add3A_513 = arith.addf %add3A_505, %gather3A_512 : vector<16xf32>
      %add3A_514 = arith.constant 1280 : i32
      %add3A_515 = vector.broadcast %add3A_514 : i32 to vector<16xi32>
      %add3A_516 = arith.addi %mul3A_13, %add3A_515 : vector<16xi32>
      %gather3A_517 = tpu.vector_load_idx %arg15[%add3A_516] : memref<2048xf32, #tpu.memory_space<vmem>>[vector<16xi32>], vector<16xf32>,
      %add3A_518 = arith.constant 1281 : i32
      %add3A_519 = vector.broadcast %add3A_518 : i32 to vector<16xi32>
      %add3A_520 = arith.addi %mul3A_13, %add3A_519 : vector<16xi32>
      %gather3A_521 = tpu.vector_load_idx %arg15[%add3A_520] : memref<2048xf32, #tpu.memory_space<vmem>>[vector<16xi32>], vector<16xf32>,
      %add3A_522 = arith.addf %gather3A_517, %gather3A_521 : vector<16xf32>
      %add3A_523 = arith.constant 1282 : i32
      %add3A_524 = vector.broadcast %add3A_523 : i32 to vector<16xi32>
      %add3A_525 = arith.addi %mul3A_13, %add3A_524 : vector<16xi32>
      %gather3A_526 = tpu.vector_load_idx %arg15[%add3A_525] : memref<2048xf32, #tpu.memory_space<vmem>>[vector<16xi32>], vector<16xf32>,
      %add3A_527 = arith.addf %add3A_522, %gather3A_526 : vector<16xf32>
      %add3A_528 = arith.constant 1283 : i32
      %add3A_529 = vector.broadcast %add3A_528 : i32 to vector<16xi32>
      %add3A_530 = arith.addi %mul3A_13, %add3A_529 : vector<16xi32>
      %gather3A_531 = tpu.vector_load_idx %arg15[%add3A_530] : memref<2048xf32, #tpu.memory_space<vmem>>[vector<16xi32>], vector<16xf32>,
      %add3A_532 = arith.addf %add3A_527, %gather3A_531 : vector<16xf32>
      %add3A_533 = arith.constant 1284 : i32
      %add3A_534 = vector.broadcast %add3A_533 : i32 to vector<16xi32>
      %add3A_535 = arith.addi %mul3A_13, %add3A_534 : vector<16xi32>
      %gather3A_536 = tpu.vector_load_idx %arg15[%add3A_535] : memref<2048xf32, #tpu.memory_space<vmem>>[vector<16xi32>], vector<16xf32>,
      %add3A_537 = arith.addf %add3A_532, %gather3A_536 : vector<16xf32>
      %add3A_538 = arith.constant 1285 : i32
      %add3A_539 = vector.broadcast %add3A_538 : i32 to vector<16xi32>
      %add3A_540 = arith.addi %mul3A_13, %add3A_539 : vector<16xi32>
      %gather3A_541 = tpu.vector_load_idx %arg15[%add3A_540] : memref<2048xf32, #tpu.memory_space<vmem>>[vector<16xi32>], vector<16xf32>,
      %add3A_542 = arith.addf %add3A_537, %gather3A_541 : vector<16xf32>
      %add3A_543 = arith.constant 1286 : i32
      %add3A_544 = vector.broadcast %add3A_543 : i32 to vector<16xi32>
      %add3A_545 = arith.addi %mul3A_13, %add3A_544 : vector<16xi32>
      %gather3A_546 = tpu.vector_load_idx %arg15[%add3A_545] : memref<2048xf32, #tpu.memory_space<vmem>>[vector<16xi32>], vector<16xf32>,
      %add3A_547 = arith.addf %add3A_542, %gather3A_546 : vector<16xf32>
      %add3A_548 = arith.constant 1287 : i32
      %add3A_549 = vector.broadcast %add3A_548 : i32 to vector<16xi32>
      %add3A_550 = arith.addi %mul3A_13, %add3A_549 : vector<16xi32>
      %gather3A_551 = tpu.vector_load_idx %arg15[%add3A_550] : memref<2048xf32, #tpu.memory_space<vmem>>[vector<16xi32>], vector<16xf32>,
      %add3A_552 = arith.addf %add3A_547, %gather3A_551 : vector<16xf32>
      %add3A_553 = arith.constant 1288 : i32
      %add3A_554 = vector.broadcast %add3A_553 : i32 to vector<16xi32>
      %add3A_555 = arith.addi %mul3A_13, %add3A_554 : vector<16xi32>
      %gather3A_556 = tpu.vector_load_idx %arg15[%add3A_555] : memref<2048xf32, #tpu.memory_space<vmem>>[vector<16xi32>], vector<16xf32>,
      %add3A_557 = arith.addf %add3A_552, %gather3A_556 : vector<16xf32>
      %add3A_558 = arith.constant 1289 : i32
      %add3A_559 = vector.broadcast %add3A_558 : i32 to vector<16xi32>
      %add3A_560 = arith.addi %mul3A_13, %add3A_559 : vector<16xi32>
      %gather3A_561 = tpu.vector_load_idx %arg15[%add3A_560] : memref<2048xf32, #tpu.memory_space<vmem>>[vector<16xi32>], vector<16xf32>,
      %add3A_562 = arith.addf %add3A_557, %gather3A_561 : vector<16xf32>
      %add3A_563 = arith.constant 1290 : i32
      %add3A_564 = vector.broadcast %add3A_563 : i32 to vector<16xi32>
      %add3A_565 = arith.addi %mul3A_13, %add3A_564 : vector<16xi32>
      %gather3A_566 = tpu.vector_load_idx %arg15[%add3A_565] : memref<2048xf32, #tpu.memory_space<vmem>>[vector<16xi32>], vector<16xf32>,
      %add3A_567 = arith.addf %add3A_562, %gather3A_566 : vector<16xf32>
      %add3A_568 = arith.constant 1291 : i32
      %add3A_569 = vector.broadcast %add3A_568 : i32 to vector<16xi32>
      %add3A_570 = arith.addi %mul3A_13, %add3A_569 : vector<16xi32>
      %gather3A_571 = tpu.vector_load_idx %arg15[%add3A_570] : memref<2048xf32, #tpu.memory_space<vmem>>[vector<16xi32>], vector<16xf32>,
      %add3A_572 = arith.addf %add3A_567, %gather3A_571 : vector<16xf32>
      %add3A_573 = arith.constant 1292 : i32
      %add3A_574 = vector.broadcast %add3A_573 : i32 to vector<16xi32>
      %add3A_575 = arith.addi %mul3A_13, %add3A_574 : vector<16xi32>
      %gather3A_576 = tpu.vector_load_idx %arg15[%add3A_575] : memref<2048xf32, #tpu.memory_space<vmem>>[vector<16xi32>], vector<16xf32>,
      %add3A_577 = arith.addf %add3A_572, %gather3A_576 : vector<16xf32>
      %add3A_578 = arith.constant 1293 : i32
      %add3A_579 = vector.broadcast %add3A_578 : i32 to vector<16xi32>
      %add3A_580 = arith.addi %mul3A_13, %add3A_579 : vector<16xi32>
      %gather3A_581 = tpu.vector_load_idx %arg15[%add3A_580] : memref<2048xf32, #tpu.memory_space<vmem>>[vector<16xi32>], vector<16xf32>,
      %add3A_582 = arith.addf %add3A_577, %gather3A_581 : vector<16xf32>
      %add3A_583 = arith.constant 1294 : i32
      %add3A_584 = vector.broadcast %add3A_583 : i32 to vector<16xi32>
      %add3A_585 = arith.addi %mul3A_13, %add3A_584 : vector<16xi32>
      %gather3A_586 = tpu.vector_load_idx %arg15[%add3A_585] : memref<2048xf32, #tpu.memory_space<vmem>>[vector<16xi32>], vector<16xf32>,
      %add3A_587 = arith.addf %add3A_582, %gather3A_586 : vector<16xf32>
      %add3A_588 = arith.constant 1295 : i32
      %add3A_589 = vector.broadcast %add3A_588 : i32 to vector<16xi32>
      %add3A_590 = arith.addi %mul3A_13, %add3A_589 : vector<16xi32>
      %gather3A_591 = tpu.vector_load_idx %arg15[%add3A_590] : memref<2048xf32, #tpu.memory_space<vmem>>[vector<16xi32>], vector<16xf32>,
      %add3A_592 = arith.addf %add3A_587, %gather3A_591 : vector<16xf32>
      %mul3A_593 = arith.constant 8 : i32
      %mul3A_594 = vector.broadcast %mul3A_593 : i32 to vector<16xi32>
      %mul3A_595 = arith.muli %get3A_35, %mul3A_594 : vector<16xi32>
      %add3A_596 = arith.constant 5 : i32
      %add3A_597 = vector.broadcast %add3A_596 : i32 to vector<16xi32>
      %add3A_598 = arith.addi %mul3A_595, %add3A_597 : vector<16xi32>
      %gather3A_599 = tpu.vector_load_idx %arg11[%add3A_598] : memref<64xf32, #tpu.memory_space<vmem>>[vector<16xi32>], vector<16xf32>,
      %add3A_600 = arith.addf %add3A_592, %gather3A_599 : vector<16xf32>
      %mul3A_601 = arith.constant 8 : i32
      %mul3A_602 = vector.broadcast %mul3A_601 : i32 to vector<16xi32>
      %mul3A_603 = arith.muli %get3A_39, %mul3A_602 : vector<16xi32>
      %add3A_604 = arith.constant 5 : i32
      %add3A_605 = vector.broadcast %add3A_604 : i32 to vector<16xi32>
      %add3A_606 = arith.addi %mul3A_603, %add3A_605 : vector<16xi32>
      %gather3A_607 = tpu.vector_load_idx %arg12[%add3A_606] : memref<32xf32, #tpu.memory_space<vmem>>[vector<16xi32>], vector<16xf32>,
      %add3A_608 = arith.addf %add3A_600, %gather3A_607 : vector<16xf32>
      %add3A_609 = arith.constant 1536 : i32
      %add3A_610 = vector.broadcast %add3A_609 : i32 to vector<16xi32>
      %add3A_611 = arith.addi %mul3A_13, %add3A_610 : vector<16xi32>
      %gather3A_612 = tpu.vector_load_idx %arg15[%add3A_611] : memref<2048xf32, #tpu.memory_space<vmem>>[vector<16xi32>], vector<16xf32>,
      %add3A_613 = arith.constant 1537 : i32
      %add3A_614 = vector.broadcast %add3A_613 : i32 to vector<16xi32>
      %add3A_615 = arith.addi %mul3A_13, %add3A_614 : vector<16xi32>
      %gather3A_616 = tpu.vector_load_idx %arg15[%add3A_615] : memref<2048xf32, #tpu.memory_space<vmem>>[vector<16xi32>], vector<16xf32>,
      %add3A_617 = arith.addf %gather3A_612, %gather3A_616 : vector<16xf32>
      %add3A_618 = arith.constant 1538 : i32
      %add3A_619 = vector.broadcast %add3A_618 : i32 to vector<16xi32>
      %add3A_620 = arith.addi %mul3A_13, %add3A_619 : vector<16xi32>
      %gather3A_621 = tpu.vector_load_idx %arg15[%add3A_620] : memref<2048xf32, #tpu.memory_space<vmem>>[vector<16xi32>], vector<16xf32>,
      %add3A_622 = arith.addf %add3A_617, %gather3A_621 : vector<16xf32>
      %add3A_623 = arith.constant 1539 : i32
      %add3A_624 = vector.broadcast %add3A_623 : i32 to vector<16xi32>
      %add3A_625 = arith.addi %mul3A_13, %add3A_624 : vector<16xi32>
      %gather3A_626 = tpu.vector_load_idx %arg15[%add3A_625] : memref<2048xf32, #tpu.memory_space<vmem>>[vector<16xi32>], vector<16xf32>,
      %add3A_627 = arith.addf %add3A_622, %gather3A_626 : vector<16xf32>
      %add3A_628 = arith.constant 1540 : i32
      %add3A_629 = vector.broadcast %add3A_628 : i32 to vector<16xi32>
      %add3A_630 = arith.addi %mul3A_13, %add3A_629 : vector<16xi32>
      %gather3A_631 = tpu.vector_load_idx %arg15[%add3A_630] : memref<2048xf32, #tpu.memory_space<vmem>>[vector<16xi32>], vector<16xf32>,
      %add3A_632 = arith.addf %add3A_627, %gather3A_631 : vector<16xf32>
      %add3A_633 = arith.constant 1541 : i32
      %add3A_634 = vector.broadcast %add3A_633 : i32 to vector<16xi32>
      %add3A_635 = arith.addi %mul3A_13, %add3A_634 : vector<16xi32>
      %gather3A_636 = tpu.vector_load_idx %arg15[%add3A_635] : memref<2048xf32, #tpu.memory_space<vmem>>[vector<16xi32>], vector<16xf32>,
      %add3A_637 = arith.addf %add3A_632, %gather3A_636 : vector<16xf32>
      %add3A_638 = arith.constant 1542 : i32
      %add3A_639 = vector.broadcast %add3A_638 : i32 to vector<16xi32>
      %add3A_640 = arith.addi %mul3A_13, %add3A_639 : vector<16xi32>
      %gather3A_641 = tpu.vector_load_idx %arg15[%add3A_640] : memref<2048xf32, #tpu.memory_space<vmem>>[vector<16xi32>], vector<16xf32>,
      %add3A_642 = arith.addf %add3A_637, %gather3A_641 : vector<16xf32>
      %add3A_643 = arith.constant 1543 : i32
      %add3A_644 = vector.broadcast %add3A_643 : i32 to vector<16xi32>
      %add3A_645 = arith.addi %mul3A_13, %add3A_644 : vector<16xi32>
      %gather3A_646 = tpu.vector_load_idx %arg15[%add3A_645] : memref<2048xf32, #tpu.memory_space<vmem>>[vector<16xi32>], vector<16xf32>,
      %add3A_647 = arith.addf %add3A_642, %gather3A_646 : vector<16xf32>
      %add3A_648 = arith.constant 1544 : i32
      %add3A_649 = vector.broadcast %add3A_648 : i32 to vector<16xi32>
      %add3A_650 = arith.addi %mul3A_13, %add3A_649 : vector<16xi32>
      %gather3A_651 = tpu.vector_load_idx %arg15[%add3A_650] : memref<2048xf32, #tpu.memory_space<vmem>>[vector<16xi32>], vector<16xf32>,
      %add3A_652 = arith.addf %add3A_647, %gather3A_651 : vector<16xf32>
      %add3A_653 = arith.constant 1545 : i32
      %add3A_654 = vector.broadcast %add3A_653 : i32 to vector<16xi32>
      %add3A_655 = arith.addi %mul3A_13, %add3A_654 : vector<16xi32>
      %gather3A_656 = tpu.vector_load_idx %arg15[%add3A_655] : memref<2048xf32, #tpu.memory_space<vmem>>[vector<16xi32>], vector<16xf32>,
      %add3A_657 = arith.addf %add3A_652, %gather3A_656 : vector<16xf32>
      %add3A_658 = arith.constant 1546 : i32
      %add3A_659 = vector.broadcast %add3A_658 : i32 to vector<16xi32>
      %add3A_660 = arith.addi %mul3A_13, %add3A_659 : vector<16xi32>
      %gather3A_661 = tpu.vector_load_idx %arg15[%add3A_660] : memref<2048xf32, #tpu.memory_space<vmem>>[vector<16xi32>], vector<16xf32>,
      %add3A_662 = arith.addf %add3A_657, %gather3A_661 : vector<16xf32>
      %add3A_663 = arith.constant 1547 : i32
      %add3A_664 = vector.broadcast %add3A_663 : i32 to vector<16xi32>
      %add3A_665 = arith.addi %mul3A_13, %add3A_664 : vector<16xi32>
      %gather3A_666 = tpu.vector_load_idx %arg15[%add3A_665] : memref<2048xf32, #tpu.memory_space<vmem>>[vector<16xi32>], vector<16xf32>,
      %add3A_667 = arith.addf %add3A_662, %gather3A_666 : vector<16xf32>
      %add3A_668 = arith.constant 1548 : i32
      %add3A_669 = vector.broadcast %add3A_668 : i32 to vector<16xi32>
      %add3A_670 = arith.addi %mul3A_13, %add3A_669 : vector<16xi32>
      %gather3A_671 = tpu.vector_load_idx %arg15[%add3A_670] : memref<2048xf32, #tpu.memory_space<vmem>>[vector<16xi32>], vector<16xf32>,
      %add3A_672 = arith.addf %add3A_667, %gather3A_671 : vector<16xf32>
      %add3A_673 = arith.constant 1549 : i32
      %add3A_674 = vector.broadcast %add3A_673 : i32 to vector<16xi32>
      %add3A_675 = arith.addi %mul3A_13, %add3A_674 : vector<16xi32>
      %gather3A_676 = tpu.vector_load_idx %arg15[%add3A_675] : memref<2048xf32, #tpu.memory_space<vmem>>[vector<16xi32>], vector<16xf32>,
      %add3A_677 = arith.addf %add3A_672, %gather3A_676 : vector<16xf32>
      %add3A_678 = arith.constant 1550 : i32
      %add3A_679 = vector.broadcast %add3A_678 : i32 to vector<16xi32>
      %add3A_680 = arith.addi %mul3A_13, %add3A_679 : vector<16xi32>
      %gather3A_681 = tpu.vector_load_idx %arg15[%add3A_680] : memref<2048xf32, #tpu.memory_space<vmem>>[vector<16xi32>], vector<16xf32>,
      %add3A_682 = arith.addf %add3A_677, %gather3A_681 : vector<16xf32>
      %add3A_683 = arith.constant 1551 : i32
      %add3A_684 = vector.broadcast %add3A_683 : i32 to vector<16xi32>
      %add3A_685 = arith.addi %mul3A_13, %add3A_684 : vector<16xi32>
      %gather3A_686 = tpu.vector_load_idx %arg15[%add3A_685] : memref<2048xf32, #tpu.memory_space<vmem>>[vector<16xi32>], vector<16xf32>,
      %add3A_687 = arith.addf %add3A_682, %gather3A_686 : vector<16xf32>
      %mul3A_688 = arith.constant 8 : i32
      %mul3A_689 = vector.broadcast %mul3A_688 : i32 to vector<16xi32>
      %mul3A_690 = arith.muli %get3A_35, %mul3A_689 : vector<16xi32>
      %add3A_691 = arith.constant 6 : i32
      %add3A_692 = vector.broadcast %add3A_691 : i32 to vector<16xi32>
      %add3A_693 = arith.addi %mul3A_690, %add3A_692 : vector<16xi32>
      %gather3A_694 = tpu.vector_load_idx %arg11[%add3A_693] : memref<64xf32, #tpu.memory_space<vmem>>[vector<16xi32>], vector<16xf32>,
      %add3A_695 = arith.addf %add3A_687, %gather3A_694 : vector<16xf32>
      %mul3A_696 = arith.constant 8 : i32
      %mul3A_697 = vector.broadcast %mul3A_696 : i32 to vector<16xi32>
      %mul3A_698 = arith.muli %get3A_39, %mul3A_697 : vector<16xi32>
      %add3A_699 = arith.constant 6 : i32
      %add3A_700 = vector.broadcast %add3A_699 : i32 to vector<16xi32>
      %add3A_701 = arith.addi %mul3A_698, %add3A_700 : vector<16xi32>
      %gather3A_702 = tpu.vector_load_idx %arg12[%add3A_701] : memref<32xf32, #tpu.memory_space<vmem>>[vector<16xi32>], vector<16xf32>,
      %add3A_703 = arith.addf %add3A_695, %gather3A_702 : vector<16xf32>
      %add3A_704 = arith.constant 1792 : i32
      %add3A_705 = vector.broadcast %add3A_704 : i32 to vector<16xi32>
      %add3A_706 = arith.addi %mul3A_13, %add3A_705 : vector<16xi32>
      %gather3A_707 = tpu.vector_load_idx %arg15[%add3A_706] : memref<2048xf32, #tpu.memory_space<vmem>>[vector<16xi32>], vector<16xf32>,
      %add3A_708 = arith.constant 1793 : i32
      %add3A_709 = vector.broadcast %add3A_708 : i32 to vector<16xi32>
      %add3A_710 = arith.addi %mul3A_13, %add3A_709 : vector<16xi32>
      %gather3A_711 = tpu.vector_load_idx %arg15[%add3A_710] : memref<2048xf32, #tpu.memory_space<vmem>>[vector<16xi32>], vector<16xf32>,
      %add3A_712 = arith.addf %gather3A_707, %gather3A_711 : vector<16xf32>
      %add3A_713 = arith.constant 1794 : i32
      %add3A_714 = vector.broadcast %add3A_713 : i32 to vector<16xi32>
      %add3A_715 = arith.addi %mul3A_13, %add3A_714 : vector<16xi32>
      %gather3A_716 = tpu.vector_load_idx %arg15[%add3A_715] : memref<2048xf32, #tpu.memory_space<vmem>>[vector<16xi32>], vector<16xf32>,
      %add3A_717 = arith.addf %add3A_712, %gather3A_716 : vector<16xf32>
      %add3A_718 = arith.constant 1795 : i32
      %add3A_719 = vector.broadcast %add3A_718 : i32 to vector<16xi32>
      %add3A_720 = arith.addi %mul3A_13, %add3A_719 : vector<16xi32>
      %gather3A_721 = tpu.vector_load_idx %arg15[%add3A_720] : memref<2048xf32, #tpu.memory_space<vmem>>[vector<16xi32>], vector<16xf32>,
      %add3A_722 = arith.addf %add3A_717, %gather3A_721 : vector<16xf32>
      %add3A_723 = arith.constant 1796 : i32
      %add3A_724 = vector.broadcast %add3A_723 : i32 to vector<16xi32>
      %add3A_725 = arith.addi %mul3A_13, %add3A_724 : vector<16xi32>
      %gather3A_726 = tpu.vector_load_idx %arg15[%add3A_725] : memref<2048xf32, #tpu.memory_space<vmem>>[vector<16xi32>], vector<16xf32>,
      %add3A_727 = arith.addf %add3A_722, %gather3A_726 : vector<16xf32>
      %add3A_728 = arith.constant 1797 : i32
      %add3A_729 = vector.broadcast %add3A_728 : i32 to vector<16xi32>
      %add3A_730 = arith.addi %mul3A_13, %add3A_729 : vector<16xi32>
      %gather3A_731 = tpu.vector_load_idx %arg15[%add3A_730] : memref<2048xf32, #tpu.memory_space<vmem>>[vector<16xi32>], vector<16xf32>,
      %add3A_732 = arith.addf %add3A_727, %gather3A_731 : vector<16xf32>
      %add3A_733 = arith.constant 1798 : i32
      %add3A_734 = vector.broadcast %add3A_733 : i32 to vector<16xi32>
      %add3A_735 = arith.addi %mul3A_13, %add3A_734 : vector<16xi32>
      %gather3A_736 = tpu.vector_load_idx %arg15[%add3A_735] : memref<2048xf32, #tpu.memory_space<vmem>>[vector<16xi32>], vector<16xf32>,
      %add3A_737 = arith.addf %add3A_732, %gather3A_736 : vector<16xf32>
      %add3A_738 = arith.constant 1799 : i32
      %add3A_739 = vector.broadcast %add3A_738 : i32 to vector<16xi32>
      %add3A_740 = arith.addi %mul3A_13, %add3A_739 : vector<16xi32>
      %gather3A_741 = tpu.vector_load_idx %arg15[%add3A_740] : memref<2048xf32, #tpu.memory_space<vmem>>[vector<16xi32>], vector<16xf32>,
      %add3A_742 = arith.addf %add3A_737, %gather3A_741 : vector<16xf32>
      %add3A_743 = arith.constant 1800 : i32
      %add3A_744 = vector.broadcast %add3A_743 : i32 to vector<16xi32>
      %add3A_745 = arith.addi %mul3A_13, %add3A_744 : vector<16xi32>
      %gather3A_746 = tpu.vector_load_idx %arg15[%add3A_745] : memref<2048xf32, #tpu.memory_space<vmem>>[vector<16xi32>], vector<16xf32>,
      %add3A_747 = arith.addf %add3A_742, %gather3A_746 : vector<16xf32>
      %add3A_748 = arith.constant 1801 : i32
      %add3A_749 = vector.broadcast %add3A_748 : i32 to vector<16xi32>
      %add3A_750 = arith.addi %mul3A_13, %add3A_749 : vector<16xi32>
      %gather3A_751 = tpu.vector_load_idx %arg15[%add3A_750] : memref<2048xf32, #tpu.memory_space<vmem>>[vector<16xi32>], vector<16xf32>,
      %add3A_752 = arith.addf %add3A_747, %gather3A_751 : vector<16xf32>
      %add3A_753 = arith.constant 1802 : i32
      %add3A_754 = vector.broadcast %add3A_753 : i32 to vector<16xi32>
      %add3A_755 = arith.addi %mul3A_13, %add3A_754 : vector<16xi32>
      %gather3A_756 = tpu.vector_load_idx %arg15[%add3A_755] : memref<2048xf32, #tpu.memory_space<vmem>>[vector<16xi32>], vector<16xf32>,
      %add3A_757 = arith.addf %add3A_752, %gather3A_756 : vector<16xf32>
      %add3A_758 = arith.constant 1803 : i32
      %add3A_759 = vector.broadcast %add3A_758 : i32 to vector<16xi32>
      %add3A_760 = arith.addi %mul3A_13, %add3A_759 : vector<16xi32>
      %gather3A_761 = tpu.vector_load_idx %arg15[%add3A_760] : memref<2048xf32, #tpu.memory_space<vmem>>[vector<16xi32>], vector<16xf32>,
      %add3A_762 = arith.addf %add3A_757, %gather3A_761 : vector<16xf32>
      %add3A_763 = arith.constant 1804 : i32
      %add3A_764 = vector.broadcast %add3A_763 : i32 to vector<16xi32>
      %add3A_765 = arith.addi %mul3A_13, %add3A_764 : vector<16xi32>
      %gather3A_766 = tpu.vector_load_idx %arg15[%add3A_765] : memref<2048xf32, #tpu.memory_space<vmem>>[vector<16xi32>], vector<16xf32>,
      %add3A_767 = arith.addf %add3A_762, %gather3A_766 : vector<16xf32>
      %add3A_768 = arith.constant 1805 : i32
      %add3A_769 = vector.broadcast %add3A_768 : i32 to vector<16xi32>
      %add3A_770 = arith.addi %mul3A_13, %add3A_769 : vector<16xi32>
      %gather3A_771 = tpu.vector_load_idx %arg15[%add3A_770] : memref<2048xf32, #tpu.memory_space<vmem>>[vector<16xi32>], vector<16xf32>,
      %add3A_772 = arith.addf %add3A_767, %gather3A_771 : vector<16xf32>
      %add3A_773 = arith.constant 1806 : i32
      %add3A_774 = vector.broadcast %add3A_773 : i32 to vector<16xi32>
      %add3A_775 = arith.addi %mul3A_13, %add3A_774 : vector<16xi32>
      %gather3A_776 = tpu.vector_load_idx %arg15[%add3A_775] : memref<2048xf32, #tpu.memory_space<vmem>>[vector<16xi32>], vector<16xf32>,
      %add3A_777 = arith.addf %add3A_772, %gather3A_776 : vector<16xf32>
      %add3A_778 = arith.constant 1807 : i32
      %add3A_779 = vector.broadcast %add3A_778 : i32 to vector<16xi32>
      %add3A_780 = arith.addi %mul3A_13, %add3A_779 : vector<16xi32>
      %gather3A_781 = tpu.vector_load_idx %arg15[%add3A_780] : memref<2048xf32, #tpu.memory_space<vmem>>[vector<16xi32>], vector<16xf32>,
      %add3A_782 = arith.addf %add3A_777, %gather3A_781 : vector<16xf32>
      %mul3A_783 = arith.constant 8 : i32
      %mul3A_784 = vector.broadcast %mul3A_783 : i32 to vector<16xi32>
      %mul3A_785 = arith.muli %get3A_35, %mul3A_784 : vector<16xi32>
      %add3A_786 = arith.constant 7 : i32
      %add3A_787 = vector.broadcast %add3A_786 : i32 to vector<16xi32>
      %add3A_788 = arith.addi %mul3A_785, %add3A_787 : vector<16xi32>
      %gather3A_789 = tpu.vector_load_idx %arg11[%add3A_788] : memref<64xf32, #tpu.memory_space<vmem>>[vector<16xi32>], vector<16xf32>,
      %add3A_790 = arith.addf %add3A_782, %gather3A_789 : vector<16xf32>
      %mul3A_791 = arith.constant 8 : i32
      %mul3A_792 = vector.broadcast %mul3A_791 : i32 to vector<16xi32>
      %mul3A_793 = arith.muli %get3A_39, %mul3A_792 : vector<16xi32>
      %add3A_794 = arith.constant 7 : i32
      %add3A_795 = vector.broadcast %add3A_794 : i32 to vector<16xi32>
      %add3A_796 = arith.addi %mul3A_793, %add3A_795 : vector<16xi32>
      %gather3A_797 = tpu.vector_load_idx %arg12[%add3A_796] : memref<32xf32, #tpu.memory_space<vmem>>[vector<16xi32>], vector<16xf32>,
      %add3A_798 = arith.addf %add3A_790, %gather3A_797 : vector<16xf32>
      %max3A = arith.maximumf %add3A_133, %add3A_228 : vector<16xf32>
      %max3A_799 = arith.maximumf %max3A, %add3A_323 : vector<16xf32>
      %max3A_800 = arith.maximumf %max3A_799, %add3A_418 : vector<16xf32>
      %max3A_801 = arith.maximumf %max3A_800, %add3A_513 : vector<16xf32>
      %max3A_802 = arith.maximumf %max3A_801, %add3A_608 : vector<16xf32>
      %max3A_803 = arith.maximumf %max3A_802, %add3A_703 : vector<16xf32>
      %max3A_804 = arith.maximumf %max3A_803, %add3A_798 : vector<16xf32>
      %sub3A = arith.subf %add3A_133, %max3A_804 : vector<16xf32>
      %exp3A = math.exp %sub3A : vector<16xf32>
      %sub3A_805 = arith.subf %add3A_228, %max3A_804 : vector<16xf32>
      %exp3A_806 = math.exp %sub3A_805 : vector<16xf32>
      %sub3A_807 = arith.subf %add3A_323, %max3A_804 : vector<16xf32>
      %exp3A_808 = math.exp %sub3A_807 : vector<16xf32>
      %sub3A_809 = arith.subf %add3A_418, %max3A_804 : vector<16xf32>
      %exp3A_810 = math.exp %sub3A_809 : vector<16xf32>
      %sub3A_811 = arith.subf %add3A_513, %max3A_804 : vector<16xf32>
      %exp3A_812 = math.exp %sub3A_811 : vector<16xf32>
      %sub3A_813 = arith.subf %add3A_608, %max3A_804 : vector<16xf32>
      %exp3A_814 = math.exp %sub3A_813 : vector<16xf32>
      %sub3A_815 = arith.subf %add3A_703, %max3A_804 : vector<16xf32>
      %exp3A_816 = math.exp %sub3A_815 : vector<16xf32>
      %sub3A_817 = arith.subf %add3A_798, %max3A_804 : vector<16xf32>
      %exp3A_818 = math.exp %sub3A_817 : vector<16xf32>
      %add3A_819 = arith.addf %exp3A, %exp3A_806 : vector<16xf32>
      %add3A_820 = arith.addf %add3A_819, %exp3A_808 : vector<16xf32>
      %add3A_821 = arith.addf %add3A_820, %exp3A_810 : vector<16xf32>
      %add3A_822 = arith.addf %add3A_821, %exp3A_812 : vector<16xf32>
      %add3A_823 = arith.addf %add3A_822, %exp3A_814 : vector<16xf32>
      %add3A_824 = arith.addf %add3A_823, %exp3A_816 : vector<16xf32>
      %add3A_825 = arith.addf %add3A_824, %exp3A_818 : vector<16xf32>
      %div3A = arith.constant 1.000000e+00 : f32
      %div3A_826 = vector.broadcast %div3A : f32 to vector<16xf32>
      %div3A_827 = arith.divf %div3A_826, %add3A_825 : vector<16xf32>
      %mul3A_828 = arith.constant 128 : i32
      %mul3A_829 = arith.muli %scan3A_26, %mul3A_828 : i32
      %add3A_830 = arith.constant 0 : i32
      %add3A_831 = arith.addi %mul3A_829, %add3A_830 : i32
      %add3A_832 = vector.broadcast %add3A_831 : i32 to vector<16xi32>
      %add3A_833 = arith.addi %mul3A_16, %add3A_832 : vector<16xi32>
      %mul3A_834 = arith.mulf %exp3A, %div3A_827 : vector<16xf32>
      tpu.vector_store_idx %arg16[%add3A_833], %mul3A_834 : memref<512xf32, #tpu.memory_space<vmem>>[vector<16xi32>], vector<16xf32>,
      %add3A_835 = arith.constant 1 : i32
      %add3A_836 = arith.addi %mul3A_829, %add3A_835 : i32
      %add3A_837 = vector.broadcast %add3A_836 : i32 to vector<16xi32>
      %add3A_838 = arith.addi %mul3A_16, %add3A_837 : vector<16xi32>
      %mul3A_839 = arith.mulf %exp3A_806, %div3A_827 : vector<16xf32>
      tpu.vector_store_idx %arg16[%add3A_838], %mul3A_839 : memref<512xf32, #tpu.memory_space<vmem>>[vector<16xi32>], vector<16xf32>,
      %add3A_840 = arith.constant 2 : i32
      %add3A_841 = arith.addi %mul3A_829, %add3A_840 : i32
      %add3A_842 = vector.broadcast %add3A_841 : i32 to vector<16xi32>
      %add3A_843 = arith.addi %mul3A_16, %add3A_842 : vector<16xi32>
      %mul3A_844 = arith.mulf %exp3A_808, %div3A_827 : vector<16xf32>
      tpu.vector_store_idx %arg16[%add3A_843], %mul3A_844 : memref<512xf32, #tpu.memory_space<vmem>>[vector<16xi32>], vector<16xf32>,
      %add3A_845 = arith.constant 3 : i32
      %add3A_846 = arith.addi %mul3A_829, %add3A_845 : i32
      %add3A_847 = vector.broadcast %add3A_846 : i32 to vector<16xi32>
      %add3A_848 = arith.addi %mul3A_16, %add3A_847 : vector<16xi32>
      %mul3A_849 = arith.mulf %exp3A_810, %div3A_827 : vector<16xf32>
      tpu.vector_store_idx %arg16[%add3A_848], %mul3A_849 : memref<512xf32, #tpu.memory_space<vmem>>[vector<16xi32>], vector<16xf32>,
      %add3A_850 = arith.constant 4 : i32
      %add3A_851 = arith.addi %mul3A_829, %add3A_850 : i32
      %add3A_852 = vector.broadcast %add3A_851 : i32 to vector<16xi32>
      %add3A_853 = arith.addi %mul3A_16, %add3A_852 : vector<16xi32>
      %mul3A_854 = arith.mulf %exp3A_812, %div3A_827 : vector<16xf32>
      tpu.vector_store_idx %arg16[%add3A_853], %mul3A_854 : memref<512xf32, #tpu.memory_space<vmem>>[vector<16xi32>], vector<16xf32>,
      %add3A_855 = arith.constant 5 : i32
      %add3A_856 = arith.addi %mul3A_829, %add3A_855 : i32
      %add3A_857 = vector.broadcast %add3A_856 : i32 to vector<16xi32>
      %add3A_858 = arith.addi %mul3A_16, %add3A_857 : vector<16xi32>
      %mul3A_859 = arith.mulf %exp3A_814, %div3A_827 : vector<16xf32>
      tpu.vector_store_idx %arg16[%add3A_858], %mul3A_859 : memref<512xf32, #tpu.memory_space<vmem>>[vector<16xi32>], vector<16xf32>,
      %add3A_860 = arith.constant 6 : i32
      %add3A_861 = arith.addi %mul3A_829, %add3A_860 : i32
      %add3A_862 = vector.broadcast %add3A_861 : i32 to vector<16xi32>
      %add3A_863 = arith.addi %mul3A_16, %add3A_862 : vector<16xi32>
      %mul3A_864 = arith.mulf %exp3A_816, %div3A_827 : vector<16xf32>
      tpu.vector_store_idx %arg16[%add3A_863], %mul3A_864 : memref<512xf32, #tpu.memory_space<vmem>>[vector<16xi32>], vector<16xf32>,
      %add3A_865 = arith.constant 7 : i32
      %add3A_866 = arith.addi %mul3A_829, %add3A_865 : i32
      %add3A_867 = vector.broadcast %add3A_866 : i32 to vector<16xi32>
      %add3A_868 = arith.addi %mul3A_16, %add3A_867 : vector<16xi32>
      %mul3A_869 = arith.mulf %exp3A_818, %div3A_827 : vector<16xf32>
      tpu.vector_store_idx %arg16[%add3A_868], %mul3A_869 : memref<512xf32, #tpu.memory_space<vmem>>[vector<16xi32>], vector<16xf32>,
    }
    %scan3A_21 = arith.constant 4 : i32
    %mul3A_22 = arith.constant 64 : i32
    %mul3A_23 = arith.muli %add3A, %mul3A_22 : i32
    %mul3A_24 = arith.constant 8 : i32
    %mul3A_25 = arith.muli %mul3A_23, %mul3A_24 : i32
    "tpu.region"() ({
      %run_scoped3A = tpu.sem_alloc : memref<!tpu.dma_semaphore, #tpu.memory_space<semaphore_mem>>
      %dma_start3A_26 = tpu.memref_slice %arg8[%mul3A_25] : memref<16384xf32, #tpu.memory_space<hbm>> -> memref<512xf32, #tpu.memory_space<hbm>>
      %dma_start3A_27 = tpu.memref_slice %arg8[%mul3A_25] : memref<16384xf32, #tpu.memory_space<hbm>> -> memref<512xf32, #tpu.memory_space<hbm>>
      tpu.enqueue_dma source(%arg16 : memref<512xf32, #tpu.memory_space<vmem>>) target(%dma_start3A_27 : memref<512xf32, #tpu.memory_space<hbm>>) target_semaphore(%run_scoped3A : memref<!tpu.dma_semaphore, #tpu.memory_space<semaphore_mem>>)
      %dma_wait3A_28 = tpu.memref_slice %arg8[%mul3A_25] : memref<16384xf32, #tpu.memory_space<hbm>> -> memref<512xf32, #tpu.memory_space<hbm>>
      %dma_wait3A_29 = tpu.memref_slice %arg8[%mul3A_25] : memref<16384xf32, #tpu.memory_space<hbm>> -> memref<512xf32, #tpu.memory_space<hbm>>
      tpu.wait_dma2 semaphore(%run_scoped3A : memref<!tpu.dma_semaphore, #tpu.memory_space<semaphore_mem>>) src(%arg16 : memref<512xf32, #tpu.memory_space<vmem>>) dst(%dma_wait3A_29 : memref<512xf32, #tpu.memory_space<hbm>>)
      tpu.yield
    }) : () -> ()
    return
  }
}

module attributes {stable_mosaic.version = 14 : i64} {
  func.func @_lut_kernel(%arg0: memref<8x64xf32, #tpu.memory_space<vmem>>, %arg1: memref<4x64xf32, #tpu.memory_space<vmem>>, %arg2: memref<8x896xf32, #tpu.memory_space<vmem>>, %arg3: memref<1x8xf32, #tpu.memory_space<vmem>>, %arg4: memref<8x8xf32, #tpu.memory_space<vmem>>, %arg5: memref<4x8xf32, #tpu.memory_space<vmem>>) attributes {dimension_semantics = [], scalar_prefetch = 0 : i64, scratch_operands = 0 : i64, tpu.core_type = #tpu.core_type<tc>} {
    %get3A = arith.constant 0 : index
    %get3A_0 = arith.constant 0 : index
    %get3A_1 = vector.load %arg0[%get3A, %get3A_0] : memref<8x64xf32, #tpu.memory_space<vmem>>, vector<8x64xf32>
    %get3A_2 = arith.constant 0 : index
    %get3A_3 = arith.constant 768 : index
    %get3A_4 = vector.load %arg2[%get3A_2, %get3A_3] : memref<8x896xf32, #tpu.memory_space<vmem>>, vector<8x64xf32>
    %dot_general3A = arith.constant dense<0.000000e+00> : vector<8x8xf32>
    %dot_general3A_5 = tpu.matmul %get3A_1, %get3A_4, %dot_general3A {dimension_numbers = #tpu.dot_dimension_numbers<[1], [1], [0], [0], [0, 0, 1, 0], [], []>, transpose_lhs_hint = false} : vector<8x64xf32>, vector<8x64xf32>, vector<8x8xf32> -> vector<8x8xf32>
    %get3A_6 = arith.constant 0 : index
    %get3A_7 = arith.constant 0 : index
    %get3A_8 = vector.load %arg3[%get3A_6, %get3A_7] : memref<1x8xf32, #tpu.memory_space<vmem>>, vector<1x8xf32>
    %get3A_9 = vector.shape_cast %get3A_8 : vector<1x8xf32> to vector<8xf32>
    %broadcast_in_dim3A = vector.shape_cast %get3A_9 : vector<8xf32> to vector<1x8xf32>
    %add3A = vector.broadcast %broadcast_in_dim3A : vector<1x8xf32> to vector<8x8xf32>
    %add3A_10 = arith.addf %dot_general3A_5, %add3A : vector<8x8xf32>
    %swap3A = arith.constant 0 : index
    %swap3A_11 = arith.constant 0 : index
    %swap3A_12 = vector.load %arg4[%swap3A, %swap3A_11] : memref<8x8xf32, #tpu.memory_space<vmem>>, vector<8x8xf32>
    tpu.vector_store %arg4[%swap3A, %swap3A_11], %add3A_10 {strides = array<i32>} : memref<8x8xf32, #tpu.memory_space<vmem>>, vector<8x8xf32>,
    %get3A_13 = arith.constant 0 : index
    %get3A_14 = arith.constant 0 : index
    %get3A_15 = vector.load %arg1[%get3A_13, %get3A_14] : memref<4x64xf32, #tpu.memory_space<vmem>>, vector<4x64xf32>
    %get3A_16 = arith.constant 0 : index
    %get3A_17 = arith.constant 832 : index
    %get3A_18 = vector.load %arg2[%get3A_16, %get3A_17] : memref<8x896xf32, #tpu.memory_space<vmem>>, vector<8x64xf32>
    %dot_general3A_19 = arith.constant dense<0.000000e+00> : vector<4x8xf32>
    %dot_general3A_20 = tpu.matmul %get3A_15, %get3A_18, %dot_general3A_19 {dimension_numbers = #tpu.dot_dimension_numbers<[1], [1], [0], [0], [0, 0, 1, 0], [], []>, transpose_lhs_hint = false} : vector<4x64xf32>, vector<8x64xf32>, vector<4x8xf32> -> vector<4x8xf32>
    %swap3A_21 = arith.constant 0 : index
    %swap3A_22 = arith.constant 0 : index
    %swap3A_23 = vector.load %arg5[%swap3A_21, %swap3A_22] : memref<4x8xf32, #tpu.memory_space<vmem>>, vector<4x8xf32>
    tpu.vector_store %arg5[%swap3A_21, %swap3A_22], %dot_general3A_20 {strides = array<i32>} : memref<4x8xf32, #tpu.memory_space<vmem>>, vector<4x8xf32>,
    return
  }
}

module attributes {stable_mosaic.version = 14 : i64} {
  func.func @_tc_router_block(%arg0: i32, %arg1: memref<2048x768xf32, #tpu.memory_space<vmem>>, %arg2: memref<1x1x2048xi32, #tpu.memory_space<vmem>>, %arg3: memref<1x1x2048xi32, #tpu.memory_space<vmem>>, %arg4: memref<8x64xf32, #tpu.memory_space<vmem>>, %arg5: memref<4x64xf32, #tpu.memory_space<vmem>>, %arg6: memref<8x896xf32, #tpu.memory_space<vmem>>, %arg7: memref<1x8xf32, #tpu.memory_space<vmem>>, %arg8: memref<2048x8xf32, #tpu.memory_space<vmem>>) attributes {dimension_semantics = [#tpu.dimension_semantics<arbitrary>], iteration_bounds = array<i64: 15>, scalar_prefetch = 0 : i64, scratch_operands = 0 : i64, tpu.core_type = #tpu.core_type<tc>, window_params = [{transform_indices = @transform_0, window_bounds = array<i64: 2048, 768>}, {transform_indices = @transform_1, window_bounds = array<i64: 1, 1, 2048>}, {transform_indices = @transform_2, window_bounds = array<i64: 1, 1, 2048>}, {pipeline_mode = #tpu.pipeline_mode<synchronous>, transform_indices = @transform_3, window_bounds = array<i64: 8, 64>}, {pipeline_mode = #tpu.pipeline_mode<synchronous>, transform_indices = @transform_4, window_bounds = array<i64: 4, 64>}, {pipeline_mode = #tpu.pipeline_mode<synchronous>, transform_indices = @transform_5, window_bounds = array<i64: 8, 896>}, {pipeline_mode = #tpu.pipeline_mode<synchronous>, transform_indices = @transform_6, window_bounds = array<i64: 1, 8>}, {transform_indices = @transform_7, window_bounds = array<i64: 2048, 8>}]} {
    %get3A = arith.constant 0 : index
    %get3A_0 = arith.constant 0 : index
    %get3A_1 = vector.load %arg1[%get3A, %get3A_0] : memref<2048x768xf32, #tpu.memory_space<vmem>>, vector<2048x768xf32>
    %get3A_2 = arith.constant 0 : index
    %get3A_3 = arith.constant 0 : index
    %get3A_4 = vector.load %arg6[%get3A_2, %get3A_3] : memref<8x896xf32, #tpu.memory_space<vmem>>, vector<8x768xf32>
    %dot_general3A = arith.constant dense<0.000000e+00> : vector<2048x8xf32>
    %dot_general3A_5 = tpu.matmul %get3A_1, %get3A_4, %dot_general3A {dimension_numbers = #tpu.dot_dimension_numbers<[1], [1], [0], [0], [0, 0, 1, 0], [], []>, transpose_lhs_hint = false} : vector<2048x768xf32>, vector<8x768xf32>, vector<2048x8xf32> -> vector<2048x8xf32>
    %get3A_6 = arith.constant 0 : index
    %get3A_7 = arith.constant 0 : index
    %get3A_8 = vector.load %arg4[%get3A_6, %get3A_7] : memref<8x64xf32, #tpu.memory_space<vmem>>, vector<8x64xf32>
    %get3A_9 = arith.constant 0 : index
    %get3A_10 = arith.constant 768 : index
    %get3A_11 = vector.load %arg6[%get3A_9, %get3A_10] : memref<8x896xf32, #tpu.memory_space<vmem>>, vector<8x64xf32>
    %dot_general3A_12 = arith.constant dense<0.000000e+00> : vector<8x8xf32>
    %dot_general3A_13 = tpu.matmul %get3A_8, %get3A_11, %dot_general3A_12 {dimension_numbers = #tpu.dot_dimension_numbers<[1], [1], [0], [0], [0, 0, 1, 0], [], []>, transpose_lhs_hint = false} : vector<8x64xf32>, vector<8x64xf32>, vector<8x8xf32> -> vector<8x8xf32>
    %get3A_14 = arith.constant 0 : index
    %get3A_15 = arith.constant 0 : index
    %get3A_16 = vector.load %arg5[%get3A_14, %get3A_15] : memref<4x64xf32, #tpu.memory_space<vmem>>, vector<4x64xf32>
    %get3A_17 = arith.constant 0 : index
    %get3A_18 = arith.constant 832 : index
    %get3A_19 = vector.load %arg6[%get3A_17, %get3A_18] : memref<8x896xf32, #tpu.memory_space<vmem>>, vector<8x64xf32>
    %dot_general3A_20 = arith.constant dense<0.000000e+00> : vector<4x8xf32>
    %dot_general3A_21 = tpu.matmul %get3A_16, %get3A_19, %dot_general3A_20 {dimension_numbers = #tpu.dot_dimension_numbers<[1], [1], [0], [0], [0, 0, 1, 0], [], []>, transpose_lhs_hint = false} : vector<4x64xf32>, vector<8x64xf32>, vector<4x8xf32> -> vector<4x8xf32>
    %get3A_22 = arith.constant 0 : index
    %get3A_23 = arith.constant 0 : index
    %get3A_24 = arith.constant 0 : index
    %get3A_25 = vector.load %arg2[%get3A_22, %get3A_23, %get3A_24] : memref<1x1x2048xi32, #tpu.memory_space<vmem>>, vector<1x1x2048xi32>
    %get3A_26 = vector.shape_cast %get3A_25 : vector<1x1x2048xi32> to vector<2048xi32>
    %get3A_27 = arith.constant 0 : index
    %get3A_28 = arith.constant 0 : index
    %get3A_29 = arith.constant 0 : index
    %get3A_30 = vector.load %arg3[%get3A_27, %get3A_28, %get3A_29] : memref<1x1x2048xi32, #tpu.memory_space<vmem>>, vector<1x1x2048xi32>
    %get3A_31 = vector.shape_cast %get3A_30 : vector<1x1x2048xi32> to vector<2048xi32>
    %broadcast_in_dim3A = vector.shape_cast %get3A_26 : vector<2048xi32> to vector<2048x1xi32>
    %iota3A = tpu.iota {dimensions = array<i32: 1>} : vector<2048x8xi32>
    %eq3A = vector.broadcast %broadcast_in_dim3A : vector<2048x1xi32> to vector<2048x8xi32>
    %eq3A_32 = arith.cmpi eq, %eq3A, %iota3A : vector<2048x8xi32>
    %convert_element_type3A = arith.extui %eq3A_32 : vector<2048x8xi1> to vector<2048x8xi32>
    %convert_element_type3A_33 = arith.sitofp %convert_element_type3A : vector<2048x8xi32> to vector<2048x8xf32>
    %broadcast_in_dim3A_34 = vector.shape_cast %get3A_31 : vector<2048xi32> to vector<2048x1xi32>
    %iota3A_35 = tpu.iota {dimensions = array<i32: 1>} : vector<2048x4xi32>
    %eq3A_36 = vector.broadcast %broadcast_in_dim3A_34 : vector<2048x1xi32> to vector<2048x4xi32>
    %eq3A_37 = arith.cmpi eq, %eq3A_36, %iota3A_35 : vector<2048x4xi32>
    %convert_element_type3A_38 = arith.extui %eq3A_37 : vector<2048x4xi1> to vector<2048x4xi32>
    %convert_element_type3A_39 = arith.sitofp %convert_element_type3A_38 : vector<2048x4xi32> to vector<2048x4xf32>
    %dot_general3A_40 = arith.constant dense<0.000000e+00> : vector<2048x8xf32>
    %dot_general3A_41 = tpu.matmul %convert_element_type3A_33, %dot_general3A_13, %dot_general3A_40 {dimension_numbers = #tpu.dot_dimension_numbers<[1], [0], [0], [1], [0, 0, 1, 1], [], []>, transpose_lhs_hint = false} : vector<2048x8xf32>, vector<8x8xf32>, vector<2048x8xf32> -> vector<2048x8xf32>
    %add3A = arith.addf %dot_general3A_5, %dot_general3A_41 : vector<2048x8xf32>
    %dot_general3A_42 = arith.constant dense<0.000000e+00> : vector<2048x8xf32>
    %dot_general3A_43 = tpu.matmul %convert_element_type3A_39, %dot_general3A_21, %dot_general3A_42 {dimension_numbers = #tpu.dot_dimension_numbers<[1], [0], [0], [1], [0, 0, 1, 1], [], []>, transpose_lhs_hint = false} : vector<2048x4xf32>, vector<4x8xf32>, vector<2048x8xf32> -> vector<2048x8xf32>
    %add3A_44 = arith.addf %add3A, %dot_general3A_43 : vector<2048x8xf32>
    %get3A_45 = arith.constant 0 : index
    %get3A_46 = arith.constant 0 : index
    %get3A_47 = vector.load %arg7[%get3A_45, %get3A_46] : memref<1x8xf32, #tpu.memory_space<vmem>>, vector<1x8xf32>
    %get3A_48 = vector.shape_cast %get3A_47 : vector<1x8xf32> to vector<8xf32>
    %broadcast_in_dim3A_49 = vector.shape_cast %get3A_48 : vector<8xf32> to vector<1x8xf32>
    %add3A_50 = vector.broadcast %broadcast_in_dim3A_49 : vector<1x8xf32> to vector<2048x8xf32>
    %add3A_51 = arith.addf %add3A_44, %add3A_50 : vector<2048x8xf32>
    %reduce_max3A = arith.constant dense<0xFF800000> : vector<2048xf32>
    %reduce_max3A_52 = vector.multi_reduction <maximumf>, %add3A_51, %reduce_max3A [1] : vector<2048x8xf32> to vector<2048xf32>
    %broadcast_in_dim3A_53 = vector.shape_cast %reduce_max3A_52 : vector<2048xf32> to vector<2048x1xf32>
    %sub3A = vector.broadcast %broadcast_in_dim3A_53 : vector<2048x1xf32> to vector<2048x8xf32>
    %sub3A_54 = arith.subf %add3A_51, %sub3A : vector<2048x8xf32>
    %exp3A = math.exp %sub3A_54 : vector<2048x8xf32>
    %reduce_sum3A = arith.constant dense<0.000000e+00> : vector<2048xf32>
    %reduce_sum3A_55 = vector.multi_reduction <add>, %exp3A, %reduce_sum3A [1] : vector<2048x8xf32> to vector<2048xf32>
    %broadcast_in_dim3A_56 = vector.shape_cast %reduce_sum3A_55 : vector<2048xf32> to vector<2048x1xf32>
    %div3A = vector.broadcast %broadcast_in_dim3A_56 : vector<2048x1xf32> to vector<2048x8xf32>
    %div3A_57 = arith.divf %exp3A, %div3A : vector<2048x8xf32>
    %swap3A = arith.constant 0 : index
    %swap3A_58 = arith.constant 0 : index
    %swap3A_59 = vector.load %arg8[%swap3A, %swap3A_58] : memref<2048x8xf32, #tpu.memory_space<vmem>>, vector<2048x8xf32>
    tpu.vector_store %arg8[%swap3A, %swap3A_58], %div3A_57 {strides = array<i32>} : memref<2048x8xf32, #tpu.memory_space<vmem>>, vector<2048x8xf32>,
    return
  }
  func.func @transform_0(%arg0: i32) -> (i32, i32) {
    %c0_i32 = arith.constant 0 : i32
    %c0_i32_0 = arith.constant 0 : i32
    return %arg0, %c0_i32 : i32, i32
  }
  func.func @transform_1(%arg0: i32) -> (i32, i32, i32) {
    %c0_i32 = arith.constant 0 : i32
    %c0_i32_0 = arith.constant 0 : i32
    %c0_i32_1 = arith.constant 0 : i32
    return %arg0, %c0_i32, %c0_i32_0 : i32, i32, i32
  }
  func.func @transform_2(%arg0: i32) -> (i32, i32, i32) {
    %c0_i32 = arith.constant 0 : i32
    %c0_i32_0 = arith.constant 0 : i32
    %c0_i32_1 = arith.constant 0 : i32
    return %arg0, %c0_i32, %c0_i32_0 : i32, i32, i32
  }
  func.func @transform_3(%arg0: i32) -> (i32, i32) {
    %c0_i32 = arith.constant 0 : i32
    %c0_i32_0 = arith.constant 0 : i32
    %c0_i32_1 = arith.constant 0 : i32
    return %c0_i32, %c0_i32_0 : i32, i32
  }
  func.func @transform_4(%arg0: i32) -> (i32, i32) {
    %c0_i32 = arith.constant 0 : i32
    %c0_i32_0 = arith.constant 0 : i32
    %c0_i32_1 = arith.constant 0 : i32
    return %c0_i32, %c0_i32_0 : i32, i32
  }
  func.func @transform_5(%arg0: i32) -> (i32, i32) {
    %c0_i32 = arith.constant 0 : i32
    %c0_i32_0 = arith.constant 0 : i32
    %c0_i32_1 = arith.constant 0 : i32
    return %c0_i32, %c0_i32_0 : i32, i32
  }
  func.func @transform_6(%arg0: i32) -> (i32, i32) {
    %c0_i32 = arith.constant 0 : i32
    %c0_i32_0 = arith.constant 0 : i32
    %c0_i32_1 = arith.constant 0 : i32
    return %c0_i32, %c0_i32_0 : i32, i32
  }
  func.func @transform_7(%arg0: i32) -> (i32, i32) {
    %c0_i32 = arith.constant 0 : i32
    %c0_i32_0 = arith.constant 0 : i32
    return %arg0, %c0_i32 : i32, i32
  }
}

</mosaic_0001>

<sc_bundles>
// kernel: kernel.5.cloned.1.call-start
scs
__scs_entry_jumppad:
0x0: {  	(pc) =	sbr.rel $0x88, $3  }
0x1: {  	(tag) =	ssettag $0x0;
	lr =	simm.s32 $0x1  }
0x2: {  	[smem:$0x3F9A] =	sst lr;
	_ =	strace $0xD0000000  }
0x3: {  	_ = 	snop  }
0x4: {  	_ = 	snop  }
0x5: {  	_ = 	snop  }
0x6: {  	_ = 	snop  }
0x7: {  	_ = 	snop  }
__scs_overlays_trampoline_lowered:
0x8: {  	[smem:$0x3FA9] =	sst s0  }
0x9: {  	[smem:$0x3FAA] =	sst s1  }
0xa: {  	[smem:$0x3FAB] =	sst s2  }
0xb: {  	[smem:$0x3FAC] =	sst s3  }
0xc: {  	[smem:$0x3FAD] =	sst s4  }
0xd: {  	[smem:$0x3FAE] =	sst s5  }
0xe: {  	[smem:$0x3FAF] =	sst s6  }
0xf: {  	[smem:$0x3FB0] =	sst s7  }
0x10: {  	[smem:$0x3FB1] =	sst s8  }
0x11: {  	[smem:$0x3FB2] =	sst s9;
	s0 =	simm.s32 @!p0 $0x0  }
0x12: {  	s1 =	sld [smem:$0x3F98];
	s0 =	simm.s32 @p0 $0x1  }
0x13: {  	[smem:$0x3FB3] =	sst s0;
	s0 =	simm.s32 @!p1 $0x0  }
0x14: {  	s2 =	sld [smem:$0x3F97];
	s0 =	simm.s32 @p1 $0x1  }
0x15: {  	[smem:$0x3FB4] =	sst s0;
	s0 =	simm.s32 @!p2 $0x0  }
0x16: {  	s3 =	sld [smem:$0x3FDB];
	s0 =	simm.s32 @p2 $0x1  }
0x17: {  	s4 =	simm.s32 $0x1BF5;
	[smem:$0x3FB6] =	sst s0  }
0x18: {  	s0 =	sld [smem:$0x3F99];
	_ =	swait.ge [sflag:s4], $0x0  }
0x19: {  	s7 =	sld [smem:$0x3F9A]  }
0x1a: {  	s8 =	sadd.s32 $0xFFFFE003, lr  }
0x1b: {  	s9 =	sadd.s32 $0xFFFFFEF7, lr;
	s5 =	simm.s32 $0xFFFFFFFF;
	p2 =	slt.u32 s8, $0xFFFFF086  }
0x1c: {  	p1 =	slt.u32 s9, $0xF7A;
	s5 =	simm.s32 @!p2 $0x0  }
0x1d: {  	s5 =	simm.s32 @p1 $0x1;
	p0 =	seq.s32 s7, s2  }
0x1e: {  	s7 =	smul.u32 @!p0 $0xF7A, s2;
	p2 =	seq.s32 @!p0 s5, $0x0  }
0x1f: {  	s9 =	smul.u32 $0xF7A, s1;
	s8 =	simm.s32 @!p0 $0x1BF5;
	p2 =	por !p2, p0  }
0x20: {  	[sflag:s8] =	ssyncset.s32 @!p0 $0xFFFFF086;
	s6 =	sadd.s32 @!p0 s3, s7;
	s7 =	simm.s32 @!p0 $0x108  }
0x21: {  	s3 =	sadd.s32 s3, s9;
	s6 =	sadd.s32 @!p0 $0x88, s6;
	s7 =	simm.s32 @p2 $0x1082  }
0x22: {  	[simem:s7], [sflag:s8] =	dma.local @!p0 [hbm:s6], $0xF7A  }
0x23: {  	s9 =	sor.u32 $0xD0000000, s2;
	s6 =	simm.s32 $0x108;
	_ =	swait.ge @!p0 [sflag:s8], $0x0  }
0x24: {  	s3 =	sadd.s32 $0x88, s3;
	s6 =	simm.s32 @!p1 $0x1082;
	[sflag:s4] =	ssyncset.s32 $0xFFFFF086  }
0x25: {  	[simem:s6], [sflag:s4] =	dma.local [hbm:s3], $0xF7A  }
0x26: {  	[smem:$0x3F9A] =	sst s1;
	(tag) =	ssettag s2;
	_ =	strace s9  }
0x27: {  	s1 =	sld [smem:$0x3FAA]  }
0x28: {  	s2 =	sld [smem:$0x3FAB]  }
0x29: {  	s4 =	sld [smem:$0x3FAD]  }
0x2a: {  	p0 =	seq.s32 s5, $0x0;
	s5 =	sld [smem:$0x3FAE]  }
0x2b: {  	s6 =	sld [smem:$0x3FAF]  }
0x2c: {  	s7 =	sld [smem:$0x3FB0]  }
0x2d: {  	s3 =	simm.s32 $0x108;
	s8 =	sld [smem:$0x3FB1]  }
0x2e: {  	s3 =	simm.s32 @!p0 $0x1082;
	s9 =	sld [smem:$0x3FB2]  }
0x2f: {  	lr =	sadd.s32 s0, s3;
	s0 =	sld [smem:$0x3FA9]  }
0x30: {  	s3 =	sld [smem:$0x3FAC]  }
0x31: {  	[smem:$0x3FB5] =	sst s10  }
0x32: {  	s10 =	sld [smem:$0x3FB3];
	_ =	sdelay $0x3  }
0x33: {  	p0 =	seq.s32 s10, $0x1;
	s10 =	sld [smem:$0x3FB5];
	_ =	sdelay $0x3  }
0x34: {  	[smem:$0x3FB5] =	sst s10  }
0x35: {  	s10 =	sld [smem:$0x3FB4];
	_ =	sdelay $0x3  }
0x36: {  	p1 =	seq.s32 s10, $0x1;
	s10 =	sld [smem:$0x3FB5];
	_ =	sdelay $0x3  }
0x37: {  	[smem:$0x3FB5] =	sst s10  }
0x38: {  	s10 =	sld [smem:$0x3FB6]  }
0x39: {  	_ = 	snop;
	(pc) =	sbr.ind lr, $3  }
0x3a: {  	_ = 	snop  }
0x3b: {  	_ = 	snop  }
0x3c: {  	p2 =	seq.s32 s10, $0x1;
	s10 =	sld [smem:$0x3FB5]  }
0x3d: {  	_ =	shalt  }
0x3e: {  	_ =	shalt  }
0x3f: {  	_ =	shalt  }
0x40: {  	_ =	shalt  }
0x41: {  	_ =	shalt  }
0x42: {  	_ =	shalt  }
0x43: {  	_ =	shalt  }
0x44: {  	_ =	shalt  }
0x45: {  	_ =	shalt  }
0x46: {  	_ =	shalt  }
0x47: {  	_ =	shalt  }
0x48: {  	_ =	shalt  }
0x49: {  	_ =	shalt  }
0x4a: {  	_ =	shalt  }
0x4b: {  	_ =	shalt  }
0x4c: {  	_ =	shalt  }
0x4d: {  	_ =	shalt  }
0x4e: {  	_ =	shalt  }
0x4f: {  	_ =	shalt  }
0x50: {  	_ =	shalt  }
0x51: {  	_ =	shalt  }
0x52: {  	_ =	shalt  }
0x53: {  	_ =	shalt  }
0x54: {  	_ =	shalt  }
0x55: {  	_ =	shalt  }
0x56: {  	_ =	shalt  }
0x57: {  	_ =	shalt  }
0x58: {  	_ =	shalt  }
0x59: {  	_ =	shalt  }
0x5a: {  	_ =	shalt  }
0x5b: {  	_ =	shalt  }
0x5c: {  	_ =	shalt  }
0x5d: {  	_ =	shalt  }
0x5e: {  	_ =	shalt  }
0x5f: {  	_ =	shalt  }
0x60: {  	_ =	shalt  }
0x61: {  	_ =	shalt  }
0x62: {  	_ =	shalt  }
0x63: {  	_ =	shalt  }
0x64: {  	_ =	shalt  }
0x65: {  	_ =	shalt  }
0x66: {  	_ =	shalt  }
0x67: {  	_ =	shalt  }
0x68: {  	_ =	shalt  }
0x69: {  	_ =	shalt  }
0x6a: {  	_ =	shalt  }
0x6b: {  	_ =	shalt  }
0x6c: {  	_ =	shalt  }
0x6d: {  	_ =	shalt  }
0x6e: {  	_ =	shalt  }
0x6f: {  	_ =	shalt  }
0x70: {  	_ =	shalt  }
0x71: {  	_ =	shalt  }
0x72: {  	_ =	shalt  }
0x73: {  	_ =	shalt  }
0x74: {  	_ =	shalt  }
0x75: {  	_ =	shalt  }
0x76: {  	_ =	shalt  }
0x77: {  	_ =	shalt  }
0x78: {  	_ =	shalt  }
0x79: {  	_ =	shalt  }
0x7a: {  	_ =	shalt  }
0x7b: {  	_ =	shalt  }
0x7c: {  	_ =	shalt  }
0x7d: {  	_ =	shalt  }
0x7e: {  	_ =	shalt  }
0x7f: {  	_ =	shalt  }
0x80: {  	_ =	shalt  }
0x81: {  	_ =	shalt  }
0x82: {  	_ =	shalt  }
0x83: {  	_ =	shalt  }
0x84: {  	_ =	shalt  }
0x85: {  	_ =	shalt  }
0x86: {  	_ =	shalt  }
0x87: {  	_ =	shalt  }
.Lfunc_end0:
.L_simem_size_0:
called_computation_lowered:
.L_overlay_start_0:
0x88: {  	s2 =	sld [smem:$0x3FD9]  }
0x89: {  	s3 =	sld [smem:$0x3FFE];
	_ =	sdelay $0x1  }
0x8a: {  	s1 =	srdreg.scid  }
0x8b: {  	s0 =	sand.u32 $0x1, s1  }
0x8c: {  	s17 =	sshll.u32 s0, $0xA;
	s2 =	sadd.s32 s3, s2  }
0x8d: {  	s2 =	sadd.s32 s2, s17  }
0x8e: {  	[smem:$0x3FC1] =	sst s2  }
0x8f: {  	_ = 	snop  }
0x90: {  	s2 =	sld [smem:$0x3FC9]  }
0x91: {  	s18 =	sld [smem:$0x3FD0];
	(tm) =	ssettm $0x1  }
0x92: {  	s4 =	sld [smem:$0x3FFB];
	_ =	sdelay $0x3  }
0x93: {  	_ =	strace s4  }
0x94: {  	s4 =	sld [smem:$0x3FFC];
	_ =	sdelay $0x3  }
0x95: {  	_ =	strace s4  }
0x96: {  	s4 =	sld [smem:$0x3FFD];
	_ =	sdelay $0x3  }
0x97: {  	_ =	strace s4  }
0x98: {  	_ =	strace $0x8FFFFFFF  }
0x99: {  	s19 =	sld [smem:$0x3FDB];
	_ =	sdelay $0x1  }
0x9a: {  	s5 =	simm.s32 $_scs_section_size  }
0x9b: {  	s6 =	simm.s32 $_size__tile_overlayer_lowered;
	s7 =	simm.s32 $_tile_overlayer_lowered  }
0x9c: {  	s22 =	simm.s32 $0x1BFF;
	s21 =	sshll.u32 s7, $0x1;
	s4 =	sadd.s32 s5, s19  }
0x9d: {  	s8 =	simm.s32 $0x0;
	s20 =	sshll.u32 s6, $0x1;
	s6 =	sadd.s32 s21, s4  }
0x9e: {  	[timem:s8], [sflag:s22] =	dma.local [hbm:s6], s20  }
0x9f: {  	_ =	swait.ge [sflag:s22], s20  }
0xa0: {  	s5 =	ssub.s32 $0x0, s20;
	[sflag:s22] =	ssyncset.done $0x0  }
0xa1: {  	[sflag:s22] =	ssyncadd.s32 s5;
	_ =	sdelay $0x1  }
0xa2: {  	s23 =	simm.s32 $0x1B8B  }
0xa3: {  	_ =	swait.ge [sflag:s23], $0x1  }
0xa4: {  	[sflag:s23] =	ssyncset.done $0x0  }
0xa5: {  	s25 =	simm.s32 $0x1B8E;
	s24 =	sld [smem:$0x3FFE];
	[sflag:s23] =	ssyncadd.s32 $0xFFFFFFFF  }
0xa6: {  	s26 =	simm.s32 $execute0_lowered;
	[smem:$0x3FD2] =	sst s25  }
0xa7: {  	s6 =	sshll.u32 s26, $0x1;
	_ =	strace $0x80000046;
	[dreg:$0x1] =	wrdreg $0xFFFFFFFF  }
0xa8: {  	s28 =	simm.s32 $_size_execute0_lowered;
	s4 =	sadd.s32 s4, s6;
	[dreg:$0x0] =	wrdreg $0x0  }
0xa9: {  	s6 =	sshll.u32 s28, $0x1;
	[dreg:$0x2] =	wrdreg s4  }
0xaa: {  	[dreg:$0x3] =	wrdreg s6  }
0xab: {  	[dreg:$0x4] =	wrdreg $0xC0  }
0xac: {  	_ =	task [dreg:s8], $0x5FFFF  }
0xad: {  	[dreg:$0x1] =	wrdreg $0xFFFFFFFF  }
0xae: {  	[dreg:$0x0] =	wrdreg $0x60  }
0xaf: {  	[dreg:$0x2] =	wrdreg s2  }
0xb0: {  	[dreg:$0x3] =	wrdreg s18  }
0xb1: {  	[dreg:$0x4] =	wrdreg s24  }
0xb2: {  	[dreg:$0x5] =	wrdreg $0x9  }
0xb3: {  	_ =	task.clear_ibuf [dreg:s8], $0x6FFFF;
	_ =	strace $0x90000046  }
0xb4: {  	s29 =	simm.s32 $0x9;
	_ =	strace $0x80000048  }
0xb5: {  	_ =	swait.ge [sflag:s29], $0x1  }
0xb6: {  	[sflag:s29] =	ssyncadd.s32 $0xFFFFFFFF  }
0xb7: {  	_ =	strace $0x90000048  }
0xb8: {  	_ =	sfence  }
0xb9: {  	s30 =	sld [smem:$0x0];
	_ =	sdelay $0x2  }
0xba: {  	s31 =	sshll.u32 s1, $0xD;
	s1 =	sshrl.u32 s1, $0x2  }
0xbb: {  	s3 =	sand.u32 $0x4000, s31;
	s1 =	sadd.s32 s1, s30  }
0xbc: {  	s0 =	sor.u32 s3, s0;
	s1 =	sshll.u32 s1, $0x11  }
0xbd: {  	s0 =	sor.u32 s1, s0  }
0xbe: {  	s0 =	sadd.s32 $0x8F2B, s0  }
0xbf: {  	[sflag:s0] =	ssyncadd.remote.s32 $0x1  }
0xc0: {  	_ =	sfence.sel $0xFFFF  }
0xc1: {  	[dreg:$0x0] =	wrdreg $0xFFFFFFFF;
	(pc) =	sbr.abs _section_cstart, $3  }
0xc2: {  	[dreg:$0x1] =	wrdreg $0xFFFFFFFF  }
0xc3: {  	_ =	task.clear_ibuf [dreg:s8], $0x2FFFF;
	_ =	strace $0x9FFFFFFF  }
0xc4: {  	(tm) =	ssettm $0x7FFFFFFF  }
0xc5: {  	_ =	shalt  }
tec
execute0_lowered:
.L_overlay_start_1:
0x0: {  	(tag) =	ssettag $0x1  }
0x1: {  	s0 =	rddreg [dreg:$0x0]  }
0x2: {  	s1 =	srdreg.scid;
	s7 =	rddreg [dreg:$0x1]  }
0x3: {  	s2 =	stileid.u32;
	s6 =	rddreg [dreg:$0x2]  }
0x4: {  	s14 =	simm.s32 $0xD880;
	s15 =	simm.s32 $0xD900;
	s16 =	simm.s32 $0xD980  }
0x5: {  	s17 =	simm.s32 $0x1;
	s18 =	simm.s32 $0xDA00;
	s19 =	simm.s32 $0xE200  }
0x6: {  	s20 =	simm.s32 $0x0;
	s1 =	sand.u32 $0x1, s1;
	s4 =	sshll.u32 s2, $0x6  }
0x7: {  	s2 =	simm.s32 $0x0;
	s5 =	sadd.s32 $0x1800, s6;
	s3 =	sshll.u32 s1, $0xA  }
0x8: {  	[smem:$0x7FF] =	sst s2;
	s1 =	ssub.s32 $0x2, s1;
	s8 =	sor.u32 s4, s3  }
0x9: {  	_ =	strace $0x80000047;
	s4 =	sadd.s32 $0x1600, s6;
	s11 =	sshrl.u32 s1, $0x1  }
0xa: {  	s3 =	sshrl.u32 s8, $0x3;
	s13 =	sadd.s32 s8, s6;
	s1 =	ssub.s32 s1, s11  }
0xb: {  	s11 =	simm.s32 $0xC000;
	s9 =	sor.u32 $0xF00, s3;
	s3 =	sadd.s32 $0x1200, s6  }
0xc: {  	s10 =	sadd.s32 s9, s6;
	s12 =	smul.u32 $0x300, s9;
	s7 =	sadd.s32 s7, s9  }
0xd: {  	s9 =	sadd.s32 $0x2A00, s13;
	s13 =	simm.s32 $0xD800;
	s8 =	sadd.s32 $0x1A00, s10  }
0xe: {  	s10 =	smax.u32 s1, $0x1;
	s6 =	sadd.s32 s0, s12;
	s12 =	simm.s32 $0x2  }
.LBB2_1:
0xf: {  	[tilespmem:s2], [sflag:$0x1] =	stream.linear.gather [hbm4b:s6+s2], $0xC000, $0x38;
	[tilespmem:$0xE400] =	vst v63  }
0x10: {  	_ = 	snop  }
0x11: {  	[tilespmem:s11], [sflag:$0x2] =	stream.linear.gather [hbm4b:s3+s2], $0x1800, $0x38;
	[tilespmem:$0xE400] =	vst v63  }
0x12: {  	_ =	swait.ge [sflag:s12], $0x1800  }
0x13: {  	[sflag:s12] =	ssyncset.done $0x0  }
0x14: {  	[sflag:s12] =	ssyncadd.s32 $0xFFFFE800  }
0x15: {  	[tilespmem:s13], [sflag:$0x2] =	stream.linear.gather [hbm4b:s4+s2], $0x80, $0x38;
	[tilespmem:$0xE400] =	vst v63  }
0x16: {  	_ =	swait.ge [sflag:s12], $0x80  }
0x17: {  	[sflag:s12] =	ssyncset.done $0x0  }
0x18: {  	[sflag:s12] =	ssyncadd.s32 $0xFFFFFF80  }
0x19: {  	[tilespmem:s14], [sflag:$0x2] =	stream.linear.gather [hbm4b:s5+s2], $0x80, $0x38;
	[tilespmem:$0xE400] =	vst v63  }
0x1a: {  	_ =	swait.ge [sflag:s12], $0x80  }
0x1b: {  	[sflag:s12] =	ssyncset.done $0x0  }
0x1c: {  	[sflag:s12] =	ssyncadd.s32 $0xFFFFFF80  }
0x1d: {  	[tilespmem:s15], [sflag:$0x2] =	stream.linear.gather [hbm4b:s7+s2], $0x40, $0x38;
	[tilespmem:$0xE400] =	vst v63  }
0x1e: {  	_ =	swait.ge [sflag:s12], $0x40  }
0x1f: {  	[sflag:s12] =	ssyncset.done $0x0  }
0x20: {  	[sflag:s12] =	ssyncadd.s32 $0xFFFFFFC0  }
0x21: {  	[tilespmem:s16], [sflag:$0x2] =	stream.linear.gather [hbm4b:s8+s2], $0x40, $0x38;
	[tilespmem:$0xE400] =	vst v63  }
0x22: {  	_ =	swait.ge [sflag:s12], $0x40  }
0x23: {  	[sflag:s12] =	ssyncset.done $0x0  }
0x24: {  	[sflag:s12] =	ssyncadd.s32 $0xFFFFFFC0  }
0x25: {  	_ =	swait.ge [sflag:s17], $0xC000  }
0x26: {  	[sflag:s17] =	ssyncset.done $0x0  }
0x27: {  	s21 =	simm.s32 $0x0;
	s22 =	simm.s32 $0x0;
	[sflag:s17] =	ssyncadd.s32 $0xFFFF4000  }
.LBB2_2:
0x28: {  	s23 =	sshll.u32 s22, $0x4;
	s24 =	simm.s32 $0x0  }
0x29: {  	s25 =	simm.s32 $0xDE10;
	s26 =	smov.u32 s21;
	s28 =	simm.s32 $0x0  }
.LBB2_3:
0x2a: {  	s0 =	sshrl.u32 s26, $0x3  }
0x2b: {  	s0 =	smul.u32 $0x6000, s0  }
0x2c: {  	v3 =	vld [tilespmem:$0xC000]  }
0x2d: {  	s30 =	sand.u32 $0x300, s28;
	v4 =	vld [tilespmem:$0xC080];
	s31 =	sshra.s32 s0, $0x2  }
0x2e: {  	v5 =	vld [tilespmem:$0xC100];
	s29 =	sor.u32 $0x80, s30;
	s0 =	sor.u32 s30, s31  }
0x2f: {  	s1 =	sor.u32 s29, s31;
	v1 =	vld [tilespmem:s0+$0x0]  }
0x30: {  	v2 =	vld [tilespmem:s1+$0x0]  }
0x31: {  	v6 =	vld [tilespmem:$0xC180]  }
0x32: {  	v8 =	vld [tilespmem:$0xC200]  }
0x33: {  	v10 =	vld [tilespmem:$0xC280]  }
0x34: {  	v12 =	vld [tilespmem:$0xC300]  }
0x35: {  	v13 =	vld [tilespmem:$0xC380];
	v7 =	vmul.f32 v3, v1;
	v3 =	vmul.f32 v3, v2  }
0x36: {  	v17 =	vld [tilespmem:$0xC010];
	v9 =	vmul.f32 v4, v1;
	v4 =	vmul.f32 v4, v2  }
0x37: {  	v15 =	vld [tilespmem:s0+$0x10];
	v11 =	vmul.f32 v5, v1;
	v5 =	vmul.f32 v5, v2  }
0x38: {  	v19 =	vld [tilespmem:s1+$0x10];
	v14 =	vmul.f32 v6, v1;
	v6 =	vmul.f32 v6, v2  }
0x39: {  	v20 =	vld [tilespmem:$0xC090];
	v16 =	vmul.f32 v8, v1;
	v8 =	vmul.f32 v8, v2  }
0x3a: {  	v22 =	vld [tilespmem:$0xC110];
	v18 =	vmul.f32 v10, v1;
	v10 =	vmul.f32 v10, v2  }
0x3b: {  	v38 =	vld [tilespmem:$0xC190];
	v21 =	vmul.f32 v12, v1;
	v12 =	vmul.f32 v12, v2  }
0x3c: {  	v24 =	vld [tilespmem:$0xC210];
	v1 =	vmul.f32 v13, v1;
	v2 =	vmul.f32 v13, v2  }
0x3d: {  	v25 =	vld [tilespmem:$0xC290];
	v23 =	vmul.f32 v17, v15;
	v17 =	vmul.f32 v17, v19  }
0x3e: {  	v26 =	vld [tilespmem:$0xC310];
	v39 =	vmul.f32 v20, v15;
	v20 =	vmul.f32 v20, v19  }
0x3f: {  	v40 =	vmul.f32 v22, v15;
	v22 =	vmul.f32 v22, v19  }
0x40: {  	v27 =	vld [tilespmem:$0xC390];
	v41 =	vmul.f32 v38, v15;
	v13 =	vmul.f32 v38, v19  }
0x41: {  	v46 =	vld [tilespmem:$0xC020];
	v44 =	vmul.f32 v24, v15;
	v45 =	vmul.f32 v24, v19  }
0x42: {  	v42 =	vld [tilespmem:s0+$0x20];
	v47 =	vmul.f32 v25, v15;
	v25 =	vmul.f32 v25, v19  }
0x43: {  	v43 =	vld [tilespmem:s1+$0x20];
	v48 =	vmul.f32 v26, v15;
	v7 =	vadd.f32 $0.0e+00, v7;
	v3 =	vadd.f32 $0.0e+00, v3  }
0x44: {  	v28 =	vld [tilespmem:$0xC0A0];
	v49 =	vmul.f32 v26, v19;
	v9 =	vadd.f32 $0.0e+00, v9;
	v4 =	vadd.f32 $0.0e+00, v4  }
0x45: {  	v15 =	vmul.f32 v27, v15;
	v11 =	vadd.f32 $0.0e+00, v11;
	v5 =	vadd.f32 $0.0e+00, v5  }
0x46: {  	v50 =	vld [tilespmem:$0xC120];
	v19 =	vmul.f32 v27, v19;
	v14 =	vadd.f32 $0.0e+00, v14;
	v6 =	vadd.f32 $0.0e+00, v6  }
0x47: {  	v51 =	vld [tilespmem:$0xC1A0];
	v52 =	vmul.f32 v46, v42;
	v16 =	vadd.f32 $0.0e+00, v16;
	v8 =	vadd.f32 $0.0e+00, v8  }
0x48: {  	v53 =	vld [tilespmem:$0xC220];
	v24 =	vmul.f32 v46, v43;
	v18 =	vadd.f32 $0.0e+00, v18;
	v10 =	vadd.f32 $0.0e+00, v10  }
0x49: {  	v55 =	vld [tilespmem:$0xC2A0];
	v54 =	vmul.f32 v28, v42;
	v21 =	vadd.f32 $0.0e+00, v21;
	v12 =	vadd.f32 $0.0e+00, v12  }
0x4a: {  	v57 =	vld [tilespmem:$0xC320];
	v56 =	vmul.f32 v28, v43;
	v1 =	vadd.f32 $0.0e+00, v1;
	v2 =	vadd.f32 $0.0e+00, v2  }
0x4b: {  	v59 =	vld [tilespmem:$0xC3A0];
	v58 =	vmul.f32 v50, v42;
	v7 =	vadd.f32 v23, v7;
	v3 =	vadd.f32 v17, v3  }
0x4c: {  	v37 =	vld [tilespmem:$0xC130];
	v60 =	vmul.f32 v51, v42;
	v9 =	vadd.f32 v39, v9;
	v4 =	vadd.f32 v20, v4  }
0x4d: {  	v61 =	vld [tilespmem:s0+$0x30];
	v62 =	vmul.f32 v53, v42;
	v11 =	vadd.f32 v40, v11;
	v5 =	vadd.f32 v22, v5  }
0x4e: {  	v32 =	vmul.f32 v53, v43;
	v14 =	vadd.f32 v41, v14;
	v6 =	vadd.f32 v13, v6  }
0x4f: {  	v34 =	vmul.f32 v55, v42;
	v16 =	vadd.f32 v44, v16;
	v8 =	vadd.f32 v45, v8  }
0x50: {  	v36 =	vmul.f32 v57, v42;
	v13 =	vadd.f32 v47, v18;
	v10 =	vadd.f32 v25, v10  }
0x51: {  	v33 =	vld [tilespmem:$0xC030];
	v38 =	vmul.f32 v59, v42;
	v20 =	vadd.f32 v48, v21;
	v12 =	vadd.f32 v49, v12  }
0x52: {  	v63 =	vld [tilespmem:s1+$0x30];
	v46 =	vmul.f32 v37, v61;
	v1 =	vadd.f32 v15, v1;
	v2 =	vadd.f32 v19, v2  }
0x53: {  	v35 =	vld [tilespmem:$0xC0B0];
	v22 =	vmul.f32 v50, v43;
	v21 =	vmul.f32 v51, v43;
	v7 =	vadd.f32 v52, v7  }
0x54: {  	v19 =	vmul.f32 v55, v43;
	v3 =	vadd.f32 v24, v3;
	v9 =	vadd.f32 v54, v9  }
0x55: {  	v17 =	vmul.f32 v59, v43;
	v4 =	vadd.f32 v56, v4;
	v11 =	vadd.f32 v58, v11  }
0x56: {  	v42 =	vld [tilespmem:$0xC230];
	v40 =	vmul.f32 v33, v61;
	v5 =	vadd.f32 v22, v5;
	v14 =	vadd.f32 v60, v14  }
0x57: {  	v53 =	vld [tilespmem:$0xC040];
	v41 =	vmul.f32 v33, v63;
	v6 =	vadd.f32 v21, v6;
	v15 =	vadd.f32 v62, v16  }
0x58: {  	v39 =	vld [tilespmem:$0xC1B0];
	v44 =	vmul.f32 v35, v63;
	v8 =	vadd.f32 v32, v8;
	v13 =	vadd.f32 v34, v13  }
0x59: {  	v45 =	vld [tilespmem:$0xC2B0];
	v24 =	vmul.f32 v57, v43;
	v10 =	vadd.f32 v19, v10;
	v18 =	vadd.f32 v36, v20  }
0x5a: {  	v47 =	vld [tilespmem:$0xC330];
	v48 =	vmul.f32 v37, v63;
	v1 =	vadd.f32 v38, v1;
	v2 =	vadd.f32 v17, v2  }
0x5b: {  	v49 =	vld [tilespmem:$0xC3B0];
	v43 =	vmul.f32 v35, v61;
	v52 =	vmul.f32 v42, v61;
	v12 =	vadd.f32 v24, v12  }
0x5c: {  	v51 =	vld [tilespmem:s0+$0x40];
	v21 =	vmul.f32 v42, v63;
	v7 =	vadd.f32 v40, v7;
	v3 =	vadd.f32 v41, v3  }
0x5d: {  	v55 =	vld [tilespmem:s1+$0x40];
	v9 =	vadd.f32 v43, v9;
	v4 =	vadd.f32 v44, v4;
	v50 =	vmul.f32 v39, v61  }
0x5e: {  	v59 =	vld [tilespmem:$0xC140];
	v11 =	vadd.f32 v46, v11;
	v19 =	vmul.f32 v39, v63;
	v54 =	vmul.f32 v45, v61  }
0x5f: {  	v30 =	vld [tilespmem:$0xC2C0];
	v5 =	vadd.f32 v48, v5;
	v56 =	vmul.f32 v45, v63;
	v58 =	vmul.f32 v47, v61  }
0x60: {  	v57 =	vld [tilespmem:$0xC0C0];
	v15 =	vadd.f32 v52, v15;
	v20 =	vmul.f32 v47, v63;
	v60 =	vmul.f32 v49, v61  }
0x61: {  	v32 =	vld [tilespmem:$0xC340];
	v8 =	vadd.f32 v21, v8;
	v22 =	vmul.f32 v49, v63;
	v62 =	vmul.f32 v53, v51  }
0x62: {  	v34 =	vld [tilespmem:$0xC3C0];
	v29 =	vmul.f32 v53, v55;
	v14 =	vadd.f32 v50, v14;
	v6 =	vadd.f32 v19, v6  }
0x63: {  	v36 =	vld [tilespmem:s0+$0x50];
	v33 =	vmul.f32 v59, v51;
	v13 =	vadd.f32 v54, v13;
	v10 =	vadd.f32 v56, v10  }
0x64: {  	v42 =	vld [tilespmem:$0xC0D0];
	v24 =	vmul.f32 v59, v55;
	v16 =	vadd.f32 v58, v18;
	v12 =	vadd.f32 v20, v12  }
0x65: {  	v38 =	vld [tilespmem:s1+$0x50];
	v41 =	vmul.f32 v30, v51;
	v1 =	vadd.f32 v60, v1;
	v2 =	vadd.f32 v22, v2  }
0x66: {  	v40 =	vld [tilespmem:$0xC050];
	v7 =	vadd.f32 v62, v7;
	v31 =	vmul.f32 v57, v51;
	v21 =	vmul.f32 v57, v55  }
0x67: {  	v61 =	vld [tilespmem:$0xC1C0];
	v3 =	vadd.f32 v29, v3;
	v22 =	vmul.f32 v30, v55;
	v43 =	vmul.f32 v32, v51  }
0x68: {  	v63 =	vld [tilespmem:$0xC240];
	v11 =	vadd.f32 v33, v11;
	v44 =	vmul.f32 v32, v55;
	v46 =	vmul.f32 v34, v51  }
0x69: {  	v45 =	vld [tilespmem:$0xC150];
	v5 =	vadd.f32 v24, v5;
	v19 =	vmul.f32 v34, v55;
	v50 =	vmul.f32 v42, v36  }
0x6a: {  	v47 =	vld [tilespmem:$0xC1D0];
	v52 =	vmul.f32 v42, v38;
	v9 =	vadd.f32 v31, v9;
	v4 =	vadd.f32 v21, v4  }
0x6b: {  	v49 =	vld [tilespmem:$0xC250];
	v13 =	vadd.f32 v41, v13;
	v10 =	vadd.f32 v22, v10;
	v48 =	vmul.f32 v40, v36  }
0x6c: {  	v53 =	vld [tilespmem:$0xC350];
	v16 =	vadd.f32 v43, v16;
	v24 =	vmul.f32 v40, v38;
	v35 =	vmul.f32 v61, v51  }
0x6d: {  	v59 =	vld [tilespmem:s1+$0x60];
	v12 =	vadd.f32 v44, v12;
	v37 =	vmul.f32 v61, v55;
	v39 =	vmul.f32 v63, v51  }
0x6e: {  	v57 =	vld [tilespmem:s0+$0x60];
	v1 =	vadd.f32 v46, v1;
	v20 =	vmul.f32 v63, v55;
	v54 =	vmul.f32 v45, v36  }
0x6f: {  	v32 =	vld [tilespmem:$0xC160];
	v2 =	vadd.f32 v19, v2;
	v56 =	vmul.f32 v47, v36;
	v22 =	vmul.f32 v47, v38  }
0x70: {  	v30 =	vld [tilespmem:$0xC590];
	v58 =	vmul.f32 v49, v36;
	v7 =	vadd.f32 v48, v7;
	v3 =	vadd.f32 v24, v3  }
0x71: {  	v41 =	vld [tilespmem:$0xC2E0];
	v60 =	vmul.f32 v49, v38;
	v9 =	vadd.f32 v50, v9;
	v4 =	vadd.f32 v52, v4  }
0x72: {  	v43 =	vld [tilespmem:$0xC360];
	v0 =	vmul.f32 v53, v36;
	v14 =	vadd.f32 v35, v14;
	v6 =	vadd.f32 v37, v6  }
0x73: {  	v51 =	vld [tilespmem:$0xC2D0];
	v24 =	vmul.f32 v53, v38;
	v15 =	vadd.f32 v39, v15;
	v8 =	vadd.f32 v20, v8  }
0x74: {  	v55 =	vld [tilespmem:$0xC3D0];
	v20 =	vmul.f32 v45, v38;
	v11 =	vadd.f32 v54, v11;
	v16 =	vadd.f32 v0, v16  }
0x75: {  	v61 =	vld [tilespmem:$0xC060];
	v42 =	vmul.f32 v32, v57;
	v44 =	vmul.f32 v32, v59;
	v12 =	vadd.f32 v24, v12  }
0x76: {  	v63 =	vld [tilespmem:$0xC0E0];
	v5 =	vadd.f32 v20, v5;
	v14 =	vadd.f32 v56, v14;
	v50 =	vmul.f32 v41, v57  }
0x77: {  	v47 =	vld [tilespmem:s0+$0x70];
	v6 =	vadd.f32 v22, v6;
	v52 =	vmul.f32 v41, v59;
	v54 =	vmul.f32 v43, v57  }
0x78: {  	v49 =	vld [tilespmem:$0xC070];
	v15 =	vadd.f32 v58, v15;
	v21 =	vmul.f32 v43, v59;
	v62 =	vmul.f32 v51, v36  }
0x79: {  	v53 =	vld [tilespmem:$0xC0F0];
	v8 =	vadd.f32 v60, v8;
	v19 =	vmul.f32 v51, v38;
	v33 =	vmul.f32 v55, v36  }
0x7a: {  	v35 =	vld [tilespmem:$0xC1E0];
	v11 =	vadd.f32 v42, v11;
	v34 =	vmul.f32 v55, v38;
	v36 =	vmul.f32 v61, v57  }
0x7b: {  	v45 =	vld [tilespmem:$0xC3E0];
	v37 =	vmul.f32 v61, v59;
	v5 =	vadd.f32 v44, v5;
	v16 =	vadd.f32 v54, v16  }
0x7c: {  	v32 =	vld [tilespmem:$0xC3F0];
	v39 =	vmul.f32 v63, v57;
	v12 =	vadd.f32 v21, v12;
	v13 =	vadd.f32 v62, v13  }
0x7d: {  	v43 =	vld [tilespmem:$0xC500];
	v40 =	vmul.f32 v63, v59;
	v10 =	vadd.f32 v19, v10;
	v1 =	vadd.f32 v33, v1  }
0x7e: {  	v38 =	vld [tilespmem:$0xC260];
	v58 =	vmul.f32 v49, v47;
	v2 =	vadd.f32 v34, v2;
	v7 =	vadd.f32 v36, v7  }
0x7f: {  	v51 =	vld [tilespmem:s1+$0x70];
	v3 =	vadd.f32 v37, v3;
	v9 =	vadd.f32 v39, v9;
	v46 =	vmul.f32 v35, v57  }
0x80: {  	v55 =	vld [tilespmem:$0xC170];
	v4 =	vadd.f32 v40, v4;
	v19 =	vmul.f32 v35, v59;
	v56 =	vmul.f32 v45, v57  }
0x81: {  	v61 =	vld [tilespmem:$0xC2F0];
	v20 =	vmul.f32 v45, v59;
	v62 =	vmul.f32 v53, v47;
	v14 =	vadd.f32 v46, v14  }
0x82: {  	v63 =	vld [tilespmem:$0xC370];
	v44 =	vmul.f32 v32, v47;
	v6 =	vadd.f32 v19, v6;
	v13 =	vadd.f32 v50, v13  }
0x83: {  	v34 =	vld [tilespmem:s0+$0x400];
	v10 =	vadd.f32 v52, v10;
	v1 =	vadd.f32 v56, v1;
	v48 =	vmul.f32 v38, v57  }
0x84: {  	v36 =	vld [tilespmem:s1+$0x400];
	v2 =	vadd.f32 v20, v2;
	v22 =	vmul.f32 v38, v59;
	v60 =	vmul.f32 v49, v51  }
0x85: {  	v40 =	vld [tilespmem:$0xC480];
	v7 =	vadd.f32 v58, v7;
	v31 =	vmul.f32 v55, v47;
	v24 =	vmul.f32 v55, v51  }
0x86: {  	v45 =	vld [tilespmem:$0xC580];
	v9 =	vadd.f32 v62, v9;
	v39 =	vmul.f32 v61, v47;
	v20 =	vmul.f32 v61, v51  }
0x87: {  	v57 =	vld [tilespmem:$0xC1F0];
	v41 =	vmul.f32 v63, v47;
	v1 =	vadd.f32 v44, v1;
	v15 =	vadd.f32 v48, v15  }
0x88: {  	v59 =	vld [tilespmem:$0xC270];
	v42 =	vmul.f32 v63, v51;
	v8 =	vadd.f32 v22, v8;
	v3 =	vadd.f32 v60, v3  }
0x89: {  	v38 =	vld [tilespmem:$0xC400];
	v19 =	vmul.f32 v32, v51;
	v11 =	vadd.f32 v31, v11;
	v5 =	vadd.f32 v24, v5  }
0x8a: {  	v49 =	vld [tilespmem:$0xC680];
	v22 =	vmul.f32 v53, v51;
	v13 =	vadd.f32 v39, v13;
	v10 =	vadd.f32 v20, v10  }
0x8b: {  	v55 =	vld [tilespmem:s0+$0x410];
	v16 =	vadd.f32 v41, v16;
	v12 =	vadd.f32 v42, v12;
	v48 =	vmul.f32 v40, v34  }
0x8c: {  	v61 =	vld [tilespmem:$0xC490];
	v2 =	vadd.f32 v19, v2;
	v50 =	vmul.f32 v40, v36;
	v52 =	vmul.f32 v43, v34  }
0x8d: {  	v32 =	vld [tilespmem:$0xC610];
	v20 =	vmul.f32 v43, v36;
	v54 =	vmul.f32 v45, v34;
	v4 =	vadd.f32 v22, v4  }
0x8e: {  	v53 =	vld [tilespmem:$0xC780];
	v9 =	vadd.f32 v48, v9;
	v33 =	vmul.f32 v57, v47;
	v35 =	vmul.f32 v57, v51  }
0x8f: {  	v39 =	vld [tilespmem:$0xC790];
	v11 =	vadd.f32 v52, v11;
	v37 =	vmul.f32 v59, v47;
	v21 =	vmul.f32 v59, v51  }
0x90: {  	v41 =	vld [tilespmem:s0+$0x420];
	v5 =	vadd.f32 v20, v5;
	v46 =	vmul.f32 v38, v34;
	v24 =	vmul.f32 v38, v36  }
0x91: {  	v43 =	vld [tilespmem:$0xC420];
	v60 =	vmul.f32 v49, v34;
	v19 =	vmul.f32 v49, v36;
	v4 =	vadd.f32 v50, v4  }
0x92: {  	v47 =	vld [tilespmem:$0xC600];
	v40 =	vmul.f32 v30, v55;
	v14 =	vadd.f32 v33, v14;
	v6 =	vadd.f32 v35, v6  }
0x93: {  	v51 =	vld [tilespmem:$0xC700];
	v42 =	vmul.f32 v32, v55;
	v15 =	vadd.f32 v37, v15;
	v8 =	vadd.f32 v21, v8  }
0x94: {  	v57 =	vld [tilespmem:s1+$0x410];
	v7 =	vadd.f32 v46, v7;
	v3 =	vadd.f32 v24, v3;
	v21 =	vmul.f32 v45, v36  }
0x95: {  	v59 =	vld [tilespmem:$0xC410];
	v13 =	vadd.f32 v60, v13;
	v22 =	vmul.f32 v53, v34;
	v29 =	vmul.f32 v53, v36  }
0x96: {  	v63 =	vld [tilespmem:$0xC510];
	v10 =	vadd.f32 v19, v10;
	v33 =	vmul.f32 v61, v55;
	v50 =	vmul.f32 v39, v55  }
0x97: {  	v52 =	vmul.f32 v43, v41;
	v14 =	vadd.f32 v54, v14;
	v6 =	vadd.f32 v21, v6  }
0x98: {  	v1 =	vadd.f32 v22, v1;
	v56 =	vmul.f32 v47, v34;
	v58 =	vmul.f32 v47, v36  }
0x99: {  	v2 =	vadd.f32 v29, v2;
	v62 =	vmul.f32 v51, v34;
	v24 =	vmul.f32 v51, v36  }
0x9a: {  	v49 =	vld [tilespmem:$0xC520];
	v9 =	vadd.f32 v33, v9;
	v31 =	vmul.f32 v59, v55;
	v21 =	vmul.f32 v59, v57  }
0x9b: {  	v35 =	vld [tilespmem:$0xC690];
	v34 =	vmul.f32 v61, v57;
	v36 =	vmul.f32 v63, v55;
	v14 =	vadd.f32 v40, v14  }
0x9c: {  	v37 =	vld [tilespmem:$0xC710];
	v38 =	vmul.f32 v63, v57;
	v1 =	vadd.f32 v50, v1;
	v15 =	vadd.f32 v56, v15  }
0x9d: {  	v45 =	vld [tilespmem:s1+$0x420];
	v19 =	vmul.f32 v30, v57;
	v8 =	vadd.f32 v58, v8;
	v16 =	vadd.f32 v62, v16  }
0x9e: {  	v53 =	vld [tilespmem:$0xC620];
	v22 =	vmul.f32 v32, v57;
	v12 =	vadd.f32 v24, v12;
	v7 =	vadd.f32 v31, v7  }
0x9f: {  	v33 =	vld [tilespmem:$0xC430];
	v20 =	vmul.f32 v39, v57;
	v3 =	vadd.f32 v21, v3;
	v4 =	vadd.f32 v34, v4  }
0xa0: {  	v47 =	vld [tilespmem:$0xC4A0];
	v11 =	vadd.f32 v36, v11;
	v5 =	vadd.f32 v38, v5;
	v44 =	vmul.f32 v35, v55  }
0xa1: {  	v51 =	vld [tilespmem:$0xC5A0];
	v6 =	vadd.f32 v19, v6;
	v46 =	vmul.f32 v35, v57;
	v48 =	vmul.f32 v37, v55  }
0xa2: {  	v59 =	vld [tilespmem:$0xC7A0];
	v21 =	vmul.f32 v37, v57;
	v2 =	vadd.f32 v20, v2;
	v54 =	vmul.f32 v43, v45  }
0xa3: {  	v61 =	vld [tilespmem:s0+$0x430];
	v58 =	vmul.f32 v49, v41;
	v15 =	vadd.f32 v42, v15;
	v8 =	vadd.f32 v22, v8  }
0xa4: {  	v63 =	vld [tilespmem:s1+$0x430];
	v24 =	vmul.f32 v49, v45;
	v13 =	vadd.f32 v44, v13;
	v10 =	vadd.f32 v46, v10  }
0xa5: {  	v40 =	vld [tilespmem:$0xC5B0];
	v32 =	vmul.f32 v53, v41;
	v16 =	vadd.f32 v48, v16;
	v12 =	vadd.f32 v21, v12  }
0xa6: {  	v7 =	vadd.f32 v52, v7;
	v21 =	vmul.f32 v53, v45;
	v56 =	vmul.f32 v47, v41  }
0xa7: {  	v55 =	vld [tilespmem:$0xC6A0];
	v3 =	vadd.f32 v54, v3;
	v22 =	vmul.f32 v47, v45;
	v60 =	vmul.f32 v51, v41  }
0xa8: {  	v57 =	vld [tilespmem:$0xC720];
	v11 =	vadd.f32 v58, v11;
	v62 =	vmul.f32 v51, v45;
	v39 =	vmul.f32 v59, v41  }
0xa9: {  	v50 =	vld [tilespmem:s0+$0x440];
	v5 =	vadd.f32 v24, v5;
	v19 =	vmul.f32 v59, v45;
	v24 =	vmul.f32 v33, v63  }
0xaa: {  	v35 =	vld [tilespmem:$0xC4B0];
	v15 =	vadd.f32 v32, v15;
	v8 =	vadd.f32 v21, v8;
	v49 =	vmul.f32 v40, v61  }
0xab: {  	v38 =	vld [tilespmem:$0xC530];
	v21 =	vmul.f32 v40, v63;
	v9 =	vadd.f32 v56, v9;
	v4 =	vadd.f32 v22, v4  }
0xac: {  	v31 =	vld [tilespmem:$0xC6C0];
	v14 =	vadd.f32 v60, v14;
	v34 =	vmul.f32 v55, v41;
	v20 =	vmul.f32 v55, v45  }
0xad: {  	v6 =	vadd.f32 v62, v6;
	v36 =	vmul.f32 v57, v41;
	v37 =	vmul.f32 v57, v45  }
0xae: {  	v42 =	vld [tilespmem:$0xC630];
	v41 =	vmul.f32 v33, v61;
	v1 =	vadd.f32 v39, v1;
	v2 =	vadd.f32 v19, v2  }
0xaf: {  	v44 =	vld [tilespmem:$0xC6B0];
	v43 =	vmul.f32 v35, v61;
	v3 =	vadd.f32 v24, v3;
	v45 =	vmul.f32 v35, v63  }
0xb0: {  	v46 =	vld [tilespmem:$0xC730];
	v47 =	vmul.f32 v38, v61;
	v13 =	vadd.f32 v34, v13;
	v10 =	vadd.f32 v20, v10  }
0xb1: {  	v48 =	vld [tilespmem:$0xC7B0];
	v40 =	vmul.f32 v31, v50;
	v16 =	vadd.f32 v36, v16;
	v12 =	vadd.f32 v37, v12  }
0xb2: {  	v54 =	vld [tilespmem:$0xC440];
	v7 =	vadd.f32 v41, v7;
	v9 =	vadd.f32 v43, v9;
	v20 =	vmul.f32 v38, v63  }
0xb3: {  	v52 =	vld [tilespmem:s1+$0x440];
	v4 =	vadd.f32 v45, v4;
	v51 =	vmul.f32 v42, v61;
	v53 =	vmul.f32 v42, v63  }
0xb4: {  	v58 =	vld [tilespmem:$0xC540];
	v11 =	vadd.f32 v47, v11;
	v55 =	vmul.f32 v44, v61;
	v19 =	vmul.f32 v44, v63  }
0xb5: {  	v56 =	vld [tilespmem:$0xC4C0];
	v14 =	vadd.f32 v49, v14;
	v57 =	vmul.f32 v46, v61;
	v24 =	vmul.f32 v46, v63  }
0xb6: {  	v33 =	vld [tilespmem:$0xC740];
	v6 =	vadd.f32 v21, v6;
	v59 =	vmul.f32 v48, v61;
	v60 =	vmul.f32 v48, v63  }
0xb7: {  	v35 =	vld [tilespmem:$0xC7C0];
	v62 =	vmul.f32 v54, v50;
	v5 =	vadd.f32 v20, v5;
	v15 =	vadd.f32 v51, v15  }
0xb8: {  	v39 =	vld [tilespmem:$0xC450];
	v21 =	vmul.f32 v54, v52;
	v8 =	vadd.f32 v53, v8;
	v13 =	vadd.f32 v55, v13  }
0xb9: {  	v61 =	vld [tilespmem:$0xC5C0];
	v32 =	vmul.f32 v58, v50;
	v10 =	vadd.f32 v19, v10;
	v16 =	vadd.f32 v57, v16  }
0xba: {  	v63 =	vld [tilespmem:$0xC640];
	v34 =	vmul.f32 v58, v52;
	v12 =	vadd.f32 v24, v12;
	v1 =	vadd.f32 v59, v1  }
0xbb: {  	v37 =	vld [tilespmem:s0+$0x450];
	v42 =	vmul.f32 v31, v52;
	v2 =	vadd.f32 v60, v2;
	v7 =	vadd.f32 v62, v7  }
0xbc: {  	v41 =	vld [tilespmem:s1+$0x450];
	v3 =	vadd.f32 v21, v3;
	v29 =	vmul.f32 v56, v50;
	v30 =	vmul.f32 v56, v52  }
0xbd: {  	v43 =	vld [tilespmem:$0xC4D0];
	v11 =	vadd.f32 v32, v11;
	v44 =	vmul.f32 v33, v50;
	v21 =	vmul.f32 v33, v52  }
0xbe: {  	v45 =	vld [tilespmem:$0xC550];
	v46 =	vmul.f32 v35, v50;
	v5 =	vadd.f32 v34, v5;
	v13 =	vadd.f32 v40, v13  }
0xbf: {  	v47 =	vld [tilespmem:$0xC5D0];
	v20 =	vmul.f32 v35, v52;
	v10 =	vadd.f32 v42, v10;
	v9 =	vadd.f32 v29, v9  }
0xc0: {  	v49 =	vld [tilespmem:$0xC650];
	v4 =	vadd.f32 v30, v4;
	v36 =	vmul.f32 v61, v50;
	v19 =	vmul.f32 v61, v52  }
0xc1: {  	v31 =	vld [tilespmem:$0xC5E0];
	v38 =	vmul.f32 v63, v50;
	v22 =	vmul.f32 v63, v52;
	v16 =	vadd.f32 v44, v16  }
0xc2: {  	v51 =	vld [tilespmem:$0xC6D0];
	v12 =	vadd.f32 v21, v12;
	v48 =	vmul.f32 v39, v37;
	v50 =	vmul.f32 v39, v41  }
0xc3: {  	v53 =	vld [tilespmem:$0xC750];
	v1 =	vadd.f32 v46, v1;
	v52 =	vmul.f32 v43, v37;
	v54 =	vmul.f32 v45, v37  }
0xc4: {  	v55 =	vld [tilespmem:$0xC7D0];
	v2 =	vadd.f32 v20, v2;
	v24 =	vmul.f32 v45, v41;
	v56 =	vmul.f32 v47, v37  }
0xc5: {  	v57 =	vld [tilespmem:s0+$0x460];
	v58 =	vmul.f32 v47, v41;
	v60 =	vmul.f32 v49, v37;
	v14 =	vadd.f32 v36, v14  }
0xc6: {  	v59 =	vld [tilespmem:s1+$0x460];
	v21 =	vmul.f32 v49, v41;
	v6 =	vadd.f32 v19, v6;
	v15 =	vadd.f32 v38, v15  }
0xc7: {  	v33 =	vld [tilespmem:$0xC660];
	v8 =	vadd.f32 v22, v8;
	v7 =	vadd.f32 v48, v7;
	v22 =	vmul.f32 v43, v41  }
0xc8: {  	v35 =	vld [tilespmem:$0xC6E0];
	v3 =	vadd.f32 v50, v3;
	v9 =	vadd.f32 v52, v9;
	v62 =	vmul.f32 v51, v37  }
0xc9: {  	v61 =	vld [tilespmem:$0xC460];
	v11 =	vadd.f32 v54, v11;
	v20 =	vmul.f32 v51, v41;
	v0 =	vmul.f32 v53, v37  }
0xca: {  	v63 =	vld [tilespmem:$0xC4E0];
	v5 =	vadd.f32 v24, v5;
	v26 =	vmul.f32 v53, v41;
	v30 =	vmul.f32 v55, v37  }
0xcb: {  	v29 =	vld [tilespmem:$0xC560];
	v19 =	vmul.f32 v55, v41;
	v40 =	vmul.f32 v31, v57;
	v4 =	vadd.f32 v22, v4  }
0xcc: {  	v39 =	vld [tilespmem:$0xC7E0];
	v42 =	vmul.f32 v33, v57;
	v14 =	vadd.f32 v56, v14;
	v6 =	vadd.f32 v58, v6  }
0xcd: {  	v45 =	vld [tilespmem:$0xC470];
	v44 =	vmul.f32 v33, v59;
	v15 =	vadd.f32 v60, v15;
	v8 =	vadd.f32 v21, v8  }
0xce: {  	v47 =	vld [tilespmem:$0xC4F0];
	v46 =	vmul.f32 v35, v57;
	v13 =	vadd.f32 v62, v13;
	v10 =	vadd.f32 v20, v10  }
0xcf: {  	v49 =	vld [tilespmem:$0xC570];
	v16 =	vadd.f32 v0, v16;
	v12 =	vadd.f32 v26, v12;
	v21 =	vmul.f32 v31, v59  }
0xd0: {  	v37 =	vld [tilespmem:$0xC760];
	v2 =	vadd.f32 v19, v2;
	v19 =	vmul.f32 v35, v59;
	v32 =	vmul.f32 v61, v57  }
0xd1: {  	v41 =	vld [tilespmem:s0+$0x470];
	v1 =	vadd.f32 v30, v1;
	v24 =	vmul.f32 v61, v59;
	v34 =	vmul.f32 v63, v57  }
0xd2: {  	v43 =	vld [tilespmem:s1+$0x470];
	v36 =	vmul.f32 v63, v59;
	v14 =	vadd.f32 v40, v14;
	v6 =	vadd.f32 v21, v6  }
0xd3: {  	v52 =	vld [tilespmem:$0xC5F0];
	v38 =	vmul.f32 v29, v57;
	v15 =	vadd.f32 v42, v15;
	v8 =	vadd.f32 v44, v8  }
0xd4: {  	v54 =	vld [tilespmem:$0xC670];
	v20 =	vmul.f32 v29, v59;
	v13 =	vadd.f32 v46, v13;
	v10 =	vadd.f32 v19, v10  }
0xd5: {  	s1 =	sadd.s32 $0x800, s31;
	v30 =	vld [tilespmem:$0xC800];
	v50 =	vmul.f32 v39, v57;
	v7 =	vadd.f32 v32, v7;
	v3 =	vadd.f32 v24, v3  }
0xd6: {  	s0 =	sor.u32 s30, s1;
	v51 =	vmul.f32 v39, v59;
	v61 =	vld [tilespmem:$0xC7F0];
	v9 =	vadd.f32 v34, v9;
	v4 =	vadd.f32 v36, v4  }
0xd7: {  	v63 =	vld [tilespmem:s0+$0x0];
	v11 =	vadd.f32 v38, v11;
	v48 =	vmul.f32 v37, v57;
	v24 =	vmul.f32 v37, v59  }
0xd8: {  	v40 =	vld [tilespmem:$0xCA00];
	v5 =	vadd.f32 v20, v5;
	v53 =	vmul.f32 v45, v41;
	v21 =	vmul.f32 v45, v43  }
0xd9: {  	v42 =	vld [tilespmem:$0xCA80];
	v1 =	vadd.f32 v50, v1;
	v55 =	vmul.f32 v47, v41;
	v56 =	vmul.f32 v47, v43  }
0xda: {  	v44 =	vld [tilespmem:$0xCB00];
	v2 =	vadd.f32 v51, v2;
	v58 =	vmul.f32 v49, v41;
	v60 =	vmul.f32 v49, v43  }
0xdb: {  	v46 =	vld [tilespmem:$0xCB80];
	v62 =	vmul.f32 v52, v41;
	v19 =	vmul.f32 v52, v43;
	v16 =	vadd.f32 v48, v16  }
0xdc: {  	v57 =	vld [tilespmem:$0xC6F0];
	v29 =	vmul.f32 v54, v41;
	v12 =	vadd.f32 v24, v12;
	v7 =	vadd.f32 v53, v7  }
0xdd: {  	s1 =	sor.u32 s29, s1;
	v59 =	vld [tilespmem:$0xC770];
	v22 =	vmul.f32 v54, v43;
	v3 =	vadd.f32 v21, v3;
	v9 =	vadd.f32 v55, v9  }
0xde: {  	v32 =	vld [tilespmem:s1+$0x0];
	v4 =	vadd.f32 v56, v4;
	v11 =	vadd.f32 v58, v11;
	v37 =	vmul.f32 v61, v41  }
0xdf: {  	v34 =	vld [tilespmem:$0xC880];
	v5 =	vadd.f32 v60, v5;
	v20 =	vmul.f32 v61, v43;
	v39 =	vmul.f32 v30, v63  }
0xe0: {  	v36 =	vld [tilespmem:$0xC900];
	v14 =	vadd.f32 v62, v14;
	v51 =	vmul.f32 v40, v63;
	v53 =	vmul.f32 v42, v63  }
0xe1: {  	v38 =	vld [tilespmem:$0xC980];
	v6 =	vadd.f32 v19, v6;
	v55 =	vmul.f32 v44, v63;
	v58 =	vmul.f32 v46, v63  }
0xe2: {  	v15 =	vadd.f32 v29, v15;
	v31 =	vmul.f32 v57, v41;
	v33 =	vmul.f32 v57, v43  }
0xe3: {  	v8 =	vadd.f32 v22, v8;
	v35 =	vmul.f32 v59, v41;
	v21 =	vmul.f32 v59, v43  }
0xe4: {  	v1 =	vadd.f32 v37, v1;
	v41 =	vmul.f32 v30, v32;
	v43 =	vmul.f32 v34, v63  }
0xe5: {  	v50 =	vld [tilespmem:s1+$0x10];
	v2 =	vadd.f32 v20, v2;
	v22 =	vmul.f32 v34, v32;
	v45 =	vmul.f32 v36, v63  }
0xe6: {  	v54 =	vld [tilespmem:$0xC890];
	v7 =	vadd.f32 v39, v7;
	v24 =	vmul.f32 v36, v32;
	v47 =	vmul.f32 v38, v63  }
0xe7: {  	v52 =	vld [tilespmem:$0xC810];
	v49 =	vmul.f32 v38, v32;
	v15 =	vadd.f32 v51, v15;
	v13 =	vadd.f32 v31, v13  }
0xe8: {  	v48 =	vld [tilespmem:s0+$0x10];
	v20 =	vmul.f32 v42, v32;
	v10 =	vadd.f32 v33, v10;
	v16 =	vadd.f32 v35, v16  }
0xe9: {  	v56 =	vmul.f32 v44, v32;
	v12 =	vadd.f32 v21, v12;
	v3 =	vadd.f32 v41, v3  }
0xea: {  	v61 =	vld [tilespmem:$0xCA10];
	v19 =	vmul.f32 v46, v32;
	v9 =	vadd.f32 v43, v9;
	v4 =	vadd.f32 v22, v4  }
0xeb: {  	v57 =	vld [tilespmem:$0xC910];
	v30 =	vmul.f32 v54, v50;
	v11 =	vadd.f32 v45, v11;
	v5 =	vadd.f32 v24, v5  }
0xec: {  	v59 =	vld [tilespmem:$0xC990];
	v14 =	vadd.f32 v47, v14;
	v21 =	vmul.f32 v40, v32;
	v6 =	vadd.f32 v49, v6  }
0xed: {  	v63 =	vld [tilespmem:$0xCA90];
	v60 =	vmul.f32 v52, v48;
	v1 =	vadd.f32 v58, v1;
	v2 =	vadd.f32 v19, v2  }
0xee: {  	v37 =	vld [tilespmem:s1+$0x20];
	v24 =	vmul.f32 v52, v50;
	v8 =	vadd.f32 v21, v8;
	v13 =	vadd.f32 v53, v13  }
0xef: {  	v39 =	vld [tilespmem:$0xC820];
	v62 =	vmul.f32 v54, v48;
	v10 =	vadd.f32 v20, v10;
	v16 =	vadd.f32 v55, v16  }
0xf0: {  	v51 =	vld [tilespmem:$0xCAA0];
	v36 =	vmul.f32 v61, v48;
	v12 =	vadd.f32 v56, v12;
	v7 =	vadd.f32 v60, v7  }
0xf1: {  	v31 =	vld [tilespmem:$0xCB10];
	v38 =	vmul.f32 v61, v50;
	v3 =	vadd.f32 v24, v3;
	v9 =	vadd.f32 v62, v9  }
0xf2: {  	v33 =	vld [tilespmem:$0xCB90];
	v4 =	vadd.f32 v30, v4;
	v32 =	vmul.f32 v57, v48;
	v20 =	vmul.f32 v57, v50  }
0xf3: {  	v35 =	vld [tilespmem:s0+$0x20];
	v34 =	vmul.f32 v59, v48;
	v21 =	vmul.f32 v59, v50;
	v15 =	vadd.f32 v36, v15  }
0xf4: {  	v41 =	vld [tilespmem:$0xC8A0];
	v40 =	vmul.f32 v63, v48;
	v19 =	vmul.f32 v63, v50;
	v8 =	vadd.f32 v38, v8  }
0xf5: {  	v43 =	vld [tilespmem:$0xC920];
	v62 =	vmul.f32 v51, v37;
	v11 =	vadd.f32 v32, v11;
	v5 =	vadd.f32 v20, v5  }
0xf6: {  	v28 =	vld [tilespmem:$0xC930];
	v14 =	vadd.f32 v34, v14;
	v42 =	vmul.f32 v31, v48;
	v24 =	vmul.f32 v31, v50  }
0xf7: {  	v46 =	vld [tilespmem:$0xC9A0];
	v6 =	vadd.f32 v21, v6;
	v44 =	vmul.f32 v33, v48;
	v45 =	vmul.f32 v33, v50  }
0xf8: {  	v61 =	vld [tilespmem:s1+$0x30];
	v13 =	vadd.f32 v40, v13;
	v47 =	vmul.f32 v39, v35;
	v21 =	vmul.f32 v39, v37  }
0xf9: {  	v53 =	vld [tilespmem:$0xCB20];
	v10 =	vadd.f32 v19, v10;
	v49 =	vmul.f32 v41, v35;
	v50 =	vmul.f32 v41, v37  }
0xfa: {  	v55 =	vld [tilespmem:$0xCBA0];
	v52 =	vmul.f32 v43, v35;
	v16 =	vadd.f32 v42, v16;
	v12 =	vadd.f32 v24, v12  }
0xfb: {  	v30 =	vld [tilespmem:$0xC9B0];
	v54 =	vmul.f32 v43, v37;
	v1 =	vadd.f32 v44, v1;
	v2 =	vadd.f32 v45, v2  }
0xfc: {  	v57 =	vld [tilespmem:s0+$0x30];
	v56 =	vmul.f32 v46, v35;
	v7 =	vadd.f32 v47, v7;
	v3 =	vadd.f32 v21, v3  }
0xfd: {  	v59 =	vld [tilespmem:$0xC830];
	v19 =	vmul.f32 v46, v37;
	v9 =	vadd.f32 v49, v9;
	v4 =	vadd.f32 v50, v4  }
0xfe: {  	v60 =	vmul.f32 v51, v35;
	v11 =	vadd.f32 v52, v11;
	v5 =	vadd.f32 v54, v5  }
0xff: {  	v36 =	vld [tilespmem:$0xCB30];
	v14 =	vadd.f32 v56, v14;
	v0 =	vmul.f32 v53, v35;
	v21 =	vmul.f32 v53, v37  }
0x100: {  	v38 =	vld [tilespmem:$0xCBB0];
	v6 =	vadd.f32 v19, v6;
	v29 =	vmul.f32 v55, v35;
	v20 =	vmul.f32 v55, v37  }
0x101: {  	v48 =	vld [tilespmem:$0xCA20];
	v13 =	vadd.f32 v60, v13;
	v24 =	vmul.f32 v28, v61;
	v41 =	vmul.f32 v30, v61  }
0x102: {  	v63 =	vld [tilespmem:$0xC8B0];
	v10 =	vadd.f32 v62, v10;
	v31 =	vmul.f32 v59, v57;
	v33 =	vmul.f32 v59, v61  }
0x103: {  	v32 =	vld [tilespmem:$0xCA30];
	v39 =	vmul.f32 v30, v57;
	v16 =	vadd.f32 v0, v16;
	v12 =	vadd.f32 v21, v12  }
0x104: {  	v34 =	vld [tilespmem:$0xCAB0];
	v47 =	vmul.f32 v36, v57;
	v1 =	vadd.f32 v29, v1;
	v2 =	vadd.f32 v20, v2  }
0x105: {  	v40 =	vld [tilespmem:s0+$0x40];
	v5 =	vadd.f32 v24, v5;
	v50 =	vmul.f32 v38, v57;
	v19 =	vmul.f32 v38, v61  }
0x106: {  	v46 =	vld [tilespmem:$0xC8C0];
	v6 =	vadd.f32 v41, v6;
	v58 =	vmul.f32 v48, v35;
	v22 =	vmul.f32 v48, v37  }
0x107: {  	v51 =	vld [tilespmem:$0xC9C0];
	v7 =	vadd.f32 v31, v7;
	v35 =	vmul.f32 v63, v57;
	v37 =	vmul.f32 v28, v57  }
0x108: {  	v42 =	vld [tilespmem:s1+$0x40];
	v3 =	vadd.f32 v33, v3;
	v43 =	vmul.f32 v32, v57;
	v21 =	vmul.f32 v32, v61  }
0x109: {  	v44 =	vld [tilespmem:$0xC840];
	v14 =	vadd.f32 v39, v14;
	v45 =	vmul.f32 v34, v57;
	v20 =	vmul.f32 v34, v61  }
0x10a: {  	v49 =	vld [tilespmem:$0xC940];
	v48 =	vmul.f32 v36, v61;
	v16 =	vadd.f32 v47, v16;
	v1 =	vadd.f32 v50, v1  }
0x10b: {  	v53 =	vld [tilespmem:$0xCA40];
	v54 =	vmul.f32 v46, v40;
	v2 =	vadd.f32 v19, v2;
	v15 =	vadd.f32 v58, v15  }
0x10c: {  	v55 =	vld [tilespmem:$0xCAC0];
	v60 =	vmul.f32 v51, v40;
	v8 =	vadd.f32 v22, v8;
	v9 =	vadd.f32 v35, v9  }
0x10d: {  	v22 =	vmul.f32 v63, v61;
	v11 =	vadd.f32 v37, v11;
	v13 =	vadd.f32 v45, v13  }
0x10e: {  	v59 =	vld [tilespmem:$0xCBC0];
	v10 =	vadd.f32 v20, v10;
	v52 =	vmul.f32 v44, v40;
	v24 =	vmul.f32 v44, v42  }
0x10f: {  	v57 =	vld [tilespmem:$0xCB40];
	v12 =	vadd.f32 v48, v12;
	v56 =	vmul.f32 v46, v42;
	v58 =	vmul.f32 v49, v40  }
0x110: {  	v33 =	vld [tilespmem:$0xC850];
	v20 =	vmul.f32 v49, v42;
	v62 =	vmul.f32 v53, v40;
	v14 =	vadd.f32 v60, v14  }
0x111: {  	v47 =	vld [tilespmem:$0xCB50];
	v32 =	vmul.f32 v53, v42;
	v34 =	vmul.f32 v55, v40;
	v4 =	vadd.f32 v22, v4  }
0x112: {  	v61 =	vld [tilespmem:s0+$0x50];
	v19 =	vmul.f32 v55, v42;
	v15 =	vadd.f32 v43, v15;
	v8 =	vadd.f32 v21, v8  }
0x113: {  	v63 =	vld [tilespmem:s1+$0x50];
	v38 =	vmul.f32 v59, v40;
	v7 =	vadd.f32 v52, v7;
	v3 =	vadd.f32 v24, v3  }
0x114: {  	v35 =	vld [tilespmem:$0xC8D0];
	v39 =	vmul.f32 v59, v42;
	v9 =	vadd.f32 v54, v9;
	v11 =	vadd.f32 v58, v11  }
0x115: {  	v37 =	vld [tilespmem:$0xC950];
	v21 =	vmul.f32 v51, v42;
	v5 =	vadd.f32 v20, v5;
	v13 =	vadd.f32 v34, v13  }
0x116: {  	v45 =	vld [tilespmem:$0xCAD0];
	v10 =	vadd.f32 v19, v10;
	v36 =	vmul.f32 v57, v40;
	v1 =	vadd.f32 v38, v1  }
0x117: {  	v49 =	vld [tilespmem:$0xCBD0];
	v24 =	vmul.f32 v57, v42;
	v2 =	vadd.f32 v39, v2;
	v4 =	vadd.f32 v56, v4  }
0x118: {  	v53 =	vld [tilespmem:$0xC860];
	v6 =	vadd.f32 v21, v6;
	v41 =	vmul.f32 v33, v61;
	v21 =	vmul.f32 v33, v63  }
0x119: {  	v55 =	vld [tilespmem:s1+$0x60];
	v15 =	vadd.f32 v62, v15;
	v43 =	vmul.f32 v35, v61;
	v44 =	vmul.f32 v35, v63  }
0x11a: {  	v59 =	vld [tilespmem:$0xC960];
	v8 =	vadd.f32 v32, v8;
	v46 =	vmul.f32 v37, v61;
	v48 =	vmul.f32 v37, v63  }
0x11b: {  	v30 =	vld [tilespmem:$0xCAE0];
	v16 =	vadd.f32 v36, v16;
	v54 =	vmul.f32 v45, v61;
	v56 =	vmul.f32 v45, v63  }
0x11c: {  	v51 =	vld [tilespmem:s0+$0x60];
	v12 =	vadd.f32 v24, v12;
	v58 =	vmul.f32 v47, v61;
	v60 =	vmul.f32 v49, v61  }
0x11d: {  	v34 =	vld [tilespmem:$0xCBE0];
	v20 =	vmul.f32 v49, v63;
	v7 =	vadd.f32 v41, v7;
	v3 =	vadd.f32 v21, v3  }
0x11e: {  	v40 =	vld [tilespmem:$0xC9D0];
	v29 =	vmul.f32 v53, v55;
	v9 =	vadd.f32 v43, v9;
	v4 =	vadd.f32 v44, v4  }
0x11f: {  	v42 =	vld [tilespmem:$0xCA50];
	v24 =	vmul.f32 v59, v55;
	v11 =	vadd.f32 v46, v11;
	v5 =	vadd.f32 v48, v5  }
0x120: {  	v13 =	vadd.f32 v54, v13;
	v21 =	vmul.f32 v47, v63;
	v10 =	vadd.f32 v56, v10  }
0x121: {  	v57 =	vld [tilespmem:$0xC8E0];
	v16 =	vadd.f32 v58, v16;
	v62 =	vmul.f32 v53, v51;
	v33 =	vmul.f32 v59, v51  }
0x122: {  	v32 =	vld [tilespmem:$0xCB60];
	v2 =	vadd.f32 v20, v2;
	v41 =	vmul.f32 v30, v51;
	v20 =	vmul.f32 v30, v55  }
0x123: {  	v38 =	vld [tilespmem:s1+$0x70];
	v1 =	vadd.f32 v60, v1;
	v46 =	vmul.f32 v34, v51;
	v50 =	vmul.f32 v40, v61  }
0x124: {  	v36 =	vld [tilespmem:s0+$0x70];
	v19 =	vmul.f32 v40, v63;
	v52 =	vmul.f32 v42, v61;
	v12 =	vadd.f32 v21, v12  }
0x125: {  	v45 =	vld [tilespmem:$0xC970];
	v22 =	vmul.f32 v42, v63;
	v7 =	vadd.f32 v62, v7;
	v3 =	vadd.f32 v29, v3  }
0x126: {  	v49 =	vld [tilespmem:$0xCA70];
	v31 =	vmul.f32 v57, v51;
	v11 =	vadd.f32 v33, v11;
	v5 =	vadd.f32 v24, v5  }
0x127: {  	v47 =	vld [tilespmem:$0xC9F0];
	v43 =	vmul.f32 v32, v51;
	v13 =	vadd.f32 v41, v13;
	v10 =	vadd.f32 v20, v10  }
0x128: {  	v53 =	vld [tilespmem:$0xCB70];
	v44 =	vmul.f32 v32, v55;
	v1 =	vadd.f32 v46, v1;
	v14 =	vadd.f32 v50, v14  }
0x129: {  	v61 =	vld [tilespmem:$0xC9E0];
	v6 =	vadd.f32 v19, v6;
	v8 =	vadd.f32 v22, v8;
	v22 =	vmul.f32 v57, v55  }
0x12a: {  	v63 =	vld [tilespmem:$0xCA60];
	v15 =	vadd.f32 v52, v15;
	v19 =	vmul.f32 v34, v55;
	v54 =	vmul.f32 v45, v36  }
0x12b: {  	s0 =	sadd.s32 $0xC00, s31;
	v40 =	vld [tilespmem:$0xC870];
	v9 =	vadd.f32 v31, v9;
	v20 =	vmul.f32 v45, v38;
	v58 =	vmul.f32 v49, v36  }
0x12c: {  	s1 =	sor.u32 s30, s0;
	s0 =	sor.u32 s29, s0;
	v42 =	vld [tilespmem:$0xC8F0];
	v60 =	vmul.f32 v49, v38;
	v16 =	vadd.f32 v43, v16;
	v12 =	vadd.f32 v44, v12  }
0x12d: {  	v59 =	vld [tilespmem:s0+$0x0];
	v4 =	vadd.f32 v22, v4;
	v56 =	vmul.f32 v47, v36;
	v32 =	vmul.f32 v53, v36  }
0x12e: {  	v33 =	vld [tilespmem:$0xCD00];
	v2 =	vadd.f32 v19, v2;
	v35 =	vmul.f32 v61, v51;
	v37 =	vmul.f32 v61, v55  }
0x12f: {  	v11 =	vadd.f32 v54, v11;
	v39 =	vmul.f32 v63, v51;
	v21 =	vmul.f32 v63, v55  }
0x130: {  	v57 =	vld [tilespmem:s1+$0x0];
	v5 =	vadd.f32 v20, v5;
	v48 =	vmul.f32 v40, v36;
	v24 =	vmul.f32 v40, v38  }
0x131: {  	v41 =	vld [tilespmem:$0xCE80];
	v50 =	vmul.f32 v42, v36;
	v16 =	vadd.f32 v32, v16;
	v14 =	vadd.f32 v35, v14  }
0x132: {  	v45 =	vld [tilespmem:$0xCF80];
	v52 =	vmul.f32 v42, v38;
	v6 =	vadd.f32 v37, v6;
	v15 =	vadd.f32 v39, v15  }
0x133: {  	v43 =	vld [tilespmem:$0xCF00];
	v44 =	vmul.f32 v33, v59;
	v8 =	vadd.f32 v21, v8;
	v7 =	vadd.f32 v48, v7  }
0x134: {  	v51 =	vld [tilespmem:$0xCAF0];
	v3 =	vadd.f32 v24, v3;
	v9 =	vadd.f32 v50, v9;
	v21 =	vmul.f32 v47, v38  }
0x135: {  	v55 =	vld [tilespmem:$0xCBF0];
	v4 =	vadd.f32 v52, v4;
	v24 =	vmul.f32 v53, v38;
	v42 =	vmul.f32 v33, v57  }
0x136: {  	v61 =	vld [tilespmem:$0xCC00];
	v50 =	vmul.f32 v41, v57;
	v52 =	vmul.f32 v41, v59;
	v5 =	vadd.f32 v44, v5  }
0x137: {  	v63 =	vld [tilespmem:$0xCC80];
	v20 =	vmul.f32 v45, v59;
	v14 =	vadd.f32 v56, v14;
	v6 =	vadd.f32 v21, v6  }
0x138: {  	v54 =	vmul.f32 v43, v57;
	v15 =	vadd.f32 v58, v15;
	v8 =	vadd.f32 v60, v8  }
0x139: {  	v49 =	vld [tilespmem:$0xCC10];
	v12 =	vadd.f32 v24, v12;
	v62 =	vmul.f32 v51, v36;
	v19 =	vmul.f32 v51, v38  }
0x13a: {  	v47 =	vld [tilespmem:s1+$0x10];
	v11 =	vadd.f32 v42, v11;
	v34 =	vmul.f32 v55, v36;
	v35 =	vmul.f32 v55, v38  }
0x13b: {  	v53 =	vld [tilespmem:$0xCC90];
	v37 =	vmul.f32 v61, v57;
	v21 =	vmul.f32 v61, v59;
	v16 =	vadd.f32 v54, v16  }
0x13c: {  	v32 =	vld [tilespmem:$0xCF90];
	v39 =	vmul.f32 v63, v57;
	v13 =	vadd.f32 v62, v13;
	v10 =	vadd.f32 v19, v10  }
0x13d: {  	v36 =	vld [tilespmem:$0xCD80];
	v40 =	vmul.f32 v63, v59;
	v1 =	vadd.f32 v34, v1;
	v2 =	vadd.f32 v35, v2  }
0x13e: {  	v56 =	vmul.f32 v45, v57;
	v38 =	vld [tilespmem:$0xCE00];
	v7 =	vadd.f32 v37, v7;
	v3 =	vadd.f32 v21, v3  }
0x13f: {  	v51 =	vld [tilespmem:s0+$0x10];
	v9 =	vadd.f32 v39, v9;
	v4 =	vadd.f32 v40, v4;
	v21 =	vmul.f32 v43, v59  }
0x140: {  	v55 =	vld [tilespmem:$0xCD10];
	v58 =	vmul.f32 v49, v47;
	v62 =	vmul.f32 v53, v47;
	v13 =	vadd.f32 v50, v13  }
0x141: {  	v61 =	vld [tilespmem:$0xCE90];
	v44 =	vmul.f32 v32, v47;
	v10 =	vadd.f32 v52, v10;
	v12 =	vadd.f32 v21, v12  }
0x142: {  	v45 =	vld [tilespmem:$0xCDA0];
	v1 =	vadd.f32 v56, v1;
	v2 =	vadd.f32 v20, v2;
	v46 =	vmul.f32 v36, v57  }
0x143: {  	v63 =	vld [tilespmem:$0xCF10];
	v7 =	vadd.f32 v58, v7;
	v19 =	vmul.f32 v36, v59;
	v48 =	vmul.f32 v38, v57  }
0x144: {  	v34 =	vld [tilespmem:s1+$0x20];
	v9 =	vadd.f32 v62, v9;
	v22 =	vmul.f32 v38, v59;
	v60 =	vmul.f32 v49, v51  }
0x145: {  	v40 =	vld [tilespmem:$0xCCA0];
	v31 =	vmul.f32 v55, v47;
	v24 =	vmul.f32 v55, v51;
	v1 =	vadd.f32 v44, v1  }
0x146: {  	v43 =	vld [tilespmem:$0xCD20];
	v39 =	vmul.f32 v61, v47;
	v14 =	vadd.f32 v46, v14;
	v6 =	vadd.f32 v19, v6  }
0x147: {  	v57 =	vld [tilespmem:$0xCD90];
	v20 =	vmul.f32 v61, v51;
	v15 =	vadd.f32 v48, v15;
	v8 =	vadd.f32 v22, v8  }
0x148: {  	v59 =	vld [tilespmem:$0xCE10];
	v41 =	vmul.f32 v63, v47;
	v3 =	vadd.f32 v60, v3;
	v11 =	vadd.f32 v31, v11  }
0x149: {  	v36 =	vld [tilespmem:s0+$0x20];
	v42 =	vmul.f32 v63, v51;
	v5 =	vadd.f32 v24, v5;
	v13 =	vadd.f32 v39, v13  }
0x14a: {  	v38 =	vld [tilespmem:$0xCC20];
	v22 =	vmul.f32 v53, v51;
	v10 =	vadd.f32 v20, v10;
	v16 =	vadd.f32 v41, v16  }
0x14b: {  	v30 =	vld [tilespmem:$0xCDB0];
	v19 =	vmul.f32 v32, v51;
	v12 =	vadd.f32 v42, v12;
	v48 =	vmul.f32 v40, v34  }
0x14c: {  	v49 =	vld [tilespmem:$0xCEA0];
	v52 =	vmul.f32 v43, v34;
	v54 =	vmul.f32 v45, v34;
	v4 =	vadd.f32 v22, v4  }
0x14d: {  	v55 =	vld [tilespmem:s1+$0x30];
	v2 =	vadd.f32 v19, v2;
	v33 =	vmul.f32 v57, v47;
	v35 =	vmul.f32 v57, v51  }
0x14e: {  	v61 =	vld [tilespmem:$0xCCB0];
	v9 =	vadd.f32 v48, v9;
	v37 =	vmul.f32 v59, v47;
	v21 =	vmul.f32 v59, v51  }
0x14f: {  	v53 =	vld [tilespmem:$0xCFA0];
	v11 =	vadd.f32 v52, v11;
	v46 =	vmul.f32 v38, v34;
	v24 =	vmul.f32 v38, v36  }
0x150: {  	v32 =	vld [tilespmem:$0xCE30];
	v50 =	vmul.f32 v40, v36;
	v20 =	vmul.f32 v43, v36;
	v14 =	vadd.f32 v33, v14  }
0x151: {  	v39 =	vld [tilespmem:$0xCFB0];
	v60 =	vmul.f32 v49, v34;
	v6 =	vadd.f32 v35, v6;
	v15 =	vadd.f32 v37, v15  }
0x152: {  	v47 =	vld [tilespmem:$0xCE20];
	v19 =	vmul.f32 v49, v36;
	v8 =	vadd.f32 v21, v8;
	v7 =	vadd.f32 v46, v7  }
0x153: {  	v51 =	vld [tilespmem:$0xCF20];
	v40 =	vmul.f32 v30, v55;
	v3 =	vadd.f32 v24, v3;
	v4 =	vadd.f32 v50, v4  }
0x154: {  	v59 =	vld [tilespmem:$0xCC30];
	v21 =	vmul.f32 v45, v36;
	v5 =	vadd.f32 v20, v5;
	v22 =	vmul.f32 v53, v34  }
0x155: {  	v57 =	vld [tilespmem:s0+$0x30];
	v13 =	vadd.f32 v60, v13;
	v29 =	vmul.f32 v53, v36;
	v33 =	vmul.f32 v61, v55  }
0x156: {  	v63 =	vld [tilespmem:$0xCD30];
	v10 =	vadd.f32 v19, v10;
	v42 =	vmul.f32 v32, v55;
	v50 =	vmul.f32 v39, v55  }
0x157: {  	v14 =	vadd.f32 v54, v14;
	v6 =	vadd.f32 v21, v6;
	v56 =	vmul.f32 v47, v34  }
0x158: {  	v41 =	vld [tilespmem:s1+$0x40];
	v1 =	vadd.f32 v22, v1;
	v58 =	vmul.f32 v47, v36;
	v62 =	vmul.f32 v51, v34  }
0x159: {  	v43 =	vld [tilespmem:$0xCC40];
	v2 =	vadd.f32 v29, v2;
	v24 =	vmul.f32 v51, v36;
	v31 =	vmul.f32 v59, v55  }
0x15a: {  	v49 =	vld [tilespmem:$0xCD40];
	v9 =	vadd.f32 v33, v9;
	v21 =	vmul.f32 v59, v57;
	v34 =	vmul.f32 v61, v57  }
0x15b: {  	v35 =	vld [tilespmem:$0xCEB0];
	v36 =	vmul.f32 v63, v55;
	v38 =	vmul.f32 v63, v57;
	v14 =	vadd.f32 v40, v14  }
0x15c: {  	v37 =	vld [tilespmem:$0xCF30];
	v19 =	vmul.f32 v30, v57;
	v1 =	vadd.f32 v50, v1;
	v15 =	vadd.f32 v56, v15  }
0x15d: {  	v45 =	vld [tilespmem:s0+$0x40];
	v22 =	vmul.f32 v32, v57;
	v8 =	vadd.f32 v58, v8;
	v16 =	vadd.f32 v62, v16  }
0x15e: {  	v53 =	vld [tilespmem:$0xCE40];
	v20 =	vmul.f32 v39, v57;
	v12 =	vadd.f32 v24, v12;
	v7 =	vadd.f32 v31, v7  }
0x15f: {  	v33 =	vld [tilespmem:$0xCC50];
	v52 =	vmul.f32 v43, v41;
	v3 =	vadd.f32 v21, v3;
	v4 =	vadd.f32 v34, v4  }
0x160: {  	v47 =	vld [tilespmem:$0xCCC0];
	v11 =	vadd.f32 v36, v11;
	v5 =	vadd.f32 v38, v5;
	v44 =	vmul.f32 v35, v55  }
0x161: {  	v51 =	vld [tilespmem:$0xCDC0];
	v6 =	vadd.f32 v19, v6;
	v46 =	vmul.f32 v35, v57;
	v48 =	vmul.f32 v37, v55  }
0x162: {  	v59 =	vld [tilespmem:$0xCFC0];
	v21 =	vmul.f32 v37, v57;
	v2 =	vadd.f32 v20, v2;
	v54 =	vmul.f32 v43, v45  }
0x163: {  	v61 =	vld [tilespmem:s1+$0x50];
	v58 =	vmul.f32 v49, v41;
	v15 =	vadd.f32 v42, v15;
	v8 =	vadd.f32 v22, v8  }
0x164: {  	v63 =	vld [tilespmem:s0+$0x50];
	v24 =	vmul.f32 v49, v45;
	v13 =	vadd.f32 v44, v13;
	v10 =	vadd.f32 v46, v10  }
0x165: {  	v40 =	vld [tilespmem:$0xCDD0];
	v32 =	vmul.f32 v53, v41;
	v16 =	vadd.f32 v48, v16;
	v12 =	vadd.f32 v21, v12  }
0x166: {  	v7 =	vadd.f32 v52, v7;
	v21 =	vmul.f32 v53, v45;
	v56 =	vmul.f32 v47, v41  }
0x167: {  	v55 =	vld [tilespmem:$0xCEC0];
	v3 =	vadd.f32 v54, v3;
	v22 =	vmul.f32 v47, v45;
	v60 =	vmul.f32 v51, v41  }
0x168: {  	v57 =	vld [tilespmem:$0xCF40];
	v11 =	vadd.f32 v58, v11;
	v62 =	vmul.f32 v51, v45;
	v39 =	vmul.f32 v59, v41  }
0x169: {  	v50 =	vld [tilespmem:s1+$0x60];
	v5 =	vadd.f32 v24, v5;
	v19 =	vmul.f32 v59, v45;
	v24 =	vmul.f32 v33, v63  }
0x16a: {  	v35 =	vld [tilespmem:$0xCCD0];
	v15 =	vadd.f32 v32, v15;
	v8 =	vadd.f32 v21, v8;
	v49 =	vmul.f32 v40, v61  }
0x16b: {  	v38 =	vld [tilespmem:$0xCD50];
	v21 =	vmul.f32 v40, v63;
	v9 =	vadd.f32 v56, v9;
	v4 =	vadd.f32 v22, v4  }
0x16c: {  	v31 =	vld [tilespmem:$0xCEE0];
	v14 =	vadd.f32 v60, v14;
	v34 =	vmul.f32 v55, v41;
	v20 =	vmul.f32 v55, v45  }
0x16d: {  	v6 =	vadd.f32 v62, v6;
	v36 =	vmul.f32 v57, v41;
	v37 =	vmul.f32 v57, v45  }
0x16e: {  	v42 =	vld [tilespmem:$0xCE50];
	v41 =	vmul.f32 v33, v61;
	v1 =	vadd.f32 v39, v1;
	v2 =	vadd.f32 v19, v2  }
0x16f: {  	v44 =	vld [tilespmem:$0xCED0];
	v43 =	vmul.f32 v35, v61;
	v3 =	vadd.f32 v24, v3;
	v45 =	vmul.f32 v35, v63  }
0x170: {  	v46 =	vld [tilespmem:$0xCF50];
	v47 =	vmul.f32 v38, v61;
	v13 =	vadd.f32 v34, v13;
	v10 =	vadd.f32 v20, v10  }
0x171: {  	v48 =	vld [tilespmem:$0xCFD0];
	v40 =	vmul.f32 v31, v50;
	v16 =	vadd.f32 v36, v16;
	v12 =	vadd.f32 v37, v12  }
0x172: {  	v54 =	vld [tilespmem:$0xCC60];
	v7 =	vadd.f32 v41, v7;
	v9 =	vadd.f32 v43, v9;
	v20 =	vmul.f32 v38, v63  }
0x173: {  	v52 =	vld [tilespmem:s0+$0x60];
	v4 =	vadd.f32 v45, v4;
	v51 =	vmul.f32 v42, v61;
	v53 =	vmul.f32 v42, v63  }
0x174: {  	v58 =	vld [tilespmem:$0xCD60];
	v11 =	vadd.f32 v47, v11;
	v55 =	vmul.f32 v44, v61;
	v19 =	vmul.f32 v44, v63  }
0x175: {  	v56 =	vld [tilespmem:$0xCCE0];
	v14 =	vadd.f32 v49, v14;
	v57 =	vmul.f32 v46, v61;
	v24 =	vmul.f32 v46, v63  }
0x176: {  	v33 =	vld [tilespmem:$0xCF60];
	v6 =	vadd.f32 v21, v6;
	v59 =	vmul.f32 v48, v61;
	v60 =	vmul.f32 v48, v63  }
0x177: {  	v35 =	vld [tilespmem:$0xCFE0];
	v62 =	vmul.f32 v54, v50;
	v5 =	vadd.f32 v20, v5;
	v15 =	vadd.f32 v51, v15  }
0x178: {  	v39 =	vld [tilespmem:$0xCC70];
	v21 =	vmul.f32 v54, v52;
	v8 =	vadd.f32 v53, v8;
	v13 =	vadd.f32 v55, v13  }
0x179: {  	v61 =	vld [tilespmem:$0xCDE0];
	v32 =	vmul.f32 v58, v50;
	v10 =	vadd.f32 v19, v10;
	v16 =	vadd.f32 v57, v16  }
0x17a: {  	v63 =	vld [tilespmem:$0xCE60];
	v34 =	vmul.f32 v58, v52;
	v12 =	vadd.f32 v24, v12;
	v1 =	vadd.f32 v59, v1  }
0x17b: {  	v37 =	vld [tilespmem:s1+$0x70];
	v42 =	vmul.f32 v31, v52;
	v2 =	vadd.f32 v60, v2;
	v7 =	vadd.f32 v62, v7  }
0x17c: {  	v41 =	vld [tilespmem:s0+$0x70];
	v3 =	vadd.f32 v21, v3;
	v29 =	vmul.f32 v56, v50;
	v30 =	vmul.f32 v56, v52  }
0x17d: {  	v43 =	vld [tilespmem:$0xCCF0];
	v11 =	vadd.f32 v32, v11;
	v44 =	vmul.f32 v33, v50;
	v21 =	vmul.f32 v33, v52  }
0x17e: {  	v45 =	vld [tilespmem:$0xCD70];
	v46 =	vmul.f32 v35, v50;
	v5 =	vadd.f32 v34, v5;
	v13 =	vadd.f32 v40, v13  }
0x17f: {  	v47 =	vld [tilespmem:$0xCDF0];
	v20 =	vmul.f32 v35, v52;
	v10 =	vadd.f32 v42, v10;
	v9 =	vadd.f32 v29, v9  }
0x180: {  	v49 =	vld [tilespmem:$0xCE70];
	v4 =	vadd.f32 v30, v4;
	v36 =	vmul.f32 v61, v50;
	v19 =	vmul.f32 v61, v52  }
0x181: {  	v31 =	vld [tilespmem:$0xD180];
	v38 =	vmul.f32 v63, v50;
	v22 =	vmul.f32 v63, v52;
	v16 =	vadd.f32 v44, v16  }
0x182: {  	v51 =	vld [tilespmem:$0xCEF0];
	v12 =	vadd.f32 v21, v12;
	v48 =	vmul.f32 v39, v37;
	v50 =	vmul.f32 v39, v41  }
0x183: {  	s1 =	sadd.s32 $0x1000, s31;
	v53 =	vld [tilespmem:$0xCF70];
	v1 =	vadd.f32 v46, v1;
	v52 =	vmul.f32 v43, v37;
	v54 =	vmul.f32 v45, v37  }
0x184: {  	s0 =	sor.u32 s30, s1;
	v55 =	vld [tilespmem:$0xCFF0];
	v2 =	vadd.f32 v20, v2;
	v24 =	vmul.f32 v45, v41;
	v56 =	vmul.f32 v47, v37  }
0x185: {  	s1 =	sor.u32 s29, s1;
	v57 =	vld [tilespmem:s0+$0x0];
	v58 =	vmul.f32 v47, v41;
	v60 =	vmul.f32 v49, v37;
	v14 =	vadd.f32 v36, v14  }
0x186: {  	v59 =	vld [tilespmem:s1+$0x0];
	v21 =	vmul.f32 v49, v41;
	v6 =	vadd.f32 v19, v6;
	v15 =	vadd.f32 v38, v15  }
0x187: {  	v33 =	vld [tilespmem:$0xD200];
	v8 =	vadd.f32 v22, v8;
	v7 =	vadd.f32 v48, v7;
	v22 =	vmul.f32 v43, v41  }
0x188: {  	v35 =	vld [tilespmem:$0xD280];
	v3 =	vadd.f32 v50, v3;
	v9 =	vadd.f32 v52, v9;
	v62 =	vmul.f32 v51, v37  }
0x189: {  	v61 =	vld [tilespmem:$0xD000];
	v11 =	vadd.f32 v54, v11;
	v20 =	vmul.f32 v51, v41;
	v0 =	vmul.f32 v53, v37  }
0x18a: {  	v63 =	vld [tilespmem:$0xD080];
	v5 =	vadd.f32 v24, v5;
	v26 =	vmul.f32 v53, v41;
	v30 =	vmul.f32 v55, v37  }
0x18b: {  	v29 =	vld [tilespmem:$0xD100];
	v19 =	vmul.f32 v55, v41;
	v40 =	vmul.f32 v31, v57;
	v4 =	vadd.f32 v22, v4  }
0x18c: {  	v39 =	vld [tilespmem:$0xD380];
	v42 =	vmul.f32 v33, v57;
	v14 =	vadd.f32 v56, v14;
	v6 =	vadd.f32 v58, v6  }
0x18d: {  	v45 =	vld [tilespmem:$0xD010];
	v44 =	vmul.f32 v33, v59;
	v15 =	vadd.f32 v60, v15;
	v8 =	vadd.f32 v21, v8  }
0x18e: {  	v47 =	vld [tilespmem:$0xD090];
	v46 =	vmul.f32 v35, v57;
	v13 =	vadd.f32 v62, v13;
	v10 =	vadd.f32 v20, v10  }
0x18f: {  	v49 =	vld [tilespmem:$0xD110];
	v16 =	vadd.f32 v0, v16;
	v12 =	vadd.f32 v26, v12;
	v21 =	vmul.f32 v31, v59  }
0x190: {  	v37 =	vld [tilespmem:$0xD300];
	v2 =	vadd.f32 v19, v2;
	v19 =	vmul.f32 v35, v59;
	v32 =	vmul.f32 v61, v57  }
0x191: {  	v41 =	vld [tilespmem:s0+$0x10];
	v1 =	vadd.f32 v30, v1;
	v24 =	vmul.f32 v61, v59;
	v34 =	vmul.f32 v63, v57  }
0x192: {  	v43 =	vld [tilespmem:s1+$0x10];
	v36 =	vmul.f32 v63, v59;
	v14 =	vadd.f32 v40, v14;
	v6 =	vadd.f32 v21, v6  }
0x193: {  	v52 =	vld [tilespmem:$0xD190];
	v38 =	vmul.f32 v29, v57;
	v15 =	vadd.f32 v42, v15;
	v8 =	vadd.f32 v44, v8  }
0x194: {  	v54 =	vld [tilespmem:$0xD210];
	v20 =	vmul.f32 v29, v59;
	v13 =	vadd.f32 v46, v13;
	v10 =	vadd.f32 v19, v10  }
0x195: {  	v30 =	vld [tilespmem:$0xD020];
	v50 =	vmul.f32 v39, v57;
	v7 =	vadd.f32 v32, v7;
	v3 =	vadd.f32 v24, v3  }
0x196: {  	v51 =	vmul.f32 v39, v59;
	v61 =	vld [tilespmem:$0xD390];
	v9 =	vadd.f32 v34, v9;
	v4 =	vadd.f32 v36, v4  }
0x197: {  	v63 =	vld [tilespmem:s0+$0x20];
	v11 =	vadd.f32 v38, v11;
	v48 =	vmul.f32 v37, v57;
	v24 =	vmul.f32 v37, v59  }
0x198: {  	v40 =	vld [tilespmem:$0xD220];
	v5 =	vadd.f32 v20, v5;
	v53 =	vmul.f32 v45, v41;
	v21 =	vmul.f32 v45, v43  }
0x199: {  	v42 =	vld [tilespmem:$0xD2A0];
	v1 =	vadd.f32 v50, v1;
	v55 =	vmul.f32 v47, v41;
	v56 =	vmul.f32 v47, v43  }
0x19a: {  	v44 =	vld [tilespmem:$0xD320];
	v2 =	vadd.f32 v51, v2;
	v58 =	vmul.f32 v49, v41;
	v60 =	vmul.f32 v49, v43  }
0x19b: {  	v46 =	vld [tilespmem:$0xD3A0];
	v62 =	vmul.f32 v52, v41;
	v19 =	vmul.f32 v52, v43;
	v16 =	vadd.f32 v48, v16  }
0x19c: {  	v57 =	vld [tilespmem:$0xD290];
	v29 =	vmul.f32 v54, v41;
	v12 =	vadd.f32 v24, v12;
	v7 =	vadd.f32 v53, v7  }
0x19d: {  	v59 =	vld [tilespmem:$0xD310];
	v22 =	vmul.f32 v54, v43;
	v3 =	vadd.f32 v21, v3;
	v9 =	vadd.f32 v55, v9  }
0x19e: {  	v32 =	vld [tilespmem:s1+$0x20];
	v4 =	vadd.f32 v56, v4;
	v11 =	vadd.f32 v58, v11;
	v37 =	vmul.f32 v61, v41  }
0x19f: {  	v34 =	vld [tilespmem:$0xD0A0];
	v5 =	vadd.f32 v60, v5;
	v20 =	vmul.f32 v61, v43;
	v39 =	vmul.f32 v30, v63  }
0x1a0: {  	v36 =	vld [tilespmem:$0xD120];
	v14 =	vadd.f32 v62, v14;
	v51 =	vmul.f32 v40, v63;
	v53 =	vmul.f32 v42, v63  }
0x1a1: {  	v38 =	vld [tilespmem:$0xD1A0];
	v6 =	vadd.f32 v19, v6;
	v55 =	vmul.f32 v44, v63;
	v58 =	vmul.f32 v46, v63  }
0x1a2: {  	v15 =	vadd.f32 v29, v15;
	v31 =	vmul.f32 v57, v41;
	v33 =	vmul.f32 v57, v43  }
0x1a3: {  	v8 =	vadd.f32 v22, v8;
	v35 =	vmul.f32 v59, v41;
	v21 =	vmul.f32 v59, v43  }
0x1a4: {  	v1 =	vadd.f32 v37, v1;
	v41 =	vmul.f32 v30, v32;
	v43 =	vmul.f32 v34, v63  }
0x1a5: {  	v50 =	vld [tilespmem:s1+$0x30];
	v2 =	vadd.f32 v20, v2;
	v22 =	vmul.f32 v34, v32;
	v45 =	vmul.f32 v36, v63  }
0x1a6: {  	v54 =	vld [tilespmem:$0xD0B0];
	v7 =	vadd.f32 v39, v7;
	v24 =	vmul.f32 v36, v32;
	v47 =	vmul.f32 v38, v63  }
0x1a7: {  	v52 =	vld [tilespmem:$0xD030];
	v49 =	vmul.f32 v38, v32;
	v15 =	vadd.f32 v51, v15;
	v13 =	vadd.f32 v31, v13  }
0x1a8: {  	v48 =	vld [tilespmem:s0+$0x30];
	v20 =	vmul.f32 v42, v32;
	v10 =	vadd.f32 v33, v10;
	v16 =	vadd.f32 v35, v16  }
0x1a9: {  	v56 =	vmul.f32 v44, v32;
	v12 =	vadd.f32 v21, v12;
	v3 =	vadd.f32 v41, v3  }
0x1aa: {  	v61 =	vld [tilespmem:$0xD230];
	v19 =	vmul.f32 v46, v32;
	v9 =	vadd.f32 v43, v9;
	v4 =	vadd.f32 v22, v4  }
0x1ab: {  	v57 =	vld [tilespmem:$0xD130];
	v30 =	vmul.f32 v54, v50;
	v11 =	vadd.f32 v45, v11;
	v5 =	vadd.f32 v24, v5  }
0x1ac: {  	v59 =	vld [tilespmem:$0xD1B0];
	v14 =	vadd.f32 v47, v14;
	v21 =	vmul.f32 v40, v32;
	v6 =	vadd.f32 v49, v6  }
0x1ad: {  	v63 =	vld [tilespmem:$0xD2B0];
	v60 =	vmul.f32 v52, v48;
	v1 =	vadd.f32 v58, v1;
	v2 =	vadd.f32 v19, v2  }
0x1ae: {  	v37 =	vld [tilespmem:s1+$0x40];
	v24 =	vmul.f32 v52, v50;
	v8 =	vadd.f32 v21, v8;
	v13 =	vadd.f32 v53, v13  }
0x1af: {  	v39 =	vld [tilespmem:$0xD040];
	v62 =	vmul.f32 v54, v48;
	v10 =	vadd.f32 v20, v10;
	v16 =	vadd.f32 v55, v16  }
0x1b0: {  	v51 =	vld [tilespmem:$0xD2C0];
	v36 =	vmul.f32 v61, v48;
	v12 =	vadd.f32 v56, v12;
	v7 =	vadd.f32 v60, v7  }
0x1b1: {  	v31 =	vld [tilespmem:$0xD330];
	v38 =	vmul.f32 v61, v50;
	v3 =	vadd.f32 v24, v3;
	v9 =	vadd.f32 v62, v9  }
0x1b2: {  	v33 =	vld [tilespmem:$0xD3B0];
	v4 =	vadd.f32 v30, v4;
	v32 =	vmul.f32 v57, v48;
	v20 =	vmul.f32 v57, v50  }
0x1b3: {  	v35 =	vld [tilespmem:s0+$0x40];
	v34 =	vmul.f32 v59, v48;
	v21 =	vmul.f32 v59, v50;
	v15 =	vadd.f32 v36, v15  }
0x1b4: {  	v41 =	vld [tilespmem:$0xD0C0];
	v40 =	vmul.f32 v63, v48;
	v19 =	vmul.f32 v63, v50;
	v8 =	vadd.f32 v38, v8  }
0x1b5: {  	v43 =	vld [tilespmem:$0xD140];
	v62 =	vmul.f32 v51, v37;
	v11 =	vadd.f32 v32, v11;
	v5 =	vadd.f32 v20, v5  }
0x1b6: {  	v28 =	vld [tilespmem:$0xD150];
	v14 =	vadd.f32 v34, v14;
	v42 =	vmul.f32 v31, v48;
	v24 =	vmul.f32 v31, v50  }
0x1b7: {  	v46 =	vld [tilespmem:$0xD1C0];
	v6 =	vadd.f32 v21, v6;
	v44 =	vmul.f32 v33, v48;
	v45 =	vmul.f32 v33, v50  }
0x1b8: {  	v61 =	vld [tilespmem:s1+$0x50];
	v13 =	vadd.f32 v40, v13;
	v47 =	vmul.f32 v39, v35;
	v21 =	vmul.f32 v39, v37  }
0x1b9: {  	v53 =	vld [tilespmem:$0xD340];
	v10 =	vadd.f32 v19, v10;
	v49 =	vmul.f32 v41, v35;
	v50 =	vmul.f32 v41, v37  }
0x1ba: {  	v55 =	vld [tilespmem:$0xD3C0];
	v52 =	vmul.f32 v43, v35;
	v16 =	vadd.f32 v42, v16;
	v12 =	vadd.f32 v24, v12  }
0x1bb: {  	v30 =	vld [tilespmem:$0xD1D0];
	v54 =	vmul.f32 v43, v37;
	v1 =	vadd.f32 v44, v1;
	v2 =	vadd.f32 v45, v2  }
0x1bc: {  	v57 =	vld [tilespmem:s0+$0x50];
	v56 =	vmul.f32 v46, v35;
	v7 =	vadd.f32 v47, v7;
	v3 =	vadd.f32 v21, v3  }
0x1bd: {  	v59 =	vld [tilespmem:$0xD050];
	v19 =	vmul.f32 v46, v37;
	v9 =	vadd.f32 v49, v9;
	v4 =	vadd.f32 v50, v4  }
0x1be: {  	v60 =	vmul.f32 v51, v35;
	v11 =	vadd.f32 v52, v11;
	v5 =	vadd.f32 v54, v5  }
0x1bf: {  	v36 =	vld [tilespmem:$0xD350];
	v14 =	vadd.f32 v56, v14;
	v0 =	vmul.f32 v53, v35;
	v21 =	vmul.f32 v53, v37  }
0x1c0: {  	v38 =	vld [tilespmem:$0xD3D0];
	v6 =	vadd.f32 v19, v6;
	v29 =	vmul.f32 v55, v35;
	v20 =	vmul.f32 v55, v37  }
0x1c1: {  	v48 =	vld [tilespmem:$0xD240];
	v13 =	vadd.f32 v60, v13;
	v24 =	vmul.f32 v28, v61;
	v41 =	vmul.f32 v30, v61  }
0x1c2: {  	v63 =	vld [tilespmem:$0xD0D0];
	v10 =	vadd.f32 v62, v10;
	v31 =	vmul.f32 v59, v57;
	v33 =	vmul.f32 v59, v61  }
0x1c3: {  	v32 =	vld [tilespmem:$0xD250];
	v39 =	vmul.f32 v30, v57;
	v16 =	vadd.f32 v0, v16;
	v12 =	vadd.f32 v21, v12  }
0x1c4: {  	v34 =	vld [tilespmem:$0xD2D0];
	v47 =	vmul.f32 v36, v57;
	v1 =	vadd.f32 v29, v1;
	v2 =	vadd.f32 v20, v2  }
0x1c5: {  	v40 =	vld [tilespmem:s0+$0x60];
	v5 =	vadd.f32 v24, v5;
	v50 =	vmul.f32 v38, v57;
	v19 =	vmul.f32 v38, v61  }
0x1c6: {  	v46 =	vld [tilespmem:$0xD0E0];
	v6 =	vadd.f32 v41, v6;
	v58 =	vmul.f32 v48, v35;
	v22 =	vmul.f32 v48, v37  }
0x1c7: {  	v51 =	vld [tilespmem:$0xD1E0];
	v7 =	vadd.f32 v31, v7;
	v35 =	vmul.f32 v63, v57;
	v37 =	vmul.f32 v28, v57  }
0x1c8: {  	v42 =	vld [tilespmem:s1+$0x60];
	v3 =	vadd.f32 v33, v3;
	v43 =	vmul.f32 v32, v57;
	v21 =	vmul.f32 v32, v61  }
0x1c9: {  	v44 =	vld [tilespmem:$0xD060];
	v14 =	vadd.f32 v39, v14;
	v45 =	vmul.f32 v34, v57;
	v20 =	vmul.f32 v34, v61  }
0x1ca: {  	v49 =	vld [tilespmem:$0xD160];
	v48 =	vmul.f32 v36, v61;
	v16 =	vadd.f32 v47, v16;
	v1 =	vadd.f32 v50, v1  }
0x1cb: {  	v53 =	vld [tilespmem:$0xD260];
	v54 =	vmul.f32 v46, v40;
	v2 =	vadd.f32 v19, v2;
	v15 =	vadd.f32 v58, v15  }
0x1cc: {  	v55 =	vld [tilespmem:$0xD2E0];
	v60 =	vmul.f32 v51, v40;
	v8 =	vadd.f32 v22, v8;
	v9 =	vadd.f32 v35, v9  }
0x1cd: {  	v59 =	vld [tilespmem:$0xD3E0];
	v22 =	vmul.f32 v63, v61;
	v11 =	vadd.f32 v37, v11;
	v13 =	vadd.f32 v45, v13  }
0x1ce: {  	v29 =	vld [tilespmem:$0xD5A0];
	v10 =	vadd.f32 v20, v10;
	v52 =	vmul.f32 v44, v40;
	v24 =	vmul.f32 v44, v42  }
0x1cf: {  	v57 =	vld [tilespmem:$0xD360];
	v12 =	vadd.f32 v48, v12;
	v56 =	vmul.f32 v46, v42;
	v58 =	vmul.f32 v49, v40  }
0x1d0: {  	v33 =	vld [tilespmem:$0xD070];
	v20 =	vmul.f32 v49, v42;
	v62 =	vmul.f32 v53, v40;
	v14 =	vadd.f32 v60, v14  }
0x1d1: {  	v31 =	vld [tilespmem:$0xD680];
	v32 =	vmul.f32 v53, v42;
	v34 =	vmul.f32 v55, v40;
	v4 =	vadd.f32 v22, v4  }
0x1d2: {  	v61 =	vld [tilespmem:s0+$0x70];
	v19 =	vmul.f32 v55, v42;
	v15 =	vadd.f32 v43, v15;
	v8 =	vadd.f32 v21, v8  }
0x1d3: {  	v63 =	vld [tilespmem:s1+$0x70];
	v38 =	vmul.f32 v59, v40;
	v7 =	vadd.f32 v52, v7;
	v3 =	vadd.f32 v24, v3  }
0x1d4: {  	v35 =	vld [tilespmem:$0xD0F0];
	v39 =	vmul.f32 v59, v42;
	v9 =	vadd.f32 v54, v9;
	v11 =	vadd.f32 v58, v11  }
0x1d5: {  	v37 =	vld [tilespmem:$0xD170];
	v21 =	vmul.f32 v51, v42;
	v5 =	vadd.f32 v20, v5;
	v13 =	vadd.f32 v34, v13  }
0x1d6: {  	v45 =	vld [tilespmem:$0xD2F0];
	v10 =	vadd.f32 v19, v10;
	v36 =	vmul.f32 v57, v40;
	v1 =	vadd.f32 v38, v1  }
0x1d7: {  	v47 =	vld [tilespmem:$0xD370];
	v24 =	vmul.f32 v57, v42;
	v2 =	vadd.f32 v39, v2;
	v4 =	vadd.f32 v56, v4  }
0x1d8: {  	v49 =	vld [tilespmem:$0xD3F0];
	v6 =	vadd.f32 v21, v6;
	v15 =	vadd.f32 v62, v15;
	v41 =	vmul.f32 v33, v61  }
0x1d9: {  	s0 =	sadd.s32 $0x1400, s31;
	v53 =	vld [tilespmem:$0xD400];
	v8 =	vadd.f32 v32, v8;
	v21 =	vmul.f32 v33, v63;
	v43 =	vmul.f32 v35, v61  }
0x1da: {  	s30 =	sor.u32 s30, s0;
	v59 =	vld [tilespmem:$0xD500];
	v16 =	vadd.f32 v36, v16;
	v44 =	vmul.f32 v35, v63;
	v46 =	vmul.f32 v37, v61  }
0x1db: {  	s1 =	sor.u32 s29, s0;
	v51 =	vld [tilespmem:s30+$0x0];
	v12 =	vadd.f32 v24, v12;
	v48 =	vmul.f32 v37, v63;
	v54 =	vmul.f32 v45, v61  }
0x1dc: {  	v55 =	vld [tilespmem:s1+$0x0];
	v56 =	vmul.f32 v45, v63;
	v58 =	vmul.f32 v47, v61;
	v7 =	vadd.f32 v41, v7  }
0x1dd: {  	v40 =	vld [tilespmem:$0xD1F0];
	v60 =	vmul.f32 v49, v61;
	v3 =	vadd.f32 v21, v3;
	v9 =	vadd.f32 v43, v9  }
0x1de: {  	v42 =	vld [tilespmem:$0xD270];
	v20 =	vmul.f32 v49, v63;
	v4 =	vadd.f32 v44, v4;
	v11 =	vadd.f32 v46, v11  }
0x1df: {  	v57 =	vld [tilespmem:$0xD480];
	v5 =	vadd.f32 v48, v5;
	v13 =	vadd.f32 v54, v13;
	v21 =	vmul.f32 v47, v63  }
0x1e0: {  	v39 =	vld [tilespmem:s1+$0x10];
	v10 =	vadd.f32 v56, v10;
	v16 =	vadd.f32 v58, v16;
	v62 =	vmul.f32 v53, v51  }
0x1e1: {  	v33 =	vld [tilespmem:$0xD700];
	v1 =	vadd.f32 v60, v1;
	v30 =	vmul.f32 v53, v55;
	v34 =	vmul.f32 v59, v51  }
0x1e2: {  	v35 =	vld [tilespmem:$0xD780];
	v2 =	vadd.f32 v20, v2;
	v24 =	vmul.f32 v59, v55;
	v20 =	vmul.f32 v31, v55  }
0x1e3: {  	v37 =	vld [tilespmem:s30+$0x10];
	v50 =	vmul.f32 v40, v61;
	v19 =	vmul.f32 v40, v63;
	v12 =	vadd.f32 v21, v12  }
0x1e4: {  	v45 =	vld [tilespmem:$0xD510];
	v52 =	vmul.f32 v42, v61;
	v7 =	vadd.f32 v62, v7;
	v3 =	vadd.f32 v30, v3  }
0x1e5: {  	v49 =	vld [tilespmem:$0xD610];
	v22 =	vmul.f32 v42, v63;
	v11 =	vadd.f32 v34, v11;
	v5 =	vadd.f32 v24, v5  }
0x1e6: {  	v41 =	vld [tilespmem:$0xD410];
	v32 =	vmul.f32 v57, v51;
	v10 =	vadd.f32 v20, v10;
	v14 =	vadd.f32 v50, v14  }
0x1e7: {  	v43 =	vld [tilespmem:$0xD490];
	v42 =	vmul.f32 v31, v51;
	v6 =	vadd.f32 v19, v6;
	v15 =	vadd.f32 v52, v15  }
0x1e8: {  	v47 =	vld [tilespmem:$0xD590];
	v8 =	vadd.f32 v22, v8;
	v22 =	vmul.f32 v57, v55;
	v44 =	vmul.f32 v33, v51  }
0x1e9: {  	v53 =	vld [tilespmem:$0xD710];
	v9 =	vadd.f32 v32, v9;
	v46 =	vmul.f32 v33, v55;
	v48 =	vmul.f32 v35, v51  }
0x1ea: {  	v59 =	vld [tilespmem:s1+$0x20];
	v13 =	vadd.f32 v42, v13;
	v19 =	vmul.f32 v35, v55;
	v56 =	vmul.f32 v45, v37  }
0x1eb: {  	v61 =	vld [tilespmem:$0xD580];
	v60 =	vmul.f32 v49, v37;
	v62 =	vmul.f32 v49, v39;
	v4 =	vadd.f32 v22, v4  }
0x1ec: {  	v28 =	vld [tilespmem:s30+$0x40];
	v16 =	vadd.f32 v44, v16;
	v50 =	vmul.f32 v41, v37;
	v24 =	vmul.f32 v41, v39  }
0x1ed: {  	v63 =	vld [tilespmem:$0xD600];
	v12 =	vadd.f32 v46, v12;
	v52 =	vmul.f32 v43, v37;
	v54 =	vmul.f32 v43, v39  }
0x1ee: {  	v30 =	vld [tilespmem:$0xD5C0];
	v1 =	vadd.f32 v48, v1;
	v58 =	vmul.f32 v47, v37;
	v20 =	vmul.f32 v47, v39  }
0x1ef: {  	v57 =	vld [tilespmem:s30+$0x20];
	v2 =	vadd.f32 v19, v2;
	v34 =	vmul.f32 v53, v37;
	v19 =	vmul.f32 v53, v39  }
0x1f0: {  	v33 =	vld [tilespmem:$0xD520];
	v11 =	vadd.f32 v56, v11;
	v46 =	vmul.f32 v29, v59;
	v36 =	vmul.f32 v61, v51  }
0x1f1: {  	v42 =	vld [tilespmem:$0xD7A0];
	v38 =	vmul.f32 v61, v55;
	v7 =	vadd.f32 v50, v7;
	v3 =	vadd.f32 v24, v3  }
0x1f2: {  	v47 =	vld [tilespmem:$0xD430];
	v21 =	vmul.f32 v63, v55;
	v9 =	vadd.f32 v52, v9;
	v4 =	vadd.f32 v54, v4  }
0x1f3: {  	v40 =	vmul.f32 v63, v51;
	v51 =	vld [tilespmem:$0xD690];
	v16 =	vadd.f32 v34, v16;
	v12 =	vadd.f32 v19, v12  }
0x1f4: {  	v55 =	vld [tilespmem:$0xD790];
	v14 =	vadd.f32 v36, v14;
	v8 =	vadd.f32 v21, v8;
	v21 =	vmul.f32 v45, v39  }
0x1f5: {  	v61 =	vld [tilespmem:$0xD420];
	v6 =	vadd.f32 v38, v6;
	v15 =	vadd.f32 v40, v15;
	v43 =	vmul.f32 v33, v57  }
0x1f6: {  	v63 =	vld [tilespmem:$0xD4A0];
	v44 =	vmul.f32 v33, v59;
	v45 =	vmul.f32 v29, v57;
	v5 =	vadd.f32 v21, v5  }
0x1f7: {  	v36 =	vld [tilespmem:$0xD620];
	v24 =	vmul.f32 v42, v59;
	v14 =	vadd.f32 v58, v14;
	v6 =	vadd.f32 v20, v6  }
0x1f8: {  	v38 =	vld [tilespmem:$0xD6A0];
	v15 =	vadd.f32 v60, v15;
	v8 =	vadd.f32 v62, v8;
	v0 =	vmul.f32 v51, v37  }
0x1f9: {  	v40 =	vld [tilespmem:$0xD720];
	v11 =	vadd.f32 v43, v11;
	v32 =	vmul.f32 v51, v39;
	v35 =	vmul.f32 v55, v37  }
0x1fa: {  	v29 =	vld [tilespmem:s1+$0x40];
	v37 =	vmul.f32 v55, v39;
	v39 =	vmul.f32 v61, v57;
	v5 =	vadd.f32 v44, v5  }
0x1fb: {  	v21 =	vmul.f32 v61, v59;
	v14 =	vadd.f32 v45, v14;
	v6 =	vadd.f32 v46, v6;
	v44 =	vld [tilespmem:$0xD6C0]  }
0x1fc: {  	v20 =	vmul.f32 v63, v59;
	v46 =	vld [tilespmem:$0xD740];
	v13 =	vadd.f32 v0, v13;
	v10 =	vadd.f32 v32, v10  }
0x1fd: {  	v41 =	vmul.f32 v63, v57;
	v1 =	vadd.f32 v35, v1;
	v3 =	vadd.f32 v21, v3;
	v21 =	vld [tilespmem:s30+$0x30]  }
0x1fe: {  	v4 =	vadd.f32 v20, v4;
	v20 =	vld [tilespmem:s1+$0x30];
	v48 =	vmul.f32 v36, v57;
	v22 =	vmul.f32 v36, v59  }
0x1ff: {  	v49 =	vld [tilespmem:$0xD4B0];
	v2 =	vadd.f32 v37, v2;
	v50 =	vmul.f32 v38, v57;
	v55 =	vmul.f32 v40, v59  }
0x200: {  	v51 =	vld [tilespmem:$0xD530];
	v7 =	vadd.f32 v39, v7;
	v52 =	vmul.f32 v38, v59;
	v54 =	vmul.f32 v40, v57  }
0x201: {  	v53 =	vld [tilespmem:$0xD5B0];
	v57 =	vmul.f32 v42, v57;
	v12 =	vadd.f32 v55, v12;
	v55 =	vmul.f32 v30, v28  }
0x202: {  	v56 =	vld [tilespmem:$0xD630];
	v8 =	vadd.f32 v22, v8;
	v22 =	vmul.f32 v44, v29;
	v0 =	vmul.f32 v46, v28  }
0x203: {  	v58 =	vld [tilespmem:$0xD6B0];
	v9 =	vadd.f32 v41, v9;
	v59 =	vmul.f32 v47, v21;
	v61 =	vmul.f32 v47, v20  }
0x204: {  	v60 =	vld [tilespmem:$0xD730];
	v15 =	vadd.f32 v48, v15;
	v63 =	vmul.f32 v49, v21;
	v32 =	vmul.f32 v49, v20  }
0x205: {  	v62 =	vld [tilespmem:$0xD7B0];
	v13 =	vadd.f32 v50, v13;
	v33 =	vmul.f32 v51, v21;
	v25 =	vmul.f32 v51, v20  }
0x206: {  	v35 =	vld [tilespmem:$0xD440];
	v10 =	vadd.f32 v52, v10;
	v34 =	vmul.f32 v53, v21;
	v36 =	vmul.f32 v53, v20  }
0x207: {  	v16 =	vadd.f32 v54, v16;
	v38 =	vmul.f32 v56, v21;
	v23 =	vmul.f32 v56, v20  }
0x208: {  	v37 =	vld [tilespmem:$0xD4C0];
	v1 =	vadd.f32 v57, v1;
	v40 =	vmul.f32 v58, v21;
	v27 =	vmul.f32 v58, v20  }
0x209: {  	v2 =	vadd.f32 v24, v2;
	v41 =	vmul.f32 v60, v21;
	v43 =	vmul.f32 v60, v20  }
0x20a: {  	v39 =	vld [tilespmem:$0xD540];
	v45 =	vmul.f32 v62, v21;
	v20 =	vmul.f32 v62, v20;
	v7 =	vadd.f32 v59, v7  }
0x20b: {  	v47 =	vmul.f32 v35, v28;
	v3 =	vadd.f32 v61, v3;
	v9 =	vadd.f32 v63, v9  }
0x20c: {  	v26 =	vld [tilespmem:s30+$0x60];
	v48 =	vmul.f32 v35, v29;
	v4 =	vadd.f32 v32, v4;
	v11 =	vadd.f32 v33, v11  }
0x20d: {  	v42 =	vld [tilespmem:$0xD640];
	v50 =	vmul.f32 v37, v28;
	v5 =	vadd.f32 v25, v5;
	v14 =	vadd.f32 v34, v14  }
0x20e: {  	v31 =	vld [tilespmem:$0xD6D0];
	v51 =	vmul.f32 v37, v29;
	v6 =	vadd.f32 v36, v6;
	v15 =	vadd.f32 v38, v15  }
0x20f: {  	v19 =	vld [tilespmem:s1+$0x50];
	v52 =	vmul.f32 v39, v28;
	v8 =	vadd.f32 v23, v8;
	v13 =	vadd.f32 v40, v13  }
0x210: {  	v54 =	vld [tilespmem:$0xD450];
	v53 =	vmul.f32 v39, v29;
	v10 =	vadd.f32 v27, v10;
	v16 =	vadd.f32 v41, v16  }
0x211: {  	v57 =	vld [tilespmem:$0xD4D0];
	v56 =	vmul.f32 v30, v29;
	v12 =	vadd.f32 v43, v12;
	v1 =	vadd.f32 v45, v1  }
0x212: {  	v24 =	vld [tilespmem:s1+$0x70];
	v58 =	vmul.f32 v42, v28;
	v2 =	vadd.f32 v20, v2;
	v7 =	vadd.f32 v47, v7  }
0x213: {  	v49 =	vld [tilespmem:$0xD7C0];
	v60 =	vmul.f32 v42, v29;
	v3 =	vadd.f32 v48, v3;
	v9 =	vadd.f32 v50, v9  }
0x214: {  	v62 =	vmul.f32 v44, v28;
	v20 =	vld [tilespmem:s30+$0x50];
	v4 =	vadd.f32 v51, v4;
	v11 =	vadd.f32 v52, v11  }
0x215: {  	v21 =	vmul.f32 v46, v29;
	v59 =	vld [tilespmem:$0xD550];
	v5 =	vadd.f32 v53, v5;
	v14 =	vadd.f32 v55, v14  }
0x216: {  	v61 =	vld [tilespmem:$0xD5D0];
	v25 =	vmul.f32 v54, v19;
	v6 =	vadd.f32 v56, v6;
	v15 =	vadd.f32 v58, v15  }
0x217: {  	v63 =	vld [tilespmem:$0xD650];
	v39 =	vmul.f32 v57, v19;
	v8 =	vadd.f32 v60, v8;
	v13 =	vadd.f32 v62, v13  }
0x218: {  	v34 =	vld [tilespmem:$0xD750];
	v10 =	vadd.f32 v22, v10;
	v16 =	vadd.f32 v0, v16;
	v50 =	vmul.f32 v31, v19  }
0x219: {  	v36 =	vld [tilespmem:$0xD7D0];
	v12 =	vadd.f32 v21, v12;
	v33 =	vmul.f32 v49, v28;
	v35 =	vmul.f32 v49, v29  }
0x21a: {  	v41 =	vld [tilespmem:$0xD460];
	v3 =	vadd.f32 v25, v3;
	v37 =	vmul.f32 v54, v20;
	v38 =	vmul.f32 v57, v20  }
0x21b: {  	v43 =	vld [tilespmem:$0xD4E0];
	v4 =	vadd.f32 v39, v4;
	v40 =	vmul.f32 v59, v20;
	v42 =	vmul.f32 v59, v19  }
0x21c: {  	v45 =	vld [tilespmem:$0xD560];
	v10 =	vadd.f32 v50, v10;
	v44 =	vmul.f32 v61, v20;
	v23 =	vmul.f32 v61, v19  }
0x21d: {  	v47 =	vld [tilespmem:$0xD5E0];
	v1 =	vadd.f32 v33, v1;
	v46 =	vmul.f32 v63, v20;
	v27 =	vmul.f32 v63, v19  }
0x21e: {  	v21 =	vld [tilespmem:s30+$0x70];
	v2 =	vadd.f32 v35, v2;
	v48 =	vmul.f32 v31, v20;
	v52 =	vmul.f32 v34, v20  }
0x21f: {  	v56 =	vld [tilespmem:$0xD470];
	v22 =	vmul.f32 v34, v19;
	v53 =	vmul.f32 v36, v20;
	v7 =	vadd.f32 v37, v7  }
0x220: {  	v32 =	vld [tilespmem:$0xD670];
	v19 =	vmul.f32 v36, v19;
	v9 =	vadd.f32 v38, v9;
	v11 =	vadd.f32 v40, v11  }
0x221: {  	v29 =	vld [tilespmem:s1+$0x60];
	v54 =	vmul.f32 v41, v26;
	v5 =	vadd.f32 v42, v5;
	v14 =	vadd.f32 v44, v14  }
0x222: {  	v57 =	vmul.f32 v43, v26;
	v6 =	vadd.f32 v23, v6;
	v15 =	vadd.f32 v46, v15  }
0x223: {  	v49 =	vld [tilespmem:$0xD660];
	v59 =	vmul.f32 v45, v26;
	v8 =	vadd.f32 v27, v8;
	v13 =	vadd.f32 v48, v13  }
0x224: {  	v51 =	vld [tilespmem:$0xD6E0];
	v16 =	vadd.f32 v52, v16;
	v62 =	vmul.f32 v47, v26;
	v38 =	vmul.f32 v56, v21  }
0x225: {  	v2 =	vadd.f32 v19, v2;
	v19 =	vmul.f32 v56, v24;
	v52 =	vmul.f32 v32, v21  }
0x226: {  	v61 =	vld [tilespmem:$0xD4F0];
	v12 =	vadd.f32 v22, v12;
	v55 =	vmul.f32 v41, v29;
	v58 =	vmul.f32 v43, v29  }
0x227: {  	v31 =	vld [tilespmem:$0xD760];
	v1 =	vadd.f32 v53, v1;
	v60 =	vmul.f32 v45, v29;
	v0 =	vmul.f32 v47, v29  }
0x228: {  	v63 =	vld [tilespmem:$0xD570];
	v37 =	vmul.f32 v49, v26;
	v39 =	vmul.f32 v49, v29;
	v7 =	vadd.f32 v54, v7  }
0x229: {  	v20 =	vld [tilespmem:$0xD7E0];
	v45 =	vmul.f32 v51, v26;
	v9 =	vadd.f32 v57, v9;
	v11 =	vadd.f32 v59, v11  }
0x22a: {  	v36 =	vld [tilespmem:$0xD5F0];
	v47 =	vmul.f32 v51, v29;
	v14 =	vadd.f32 v62, v14;
	v3 =	vadd.f32 v55, v3  }
0x22b: {  	v40 =	vld [tilespmem:$0xD6F0];
	v54 =	vmul.f32 v32, v24;
	v41 =	vmul.f32 v61, v21;
	v7 =	vadd.f32 v38, v7  }
0x22c: {  	v42 =	vld [tilespmem:$0xD770];
	v4 =	vadd.f32 v58, v4;
	v43 =	vmul.f32 v61, v24;
	v3 =	vadd.f32 v19, v3  }
0x22d: {  	v44 =	vld [tilespmem:$0xD7F0];
	v5 =	vadd.f32 v60, v5;
	v46 =	vmul.f32 v63, v21;
	v9 =	vadd.f32 v41, v9;
	[tilespmem:s25+$0xFFFFFBF0] =	vst v7  }
0x22e: {  	s31 =	sand.u32 $0xE0, s24;
	v6 =	vadd.f32 v0, v6;
	v48 =	vmul.f32 v63, v24;
	v4 =	vadd.f32 v43, v4;
	[tilespmem:s25+$0xFFFFFC00] =	vst v3  }
0x22f: {  	v15 =	vadd.f32 v37, v15;
	v49 =	vmul.f32 v36, v21;
	v7 =	vadd.f32 v46, v11;
	[tilespmem:s31+$0xDB00] =	vst v9  }
0x230: {  	v8 =	vadd.f32 v39, v8;
	v50 =	vmul.f32 v36, v24;
	v5 =	vadd.f32 v48, v5;
	[tilespmem:s25+$0xFFFFFD00] =	vst v4  }
0x231: {  	v13 =	vadd.f32 v45, v13;
	v51 =	vmul.f32 v31, v26;
	v9 =	vadd.f32 v49, v14;
	[tilespmem:s31+$0xDC00] =	vst v7  }
0x232: {  	v53 =	vmul.f32 v31, v29;
	v57 =	vmul.f32 v20, v26;
	v4 =	vadd.f32 v50, v6;
	[tilespmem:s25+$0xFFFFFE00] =	vst v5  }
0x233: {  	v59 =	vmul.f32 v20, v29;
	v55 =	vmul.f32 v40, v21;
	v7 =	vadd.f32 v52, v15;
	[tilespmem:s31+$0xDD00] =	vst v9  }
0x234: {  	v56 =	vmul.f32 v40, v24;
	v3 =	vadd.f32 v47, v10;
	v6 =	vadd.f32 v54, v8;
	[tilespmem:s25+$0xFFFFFF00] =	vst v4  }
0x235: {  	v58 =	vmul.f32 v42, v21;
	v10 =	vadd.f32 v51, v16;
	v9 =	vadd.f32 v55, v13;
	[tilespmem:s31+$0xDE00] =	vst v7  }
0x236: {  	v60 =	vmul.f32 v42, v24;
	v3 =	vadd.f32 v56, v3;
	v5 =	vadd.f32 v53, v12;
	[tilespmem:s25+$0x0] =	vst v6  }
0x237: {  	p0 =	sne.s32 s28, $0x700;
	v1 =	vadd.f32 v57, v1;
	v62 =	vmul.f32 v44, v21;
	v61 =	vadd.f32 v58, v10;
	[tilespmem:s31+$0xDF00] =	vst v9  }
.Ltmp0:
0x238: {  	v2 =	vadd.f32 v59, v2;
	v63 =	vmul.f32 v44, v24;
	v5 =	vadd.f32 v60, v5;
	[tilespmem:s25+$0x100] =	vst v3;
	(pc) =	sbr.rel @p0 .LBB2_3-.Ltmp0, $4  }
0x239: {  	v1 =	vadd.f32 v62, v1;
	[tilespmem:s31+$0xE000] =	vst v61  }
0x23a: {  	v2 =	vadd.f32 v63, v2;
	[tilespmem:s25+$0x200] =	vst v5  }
0x23b: {  	s26 =	sadd.s32 $0x2, s26;
	[tilespmem:s31+$0xE100] =	vst v1  }
0x23c: {  	s28 =	sadd.s32 $0x100, s28;
	s24 =	sadd.s32 $0x20, s24;
	[tilespmem:s25+$0x300] =	vst v2;
	s25 =	sadd.s32 $0x20, s25  }
0x23d: {  	v0 =	vlaneseq.u32  }
0x23e: {  	v1 =	vmul.u32 $0x10, v0;
	_ =	sdelay $0x1  }
0x23f: {  	v2 =	vor.u32 $0x1, v1  }
0x240: {  	v3 =	vor.u32 $0x2, v1  }
0x241: {  	v4 =	vor.u32 $0x3, v1  }
0x242: {  	v9 =	vld [tilespmem:s23+$0xD900];
	v5 =	vor.u32 $0x4, v1  }
0x243: {  	v14 =	vld [tilespmem:s23+$0xD980];
	v6 =	vor.u32 $0x5, v1  }
0x244: {  	v46 =	vor.u32 $0x6, v1;
	v35 =	vld.idx.msk [tilespmem:v2+s18+$0x0], $0xffff  }
0x245: {  	v47 =	vor.u32 $0x7, v1;
	v37 =	vld.idx.msk [tilespmem:v3+s18+$0x0], $0xffff  }
0x246: {  	v48 =	vor.u32 $0x8, v1;
	v38 =	vld.idx.msk [tilespmem:v4+s18+$0x0], $0xffff  }
0x247: {  	v50 =	vor.u32 $0x9, v1;
	v49 =	vld.idx.msk [tilespmem:v5+s18+$0x0], $0xffff  }
0x248: {  	v52 =	vor.u32 $0xA, v1;
	v51 =	vld.idx.msk [tilespmem:v6+s18+$0x0], $0xffff  }
0x249: {  	v54 =	vor.u32 $0xB, v1;
	v53 =	vld.idx.msk [tilespmem:v46+s18+$0x0], $0xffff  }
0x24a: {  	v56 =	vor.u32 $0xC, v1;
	v55 =	vld.idx.msk [tilespmem:v47+s18+$0x0], $0xffff  }
0x24b: {  	v58 =	vor.u32 $0xD, v1;
	v57 =	vld.idx.msk [tilespmem:v48+s18+$0x0], $0xffff  }
0x24c: {  	v60 =	vor.u32 $0xE, v1;
	v59 =	vld.idx.msk [tilespmem:v50+s18+$0x0], $0xffff  }
0x24d: {  	v17 =	vor.u32 $0xF, v1;
	v61 =	vld.idx.msk [tilespmem:v52+s18+$0x0], $0xffff  }
0x24e: {  	v63 =	vor.u32 $0x100, v1;
	v62 =	vld.idx.msk [tilespmem:v54+s18+$0x0], $0xffff  }
0x24f: {  	v7 =	vor.u32 $0x101, v1;
	v6 =	vld.idx.msk [tilespmem:v56+s18+$0x0], $0xffff  }
0x250: {  	v18 =	vor.u32 $0x102, v1;
	v8 =	vld.idx.msk [tilespmem:v58+s18+$0x0], $0xffff  }
0x251: {  	v21 =	vor.u32 $0x103, v1;
	v10 =	vld.idx.msk [tilespmem:v60+s18+$0x0], $0xffff  }
0x252: {  	v13 =	vor.u32 $0x105, v1;
	v11 =	vld.idx.msk [tilespmem:v17+s18+$0x0], $0xffff  }
0x253: {  	v28 =	vor.u32 $0x106, v1;
	v31 =	vld.idx.msk [tilespmem:v63+s18+$0x0], $0xffff  }
0x254: {  	v24 =	vor.u32 $0x107, v1;
	v30 =	vld.idx.msk [tilespmem:v7+s18+$0x0], $0xffff  }
0x255: {  	v29 =	vor.u32 $0x108, v1;
	v34 =	vld.idx.msk [tilespmem:v18+s18+$0x0], $0xffff  }
0x256: {  	v32 =	vor.u32 $0x109, v1;
	v58 =	vld.idx.msk [tilespmem:v21+s18+$0x0], $0xffff  }
0x257: {  	v33 =	vor.u32 $0x10A, v1;
	v50 =	vld.idx.msk [tilespmem:v13+s18+$0x0], $0xffff  }
0x258: {  	v25 =	vor.u32 $0x10B, v1;
	v46 =	vld.idx.msk [tilespmem:v28+s18+$0x0], $0xffff  }
0x259: {  	v39 =	vor.u32 $0x10D, v1;
	v43 =	vld.idx.msk [tilespmem:v24+s18+$0x0], $0xffff  }
0x25a: {  	v45 =	vor.u32 $0x10F, v1;
	v40 =	vld.idx.msk [tilespmem:v29+s18+$0x0], $0xffff  }
0x25b: {  	v12 =	vor.u32 $0x104, v1;
	v41 =	vld.idx.msk [tilespmem:v32+s18+$0x0], $0xffff  }
0x25c: {  	v36 =	vor.u32 $0x10C, v1;
	v44 =	vld.idx.msk [tilespmem:v33+s18+$0x0], $0xffff  }
0x25d: {  	v42 =	vor.u32 $0x10E, v1;
	v47 =	vld.idx.msk [tilespmem:v25+s18+$0x0], $0xffff  }
0x25e: {  	v52 =	vld.idx.msk [tilespmem:v39+s18+$0x0], $0xffff;
	v28 =	vor.u32 $0x200, v1  }
0x25f: {  	v29 =	vor.u32 $0x201, v1;
	v54 =	vld.idx.msk [tilespmem:v45+s18+$0x0], $0xffff  }
0x260: {  	v32 =	vor.u32 $0x202, v1;
	[tilespmem:$0x1FEB0] =	vst v55;
	v55 =	vld.idx.msk [tilespmem:v12+s18+$0x0], $0xffff  }
0x261: {  	v33 =	vor.u32 $0x203, v1;
	[tilespmem:$0x1FE80] =	vst v49;
	v49 =	vld.idx.msk [tilespmem:v36+s18+$0x0], $0xffff  }
0x262: {  	v2 =	vor.u32 $0x208, v1;
	[tilespmem:$0x1FEA0] =	vst v53;
	v53 =	vld.idx.msk [tilespmem:v42+s18+$0x0], $0xffff  }
0x263: {  	v7 =	vshll.u32 v14, $0x3;
	v4 =	vor.u32 $0x20A, v1;
	v63 =	vld.idx.msk [tilespmem:v28+s18+$0x0], $0xffff  }
0x264: {  	[tilespmem:$0x1FE90] =	vst v51;
	v51 =	vor.u32 $0x1, v7;
	v15 =	vld.idx.msk [tilespmem:v29+s18+$0x0], $0xffff  }
0x265: {  	[tilespmem:$0x1FED0] =	vst v59;
	v59 =	vor.u32 $0x204, v1;
	v17 =	vld.idx.msk [tilespmem:v32+s18+$0x0], $0xffff  }
0x266: {  	[tilespmem:$0x1FEF0] =	vst v61;
	v61 =	vor.u32 $0x205, v1;
	v19 =	vld.idx.msk [tilespmem:v33+s18+$0x0], $0xffff  }
0x267: {  	[tilespmem:$0x1FF10] =	vst v62;
	v62 =	vor.u32 $0x206, v1;
	v60 =	vld.idx.msk [tilespmem:v2+s18+$0x0], $0xffff  }
0x268: {  	v0 =	vor.u32 $0x207, v1;
	[tilespmem:$0x1FFA0] =	vst v54;
	v54 =	vld.idx.msk [tilespmem:v4+s18+$0x0], $0xffff  }
0x269: {  	v5 =	vor.u32 $0x20B, v1;
	[tilespmem:$0x1FEC0] =	vst v57;
	v57 =	vld.idx.msk [tilespmem:v51+s14+$0x0], $0xffff  }
0x26a: {  	[tilespmem:$0x1FF50] =	vst v8;
	v8 =	vor.u32 $0x20C, v1;
	v21 =	vld.idx.msk [tilespmem:v59+s18+$0x0], $0xffff  }
0x26b: {  	[tilespmem:$0x1FF30] =	vst v6;
	v6 =	vshll.u32 v9, $0x3;
	v9 =	vor.u32 $0x20D, v1;
	v23 =	vld.idx.msk [tilespmem:v61+s18+$0x0], $0xffff  }
0x26c: {  	[tilespmem:$0x1FF70] =	vst v10;
	v10 =	vor.u32 $0x20E, v1;
	v26 =	vld.idx.msk [tilespmem:v62+s18+$0x0], $0xffff  }
0x26d: {  	[tilespmem:$0x1FF90] =	vst v11;
	v11 =	vor.u32 $0x20F, v1;
	v62 =	vld.idx.msk [tilespmem:v0+s18+$0x0], $0xffff  }
0x26e: {  	v36 =	vor.u32 $0x2, v7;
	[tilespmem:$0x1FF40] =	vst v49;
	v49 =	vld.idx.msk [tilespmem:v5+s18+$0x0], $0xffff  }
0x26f: {  	v13 =	vor.u32 $0x300, v1;
	v45 =	vld.idx.msk [tilespmem:v8+s18+$0x0], $0xffff  }
0x270: {  	v14 =	vor.u32 $0x301, v1;
	v42 =	vld.idx.msk [tilespmem:v9+s18+$0x0], $0xffff  }
0x271: {  	v18 =	vor.u32 $0x302, v1;
	v32 =	vld.idx.msk [tilespmem:v10+s18+$0x0], $0xffff  }
0x272: {  	v39 =	vor.u32 $0x303, v1;
	v16 =	vld.idx.msk [tilespmem:v11+s18+$0x0], $0xffff  }
0x273: {  	[tilespmem:$0x1FF00] =	vst v44;
	v44 =	vor.u32 $0x305, v1;
	v20 =	vld.idx.msk [tilespmem:v36+s14+$0x0], $0xffff  }
0x274: {  	[tilespmem:$0x1FF20] =	vst v47;
	v47 =	vor.u32 $0x306, v1;
	v9 =	vld.idx.msk [tilespmem:v13+s18+$0x0], $0xffff  }
0x275: {  	v4 =	vor.u32 $0x3, v7;
	v8 =	vld.idx.msk [tilespmem:v14+s18+$0x0], $0xffff  }
0x276: {  	v33 =	vor.u32 $0x406, v1;
	v10 =	vld.idx.msk [tilespmem:v18+s18+$0x0], $0xffff  }
0x277: {  	v25 =	vor.u32 $0x407, v1;
	v11 =	vld.idx.msk [tilespmem:v39+s18+$0x0], $0xffff  }
0x278: {  	v28 =	vor.u32 $0x408, v1;
	v13 =	vld.idx.msk [tilespmem:v44+s18+$0x0], $0xffff  }
0x279: {  	v48 =	vor.u32 $0x1, v6;
	v14 =	vld.idx.msk [tilespmem:v47+s18+$0x0], $0xffff  }
0x27a: {  	v12 =	vor.u32 $0x2, v6;
	v47 =	vld.idx.msk [tilespmem:v4+s14+$0x0], $0xffff  }
0x27b: {  	v22 =	vor.u32 $0x304, v1;
	v36 =	vld.idx.msk [tilespmem:v33+s18+$0x0], $0xffff  }
0x27c: {  	v3 =	vor.u32 $0x209, v1;
	v33 =	vld.idx.msk [tilespmem:v25+s18+$0x0], $0xffff  }
0x27d: {  	v51 =	vor.u32 $0x308, v1;
	v28 =	vld.idx.msk [tilespmem:v28+s18+$0x0], $0xffff  }
0x27e: {  	[tilespmem:$0x1FF60] =	vst v52;
	v52 =	vor.u32 $0x309, v1;
	v56 =	vld.idx.msk [tilespmem:v48+s13+$0x0], $0xffff  }
0x27f: {  	[tilespmem:$0x1FF80] =	vst v53;
	v53 =	vor.u32 $0x30A, v1;
	v29 =	vld.idx.msk [tilespmem:v12+s13+$0x0], $0xffff  }
0x280: {  	v59 =	vor.u32 $0x30C, v1;
	v12 =	vld.idx.msk [tilespmem:v22+s18+$0x0], $0xffff  }
0x281: {  	v61 =	vor.u32 $0x30D, v1;
	[tilespmem:$0x1FFD0] =	vst v57;
	v57 =	vld.idx.msk [tilespmem:v3+s18+$0x0], $0xffff  }
0x282: {  	v0 =	vor.u32 $0x30E, v1;
	v18 =	vld.idx.msk [tilespmem:v51+s18+$0x0], $0xffff  }
0x283: {  	v5 =	vor.u32 $0x400, v1;
	[tilespmem:$0x1FFE0] =	vst v20;
	v20 =	vld.idx.msk [tilespmem:v52+s18+$0x0], $0xffff  }
0x284: {  	v4 =	vor.u32 $0x404, v1;
	v22 =	vld.idx.msk [tilespmem:v53+s18+$0x0], $0xffff  }
0x285: {  	v25 =	vor.u32 $0x40D, v1;
	v27 =	vld.idx.msk [tilespmem:v59+s18+$0x0], $0xffff  }
0x286: {  	v3 =	vor.u32 $0x3, v6;
	v61 =	vld.idx.msk [tilespmem:v61+s18+$0x0], $0xffff  }
0x287: {  	v59 =	vld.idx.msk [tilespmem:v0+s18+$0x0], $0xffff;
	v0 =	vor.u32 $0x401, v1  }
0x288: {  	v30 =	vadd.f32 v30, v31;
	v52 =	vld.idx.msk [tilespmem:v5+s18+$0x0], $0xffff  }
0x289: {  	[tilespmem:$0x1FEE0] =	vst v41;
	v5 =	vor.u32 $0x405, v1;
	v41 =	vld.idx.msk [tilespmem:v4+s18+$0x0], $0xffff  }
0x28a: {  	v30 =	vadd.f32 v34, v30;
	v8 =	vadd.f32 v8, v9;
	v34 =	vld.idx.msk [tilespmem:v25+s18+$0x0], $0xffff;
	[tilespmem:$0x1FFC0] =	vst v56;
	v56 =	vor.u32 $0x30B, v1  }
0x28b: {  	v2 =	vor.u32 $0x30F, v1;
	v51 =	vld.idx.msk [tilespmem:v3+s13+$0x0], $0xffff  }
0x28c: {  	v48 =	vor.u32 $0x307, v1;
	v8 =	vadd.f32 v10, v8;
	v53 =	vld.idx.msk [tilespmem:v0+s18+$0x0], $0xffff  }
0x28d: {  	v3 =	vor.u32 $0x403, v1;
	v0 =	vld.idx.msk [tilespmem:v1+s18+$0x0], $0xffff  }
0x28e: {  	v8 =	vadd.f32 v11, v8;
	v39 =	vld.idx.msk [tilespmem:v5+s18+$0x0], $0xffff;
	v5 =	vor.u32 $0x40C, v1  }
0x28f: {  	v24 =	vld.idx.msk [tilespmem:v56+s18+$0x0], $0xffff  }
0x290: {  	v56 =	vld.idx.msk [tilespmem:v2+s18+$0x0], $0xffff;
	v2 =	vor.u32 $0x402, v1;
	v8 =	vadd.f32 v12, v8  }
0x291: {  	[tilespmem:$0x1FFB0] =	vst v16;
	v4 =	vor.u32 $0x40B, v1;
	v16 =	vld.idx.msk [tilespmem:v48+s18+$0x0], $0xffff  }
0x292: {  	v8 =	vadd.f32 v13, v8;
	v44 =	vld.idx.msk [tilespmem:v3+s18+$0x0], $0xffff  }
0x293: {  	v15 =	vadd.f32 v15, v63;
	v63 =	vld.idx.msk [tilespmem:v5+s18+$0x0], $0xffff  }
0x294: {  	v3 =	vor.u32 $0x40A, v1;
	v0 =	vadd.f32 v35, v0;
	v8 =	vadd.f32 v14, v8;
	v14 =	vld.idx.msk [tilespmem:v6+s13+$0x0], $0xffff  }
0x295: {  	v5 =	vor.u32 $0x4, v7;
	v48 =	vld.idx.msk [tilespmem:v2+s18+$0x0], $0xffff  }
0x296: {  	v2 =	vor.u32 $0x409, v1;
	v37 =	vadd.f32 v37, v0;
	v0 =	vld.idx.msk [tilespmem:v4+s18+$0x0], $0xffff  }
0x297: {  	v8 =	vadd.f32 v16, v8;
	v16 =	vld [tilespmem:$0x1FF00]  }
0x298: {  	v4 =	vor.u32 $0x4, v6;
	v37 =	vadd.f32 v38, v37;
	v38 =	vadd.f32 v58, v30;
	v30 =	vld [tilespmem:$0x1FE80]  }
0x299: {  	v3 =	vld.idx.msk [tilespmem:v3+s18+$0x0], $0xffff  }
0x29a: {  	v15 =	vadd.f32 v17, v15;
	v25 =	vor.u32 $0x500, v1;
	v8 =	vadd.f32 v18, v8;
	v17 =	vld.idx.msk [tilespmem:v5+s14+$0x0], $0xffff  }
0x29b: {  	v35 =	vld.idx.msk [tilespmem:v2+s18+$0x0], $0xffff  }
0x29c: {  	v5 =	vor.u32 $0x504, v1;
	v8 =	vadd.f32 v20, v8;
	v20 =	vld.idx.msk [tilespmem:v7+s14+$0x0], $0xffff  }
0x29d: {  	v2 =	vor.u32 $0x40E, v1;
	v38 =	vadd.f32 v55, v38;
	v55 =	vld.idx.msk [tilespmem:v4+s13+$0x0], $0xffff  }
0x29e: {  	v9 =	vadd.f32 v30, v37;
	v37 =	vadd.f32 v19, v15;
	v19 =	vld [tilespmem:$0x1FE90]  }
0x29f: {  	v15 =	vld.idx.msk [tilespmem:v25+s18+$0x0], $0xffff  }
0x2a0: {  	v4 =	vor.u32 $0x503, v1;
	v8 =	vadd.f32 v22, v8;
	v30 =	vld [tilespmem:$0x1FEA0]  }
0x2a1: {  	v25 =	vld.idx.msk [tilespmem:v5+s18+$0x0], $0xffff  }
0x2a2: {  	[tilespmem:$0x1FFF0] =	vst v3;
	v3 =	vor.u32 $0x40F, v1;
	v8 =	vadd.f32 v24, v8;
	v31 =	vld.idx.msk [tilespmem:v2+s18+$0x0], $0xffff  }
0x2a3: {  	v12 =	vor.u32 $0x505, v1;
	v10 =	vadd.f32 v21, v37;
	v21 =	vadd.f32 v50, v38;
	v38 =	vld [tilespmem:$0x1FEB0]  }
0x2a4: {  	v50 =	vld [tilespmem:$0x1FEC0];
	v8 =	vadd.f32 v27, v8  }
0x2a5: {  	v2 =	vor.u32 $0x501, v1;
	v10 =	vadd.f32 v23, v10;
	v23 =	vld.idx.msk [tilespmem:v4+s18+$0x0], $0xffff  }
0x2a6: {  	v37 =	vor.u32 $0x506, v1;
	v8 =	vadd.f32 v61, v8;
	v61 =	vld [tilespmem:$0x1FFD0]  }
0x2a7: {  	v11 =	vadd.f32 v46, v21;
	v58 =	vld.idx.msk [tilespmem:v3+s18+$0x0], $0xffff  }
0x2a8: {  	v10 =	vadd.f32 v26, v10;
	v26 =	vld.idx.msk [tilespmem:v12+s18+$0x0], $0xffff  }
0x2a9: {  	v46 =	vor.u32 $0x508, v1;
	v9 =	vadd.f32 v19, v9;
	v11 =	vadd.f32 v43, v11;
	v43 =	vld [tilespmem:$0x1FEF0]  }
0x2aa: {  	v3 =	vor.u32 $0x502, v1;
	v19 =	vld.idx.msk [tilespmem:v2+s18+$0x0], $0xffff  }
0x2ab: {  	v9 =	vadd.f32 v30, v9;
	v37 =	vld.idx.msk [tilespmem:v37+s18+$0x0], $0xffff  }
0x2ac: {  	v30 =	vor.u32 $0x509, v1;
	v11 =	vadd.f32 v40, v11;
	v40 =	vld [tilespmem:$0x1FEE0]  }
0x2ad: {  	v9 =	vadd.f32 v38, v9;
	v38 =	vld [tilespmem:$0x1FED0]  }
0x2ae: {  	v10 =	vadd.f32 v62, v10;
	v62 =	vor.u32 $0x50B, v1;
	v18 =	vld.idx.msk [tilespmem:v46+s18+$0x0], $0xffff  }
0x2af: {  	v21 =	vld.idx.msk [tilespmem:v3+s18+$0x0], $0xffff;
	v3 =	vor.u32 $0x507, v1  }
0x2b0: {  	v12 =	vor.u32 $0x50A, v1;
	v10 =	vadd.f32 v60, v10;
	v60 =	vld [tilespmem:$0x1FF30]  }
0x2b1: {  	v30 =	vld.idx.msk [tilespmem:v30+s18+$0x0], $0xffff  }
0x2b2: {  	v9 =	vadd.f32 v50, v9;
	v50 =	vor.u32 $0x50C, v1;
	v46 =	vadd.f32 v57, v10;
	v57 =	vld [tilespmem:$0x1FF20]  }
0x2b3: {  	v5 =	vld.idx.msk [tilespmem:v62+s18+$0x0], $0xffff  }
0x2b4: {  	v9 =	vadd.f32 v38, v9;
	v38 =	vld.idx.msk [tilespmem:v3+s18+$0x0], $0xffff  }
0x2b5: {  	v3 =	vadd.f32 v40, v11;
	v11 =	vld.idx.msk [tilespmem:v12+s18+$0x0], $0xffff  }
0x2b6: {  	v4 =	vadd.f32 v43, v9;
	v43 =	vld [tilespmem:$0x1FF10];
	v9 =	vadd.f32 v54, v46  }
0x2b7: {  	v40 =	vor.u32 $0x50D, v1;
	v12 =	vld.idx.msk [tilespmem:v50+s18+$0x0], $0xffff  }
0x2b8: {  	v46 =	vor.u32 $0x50E, v1;
	v50 =	vld [tilespmem:$0x1FF50];
	v9 =	vadd.f32 v49, v9  }
0x2b9: {  	v54 =	vor.u32 $0x600, v1;
	v3 =	vadd.f32 v16, v3;
	v49 =	vld [tilespmem:$0x1FF40]  }
0x2ba: {  	v9 =	vadd.f32 v45, v9;
	v45 =	vld [tilespmem:$0x1FF60]  }
0x2bb: {  	v3 =	vadd.f32 v57, v3;
	v57 =	vld [tilespmem:$0x1FF70]  }
0x2bc: {  	v10 =	vld.idx.msk [tilespmem:v40+s18+$0x0], $0xffff  }
0x2bd: {  	v4 =	vadd.f32 v43, v4;
	v13 =	vld.idx.msk [tilespmem:v46+s18+$0x0], $0xffff  }
0x2be: {  	v16 =	vor.u32 $0x50F, v1;
	v40 =	vld.idx.msk [tilespmem:v54+s18+$0x0], $0xffff  }
0x2bf: {  	v62 =	vor.u32 $0x5, v6;
	v4 =	vadd.f32 v60, v4;
	v60 =	vld [tilespmem:$0x1FF80]  }
0x2c0: {  	v54 =	vld [tilespmem:$0x1FFB0];
	v3 =	vadd.f32 v49, v3  }
0x2c1: {  	v24 =	vor.u32 $0x5, v7;
	v49 =	vld [tilespmem:$0x1FF90];
	v4 =	vadd.f32 v50, v4  }
0x2c2: {  	v46 =	vor.u32 $0x601, v1;
	v3 =	vadd.f32 v45, v3;
	v50 =	vld [tilespmem:$0x1FFA0]  }
0x2c3: {  	v9 =	vadd.f32 v42, v9;
	v2 =	vadd.f32 v57, v4;
	v4 =	vld.idx.msk [tilespmem:v16+s18+$0x0], $0xffff;
	v16 =	vor.u32 $0x700, v1  }
0x2c4: {  	v42 =	vadd.f32 v60, v3;
	v3 =	vld.idx.msk [tilespmem:v62+s13+$0x0], $0xffff;
	v62 =	vor.u32 $0x701, v1  }
0x2c5: {  	v9 =	vadd.f32 v32, v9;
	v57 =	vld [tilespmem:$0x1FFC0]  }
0x2c6: {  	v8 =	vadd.f32 v59, v8;
	v43 =	vadd.f32 v49, v2;
	v2 =	vld.idx.msk [tilespmem:v24+s14+$0x0], $0xffff;
	v24 =	vor.u32 $0x602, v1  }
0x2c7: {  	v53 =	vadd.f32 v53, v52;
	v9 =	vadd.f32 v54, v9;
	v27 =	vld.idx.msk [tilespmem:v46+s18+$0x0], $0xffff;
	v54 =	vor.u32 $0x605, v1  }
0x2c8: {  	v59 =	vadd.f32 v56, v8;
	v32 =	vadd.f32 v50, v42;
	v42 =	vor.u32 $0x702, v1;
	v46 =	vld.idx.msk [tilespmem:v16+s18+$0x0], $0xffff  }
0x2c9: {  	v15 =	vadd.f32 v19, v15;
	v14 =	vadd.f32 v14, v43;
	v43 =	vor.u32 $0x603, v1;
	v22 =	vld.idx.msk [tilespmem:v62+s18+$0x0], $0xffff  }
0x2ca: {  	v49 =	vor.u32 $0x703, v1;
	v32 =	vadd.f32 v57, v32;
	v62 =	vadd.f32 v51, v59;
	v51 =	vld [tilespmem:$0x1FFE0]  }
0x2cb: {  	v60 =	vadd.f32 v29, v9;
	v8 =	vadd.f32 v20, v14;
	v20 =	vor.u32 $0x604, v1;
	v24 =	vld.idx.msk [tilespmem:v24+s18+$0x0], $0xffff  }
0x2cc: {  	v50 =	vor.u32 $0x704, v1;
	v9 =	vadd.f32 v61, v32;
	v32 =	vadd.f32 v48, v53;
	v48 =	vld.idx.msk [tilespmem:v54+s18+$0x0], $0xffff  }
0x2cd: {  	v57 =	vor.u32 $0x705, v1;
	v42 =	vld.idx.msk [tilespmem:v42+s18+$0x0], $0xffff  }
0x2ce: {  	v15 =	vadd.f32 v21, v15;
	v59 =	vor.u32 $0x606, v1;
	v56 =	vld.idx.msk [tilespmem:v43+s18+$0x0], $0xffff  }
0x2cf: {  	v27 =	vadd.f32 v27, v40;
	v53 =	vor.u32 $0x708, v1;
	v14 =	vadd.f32 v51, v60;
	v60 =	vld.idx.msk [tilespmem:v49+s18+$0x0], $0xffff  }
0x2d0: {  	v16 =	vadd.f32 v47, v62;
	v62 =	vor.u32 $0x706, v1;
	v20 =	vld.idx.msk [tilespmem:v20+s18+$0x0], $0xffff;
	v61 =	vadd.f32 v22, v46  }
0x2d1: {  	v29 =	vld.idx.msk [tilespmem:v50+s18+$0x0], $0xffff;
	v32 =	vadd.f32 v44, v32;
	v46 =	vor.u32 $0x607, v1;
	v24 =	vadd.f32 v24, v27  }
0x2d2: {  	v15 =	vadd.f32 v23, v15;
	v49 =	vor.u32 $0x707, v1;
	v51 =	vld.idx.msk [tilespmem:v57+s18+$0x0], $0xffff;
	v21 =	vadd.f32 v42, v61  }
0x2d3: {  	v50 =	vor.u32 $0x608, v1;
	v32 =	vadd.f32 v41, v32;
	v52 =	vld.idx.msk [tilespmem:v59+s18+$0x0], $0xffff;
	v19 =	vadd.f32 v56, v24  }
0x2d4: {  	v15 =	vadd.f32 v25, v15;
	v54 =	vor.u32 $0x609, v1;
	v41 =	vld.idx.msk [tilespmem:v53+s18+$0x0], $0xffff;
	v21 =	vadd.f32 v60, v21  }
0x2d5: {  	v32 =	vadd.f32 v39, v32;
	v22 =	vld.idx.msk [tilespmem:v62+s18+$0x0], $0xffff;
	v19 =	vadd.f32 v20, v19  }
0x2d6: {  	v15 =	vadd.f32 v26, v15;
	v57 =	vor.u32 $0x709, v1;
	v56 =	vld.idx.msk [tilespmem:v46+s18+$0x0], $0xffff;
	v21 =	vadd.f32 v29, v21  }
0x2d7: {  	v59 =	vadd.f32 v36, v32;
	v60 =	vor.u32 $0x60A, v1;
	v61 =	vld.idx.msk [tilespmem:v49+s18+$0x0], $0xffff;
	v19 =	vadd.f32 v48, v19  }
0x2d8: {  	v15 =	vadd.f32 v37, v15;
	v62 =	vor.u32 $0x70A, v1;
	v24 =	vld.idx.msk [tilespmem:v50+s18+$0x0], $0xffff;
	v21 =	vadd.f32 v51, v21  }
0x2d9: {  	v39 =	vor.u32 $0x60B, v1;
	v20 =	vld.idx.msk [tilespmem:v54+s18+$0x0], $0xffff;
	v29 =	vadd.f32 v33, v59;
	v19 =	vadd.f32 v52, v19  }
0x2da: {  	v15 =	vadd.f32 v38, v15;
	v42 =	vor.u32 $0x70B, v1;
	v49 =	vld [tilespmem:$0x1FFF0];
	v21 =	vadd.f32 v22, v21  }
0x2db: {  	v43 =	vor.u32 $0x60C, v1;
	v27 =	vld.idx.msk [tilespmem:v57+s18+$0x0], $0xffff;
	v28 =	vadd.f32 v28, v29;
	v19 =	vadd.f32 v56, v19  }
0x2dc: {  	v45 =	vor.u32 $0x70C, v1;
	v15 =	vadd.f32 v18, v15;
	v44 =	vld.idx.msk [tilespmem:v60+s18+$0x0], $0xffff;
	v21 =	vadd.f32 v61, v21  }
0x2dd: {  	v46 =	vor.u32 $0x60D, v1;
	v47 =	vld.idx.msk [tilespmem:v62+s18+$0x0], $0xffff;
	v28 =	vadd.f32 v35, v28;
	v19 =	vadd.f32 v24, v19  }
0x2de: {  	v15 =	vadd.f32 v30, v15;
	v25 =	vld.idx.msk [tilespmem:v39+s18+$0x0], $0xffff;
	v48 =	vor.u32 $0x70D, v1;
	v21 =	vadd.f32 v41, v21  }
0x2df: {  	v50 =	vor.u32 $0x60E, v1;
	v22 =	vld.idx.msk [tilespmem:v42+s18+$0x0], $0xffff;
	v28 =	vadd.f32 v49, v28;
	v19 =	vadd.f32 v20, v19  }
0x2e0: {  	v11 =	vadd.f32 v11, v15;
	v51 =	vld.idx.msk [tilespmem:v43+s18+$0x0], $0xffff;
	v52 =	vor.u32 $0x70E, v1;
	v21 =	vadd.f32 v27, v21  }
0x2e1: {  	v23 =	vld.idx.msk [tilespmem:v45+s18+$0x0], $0xffff;
	v53 =	vor.u32 $0x60F, v1;
	v0 =	vadd.f32 v0, v28;
	v18 =	vadd.f32 v44, v19  }
0x2e2: {  	v5 =	vadd.f32 v5, v11;
	v1 =	vor.u32 $0x70F, v1;
	v56 =	vld.idx.msk [tilespmem:v46+s18+$0x0], $0xffff;
	v54 =	vadd.f32 v47, v21  }
0x2e3: {  	v57 =	vor.u32 $0x6, v6;
	v59 =	vld.idx.msk [tilespmem:v48+s18+$0x0], $0xffff;
	v0 =	vadd.f32 v63, v0;
	v18 =	vadd.f32 v25, v18  }
0x2e4: {  	v5 =	vadd.f32 v12, v5;
	v6 =	vor.u32 $0x7, v6;
	v60 =	vld.idx.msk [tilespmem:v50+s18+$0x0], $0xffff;
	v11 =	vadd.f32 v22, v54  }
0x2e5: {  	v61 =	vor.u32 $0x6, v7;
	v62 =	vld.idx.msk [tilespmem:v52+s18+$0x0], $0xffff;
	v0 =	vadd.f32 v34, v0;
	v15 =	vadd.f32 v51, v18  }
0x2e6: {  	v5 =	vadd.f32 v10, v5;
	v7 =	vor.u32 $0x7, v7;
	v19 =	vld.idx.msk [tilespmem:v53+s18+$0x0], $0xffff;
	v63 =	vadd.f32 v23, v11  }
0x2e7: {  	v1 =	vld.idx.msk [tilespmem:v1+s18+$0x0], $0xffff;
	v0 =	vadd.f32 v31, v0;
	v15 =	vadd.f32 v56, v15  }
0x2e8: {  	v5 =	vadd.f32 v13, v5;
	v21 =	vld.idx.msk [tilespmem:v57+s13+$0x0], $0xffff;
	v10 =	vadd.f32 v59, v63  }
0x2e9: {  	v6 =	vld.idx.msk [tilespmem:v6+s13+$0x0], $0xffff;
	v0 =	vadd.f32 v58, v0;
	v12 =	vadd.f32 v60, v15  }
0x2ea: {  	v4 =	vadd.f32 v4, v5;
	v23 =	vld.idx.msk [tilespmem:v61+s14+$0x0], $0xffff;
	v22 =	vadd.f32 v62, v10  }
0x2eb: {  	v7 =	vld.idx.msk [tilespmem:v7+s14+$0x0], $0xffff;
	v0 =	vadd.f32 v55, v0;
	v11 =	vadd.f32 v19, v12  }
0x2ec: {  	v3 =	vadd.f32 v3, v4;
	v24 =	vmax.f32 v8, v9;
	v1 =	vadd.f32 v1, v22  }
0x2ed: {  	v4 =	vmax.f32 v24, v14;
	v0 =	vadd.f32 v17, v0;
	v25 =	vadd.f32 v21, v11  }
0x2ee: {  	v2 =	vadd.f32 v2, v3;
	v26 =	vmax.f32 v4, v16;
	v1 =	vadd.f32 v6, v1  }
0x2ef: {  	v3 =	vmax.f32 v26, v0;
	v27 =	vadd.f32 v23, v25  }
0x2f0: {  	v3 =	vmax.f32 v3, v2;
	v1 =	vadd.f32 v7, v1  }
0x2f1: {  	v3 =	vmax.f32 v3, v27  }
0x2f2: {  	v3 =	vmax.f32 v3, v1  }
0x2f3: {  	v28 =	vsub.f32 v8, v3  }
0x2f4: {  	v29 =	vsub.f32 v9, v3  }
0x2f5: {  	v5 =	vmul.f32 $1.442695020e+00, v28  }
0x2f6: {  	v30 =	vsub.f32 v14, v3;
	v6 =	vmul.f32 $1.442695020e+00, v29  }
0x2f7: {  	(erf) = vpow2.f32 v5  }
0x2f8: {  	v32 =	vsub.f32 v16, v3;
	v31 =	vmul.f32 $1.442695020e+00, v30;
	(erf) = vpow2.f32 v6;
	_ =	sdelay $0x1  }
0x2f9: {  	v0 =	vsub.f32 v0, v3;
	v33 =	vmul.f32 $1.442695020e+00, v32;
	(erf) = vpow2.f32 v31;
	_ =	sdelay $0x1  }
0x2fa: {  	v2 =	vsub.f32 v2, v3;
	v0 =	vmul.f32 $1.442695020e+00, v0;
	(erf) = vpow2.f32 v33;
	_ =	sdelay $0x1  }
0x2fb: {  	v35 =	vsub.f32 v27, v3;
	v34 =	vmul.f32 $1.442695020e+00, v2;
	(erf) = vpow2.f32 v0;
	_ =	sdelay $0x1  }
0x2fc: {  	v1 =	vsub.f32 v1, v3;
	v37 =	vmul.f32 $1.442695020e+00, v35;
	v36 =	vpop (erf);
	(erf) = vpow2.f32 v34  }
0x2fd: {  	v38 =	vpop (erf)  }
0x2fe: {  	v39 =	vmul.f32 $1.442695020e+00, v1;
	(erf) = vpow2.f32 v37;
	v40 =	vadd.f32 v38, v36  }
0x2ff: {  	v41 =	vpop (erf)  }
0x300: {  	(erf) = vpow2.f32 v39;
	v42 =	vadd.f32 v40, v41  }
0x301: {  	v43 =	vpop (erf)  }
0x302: {  	v0 =	vadd.f32 v42, v43  }
0x303: {  	v44 =	vpop (erf)  }
0x304: {  	v0 =	vadd.f32 v0, v44  }
0x305: {  	v45 =	vpop (erf)  }
0x306: {  	v0 =	vadd.f32 v0, v45  }
0x307: {  	v46 =	vpop (erf)  }
0x308: {  	v0 =	vadd.f32 v0, v46  }
0x309: {  	v47 =	vpop (erf)  }
0x30a: {  	v0 =	vadd.f32 v0, v47;
	_ =	sdelay $0x1  }
0x30b: {  	(erf) = vrcp.f32 v0  }
0x30c: {  	s0 =	sshll.u32 s22, $0x7  }
0x30d: {  	v48 =	vmov s0  }
0x30e: {  	v0 =	vshrl.u32 v48, $0x7  }
0x30f: {  	v49 =	vlaneseq.u32;
	v0 =	vshll.u32 v0, $0x7  }
0x310: {  	v9 =	vmul.u32 $0x8, v49;
	v0 =	vbroadcast v0, $0x0;
	_ =	sdelay $0x1  }
0x311: {  	v51 =	vor.u32 $0x1, v9;
	v50 =	vor.u32 v9, v0  }
0x312: {  	v52 =	vor.u32 $0x2, v9;
	v11 =	vor.u32 v51, v0  }
0x313: {  	v54 =	vor.u32 $0x3, v9;
	v12 =	vor.u32 v52, v0;
	v53 =	vpop (erf)  }
0x314: {  	v55 =	vor.u32 $0x4, v9;
	v14 =	vor.u32 v54, v0;
	v4 =	vmul.f32 v53, v36  }
0x315: {  	v56 =	vor.u32 $0x5, v9;
	v15 =	vor.u32 v55, v0;
	v2 =	vmul.f32 v53, v38  }
0x316: {  	v58 =	vor.u32 $0x6, v9;
	v57 =	vor.u32 v56, v0;
	v3 =	vmul.f32 v53, v41;
	[tilespmem:v50+s19+$0x0] =	vst.idx.msk $0xffff, v4  }
0x317: {  	s22 =	sadd.s32 $0x1, s22;
	v59 =	vor.u32 v58, v0;
	v9 =	vor.u32 $0x7, v9;
	v1 =	vmul.f32 v53, v43;
	[tilespmem:v11+s19+$0x0] =	vst.idx.msk $0xffff, v2  }
0x318: {  	p0 =	sne.s32 s22, $0x4;
	v0 =	vor.u32 v9, v0;
	v60 =	vmul.f32 v53, v44;
	[tilespmem:v12+s19+$0x0] =	vst.idx.msk $0xffff, v3  }
.Ltmp1:
0x319: {  	v61 =	vmul.f32 v53, v45;
	[tilespmem:v14+s19+$0x0] =	vst.idx.msk $0xffff, v1;
	(pc) =	sbr.rel @p0 .LBB2_2-.Ltmp1, $4  }
0x31a: {  	v62 =	vmul.f32 v53, v46;
	[tilespmem:v15+s19+$0x0] =	vst.idx.msk $0xffff, v60  }
0x31b: {  	v63 =	vmul.f32 v53, v47;
	[tilespmem:v57+s19+$0x0] =	vst.idx.msk $0xffff, v61  }
0x31c: {  	[tilespmem:v59+s19+$0x0] =	vst.idx.msk $0xffff, v62  }
0x31d: {  	s21 =	sadd.s32 $0x10, s21;
	[tilespmem:v0+s19+$0x0] =	vst.idx.msk $0xffff, v63  }
0x31e: {  	s20 =	sadd.s32 $0x1, s20  }
0x31f: {  	p0 =	sne.s32 s20, s10  }
.Ltmp2:
0x320: {  	_ = 	snop;
	(pc) =	sbr.rel @p0 .LBB2_1-.Ltmp2, $4  }
0x321: {  	[hbm4b:s9+s2] =	stream.linear.scatter [tilespmem:s19], [sflag:$0x2], $0x200, $0x38;
	[tilespmem:$0xE400] =	vst v63  }
0x322: {  	_ =	swait.ge [sflag:s12], $0x200  }
0x323: {  	[sflag:s12] =	ssyncset.done $0x0  }
0x324: {  	[sflag:s12] =	ssyncadd.s32 $0xFFFFFE00  }
0x325: {  	_ =	sfence.sel $0x180000  }
0x326: {  	[bflag:$0x0] =	sbarrier.arrive $0xFFFF  }
0x327: {  	_ =	strace $0x90000047  }
0x328: {  	s0 =	stileid.u32;
	[bflag:$0x2] =	sbarrier.arrive $0xFFFF  }
0x329: {  	p0 =	sne.s32 s0, $0x0;
	s0 =	rddreg [dreg:$0x3]  }
0x32a: {  	s0 =	sadd.s32 @!p0 $0x100000, s0  }
0x32b: {  	[sflag:s0] =	ssyncadd.tile.s32 @!p0 $0x1;
	_ =	shalt  }
.Lfunc_end2:
_tile_overlayer_lowered:
.L_overlay_start_2:
0x32c: {  	(tag) =	ssettag $0x2  }
0x32d: {  	s0 =	rddreg [dreg:$0x0];
	s2 =	stileid.u32  }
0x32e: {  	s1 =	rddreg [dreg:$0x1];
	p0 =	sne.s32 s2, $0x0  }
0x32f: {  	s3 =	rddreg [dreg:$0x2];
	[bflag:$0x3] =	sbarrier.arrive $0xFFFF;
	s2 =	simm.s32 @!p0 $0x1C02  }
0x330: {  	[timem:s3], [sflag:s2] =	dma.local @!p0 [hbm:s0], s1  }
0x331: {  	s0 =	simm.s32 @!p0 $0x2  }
0x332: {  	_ =	swait.ge @!p0 [sflag:s0], s1  }
0x333: {  	s1 =	ssub.s32 @!p0 $0x0, s1;
	[sflag:s0] =	ssyncset.done @!p0 $0x0  }
0x334: {  	[sflag:s0] =	ssyncadd.s32 @!p0 s1  }
0x335: {  	[bflag:$0x3] =	sbarrier.arrive $0xFFFF  }
0x336: {  	_ =	shalt  }

</sc_bundles>
